<compile_context>
chip_gen: v7x
topology: tpu7x:2x2x1
jax: 0.10.2.dev20260603
libtpu: 0.0.44.dev20260713+nightly
codegen_flags: <defaults>
</compile_context>

<pallas_src>
import jax
import jax.numpy as jnp
from jax import lax
from jax.experimental import pallas as pl
from jax.experimental.pallas import tpu as pltpu
from jax.experimental.pallas import tpu_sc as plsc

NUM_K = 10
FRAME_T = 8
SEG = 196
NH = 12
P = 1568
HD = 64
CH = 28
NSUP = 14
HALF = 784
NW = 32
UPW = 3
WSEG = 2 * SEG


def _tree_plan():
    plans = [("leaf", j) for j in range(13)]
    while len(plans) > 1:
        nxt = [("merge", plans[i], plans[i + 1])
               for i in range(0, len(plans) - 1, 2)]
        if len(plans) % 2:
            nxt.append(plans[-1])
        plans = nxt
    root = plans[0]
    dirs = {}

    def assign(node, desc):
        dirs[id(node)] = desc
        if node[0] == "merge":
            assign(node[1], desc)
            assign(node[2], not desc)

    assign(root, True)
    levels = [[root]]
    while True:
        child = [c for n in levels[-1] if n[0] == "merge"
                 for c in (n[1], n[2])]
        if not child:
            break
        levels.append(child)
    return root, dirs, levels


_ROOT, _DIRS, _LEVELS = _tree_plan()


def _row_out_multi(specs):
    iota = lax.iota(jnp.int32, 16)

    def leaf(buf, r, seg, j):
        off = j * 16 if j < 12 else 180
        k = buf[r, pl.ds(seg * SEG + off, 16)]
        idx = iota + off
        if j == 12:
            k = jnp.where(iota >= 12, k, jnp.float32(-3.4e38))
        return k, idx

    caches = [dict() for _ in specs]

    def emit_level(u, lvl):
        cache = caches[u]
        buf, r, seg, _ = specs[u]
        for node in lvl:
            if id(node) in cache:
                continue
            desc = _DIRS[id(node)]
            if node[0] == "leaf":
                k, idx = leaf(buf, r, seg, node[1])
            else:
                ka, ia = cache[id(node[1])]
                kb, ib = cache[id(node[2])]
                m = ka >= kb
                k = jnp.where(m, ka, kb)
                idx = jnp.where(m, ia, ib)
            cache[id(node)] = plsc.sort_key_val(k, idx, descending=desc)

    lvls = list(reversed(_LEVELS))
    nl = len(lvls)
    ga = list(range(0, len(specs), 2))
    gb = list(range(1, len(specs), 2))
    sched = []
    for li in range(nl):
        sched.append(("a", li))
        if li >= 2:
            sched.append(("b", li - 2))
    sched.append(("b", nl - 2))
    sched.append(("b", nl - 1))
    for grp, li in sched:
        for u in (ga if grp == "a" else gb):
            emit_level(u, lvls[li])

    sels = [cache[id(_ROOT)] for cache in caches]
    ws = []
    invs = []
    for ck, _ in sels:
        mx = jnp.max(ck)
        w = jnp.where(iota < NUM_K, jnp.exp(ck - mx), jnp.float32(0.0))
        ws.append(w)
    for w in ws:
        swv = jnp.broadcast_to(jnp.sum(w), (16,))
        invs.append(jnp.ones((16,), jnp.float32) / swv)
    accs = [[jnp.zeros((16,), jnp.float32) for _ in range(4)]
            for _ in specs]
    for i in range(NUM_K):
        for u, (spec, (_, ci), w) in enumerate(zip(specs, sels, ws)):
            vref = spec[3]
            di = ci[i]
            wi = w[i]
            for c in range(2):
                g = vref[di, pl.ds(c * 32, 32)]
                ga, gb = plsc.unpack(g, format=plsc.PackFormat.INTERLEAVED)
                accs[u][2 * c] = accs[u][2 * c] + wi * ga
                accs[u][2 * c + 1] = accs[u][2 * c + 1] + wi * gb
    return [[a * inv for a in acc] for acc, inv in zip(accs, invs)]


def _body(as_hbm, at_hbm, vs_hbm, vt_hbm, out_hbm,
          bs0, bs1, bt0, bt1, vs0, vs1, vt0, vt1,
          sqv, sem_s0, sem_s1, sem_t0, sem_t1):
    wid = lax.axis_index("s") * 2 + lax.axis_index("c")

    def unit_body(u, sq):
        unit = wid * UPW + u
        h = unit // 8
        rem = unit % 8
        tp = rem // 2
        p0 = (rem % 2) * HALF
        col0 = tp * WSEG

        pltpu.sync_copy(vs_hbm.at[h, 2 * tp], vs0)
        pltpu.sync_copy(vs_hbm.at[h, 2 * tp + 1], vs1)
        pltpu.sync_copy(vt_hbm.at[h, 2 * tp], vt0)
        pltpu.sync_copy(vt_hbm.at[h, 2 * tp + 1], vt1)

        def mk(chunk, hbm, buf, sem):
            src = hbm.at[h, pl.ds(p0 + chunk * CH, CH), pl.ds(col0, WSEG)]
            return pltpu.make_async_copy(src, buf, sem)

        def chunk_compute(bs, bt, sq):
            def row_body(r, sq):
                o_s0, o_t0, o_s1, o_t1 = _row_out_multi([
                    (bs, r, 0, vs0),
                    (bt, r, 0, vt0),
                    (bs, r, 1, vs1),
                    (bt, r, 1, vt1),
                ])
                for c in range(4):
                    d0 = o_s0[c] - o_t0[c]
                    d1 = o_s1[c] - o_t1[c]
                    sq = sq + d0 * d0 + d1 * d1
                return sq
            return lax.fori_loop(0, CH, row_body, sq)

        mk(0, as_hbm, bs0, sem_s0).start()
        mk(0, at_hbm, bt0, sem_t0).start()

        def super_body(g, sq):
            mk(2 * g + 1, as_hbm, bs1, sem_s1).start()
            mk(2 * g + 1, at_hbm, bt1, sem_t1).start()
            mk(2 * g, as_hbm, bs0, sem_s0).wait()
            mk(2 * g, at_hbm, bt0, sem_t0).wait()
            sq = chunk_compute(bs0, bt0, sq)

            @pl.when(g < NSUP - 1)
            def _():
                mk(2 * g + 2, as_hbm, bs0, sem_s0).start()
                mk(2 * g + 2, at_hbm, bt0, sem_t0).start()

            mk(2 * g + 1, as_hbm, bs1, sem_s1).wait()
            mk(2 * g + 1, at_hbm, bt1, sem_t1).wait()
            return chunk_compute(bs1, bt1, sq)

        return lax.fori_loop(0, NSUP, super_body, sq)

    sq = lax.fori_loop(0, UPW, unit_body, jnp.zeros((16,), jnp.float32))
    sqv[...] = sq
    pltpu.sync_copy(sqv, out_hbm.at[wid])


_sc_call = pl.kernel(
    _body,
    out_type=jax.ShapeDtypeStruct((NW, 16), jnp.float32),
    mesh=plsc.VectorSubcoreMesh(core_axis_name="c", subcore_axis_name="s"),
    compiler_params=pltpu.CompilerParams(
        use_tc_tiling_on_sc=False, needs_layout_passes=False),
    scratch_types=[
        pltpu.VMEM((CH, WSEG), jnp.float32),
        pltpu.VMEM((CH, WSEG), jnp.float32),
        pltpu.VMEM((CH, WSEG), jnp.float32),
        pltpu.VMEM((CH, WSEG), jnp.float32),
        pltpu.VMEM((SEG, HD), jnp.bfloat16),
        pltpu.VMEM((SEG, HD), jnp.bfloat16),
        pltpu.VMEM((SEG, HD), jnp.bfloat16),
        pltpu.VMEM((SEG, HD), jnp.bfloat16),
        pltpu.VMEM((16,), jnp.float32),
        pltpu.SemaphoreType.DMA,
        pltpu.SemaphoreType.DMA,
        pltpu.SemaphoreType.DMA,
        pltpu.SemaphoreType.DMA,
    ],
)


@jax.jit
def kernel(att_s, att_t, v_s, v_t):
    as3 = att_s.reshape(NH, P, P)
    at3 = att_t.reshape(NH, P, P)
    v_rs = v_s.reshape(NH, SEG, FRAME_T, HD).transpose(0, 2, 1, 3)
    v_rt = v_t.reshape(NH, SEG, FRAME_T, HD).transpose(0, 2, 1, 3)
    v_rs = v_rs.astype(jnp.bfloat16)
    v_rt = v_rt.astype(jnp.bfloat16)
    out = _sc_call(as3, at3, v_rs, v_rt)
    return jnp.sum(out) / (NH * P * FRAME_T * HD)

# --- scband reference (transcript-rebuilt; emitter-appended) ---
"""Pipeline reference for scband-vtop-73899207295592 (READ-ONLY COPY).

The authoritative reference and input builder live on the scoring server;
editing this copy changes nothing except your own understanding.
"""

import jax, jax.numpy as jnp
import numpy as np

NUM_K = 10
FRAME_T = 8

def setup_inputs(seed: int = 0) -> dict:
    key = jax.random.key(seed)
    k1, k2, k3, k4 = jax.random.split(key, 4)
    att_s = jax.random.normal(k1, (1, 12, 1568, 1568), dtype=jnp.float32)
    att_t = jax.random.normal(k2, (1, 12, 1568, 1568), dtype=jnp.float32)
    v_s = jax.random.normal(k3, (1, 12, 1568, 64), dtype=jnp.float32)
    v_t = jax.random.normal(k4, (1, 12, 1568, 64), dtype=jnp.float32)
    return {"att_s": att_s, "att_t": att_t, "v_s": v_s, "v_t": v_t}

def reference(att_s, att_t, v_s, v_t):
    t = 1.0
    B, H, P, _ = att_t.shape
    H_s = att_s.shape[1]
    h_dim = v_t.shape[-1]
    att_s = att_s.reshape(B * H_s * P * FRAME_T, P // FRAME_T)
    att_t = att_t.reshape(B * H * P * FRAME_T, P // FRAME_T)
    att_s = jax.nn.softmax(att_s / t, axis=-1)
    att_t = jax.nn.softmax(att_t / t, axis=-1)
    margin_t = jax.lax.top_k(att_t, NUM_K)[0][:, -1]
    bool_topk_pos_t = att_t >= margin_t[:, None]
    margin_s = jax.lax.top_k(att_s, NUM_K)[0][:, -1]
    bool_topk_pos_s = att_s >= margin_s[:, None]
    att_s = (att_s * bool_topk_pos_s).reshape(B, H_s, P, FRAME_T, P // FRAME_T)
    att_t = (att_t * bool_topk_pos_t).reshape(B, H, P, FRAME_T, P // FRAME_T)
    v_t = v_t.reshape(B, H, P // FRAME_T, FRAME_T, h_dim)
    v_s = v_s.reshape(B, H_s, P // FRAME_T, FRAME_T, h_dim)
    norm_s = att_s.sum(-1)
    norm_t = att_t.sum(-1)
    att_s = jnp.einsum('bhptd,bhdte->bhpte', att_s, v_s)
    att_t = jnp.einsum('bhptd,bhdte->bhpte', att_t, v_t)
    att_s = att_s / norm_s[..., None]
    att_t = att_t / norm_t[..., None]
    loss = jnp.mean((att_s - att_t) ** 2)
    return loss

if __name__ == "__main__":
    import jax
    _d = setup_inputs()
    print(jax.jit(kernel)(*tuple(_d.values())))

</pallas_src>

<mosaic_0001>
#map = affine_map<(d0, d1) -> (0, 0, 0)>
#map1 = affine_map<(d0, d1) -> (0, 0, 0, 0)>
#map2 = affine_map<(d0, d1) -> (0, 0)>
module attributes {stable_mosaic.version = 14 : i64} {
  func.func @_body(%arg0: i32, %arg1: i32, %arg2: memref<12x1568x1568xf32, #tpu.memory_space<hbm>>, %arg3: memref<12x1568x1568xf32, #tpu.memory_space<hbm>>, %arg4: memref<12x8x196x64xbf16, #tpu.memory_space<hbm>>, %arg5: memref<12x8x196x64xbf16, #tpu.memory_space<hbm>>, %arg6: memref<32x16xf32, #tpu.memory_space<hbm>>, %arg7: memref<28x392xf32, #tpu.memory_space<vmem>>, %arg8: memref<28x392xf32, #tpu.memory_space<vmem>>, %arg9: memref<28x392xf32, #tpu.memory_space<vmem>>, %arg10: memref<28x392xf32, #tpu.memory_space<vmem>>, %arg11: memref<196x64xbf16, #tpu.memory_space<vmem>>, %arg12: memref<196x64xbf16, #tpu.memory_space<vmem>>, %arg13: memref<196x64xbf16, #tpu.memory_space<vmem>>, %arg14: memref<196x64xbf16, #tpu.memory_space<vmem>>, %arg15: memref<16xf32, #tpu.memory_space<vmem>>, %arg16: memref<!tpu.dma_semaphore, #tpu.memory_space<semaphore_mem>>, %arg17: memref<!tpu.dma_semaphore, #tpu.memory_space<semaphore_mem>>, %arg18: memref<!tpu.dma_semaphore, #tpu.memory_space<semaphore_mem>>, %arg19: memref<!tpu.dma_semaphore, #tpu.memory_space<semaphore_mem>>) attributes {dimension_semantics = [#tpu.dimension_semantics<core_parallel>, #tpu.dimension_semantics<subcore_parallel>], iteration_bounds = array<i64: 2, 16>, scalar_prefetch = 0 : i64, scratch_operands = 13 : i64, tpu.core_type = #tpu.core_type<sc_vector_subcore>, window_params = [{transform_indices = #map}, {transform_indices = #map}, {transform_indices = #map1}, {transform_indices = #map1}, {transform_indices = #map2}]} {
    %mul3A = arith.constant 2 : i32
    %mul3A_0 = arith.muli %arg1, %mul3A : i32
    %add3A = arith.addi %mul3A_0, %arg0 : i32
    %broadcast_in_dim3A = arith.constant 0.000000e+00 : f32
    %broadcast_in_dim3A_1 = vector.broadcast %broadcast_in_dim3A : f32 to vector<16xf32>
    %scan3A = arith.constant 0 : i32
    %scan3A_2 = arith.constant 3 : i32
    %scan3A_3 = arith.addi %scan3A, %scan3A_2 : i32
    %scan3A_4 = arith.constant 1 : i32
    %scan3A_5 = scf.for %scan3A_8 = %scan3A to %scan3A_3 step %scan3A_4 iter_args(%scan3A_9 = %broadcast_in_dim3A_1) -> (vector<16xf32>)  : i32 {
      %mul3A_10 = arith.constant 3 : i32
      %mul3A_11 = arith.muli %add3A, %mul3A_10 : i32
      %add3A_12 = arith.addi %mul3A_11, %scan3A_8 : i32
      %jit3A = arith.constant 8 : i32
      %div3A = arith.divsi %add3A_12, %jit3A : i32
      %sign3A = arith.constant 0 : i32
      %sign3A_13 = arith.cmpi sgt, %add3A_12, %sign3A : i32
      %sign3A_14 = arith.extui %sign3A_13 : i1 to i32
      %sign3A_15 = arith.constant 0 : i32
      %sign3A_16 = arith.cmpi slt, %add3A_12, %sign3A_15 : i32
      %sign3A_17 = arith.extui %sign3A_16 : i1 to i32
      %sign3A_18 = arith.subi %sign3A_14, %sign3A_17 : i32
      %sign3A_19 = arith.constant 0 : i32
      %sign3A_20 = arith.cmpi sgt, %jit3A, %sign3A_19 : i32
      %sign3A_21 = arith.extui %sign3A_20 : i1 to i32
      %sign3A_22 = arith.constant 0 : i32
      %sign3A_23 = arith.cmpi slt, %jit3A, %sign3A_22 : i32
      %sign3A_24 = arith.extui %sign3A_23 : i1 to i32
      %sign3A_25 = arith.subi %sign3A_21, %sign3A_24 : i32
      %ne3A = arith.cmpi ne, %sign3A_18, %sign3A_25 : i32
      %rem3A = arith.remsi %add3A_12, %jit3A : i32
      %ne3A_26 = arith.constant 0 : i32
      %ne3A_27 = arith.cmpi ne, %rem3A, %ne3A_26 : i32
      %and3A = arith.andi %ne3A, %ne3A_27 : i1
      %sub3A = arith.constant 1 : i32
      %sub3A_28 = arith.subi %div3A, %sub3A : i32
      %select_n3A = arith.select %and3A, %sub3A_28, %div3A : i32
      %jit3A_29 = arith.constant 8 : i32
      %eq3A = arith.constant 0 : i32
      %eq3A_30 = arith.cmpi eq, %jit3A_29, %eq3A : i32
      %jit3A_31 = arith.constant 1 : i32
      %select_n3A_32 = arith.select %eq3A_30, %jit3A_31, %jit3A_29 : i32
      %rem3A_33 = arith.remsi %add3A_12, %select_n3A_32 : i32
      %ne3A_34 = arith.constant 0 : i32
      %ne3A_35 = arith.cmpi ne, %rem3A_33, %ne3A_34 : i32
      %lt3A = arith.constant 0 : i32
      %lt3A_36 = arith.cmpi slt, %rem3A_33, %lt3A : i32
      %lt3A_37 = arith.constant 0 : i32
      %lt3A_38 = arith.cmpi slt, %select_n3A_32, %lt3A_37 : i32
      %ne3A_39 = arith.xori %lt3A_36, %lt3A_38 : i1
      %and3A_40 = arith.andi %ne3A_39, %ne3A_35 : i1
      %add3A_41 = arith.addi %rem3A_33, %select_n3A_32 : i32
      %select_n3A_42 = arith.select %and3A_40, %add3A_41, %rem3A_33 : i32
      %jit3A_43 = arith.constant 2 : i32
      %div3A_44 = arith.divsi %select_n3A_42, %jit3A_43 : i32
      %sign3A_45 = arith.constant 0 : i32
      %sign3A_46 = arith.cmpi sgt, %select_n3A_42, %sign3A_45 : i32
      %sign3A_47 = arith.extui %sign3A_46 : i1 to i32
      %sign3A_48 = arith.constant 0 : i32
      %sign3A_49 = arith.cmpi slt, %select_n3A_42, %sign3A_48 : i32
      %sign3A_50 = arith.extui %sign3A_49 : i1 to i32
      %sign3A_51 = arith.subi %sign3A_47, %sign3A_50 : i32
      %sign3A_52 = arith.constant 0 : i32
      %sign3A_53 = arith.cmpi sgt, %jit3A_43, %sign3A_52 : i32
      %sign3A_54 = arith.extui %sign3A_53 : i1 to i32
      %sign3A_55 = arith.constant 0 : i32
      %sign3A_56 = arith.cmpi slt, %jit3A_43, %sign3A_55 : i32
      %sign3A_57 = arith.extui %sign3A_56 : i1 to i32
      %sign3A_58 = arith.subi %sign3A_54, %sign3A_57 : i32
      %ne3A_59 = arith.cmpi ne, %sign3A_51, %sign3A_58 : i32
      %rem3A_60 = arith.remsi %select_n3A_42, %jit3A_43 : i32
      %ne3A_61 = arith.constant 0 : i32
      %ne3A_62 = arith.cmpi ne, %rem3A_60, %ne3A_61 : i32
      %and3A_63 = arith.andi %ne3A_59, %ne3A_62 : i1
      %sub3A_64 = arith.constant 1 : i32
      %sub3A_65 = arith.subi %div3A_44, %sub3A_64 : i32
      %select_n3A_66 = arith.select %and3A_63, %sub3A_65, %div3A_44 : i32
      %jit3A_67 = arith.constant 2 : i32
      %eq3A_68 = arith.constant 0 : i32
      %eq3A_69 = arith.cmpi eq, %jit3A_67, %eq3A_68 : i32
      %jit3A_70 = arith.constant 1 : i32
      %select_n3A_71 = arith.select %eq3A_69, %jit3A_70, %jit3A_67 : i32
      %rem3A_72 = arith.remsi %select_n3A_42, %select_n3A_71 : i32
      %ne3A_73 = arith.constant 0 : i32
      %ne3A_74 = arith.cmpi ne, %rem3A_72, %ne3A_73 : i32
      %lt3A_75 = arith.constant 0 : i32
      %lt3A_76 = arith.cmpi slt, %rem3A_72, %lt3A_75 : i32
      %lt3A_77 = arith.constant 0 : i32
      %lt3A_78 = arith.cmpi slt, %select_n3A_71, %lt3A_77 : i32
      %ne3A_79 = arith.xori %lt3A_76, %lt3A_78 : i1
      %and3A_80 = arith.andi %ne3A_79, %ne3A_74 : i1
      %add3A_81 = arith.addi %rem3A_72, %select_n3A_71 : i32
      %select_n3A_82 = arith.select %and3A_80, %add3A_81, %rem3A_72 : i32
      %mul3A_83 = arith.constant 784 : i32
      %mul3A_84 = arith.muli %select_n3A_82, %mul3A_83 : i32
      %mul3A_85 = arith.constant 392 : i32
      %mul3A_86 = arith.muli %select_n3A_66, %mul3A_85 : i32
      %mul3A_87 = arith.constant 2 : i32
      %mul3A_88 = arith.muli %mul3A_87, %select_n3A_66 : i32
      "tpu.region"() ({
        %run_scoped3A = tpu.sem_alloc : memref<!tpu.dma_semaphore, #tpu.memory_space<semaphore_mem>>
        %dma_start3A_116 = arith.constant 0 : i32
        %dma_start3A_117 = arith.constant 0 : i32
        %dma_start3A_118 = tpu.memref_slice %arg4[%select_n3A, %mul3A_88, %dma_start3A_116, %dma_start3A_117] : memref<12x8x196x64xbf16, #tpu.memory_space<hbm>> -> memref<1x1x196x64xbf16, #tpu.memory_space<hbm>>
        %dma_start3A_119 = tpu.memref_squeeze %dma_start3A_118 : memref<1x1x196x64xbf16, #tpu.memory_space<hbm>> -> memref<196x64xbf16, #tpu.memory_space<hbm>>
        %dma_start3A_120 = arith.constant 0 : i32
        %dma_start3A_121 = arith.constant 0 : i32
        %dma_start3A_122 = tpu.memref_slice %arg4[%select_n3A, %mul3A_88, %dma_start3A_120, %dma_start3A_121] : memref<12x8x196x64xbf16, #tpu.memory_space<hbm>> -> memref<1x1x196x64xbf16, #tpu.memory_space<hbm>>
        %dma_start3A_123 = tpu.memref_squeeze %dma_start3A_122 : memref<1x1x196x64xbf16, #tpu.memory_space<hbm>> -> memref<196x64xbf16, #tpu.memory_space<hbm>>
        tpu.enqueue_dma source(%dma_start3A_123 : memref<196x64xbf16, #tpu.memory_space<hbm>>) target(%arg11 : memref<196x64xbf16, #tpu.memory_space<vmem>>) target_semaphore(%run_scoped3A : memref<!tpu.dma_semaphore, #tpu.memory_space<semaphore_mem>>)
        %dma_wait3A = arith.constant 0 : i32
        %dma_wait3A_124 = arith.constant 0 : i32
        %dma_wait3A_125 = tpu.memref_slice %arg4[%select_n3A, %mul3A_88, %dma_wait3A, %dma_wait3A_124] : memref<12x8x196x64xbf16, #tpu.memory_space<hbm>> -> memref<1x1x196x64xbf16, #tpu.memory_space<hbm>>
        %dma_wait3A_126 = tpu.memref_squeeze %dma_wait3A_125 : memref<1x1x196x64xbf16, #tpu.memory_space<hbm>> -> memref<196x64xbf16, #tpu.memory_space<hbm>>
        %dma_wait3A_127 = arith.constant 0 : i32
        %dma_wait3A_128 = arith.constant 0 : i32
        %dma_wait3A_129 = tpu.memref_slice %arg4[%select_n3A, %mul3A_88, %dma_wait3A_127, %dma_wait3A_128] : memref<12x8x196x64xbf16, #tpu.memory_space<hbm>> -> memref<1x1x196x64xbf16, #tpu.memory_space<hbm>>
        %dma_wait3A_130 = tpu.memref_squeeze %dma_wait3A_129 : memref<1x1x196x64xbf16, #tpu.memory_space<hbm>> -> memref<196x64xbf16, #tpu.memory_space<hbm>>
        tpu.wait_dma2 semaphore(%run_scoped3A : memref<!tpu.dma_semaphore, #tpu.memory_space<semaphore_mem>>) src(%dma_wait3A_130 : memref<196x64xbf16, #tpu.memory_space<hbm>>) dst(%arg11 : memref<196x64xbf16, #tpu.memory_space<vmem>>)
        tpu.yield
      }) : () -> ()
      %mul3A_89 = arith.constant 2 : i32
      %mul3A_90 = arith.muli %mul3A_89, %select_n3A_66 : i32
      %add3A_91 = arith.constant 1 : i32
      %add3A_92 = arith.addi %mul3A_90, %add3A_91 : i32
      "tpu.region"() ({
        %run_scoped3A = tpu.sem_alloc : memref<!tpu.dma_semaphore, #tpu.memory_space<semaphore_mem>>
        %dma_start3A_116 = arith.constant 0 : i32
        %dma_start3A_117 = arith.constant 0 : i32
        %dma_start3A_118 = tpu.memref_slice %arg4[%select_n3A, %add3A_92, %dma_start3A_116, %dma_start3A_117] : memref<12x8x196x64xbf16, #tpu.memory_space<hbm>> -> memref<1x1x196x64xbf16, #tpu.memory_space<hbm>>
        %dma_start3A_119 = tpu.memref_squeeze %dma_start3A_118 : memref<1x1x196x64xbf16, #tpu.memory_space<hbm>> -> memref<196x64xbf16, #tpu.memory_space<hbm>>
        %dma_start3A_120 = arith.constant 0 : i32
        %dma_start3A_121 = arith.constant 0 : i32
        %dma_start3A_122 = tpu.memref_slice %arg4[%select_n3A, %add3A_92, %dma_start3A_120, %dma_start3A_121] : memref<12x8x196x64xbf16, #tpu.memory_space<hbm>> -> memref<1x1x196x64xbf16, #tpu.memory_space<hbm>>
        %dma_start3A_123 = tpu.memref_squeeze %dma_start3A_122 : memref<1x1x196x64xbf16, #tpu.memory_space<hbm>> -> memref<196x64xbf16, #tpu.memory_space<hbm>>
        tpu.enqueue_dma source(%dma_start3A_123 : memref<196x64xbf16, #tpu.memory_space<hbm>>) target(%arg12 : memref<196x64xbf16, #tpu.memory_space<vmem>>) target_semaphore(%run_scoped3A : memref<!tpu.dma_semaphore, #tpu.memory_space<semaphore_mem>>)
        %dma_wait3A = arith.constant 0 : i32
        %dma_wait3A_124 = arith.constant 0 : i32
        %dma_wait3A_125 = tpu.memref_slice %arg4[%select_n3A, %add3A_92, %dma_wait3A, %dma_wait3A_124] : memref<12x8x196x64xbf16, #tpu.memory_space<hbm>> -> memref<1x1x196x64xbf16, #tpu.memory_space<hbm>>
        %dma_wait3A_126 = tpu.memref_squeeze %dma_wait3A_125 : memref<1x1x196x64xbf16, #tpu.memory_space<hbm>> -> memref<196x64xbf16, #tpu.memory_space<hbm>>
        %dma_wait3A_127 = arith.constant 0 : i32
        %dma_wait3A_128 = arith.constant 0 : i32
        %dma_wait3A_129 = tpu.memref_slice %arg4[%select_n3A, %add3A_92, %dma_wait3A_127, %dma_wait3A_128] : memref<12x8x196x64xbf16, #tpu.memory_space<hbm>> -> memref<1x1x196x64xbf16, #tpu.memory_space<hbm>>
        %dma_wait3A_130 = tpu.memref_squeeze %dma_wait3A_129 : memref<1x1x196x64xbf16, #tpu.memory_space<hbm>> -> memref<196x64xbf16, #tpu.memory_space<hbm>>
        tpu.wait_dma2 semaphore(%run_scoped3A : memref<!tpu.dma_semaphore, #tpu.memory_space<semaphore_mem>>) src(%dma_wait3A_130 : memref<196x64xbf16, #tpu.memory_space<hbm>>) dst(%arg12 : memref<196x64xbf16, #tpu.memory_space<vmem>>)
        tpu.yield
      }) : () -> ()
      %mul3A_93 = arith.constant 2 : i32
      %mul3A_94 = arith.muli %mul3A_93, %select_n3A_66 : i32
      "tpu.region"() ({
        %run_scoped3A = tpu.sem_alloc : memref<!tpu.dma_semaphore, #tpu.memory_space<semaphore_mem>>
        %dma_start3A_116 = arith.constant 0 : i32
        %dma_start3A_117 = arith.constant 0 : i32
        %dma_start3A_118 = tpu.memref_slice %arg5[%select_n3A, %mul3A_94, %dma_start3A_116, %dma_start3A_117] : memref<12x8x196x64xbf16, #tpu.memory_space<hbm>> -> memref<1x1x196x64xbf16, #tpu.memory_space<hbm>>
        %dma_start3A_119 = tpu.memref_squeeze %dma_start3A_118 : memref<1x1x196x64xbf16, #tpu.memory_space<hbm>> -> memref<196x64xbf16, #tpu.memory_space<hbm>>
        %dma_start3A_120 = arith.constant 0 : i32
        %dma_start3A_121 = arith.constant 0 : i32
        %dma_start3A_122 = tpu.memref_slice %arg5[%select_n3A, %mul3A_94, %dma_start3A_120, %dma_start3A_121] : memref<12x8x196x64xbf16, #tpu.memory_space<hbm>> -> memref<1x1x196x64xbf16, #tpu.memory_space<hbm>>
        %dma_start3A_123 = tpu.memref_squeeze %dma_start3A_122 : memref<1x1x196x64xbf16, #tpu.memory_space<hbm>> -> memref<196x64xbf16, #tpu.memory_space<hbm>>
        tpu.enqueue_dma source(%dma_start3A_123 : memref<196x64xbf16, #tpu.memory_space<hbm>>) target(%arg13 : memref<196x64xbf16, #tpu.memory_space<vmem>>) target_semaphore(%run_scoped3A : memref<!tpu.dma_semaphore, #tpu.memory_space<semaphore_mem>>)
        %dma_wait3A = arith.constant 0 : i32
        %dma_wait3A_124 = arith.constant 0 : i32
        %dma_wait3A_125 = tpu.memref_slice %arg5[%select_n3A, %mul3A_94, %dma_wait3A, %dma_wait3A_124] : memref<12x8x196x64xbf16, #tpu.memory_space<hbm>> -> memref<1x1x196x64xbf16, #tpu.memory_space<hbm>>
        %dma_wait3A_126 = tpu.memref_squeeze %dma_wait3A_125 : memref<1x1x196x64xbf16, #tpu.memory_space<hbm>> -> memref<196x64xbf16, #tpu.memory_space<hbm>>
        %dma_wait3A_127 = arith.constant 0 : i32
        %dma_wait3A_128 = arith.constant 0 : i32
        %dma_wait3A_129 = tpu.memref_slice %arg5[%select_n3A, %mul3A_94, %dma_wait3A_127, %dma_wait3A_128] : memref<12x8x196x64xbf16, #tpu.memory_space<hbm>> -> memref<1x1x196x64xbf16, #tpu.memory_space<hbm>>
        %dma_wait3A_130 = tpu.memref_squeeze %dma_wait3A_129 : memref<1x1x196x64xbf16, #tpu.memory_space<hbm>> -> memref<196x64xbf16, #tpu.memory_space<hbm>>
        tpu.wait_dma2 semaphore(%run_scoped3A : memref<!tpu.dma_semaphore, #tpu.memory_space<semaphore_mem>>) src(%dma_wait3A_130 : memref<196x64xbf16, #tpu.memory_space<hbm>>) dst(%arg13 : memref<196x64xbf16, #tpu.memory_space<vmem>>)
        tpu.yield
      }) : () -> ()
      %mul3A_95 = arith.constant 2 : i32
      %mul3A_96 = arith.muli %mul3A_95, %select_n3A_66 : i32
      %add3A_97 = arith.constant 1 : i32
      %add3A_98 = arith.addi %mul3A_96, %add3A_97 : i32
      "tpu.region"() ({
        %run_scoped3A = tpu.sem_alloc : memref<!tpu.dma_semaphore, #tpu.memory_space<semaphore_mem>>
        %dma_start3A_116 = arith.constant 0 : i32
        %dma_start3A_117 = arith.constant 0 : i32
        %dma_start3A_118 = tpu.memref_slice %arg5[%select_n3A, %add3A_98, %dma_start3A_116, %dma_start3A_117] : memref<12x8x196x64xbf16, #tpu.memory_space<hbm>> -> memref<1x1x196x64xbf16, #tpu.memory_space<hbm>>
        %dma_start3A_119 = tpu.memref_squeeze %dma_start3A_118 : memref<1x1x196x64xbf16, #tpu.memory_space<hbm>> -> memref<196x64xbf16, #tpu.memory_space<hbm>>
        %dma_start3A_120 = arith.constant 0 : i32
        %dma_start3A_121 = arith.constant 0 : i32
        %dma_start3A_122 = tpu.memref_slice %arg5[%select_n3A, %add3A_98, %dma_start3A_120, %dma_start3A_121] : memref<12x8x196x64xbf16, #tpu.memory_space<hbm>> -> memref<1x1x196x64xbf16, #tpu.memory_space<hbm>>
        %dma_start3A_123 = tpu.memref_squeeze %dma_start3A_122 : memref<1x1x196x64xbf16, #tpu.memory_space<hbm>> -> memref<196x64xbf16, #tpu.memory_space<hbm>>
        tpu.enqueue_dma source(%dma_start3A_123 : memref<196x64xbf16, #tpu.memory_space<hbm>>) target(%arg14 : memref<196x64xbf16, #tpu.memory_space<vmem>>) target_semaphore(%run_scoped3A : memref<!tpu.dma_semaphore, #tpu.memory_space<semaphore_mem>>)
        %dma_wait3A = arith.constant 0 : i32
        %dma_wait3A_124 = arith.constant 0 : i32
        %dma_wait3A_125 = tpu.memref_slice %arg5[%select_n3A, %add3A_98, %dma_wait3A, %dma_wait3A_124] : memref<12x8x196x64xbf16, #tpu.memory_space<hbm>> -> memref<1x1x196x64xbf16, #tpu.memory_space<hbm>>
        %dma_wait3A_126 = tpu.memref_squeeze %dma_wait3A_125 : memref<1x1x196x64xbf16, #tpu.memory_space<hbm>> -> memref<196x64xbf16, #tpu.memory_space<hbm>>
        %dma_wait3A_127 = arith.constant 0 : i32
        %dma_wait3A_128 = arith.constant 0 : i32
        %dma_wait3A_129 = tpu.memref_slice %arg5[%select_n3A, %add3A_98, %dma_wait3A_127, %dma_wait3A_128] : memref<12x8x196x64xbf16, #tpu.memory_space<hbm>> -> memref<1x1x196x64xbf16, #tpu.memory_space<hbm>>
        %dma_wait3A_130 = tpu.memref_squeeze %dma_wait3A_129 : memref<1x1x196x64xbf16, #tpu.memory_space<hbm>> -> memref<196x64xbf16, #tpu.memory_space<hbm>>
        tpu.wait_dma2 semaphore(%run_scoped3A : memref<!tpu.dma_semaphore, #tpu.memory_space<semaphore_mem>>) src(%dma_wait3A_130 : memref<196x64xbf16, #tpu.memory_space<hbm>>) dst(%arg14 : memref<196x64xbf16, #tpu.memory_space<vmem>>)
        tpu.yield
      }) : () -> ()
      %add3A_99 = arith.constant 0 : i32
      %add3A_100 = arith.addi %mul3A_84, %add3A_99 : i32
      %dma_start3A = tpu.memref_slice %arg2[%select_n3A, %add3A_100, %mul3A_86] : memref<12x1568x1568xf32, #tpu.memory_space<hbm>> -> memref<1x28x392xf32, #tpu.memory_space<hbm>>
      %dma_start3A_101 = tpu.memref_squeeze %dma_start3A : memref<1x28x392xf32, #tpu.memory_space<hbm>> -> memref<28x392xf32, #tpu.memory_space<hbm>>
      %dma_start3A_102 = tpu.memref_slice %arg2[%select_n3A, %add3A_100, %mul3A_86] : memref<12x1568x1568xf32, #tpu.memory_space<hbm>> -> memref<1x28x392xf32, #tpu.memory_space<hbm>>
      %dma_start3A_103 = tpu.memref_squeeze %dma_start3A_102 : memref<1x28x392xf32, #tpu.memory_space<hbm>> -> memref<28x392xf32, #tpu.memory_space<hbm>>
      tpu.enqueue_dma source(%dma_start3A_103 : memref<28x392xf32, #tpu.memory_space<hbm>>) target(%arg7 : memref<28x392xf32, #tpu.memory_space<vmem>>) target_semaphore(%arg16 : memref<!tpu.dma_semaphore, #tpu.memory_space<semaphore_mem>>)
      %add3A_104 = arith.constant 0 : i32
      %add3A_105 = arith.addi %mul3A_84, %add3A_104 : i32
      %dma_start3A_106 = tpu.memref_slice %arg3[%select_n3A, %add3A_105, %mul3A_86] : memref<12x1568x1568xf32, #tpu.memory_space<hbm>> -> memref<1x28x392xf32, #tpu.memory_space<hbm>>
      %dma_start3A_107 = tpu.memref_squeeze %dma_start3A_106 : memref<1x28x392xf32, #tpu.memory_space<hbm>> -> memref<28x392xf32, #tpu.memory_space<hbm>>
      %dma_start3A_108 = tpu.memref_slice %arg3[%select_n3A, %add3A_105, %mul3A_86] : memref<12x1568x1568xf32, #tpu.memory_space<hbm>> -> memref<1x28x392xf32, #tpu.memory_space<hbm>>
      %dma_start3A_109 = tpu.memref_squeeze %dma_start3A_108 : memref<1x28x392xf32, #tpu.memory_space<hbm>> -> memref<28x392xf32, #tpu.memory_space<hbm>>
      tpu.enqueue_dma source(%dma_start3A_109 : memref<28x392xf32, #tpu.memory_space<hbm>>) target(%arg9 : memref<28x392xf32, #tpu.memory_space<vmem>>) target_semaphore(%arg18 : memref<!tpu.dma_semaphore, #tpu.memory_space<semaphore_mem>>)
      %scan3A_110 = arith.constant 0 : i32
      %scan3A_111 = arith.constant 14 : i32
      %scan3A_112 = arith.addi %scan3A_110, %scan3A_111 : i32
      %scan3A_113 = arith.constant 1 : i32
      %scan3A_114 = scf.for %scan3A_116 = %scan3A_110 to %scan3A_112 step %scan3A_113 iter_args(%scan3A_117 = %scan3A_9) -> (vector<16xf32>)  : i32 {
        %mul3A_118 = arith.constant 2 : i32
        %mul3A_119 = arith.muli %mul3A_118, %scan3A_116 : i32
        %add3A_120 = arith.constant 1 : i32
        %add3A_121 = arith.addi %mul3A_119, %add3A_120 : i32
        %mul3A_122 = arith.constant 28 : i32
        %mul3A_123 = arith.muli %add3A_121, %mul3A_122 : i32
        %add3A_124 = arith.addi %mul3A_84, %mul3A_123 : i32
        %dma_start3A_125 = tpu.memref_slice %arg2[%select_n3A, %add3A_124, %mul3A_86] : memref<12x1568x1568xf32, #tpu.memory_space<hbm>> -> memref<1x28x392xf32, #tpu.memory_space<hbm>>
        %dma_start3A_126 = tpu.memref_squeeze %dma_start3A_125 : memref<1x28x392xf32, #tpu.memory_space<hbm>> -> memref<28x392xf32, #tpu.memory_space<hbm>>
        %dma_start3A_127 = tpu.memref_slice %arg2[%select_n3A, %add3A_124, %mul3A_86] : memref<12x1568x1568xf32, #tpu.memory_space<hbm>> -> memref<1x28x392xf32, #tpu.memory_space<hbm>>
        %dma_start3A_128 = tpu.memref_squeeze %dma_start3A_127 : memref<1x28x392xf32, #tpu.memory_space<hbm>> -> memref<28x392xf32, #tpu.memory_space<hbm>>
        tpu.enqueue_dma source(%dma_start3A_128 : memref<28x392xf32, #tpu.memory_space<hbm>>) target(%arg8 : memref<28x392xf32, #tpu.memory_space<vmem>>) target_semaphore(%arg17 : memref<!tpu.dma_semaphore, #tpu.memory_space<semaphore_mem>>)
        %mul3A_129 = arith.constant 2 : i32
        %mul3A_130 = arith.muli %mul3A_129, %scan3A_116 : i32
        %add3A_131 = arith.constant 1 : i32
        %add3A_132 = arith.addi %mul3A_130, %add3A_131 : i32
        %mul3A_133 = arith.constant 28 : i32
        %mul3A_134 = arith.muli %add3A_132, %mul3A_133 : i32
        %add3A_135 = arith.addi %mul3A_84, %mul3A_134 : i32
        %dma_start3A_136 = tpu.memref_slice %arg3[%select_n3A, %add3A_135, %mul3A_86] : memref<12x1568x1568xf32, #tpu.memory_space<hbm>> -> memref<1x28x392xf32, #tpu.memory_space<hbm>>
        %dma_start3A_137 = tpu.memref_squeeze %dma_start3A_136 : memref<1x28x392xf32, #tpu.memory_space<hbm>> -> memref<28x392xf32, #tpu.memory_space<hbm>>
        %dma_start3A_138 = tpu.memref_slice %arg3[%select_n3A, %add3A_135, %mul3A_86] : memref<12x1568x1568xf32, #tpu.memory_space<hbm>> -> memref<1x28x392xf32, #tpu.memory_space<hbm>>
        %dma_start3A_139 = tpu.memref_squeeze %dma_start3A_138 : memref<1x28x392xf32, #tpu.memory_space<hbm>> -> memref<28x392xf32, #tpu.memory_space<hbm>>
        tpu.enqueue_dma source(%dma_start3A_139 : memref<28x392xf32, #tpu.memory_space<hbm>>) target(%arg10 : memref<28x392xf32, #tpu.memory_space<vmem>>) target_semaphore(%arg19 : memref<!tpu.dma_semaphore, #tpu.memory_space<semaphore_mem>>)
        %mul3A_140 = arith.constant 2 : i32
        %mul3A_141 = arith.muli %mul3A_140, %scan3A_116 : i32
        %mul3A_142 = arith.constant 28 : i32
        %mul3A_143 = arith.muli %mul3A_141, %mul3A_142 : i32
        %add3A_144 = arith.addi %mul3A_84, %mul3A_143 : i32
        %dma_wait3A = tpu.memref_slice %arg2[%select_n3A, %add3A_144, %mul3A_86] : memref<12x1568x1568xf32, #tpu.memory_space<hbm>> -> memref<1x28x392xf32, #tpu.memory_space<hbm>>
        %dma_wait3A_145 = tpu.memref_squeeze %dma_wait3A : memref<1x28x392xf32, #tpu.memory_space<hbm>> -> memref<28x392xf32, #tpu.memory_space<hbm>>
        %dma_wait3A_146 = tpu.memref_slice %arg2[%select_n3A, %add3A_144, %mul3A_86] : memref<12x1568x1568xf32, #tpu.memory_space<hbm>> -> memref<1x28x392xf32, #tpu.memory_space<hbm>>
        %dma_wait3A_147 = tpu.memref_squeeze %dma_wait3A_146 : memref<1x28x392xf32, #tpu.memory_space<hbm>> -> memref<28x392xf32, #tpu.memory_space<hbm>>
        tpu.wait_dma2 semaphore(%arg16 : memref<!tpu.dma_semaphore, #tpu.memory_space<semaphore_mem>>) src(%dma_wait3A_147 : memref<28x392xf32, #tpu.memory_space<hbm>>) dst(%arg7 : memref<28x392xf32, #tpu.memory_space<vmem>>)
        %mul3A_148 = arith.constant 2 : i32
        %mul3A_149 = arith.muli %mul3A_148, %scan3A_116 : i32
        %mul3A_150 = arith.constant 28 : i32
        %mul3A_151 = arith.muli %mul3A_149, %mul3A_150 : i32
        %add3A_152 = arith.addi %mul3A_84, %mul3A_151 : i32
        %dma_wait3A_153 = tpu.memref_slice %arg3[%select_n3A, %add3A_152, %mul3A_86] : memref<12x1568x1568xf32, #tpu.memory_space<hbm>> -> memref<1x28x392xf32, #tpu.memory_space<hbm>>
        %dma_wait3A_154 = tpu.memref_squeeze %dma_wait3A_153 : memref<1x28x392xf32, #tpu.memory_space<hbm>> -> memref<28x392xf32, #tpu.memory_space<hbm>>
        %dma_wait3A_155 = tpu.memref_slice %arg3[%select_n3A, %add3A_152, %mul3A_86] : memref<12x1568x1568xf32, #tpu.memory_space<hbm>> -> memref<1x28x392xf32, #tpu.memory_space<hbm>>
        %dma_wait3A_156 = tpu.memref_squeeze %dma_wait3A_155 : memref<1x28x392xf32, #tpu.memory_space<hbm>> -> memref<28x392xf32, #tpu.memory_space<hbm>>
        tpu.wait_dma2 semaphore(%arg18 : memref<!tpu.dma_semaphore, #tpu.memory_space<semaphore_mem>>) src(%dma_wait3A_156 : memref<28x392xf32, #tpu.memory_space<hbm>>) dst(%arg9 : memref<28x392xf32, #tpu.memory_space<vmem>>)
        %scan3A_157 = arith.constant 0 : i32
        %scan3A_158 = arith.constant 28 : i32
        %scan3A_159 = arith.addi %scan3A_157, %scan3A_158 : i32
        %scan3A_160 = arith.constant 1 : i32
        %scan3A_161 = scf.for %scan3A_194 = %scan3A_157 to %scan3A_159 step %scan3A_160 iter_args(%scan3A_195 = %scan3A_117) -> (vector<16xf32>)  : i32 {
          %iota3A = tpu.iota {dimensions = array<i32: 0>} : vector<16xi32>
          %get3A = arith.index_cast %scan3A_194 : i32 to index
          %get3A_196 = arith.constant 0 : index
          %get3A_197 = tpu.vector_load %arg7[%get3A, %get3A_196] {strides = array<i32>} : memref<28x392xf32, #tpu.memory_space<vmem>>, vector<16xf32>,
          %add3A_198 = arith.constant 0 : i32
          %add3A_199 = vector.broadcast %add3A_198 : i32 to vector<16xi32>
          %add3A_200 = arith.addi %iota3A, %add3A_199 : vector<16xi32>
          %masked_sort3A = arith.constant dense<true> : vector<16xi1>
          %masked_sort3A_201, %masked_sort3A_202, %masked_sort3A_203 = tpu.sort %get3A_197, %add3A_200 masked %masked_sort3A {descending = true} : (vector<16xf32>, vector<16xi32>, vector<16xi1>) -> (vector<16xi1>, vector<16xf32>, vector<16xi32>)
          %get3A_204 = arith.index_cast %scan3A_194 : i32 to index
          %get3A_205 = arith.constant 16 : index
          %get3A_206 = tpu.vector_load %arg7[%get3A_204, %get3A_205] {strides = array<i32>} : memref<28x392xf32, #tpu.memory_space<vmem>>, vector<16xf32>,
          %add3A_207 = arith.constant 16 : i32
          %add3A_208 = vector.broadcast %add3A_207 : i32 to vector<16xi32>
          %add3A_209 = arith.addi %iota3A, %add3A_208 : vector<16xi32>
          %masked_sort3A_210 = arith.constant dense<true> : vector<16xi1>
          %masked_sort3A_211, %masked_sort3A_212, %masked_sort3A_213 = tpu.sort %get3A_206, %add3A_209 masked %masked_sort3A_210 : (vector<16xf32>, vector<16xi32>, vector<16xi1>) -> (vector<16xi1>, vector<16xf32>, vector<16xi32>)
          %get3A_214 = arith.index_cast %scan3A_194 : i32 to index
          %get3A_215 = arith.constant 32 : index
          %get3A_216 = tpu.vector_load %arg7[%get3A_214, %get3A_215] {strides = array<i32>} : memref<28x392xf32, #tpu.memory_space<vmem>>, vector<16xf32>,
          %add3A_217 = arith.constant 32 : i32
          %add3A_218 = vector.broadcast %add3A_217 : i32 to vector<16xi32>
          %add3A_219 = arith.addi %iota3A, %add3A_218 : vector<16xi32>
          %masked_sort3A_220 = arith.constant dense<true> : vector<16xi1>
          %masked_sort3A_221, %masked_sort3A_222, %masked_sort3A_223 = tpu.sort %get3A_216, %add3A_219 masked %masked_sort3A_220 : (vector<16xf32>, vector<16xi32>, vector<16xi1>) -> (vector<16xi1>, vector<16xf32>, vector<16xi32>)
          %get3A_224 = arith.index_cast %scan3A_194 : i32 to index
          %get3A_225 = arith.constant 48 : index
          %get3A_226 = tpu.vector_load %arg7[%get3A_224, %get3A_225] {strides = array<i32>} : memref<28x392xf32, #tpu.memory_space<vmem>>, vector<16xf32>,
          %add3A_227 = arith.constant 48 : i32
          %add3A_228 = vector.broadcast %add3A_227 : i32 to vector<16xi32>
          %add3A_229 = arith.addi %iota3A, %add3A_228 : vector<16xi32>
          %masked_sort3A_230 = arith.constant dense<true> : vector<16xi1>
          %masked_sort3A_231, %masked_sort3A_232, %masked_sort3A_233 = tpu.sort %get3A_226, %add3A_229 masked %masked_sort3A_230 {descending = true} : (vector<16xf32>, vector<16xi32>, vector<16xi1>) -> (vector<16xi1>, vector<16xf32>, vector<16xi32>)
          %get3A_234 = arith.index_cast %scan3A_194 : i32 to index
          %get3A_235 = arith.constant 64 : index
          %get3A_236 = tpu.vector_load %arg7[%get3A_234, %get3A_235] {strides = array<i32>} : memref<28x392xf32, #tpu.memory_space<vmem>>, vector<16xf32>,
          %add3A_237 = arith.constant 64 : i32
          %add3A_238 = vector.broadcast %add3A_237 : i32 to vector<16xi32>
          %add3A_239 = arith.addi %iota3A, %add3A_238 : vector<16xi32>
          %masked_sort3A_240 = arith.constant dense<true> : vector<16xi1>
          %masked_sort3A_241, %masked_sort3A_242, %masked_sort3A_243 = tpu.sort %get3A_236, %add3A_239 masked %masked_sort3A_240 : (vector<16xf32>, vector<16xi32>, vector<16xi1>) -> (vector<16xi1>, vector<16xf32>, vector<16xi32>)
          %get3A_244 = arith.index_cast %scan3A_194 : i32 to index
          %get3A_245 = arith.constant 80 : index
          %get3A_246 = tpu.vector_load %arg7[%get3A_244, %get3A_245] {strides = array<i32>} : memref<28x392xf32, #tpu.memory_space<vmem>>, vector<16xf32>,
          %add3A_247 = arith.constant 80 : i32
          %add3A_248 = vector.broadcast %add3A_247 : i32 to vector<16xi32>
          %add3A_249 = arith.addi %iota3A, %add3A_248 : vector<16xi32>
          %masked_sort3A_250 = arith.constant dense<true> : vector<16xi1>
          %masked_sort3A_251, %masked_sort3A_252, %masked_sort3A_253 = tpu.sort %get3A_246, %add3A_249 masked %masked_sort3A_250 {descending = true} : (vector<16xf32>, vector<16xi32>, vector<16xi1>) -> (vector<16xi1>, vector<16xf32>, vector<16xi32>)
          %get3A_254 = arith.index_cast %scan3A_194 : i32 to index
          %get3A_255 = arith.constant 96 : index
          %get3A_256 = tpu.vector_load %arg7[%get3A_254, %get3A_255] {strides = array<i32>} : memref<28x392xf32, #tpu.memory_space<vmem>>, vector<16xf32>,
          %add3A_257 = arith.constant 96 : i32
          %add3A_258 = vector.broadcast %add3A_257 : i32 to vector<16xi32>
          %add3A_259 = arith.addi %iota3A, %add3A_258 : vector<16xi32>
          %masked_sort3A_260 = arith.constant dense<true> : vector<16xi1>
          %masked_sort3A_261, %masked_sort3A_262, %masked_sort3A_263 = tpu.sort %get3A_256, %add3A_259 masked %masked_sort3A_260 {descending = true} : (vector<16xf32>, vector<16xi32>, vector<16xi1>) -> (vector<16xi1>, vector<16xf32>, vector<16xi32>)
          %get3A_264 = arith.index_cast %scan3A_194 : i32 to index
          %get3A_265 = arith.constant 112 : index
          %get3A_266 = tpu.vector_load %arg7[%get3A_264, %get3A_265] {strides = array<i32>} : memref<28x392xf32, #tpu.memory_space<vmem>>, vector<16xf32>,
          %add3A_267 = arith.constant 112 : i32
          %add3A_268 = vector.broadcast %add3A_267 : i32 to vector<16xi32>
          %add3A_269 = arith.addi %iota3A, %add3A_268 : vector<16xi32>
          %masked_sort3A_270 = arith.constant dense<true> : vector<16xi1>
          %masked_sort3A_271, %masked_sort3A_272, %masked_sort3A_273 = tpu.sort %get3A_266, %add3A_269 masked %masked_sort3A_270 : (vector<16xf32>, vector<16xi32>, vector<16xi1>) -> (vector<16xi1>, vector<16xf32>, vector<16xi32>)
          %get3A_274 = arith.index_cast %scan3A_194 : i32 to index
          %get3A_275 = arith.constant 128 : index
          %get3A_276 = tpu.vector_load %arg7[%get3A_274, %get3A_275] {strides = array<i32>} : memref<28x392xf32, #tpu.memory_space<vmem>>, vector<16xf32>,
          %add3A_277 = arith.constant 128 : i32
          %add3A_278 = vector.broadcast %add3A_277 : i32 to vector<16xi32>
          %add3A_279 = arith.addi %iota3A, %add3A_278 : vector<16xi32>
          %masked_sort3A_280 = arith.constant dense<true> : vector<16xi1>
          %masked_sort3A_281, %masked_sort3A_282, %masked_sort3A_283 = tpu.sort %get3A_276, %add3A_279 masked %masked_sort3A_280 : (vector<16xf32>, vector<16xi32>, vector<16xi1>) -> (vector<16xi1>, vector<16xf32>, vector<16xi32>)
          %get3A_284 = arith.index_cast %scan3A_194 : i32 to index
          %get3A_285 = arith.constant 144 : index
          %get3A_286 = tpu.vector_load %arg7[%get3A_284, %get3A_285] {strides = array<i32>} : memref<28x392xf32, #tpu.memory_space<vmem>>, vector<16xf32>,
          %add3A_287 = arith.constant 144 : i32
          %add3A_288 = vector.broadcast %add3A_287 : i32 to vector<16xi32>
          %add3A_289 = arith.addi %iota3A, %add3A_288 : vector<16xi32>
          %masked_sort3A_290 = arith.constant dense<true> : vector<16xi1>
          %masked_sort3A_291, %masked_sort3A_292, %masked_sort3A_293 = tpu.sort %get3A_286, %add3A_289 masked %masked_sort3A_290 {descending = true} : (vector<16xf32>, vector<16xi32>, vector<16xi1>) -> (vector<16xi1>, vector<16xf32>, vector<16xi32>)
          %get3A_294 = arith.index_cast %scan3A_194 : i32 to index
          %get3A_295 = arith.constant 160 : index
          %get3A_296 = tpu.vector_load %arg7[%get3A_294, %get3A_295] {strides = array<i32>} : memref<28x392xf32, #tpu.memory_space<vmem>>, vector<16xf32>,
          %add3A_297 = arith.constant 160 : i32
          %add3A_298 = vector.broadcast %add3A_297 : i32 to vector<16xi32>
          %add3A_299 = arith.addi %iota3A, %add3A_298 : vector<16xi32>
          %masked_sort3A_300 = arith.constant dense<true> : vector<16xi1>
          %masked_sort3A_301, %masked_sort3A_302, %masked_sort3A_303 = tpu.sort %get3A_296, %add3A_299 masked %masked_sort3A_300 {descending = true} : (vector<16xf32>, vector<16xi32>, vector<16xi1>) -> (vector<16xi1>, vector<16xf32>, vector<16xi32>)
          %get3A_304 = arith.index_cast %scan3A_194 : i32 to index
          %get3A_305 = arith.constant 176 : index
          %get3A_306 = tpu.vector_load %arg7[%get3A_304, %get3A_305] {strides = array<i32>} : memref<28x392xf32, #tpu.memory_space<vmem>>, vector<16xf32>,
          %add3A_307 = arith.constant 176 : i32
          %add3A_308 = vector.broadcast %add3A_307 : i32 to vector<16xi32>
          %add3A_309 = arith.addi %iota3A, %add3A_308 : vector<16xi32>
          %masked_sort3A_310 = arith.constant dense<true> : vector<16xi1>
          %masked_sort3A_311, %masked_sort3A_312, %masked_sort3A_313 = tpu.sort %get3A_306, %add3A_309 masked %masked_sort3A_310 : (vector<16xf32>, vector<16xi32>, vector<16xi1>) -> (vector<16xi1>, vector<16xf32>, vector<16xi32>)
          %get3A_314 = arith.index_cast %scan3A_194 : i32 to index
          %get3A_315 = arith.constant 196 : index
          %get3A_316 = tpu.vector_load %arg7[%get3A_314, %get3A_315] {strides = array<i32>} : memref<28x392xf32, #tpu.memory_space<vmem>>, vector<16xf32>,
          %add3A_317 = arith.constant 0 : i32
          %add3A_318 = vector.broadcast %add3A_317 : i32 to vector<16xi32>
          %add3A_319 = arith.addi %iota3A, %add3A_318 : vector<16xi32>
          %masked_sort3A_320 = arith.constant dense<true> : vector<16xi1>
          %masked_sort3A_321, %masked_sort3A_322, %masked_sort3A_323 = tpu.sort %get3A_316, %add3A_319 masked %masked_sort3A_320 {descending = true} : (vector<16xf32>, vector<16xi32>, vector<16xi1>) -> (vector<16xi1>, vector<16xf32>, vector<16xi32>)
          %get3A_324 = arith.index_cast %scan3A_194 : i32 to index
          %get3A_325 = arith.constant 212 : index
          %get3A_326 = tpu.vector_load %arg7[%get3A_324, %get3A_325] {strides = array<i32>} : memref<28x392xf32, #tpu.memory_space<vmem>>, vector<16xf32>,
          %add3A_327 = arith.constant 16 : i32
          %add3A_328 = vector.broadcast %add3A_327 : i32 to vector<16xi32>
          %add3A_329 = arith.addi %iota3A, %add3A_328 : vector<16xi32>
          %masked_sort3A_330 = arith.constant dense<true> : vector<16xi1>
          %masked_sort3A_331, %masked_sort3A_332, %masked_sort3A_333 = tpu.sort %get3A_326, %add3A_329 masked %masked_sort3A_330 : (vector<16xf32>, vector<16xi32>, vector<16xi1>) -> (vector<16xi1>, vector<16xf32>, vector<16xi32>)
          %get3A_334 = arith.index_cast %scan3A_194 : i32 to index
          %get3A_335 = arith.constant 228 : index
          %get3A_336 = tpu.vector_load %arg7[%get3A_334, %get3A_335] {strides = array<i32>} : memref<28x392xf32, #tpu.memory_space<vmem>>, vector<16xf32>,
          %add3A_337 = arith.constant 32 : i32
          %add3A_338 = vector.broadcast %add3A_337 : i32 to vector<16xi32>
          %add3A_339 = arith.addi %iota3A, %add3A_338 : vector<16xi32>
          %masked_sort3A_340 = arith.constant dense<true> : vector<16xi1>
          %masked_sort3A_341, %masked_sort3A_342, %masked_sort3A_343 = tpu.sort %get3A_336, %add3A_339 masked %masked_sort3A_340 : (vector<16xf32>, vector<16xi32>, vector<16xi1>) -> (vector<16xi1>, vector<16xf32>, vector<16xi32>)
          %get3A_344 = arith.index_cast %scan3A_194 : i32 to index
          %get3A_345 = arith.constant 244 : index
          %get3A_346 = tpu.vector_load %arg7[%get3A_344, %get3A_345] {strides = array<i32>} : memref<28x392xf32, #tpu.memory_space<vmem>>, vector<16xf32>,
          %add3A_347 = arith.constant 48 : i32
          %add3A_348 = vector.broadcast %add3A_347 : i32 to vector<16xi32>
          %add3A_349 = arith.addi %iota3A, %add3A_348 : vector<16xi32>
          %masked_sort3A_350 = arith.constant dense<true> : vector<16xi1>
          %masked_sort3A_351, %masked_sort3A_352, %masked_sort3A_353 = tpu.sort %get3A_346, %add3A_349 masked %masked_sort3A_350 {descending = true} : (vector<16xf32>, vector<16xi32>, vector<16xi1>) -> (vector<16xi1>, vector<16xf32>, vector<16xi32>)
          %get3A_354 = arith.index_cast %scan3A_194 : i32 to index
          %get3A_355 = arith.constant 260 : index
          %get3A_356 = tpu.vector_load %arg7[%get3A_354, %get3A_355] {strides = array<i32>} : memref<28x392xf32, #tpu.memory_space<vmem>>, vector<16xf32>,
          %add3A_357 = arith.constant 64 : i32
          %add3A_358 = vector.broadcast %add3A_357 : i32 to vector<16xi32>
          %add3A_359 = arith.addi %iota3A, %add3A_358 : vector<16xi32>
          %masked_sort3A_360 = arith.constant dense<true> : vector<16xi1>
          %masked_sort3A_361, %masked_sort3A_362, %masked_sort3A_363 = tpu.sort %get3A_356, %add3A_359 masked %masked_sort3A_360 : (vector<16xf32>, vector<16xi32>, vector<16xi1>) -> (vector<16xi1>, vector<16xf32>, vector<16xi32>)
          %get3A_364 = arith.index_cast %scan3A_194 : i32 to index
          %get3A_365 = arith.constant 276 : index
          %get3A_366 = tpu.vector_load %arg7[%get3A_364, %get3A_365] {strides = array<i32>} : memref<28x392xf32, #tpu.memory_space<vmem>>, vector<16xf32>,
          %add3A_367 = arith.constant 80 : i32
          %add3A_368 = vector.broadcast %add3A_367 : i32 to vector<16xi32>
          %add3A_369 = arith.addi %iota3A, %add3A_368 : vector<16xi32>
          %masked_sort3A_370 = arith.constant dense<true> : vector<16xi1>
          %masked_sort3A_371, %masked_sort3A_372, %masked_sort3A_373 = tpu.sort %get3A_366, %add3A_369 masked %masked_sort3A_370 {descending = true} : (vector<16xf32>, vector<16xi32>, vector<16xi1>) -> (vector<16xi1>, vector<16xf32>, vector<16xi32>)
          %get3A_374 = arith.index_cast %scan3A_194 : i32 to index
          %get3A_375 = arith.constant 292 : index
          %get3A_376 = tpu.vector_load %arg7[%get3A_374, %get3A_375] {strides = array<i32>} : memref<28x392xf32, #tpu.memory_space<vmem>>, vector<16xf32>,
          %add3A_377 = arith.constant 96 : i32
          %add3A_378 = vector.broadcast %add3A_377 : i32 to vector<16xi32>
          %add3A_379 = arith.addi %iota3A, %add3A_378 : vector<16xi32>
          %masked_sort3A_380 = arith.constant dense<true> : vector<16xi1>
          %masked_sort3A_381, %masked_sort3A_382, %masked_sort3A_383 = tpu.sort %get3A_376, %add3A_379 masked %masked_sort3A_380 {descending = true} : (vector<16xf32>, vector<16xi32>, vector<16xi1>) -> (vector<16xi1>, vector<16xf32>, vector<16xi32>)
          %get3A_384 = arith.index_cast %scan3A_194 : i32 to index
          %get3A_385 = arith.constant 308 : index
          %get3A_386 = tpu.vector_load %arg7[%get3A_384, %get3A_385] {strides = array<i32>} : memref<28x392xf32, #tpu.memory_space<vmem>>, vector<16xf32>,
          %add3A_387 = arith.constant 112 : i32
          %add3A_388 = vector.broadcast %add3A_387 : i32 to vector<16xi32>
          %add3A_389 = arith.addi %iota3A, %add3A_388 : vector<16xi32>
          %masked_sort3A_390 = arith.constant dense<true> : vector<16xi1>
          %masked_sort3A_391, %masked_sort3A_392, %masked_sort3A_393 = tpu.sort %get3A_386, %add3A_389 masked %masked_sort3A_390 : (vector<16xf32>, vector<16xi32>, vector<16xi1>) -> (vector<16xi1>, vector<16xf32>, vector<16xi32>)
          %get3A_394 = arith.index_cast %scan3A_194 : i32 to index
          %get3A_395 = arith.constant 324 : index
          %get3A_396 = tpu.vector_load %arg7[%get3A_394, %get3A_395] {strides = array<i32>} : memref<28x392xf32, #tpu.memory_space<vmem>>, vector<16xf32>,
          %add3A_397 = arith.constant 128 : i32
          %add3A_398 = vector.broadcast %add3A_397 : i32 to vector<16xi32>
          %add3A_399 = arith.addi %iota3A, %add3A_398 : vector<16xi32>
          %masked_sort3A_400 = arith.constant dense<true> : vector<16xi1>
          %masked_sort3A_401, %masked_sort3A_402, %masked_sort3A_403 = tpu.sort %get3A_396, %add3A_399 masked %masked_sort3A_400 : (vector<16xf32>, vector<16xi32>, vector<16xi1>) -> (vector<16xi1>, vector<16xf32>, vector<16xi32>)
          %get3A_404 = arith.index_cast %scan3A_194 : i32 to index
          %get3A_405 = arith.constant 340 : index
          %get3A_406 = tpu.vector_load %arg7[%get3A_404, %get3A_405] {strides = array<i32>} : memref<28x392xf32, #tpu.memory_space<vmem>>, vector<16xf32>,
          %add3A_407 = arith.constant 144 : i32
          %add3A_408 = vector.broadcast %add3A_407 : i32 to vector<16xi32>
          %add3A_409 = arith.addi %iota3A, %add3A_408 : vector<16xi32>
          %masked_sort3A_410 = arith.constant dense<true> : vector<16xi1>
          %masked_sort3A_411, %masked_sort3A_412, %masked_sort3A_413 = tpu.sort %get3A_406, %add3A_409 masked %masked_sort3A_410 {descending = true} : (vector<16xf32>, vector<16xi32>, vector<16xi1>) -> (vector<16xi1>, vector<16xf32>, vector<16xi32>)
          %get3A_414 = arith.index_cast %scan3A_194 : i32 to index
          %get3A_415 = arith.constant 356 : index
          %get3A_416 = tpu.vector_load %arg7[%get3A_414, %get3A_415] {strides = array<i32>} : memref<28x392xf32, #tpu.memory_space<vmem>>, vector<16xf32>,
          %add3A_417 = arith.constant 160 : i32
          %add3A_418 = vector.broadcast %add3A_417 : i32 to vector<16xi32>
          %add3A_419 = arith.addi %iota3A, %add3A_418 : vector<16xi32>
          %masked_sort3A_420 = arith.constant dense<true> : vector<16xi1>
          %masked_sort3A_421, %masked_sort3A_422, %masked_sort3A_423 = tpu.sort %get3A_416, %add3A_419 masked %masked_sort3A_420 {descending = true} : (vector<16xf32>, vector<16xi32>, vector<16xi1>) -> (vector<16xi1>, vector<16xf32>, vector<16xi32>)
          %get3A_424 = arith.index_cast %scan3A_194 : i32 to index
          %get3A_425 = arith.constant 372 : index
          %get3A_426 = tpu.vector_load %arg7[%get3A_424, %get3A_425] {strides = array<i32>} : memref<28x392xf32, #tpu.memory_space<vmem>>, vector<16xf32>,
          %add3A_427 = arith.constant 176 : i32
          %add3A_428 = vector.broadcast %add3A_427 : i32 to vector<16xi32>
          %add3A_429 = arith.addi %iota3A, %add3A_428 : vector<16xi32>
          %masked_sort3A_430 = arith.constant dense<true> : vector<16xi1>
          %masked_sort3A_431, %masked_sort3A_432, %masked_sort3A_433 = tpu.sort %get3A_426, %add3A_429 masked %masked_sort3A_430 : (vector<16xf32>, vector<16xi32>, vector<16xi1>) -> (vector<16xi1>, vector<16xf32>, vector<16xi32>)
          %ge3A = arith.cmpf oge, %masked_sort3A_202, %masked_sort3A_212 : vector<16xf32>
          %select_n3A_434 = arith.select %ge3A, %masked_sort3A_202, %masked_sort3A_212 : vector<16xi1>, vector<16xf32>
          %select_n3A_435 = arith.select %ge3A, %masked_sort3A_203, %masked_sort3A_213 : vector<16xi1>, vector<16xi32>
          %masked_sort3A_436 = arith.constant dense<true> : vector<16xi1>
          %masked_sort3A_437, %masked_sort3A_438, %masked_sort3A_439 = tpu.sort %select_n3A_434, %select_n3A_435 masked %masked_sort3A_436 {descending = true} : (vector<16xf32>, vector<16xi32>, vector<16xi1>) -> (vector<16xi1>, vector<16xf32>, vector<16xi32>)
          %ge3A_440 = arith.cmpf oge, %masked_sort3A_222, %masked_sort3A_232 : vector<16xf32>
          %select_n3A_441 = arith.select %ge3A_440, %masked_sort3A_222, %masked_sort3A_232 : vector<16xi1>, vector<16xf32>
          %select_n3A_442 = arith.select %ge3A_440, %masked_sort3A_223, %masked_sort3A_233 : vector<16xi1>, vector<16xi32>
          %masked_sort3A_443 = arith.constant dense<true> : vector<16xi1>
          %masked_sort3A_444, %masked_sort3A_445, %masked_sort3A_446 = tpu.sort %select_n3A_441, %select_n3A_442 masked %masked_sort3A_443 : (vector<16xf32>, vector<16xi32>, vector<16xi1>) -> (vector<16xi1>, vector<16xf32>, vector<16xi32>)
          %ge3A_447 = arith.cmpf oge, %masked_sort3A_242, %masked_sort3A_252 : vector<16xf32>
          %select_n3A_448 = arith.select %ge3A_447, %masked_sort3A_242, %masked_sort3A_252 : vector<16xi1>, vector<16xf32>
          %select_n3A_449 = arith.select %ge3A_447, %masked_sort3A_243, %masked_sort3A_253 : vector<16xi1>, vector<16xi32>
          %masked_sort3A_450 = arith.constant dense<true> : vector<16xi1>
          %masked_sort3A_451, %masked_sort3A_452, %masked_sort3A_453 = tpu.sort %select_n3A_448, %select_n3A_449 masked %masked_sort3A_450 : (vector<16xf32>, vector<16xi32>, vector<16xi1>) -> (vector<16xi1>, vector<16xf32>, vector<16xi32>)
          %ge3A_454 = arith.cmpf oge, %masked_sort3A_262, %masked_sort3A_272 : vector<16xf32>
          %select_n3A_455 = arith.select %ge3A_454, %masked_sort3A_262, %masked_sort3A_272 : vector<16xi1>, vector<16xf32>
          %select_n3A_456 = arith.select %ge3A_454, %masked_sort3A_263, %masked_sort3A_273 : vector<16xi1>, vector<16xi32>
          %masked_sort3A_457 = arith.constant dense<true> : vector<16xi1>
          %masked_sort3A_458, %masked_sort3A_459, %masked_sort3A_460 = tpu.sort %select_n3A_455, %select_n3A_456 masked %masked_sort3A_457 {descending = true} : (vector<16xf32>, vector<16xi32>, vector<16xi1>) -> (vector<16xi1>, vector<16xf32>, vector<16xi32>)
          %ge3A_461 = arith.cmpf oge, %masked_sort3A_282, %masked_sort3A_292 : vector<16xf32>
          %select_n3A_462 = arith.select %ge3A_461, %masked_sort3A_282, %masked_sort3A_292 : vector<16xi1>, vector<16xf32>
          %select_n3A_463 = arith.select %ge3A_461, %masked_sort3A_283, %masked_sort3A_293 : vector<16xi1>, vector<16xi32>
          %masked_sort3A_464 = arith.constant dense<true> : vector<16xi1>
          %masked_sort3A_465, %masked_sort3A_466, %masked_sort3A_467 = tpu.sort %select_n3A_462, %select_n3A_463 masked %masked_sort3A_464 : (vector<16xf32>, vector<16xi32>, vector<16xi1>) -> (vector<16xi1>, vector<16xf32>, vector<16xi32>)
          %ge3A_468 = arith.cmpf oge, %masked_sort3A_302, %masked_sort3A_312 : vector<16xf32>
          %select_n3A_469 = arith.select %ge3A_468, %masked_sort3A_302, %masked_sort3A_312 : vector<16xi1>, vector<16xf32>
          %select_n3A_470 = arith.select %ge3A_468, %masked_sort3A_303, %masked_sort3A_313 : vector<16xi1>, vector<16xi32>
          %masked_sort3A_471 = arith.constant dense<true> : vector<16xi1>
          %masked_sort3A_472, %masked_sort3A_473, %masked_sort3A_474 = tpu.sort %select_n3A_469, %select_n3A_470 masked %masked_sort3A_471 {descending = true} : (vector<16xf32>, vector<16xi32>, vector<16xi1>) -> (vector<16xi1>, vector<16xf32>, vector<16xi32>)
          %ge3A_475 = arith.cmpf oge, %masked_sort3A_322, %masked_sort3A_332 : vector<16xf32>
          %select_n3A_476 = arith.select %ge3A_475, %masked_sort3A_322, %masked_sort3A_332 : vector<16xi1>, vector<16xf32>
          %select_n3A_477 = arith.select %ge3A_475, %masked_sort3A_323, %masked_sort3A_333 : vector<16xi1>, vector<16xi32>
          %masked_sort3A_478 = arith.constant dense<true> : vector<16xi1>
          %masked_sort3A_479, %masked_sort3A_480, %masked_sort3A_481 = tpu.sort %select_n3A_476, %select_n3A_477 masked %masked_sort3A_478 {descending = true} : (vector<16xf32>, vector<16xi32>, vector<16xi1>) -> (vector<16xi1>, vector<16xf32>, vector<16xi32>)
          %ge3A_482 = arith.cmpf oge, %masked_sort3A_342, %masked_sort3A_352 : vector<16xf32>
          %select_n3A_483 = arith.select %ge3A_482, %masked_sort3A_342, %masked_sort3A_352 : vector<16xi1>, vector<16xf32>
          %select_n3A_484 = arith.select %ge3A_482, %masked_sort3A_343, %masked_sort3A_353 : vector<16xi1>, vector<16xi32>
          %masked_sort3A_485 = arith.constant dense<true> : vector<16xi1>
          %masked_sort3A_486, %masked_sort3A_487, %masked_sort3A_488 = tpu.sort %select_n3A_483, %select_n3A_484 masked %masked_sort3A_485 : (vector<16xf32>, vector<16xi32>, vector<16xi1>) -> (vector<16xi1>, vector<16xf32>, vector<16xi32>)
          %ge3A_489 = arith.cmpf oge, %masked_sort3A_362, %masked_sort3A_372 : vector<16xf32>
          %select_n3A_490 = arith.select %ge3A_489, %masked_sort3A_362, %masked_sort3A_372 : vector<16xi1>, vector<16xf32>
          %select_n3A_491 = arith.select %ge3A_489, %masked_sort3A_363, %masked_sort3A_373 : vector<16xi1>, vector<16xi32>
          %masked_sort3A_492 = arith.constant dense<true> : vector<16xi1>
          %masked_sort3A_493, %masked_sort3A_494, %masked_sort3A_495 = tpu.sort %select_n3A_490, %select_n3A_491 masked %masked_sort3A_492 : (vector<16xf32>, vector<16xi32>, vector<16xi1>) -> (vector<16xi1>, vector<16xf32>, vector<16xi32>)
          %ge3A_496 = arith.cmpf oge, %masked_sort3A_382, %masked_sort3A_392 : vector<16xf32>
          %select_n3A_497 = arith.select %ge3A_496, %masked_sort3A_382, %masked_sort3A_392 : vector<16xi1>, vector<16xf32>
          %select_n3A_498 = arith.select %ge3A_496, %masked_sort3A_383, %masked_sort3A_393 : vector<16xi1>, vector<16xi32>
          %masked_sort3A_499 = arith.constant dense<true> : vector<16xi1>
          %masked_sort3A_500, %masked_sort3A_501, %masked_sort3A_502 = tpu.sort %select_n3A_497, %select_n3A_498 masked %masked_sort3A_499 {descending = true} : (vector<16xf32>, vector<16xi32>, vector<16xi1>) -> (vector<16xi1>, vector<16xf32>, vector<16xi32>)
          %ge3A_503 = arith.cmpf oge, %masked_sort3A_402, %masked_sort3A_412 : vector<16xf32>
          %select_n3A_504 = arith.select %ge3A_503, %masked_sort3A_402, %masked_sort3A_412 : vector<16xi1>, vector<16xf32>
          %select_n3A_505 = arith.select %ge3A_503, %masked_sort3A_403, %masked_sort3A_413 : vector<16xi1>, vector<16xi32>
          %masked_sort3A_506 = arith.constant dense<true> : vector<16xi1>
          %masked_sort3A_507, %masked_sort3A_508, %masked_sort3A_509 = tpu.sort %select_n3A_504, %select_n3A_505 masked %masked_sort3A_506 : (vector<16xf32>, vector<16xi32>, vector<16xi1>) -> (vector<16xi1>, vector<16xf32>, vector<16xi32>)
          %ge3A_510 = arith.cmpf oge, %masked_sort3A_422, %masked_sort3A_432 : vector<16xf32>
          %select_n3A_511 = arith.select %ge3A_510, %masked_sort3A_422, %masked_sort3A_432 : vector<16xi1>, vector<16xf32>
          %select_n3A_512 = arith.select %ge3A_510, %masked_sort3A_423, %masked_sort3A_433 : vector<16xi1>, vector<16xi32>
          %masked_sort3A_513 = arith.constant dense<true> : vector<16xi1>
          %masked_sort3A_514, %masked_sort3A_515, %masked_sort3A_516 = tpu.sort %select_n3A_511, %select_n3A_512 masked %masked_sort3A_513 {descending = true} : (vector<16xf32>, vector<16xi32>, vector<16xi1>) -> (vector<16xi1>, vector<16xf32>, vector<16xi32>)
          %ge3A_517 = arith.cmpf oge, %masked_sort3A_438, %masked_sort3A_445 : vector<16xf32>
          %select_n3A_518 = arith.select %ge3A_517, %masked_sort3A_438, %masked_sort3A_445 : vector<16xi1>, vector<16xf32>
          %select_n3A_519 = arith.select %ge3A_517, %masked_sort3A_439, %masked_sort3A_446 : vector<16xi1>, vector<16xi32>
          %masked_sort3A_520 = arith.constant dense<true> : vector<16xi1>
          %masked_sort3A_521, %masked_sort3A_522, %masked_sort3A_523 = tpu.sort %select_n3A_518, %select_n3A_519 masked %masked_sort3A_520 {descending = true} : (vector<16xf32>, vector<16xi32>, vector<16xi1>) -> (vector<16xi1>, vector<16xf32>, vector<16xi32>)
          %ge3A_524 = arith.cmpf oge, %masked_sort3A_452, %masked_sort3A_459 : vector<16xf32>
          %select_n3A_525 = arith.select %ge3A_524, %masked_sort3A_452, %masked_sort3A_459 : vector<16xi1>, vector<16xf32>
          %select_n3A_526 = arith.select %ge3A_524, %masked_sort3A_453, %masked_sort3A_460 : vector<16xi1>, vector<16xi32>
          %masked_sort3A_527 = arith.constant dense<true> : vector<16xi1>
          %masked_sort3A_528, %masked_sort3A_529, %masked_sort3A_530 = tpu.sort %select_n3A_525, %select_n3A_526 masked %masked_sort3A_527 : (vector<16xf32>, vector<16xi32>, vector<16xi1>) -> (vector<16xi1>, vector<16xf32>, vector<16xi32>)
          %ge3A_531 = arith.cmpf oge, %masked_sort3A_466, %masked_sort3A_473 : vector<16xf32>
          %select_n3A_532 = arith.select %ge3A_531, %masked_sort3A_466, %masked_sort3A_473 : vector<16xi1>, vector<16xf32>
          %select_n3A_533 = arith.select %ge3A_531, %masked_sort3A_467, %masked_sort3A_474 : vector<16xi1>, vector<16xi32>
          %masked_sort3A_534 = arith.constant dense<true> : vector<16xi1>
          %masked_sort3A_535, %masked_sort3A_536, %masked_sort3A_537 = tpu.sort %select_n3A_532, %select_n3A_533 masked %masked_sort3A_534 : (vector<16xf32>, vector<16xi32>, vector<16xi1>) -> (vector<16xi1>, vector<16xf32>, vector<16xi32>)
          %get3A_538 = arith.index_cast %scan3A_194 : i32 to index
          %get3A_539 = arith.constant 180 : index
          %get3A_540 = tpu.vector_load %arg7[%get3A_538, %get3A_539] {strides = array<i32>} : memref<28x392xf32, #tpu.memory_space<vmem>>, vector<16xf32>,
          %add3A_541 = arith.constant 180 : i32
          %add3A_542 = vector.broadcast %add3A_541 : i32 to vector<16xi32>
          %add3A_543 = arith.addi %iota3A, %add3A_542 : vector<16xi32>
          %ge3A_544 = arith.constant 12 : i32
          %ge3A_545 = vector.broadcast %ge3A_544 : i32 to vector<16xi32>
          %ge3A_546 = arith.cmpi sge, %iota3A, %ge3A_545 : vector<16xi32>
          %jit3A_547 = arith.constant -3.400000e+38 : f32
          %broadcast_in_dim3A_548 = vector.broadcast %jit3A_547 : f32 to vector<16xf32>
          %select_n3A_549 = arith.select %ge3A_546, %get3A_540, %broadcast_in_dim3A_548 : vector<16xi1>, vector<16xf32>
          %masked_sort3A_550 = arith.constant dense<true> : vector<16xi1>
          %masked_sort3A_551, %masked_sort3A_552, %masked_sort3A_553 = tpu.sort %select_n3A_549, %add3A_543 masked %masked_sort3A_550 {descending = true} : (vector<16xf32>, vector<16xi32>, vector<16xi1>) -> (vector<16xi1>, vector<16xf32>, vector<16xi32>)
          %ge3A_554 = arith.cmpf oge, %masked_sort3A_480, %masked_sort3A_487 : vector<16xf32>
          %select_n3A_555 = arith.select %ge3A_554, %masked_sort3A_480, %masked_sort3A_487 : vector<16xi1>, vector<16xf32>
          %select_n3A_556 = arith.select %ge3A_554, %masked_sort3A_481, %masked_sort3A_488 : vector<16xi1>, vector<16xi32>
          %masked_sort3A_557 = arith.constant dense<true> : vector<16xi1>
          %masked_sort3A_558, %masked_sort3A_559, %masked_sort3A_560 = tpu.sort %select_n3A_555, %select_n3A_556 masked %masked_sort3A_557 {descending = true} : (vector<16xf32>, vector<16xi32>, vector<16xi1>) -> (vector<16xi1>, vector<16xf32>, vector<16xi32>)
          %ge3A_561 = arith.cmpf oge, %masked_sort3A_494, %masked_sort3A_501 : vector<16xf32>
          %select_n3A_562 = arith.select %ge3A_561, %masked_sort3A_494, %masked_sort3A_501 : vector<16xi1>, vector<16xf32>
          %select_n3A_563 = arith.select %ge3A_561, %masked_sort3A_495, %masked_sort3A_502 : vector<16xi1>, vector<16xi32>
          %masked_sort3A_564 = arith.constant dense<true> : vector<16xi1>
          %masked_sort3A_565, %masked_sort3A_566, %masked_sort3A_567 = tpu.sort %select_n3A_562, %select_n3A_563 masked %masked_sort3A_564 : (vector<16xf32>, vector<16xi32>, vector<16xi1>) -> (vector<16xi1>, vector<16xf32>, vector<16xi32>)
          %ge3A_568 = arith.cmpf oge, %masked_sort3A_508, %masked_sort3A_515 : vector<16xf32>
          %select_n3A_569 = arith.select %ge3A_568, %masked_sort3A_508, %masked_sort3A_515 : vector<16xi1>, vector<16xf32>
          %select_n3A_570 = arith.select %ge3A_568, %masked_sort3A_509, %masked_sort3A_516 : vector<16xi1>, vector<16xi32>
          %masked_sort3A_571 = arith.constant dense<true> : vector<16xi1>
          %masked_sort3A_572, %masked_sort3A_573, %masked_sort3A_574 = tpu.sort %select_n3A_569, %select_n3A_570 masked %masked_sort3A_571 : (vector<16xf32>, vector<16xi32>, vector<16xi1>) -> (vector<16xi1>, vector<16xf32>, vector<16xi32>)
          %get3A_575 = arith.index_cast %scan3A_194 : i32 to index
          %get3A_576 = arith.constant 376 : index
          %get3A_577 = tpu.vector_load %arg7[%get3A_575, %get3A_576] {strides = array<i32>} : memref<28x392xf32, #tpu.memory_space<vmem>>, vector<16xf32>,
          %add3A_578 = arith.constant 180 : i32
          %add3A_579 = vector.broadcast %add3A_578 : i32 to vector<16xi32>
          %add3A_580 = arith.addi %iota3A, %add3A_579 : vector<16xi32>
          %ge3A_581 = arith.constant 12 : i32
          %ge3A_582 = vector.broadcast %ge3A_581 : i32 to vector<16xi32>
          %ge3A_583 = arith.cmpi sge, %iota3A, %ge3A_582 : vector<16xi32>
          %jit3A_584 = arith.constant -3.400000e+38 : f32
          %broadcast_in_dim3A_585 = vector.broadcast %jit3A_584 : f32 to vector<16xf32>
          %select_n3A_586 = arith.select %ge3A_583, %get3A_577, %broadcast_in_dim3A_585 : vector<16xi1>, vector<16xf32>
          %masked_sort3A_587 = arith.constant dense<true> : vector<16xi1>
          %masked_sort3A_588, %masked_sort3A_589, %masked_sort3A_590 = tpu.sort %select_n3A_586, %add3A_580 masked %masked_sort3A_587 {descending = true} : (vector<16xf32>, vector<16xi32>, vector<16xi1>) -> (vector<16xi1>, vector<16xf32>, vector<16xi32>)
          %get3A_591 = arith.index_cast %scan3A_194 : i32 to index
          %get3A_592 = arith.constant 0 : index
          %get3A_593 = tpu.vector_load %arg9[%get3A_591, %get3A_592] {strides = array<i32>} : memref<28x392xf32, #tpu.memory_space<vmem>>, vector<16xf32>,
          %add3A_594 = arith.constant 0 : i32
          %add3A_595 = vector.broadcast %add3A_594 : i32 to vector<16xi32>
          %add3A_596 = arith.addi %iota3A, %add3A_595 : vector<16xi32>
          %masked_sort3A_597 = arith.constant dense<true> : vector<16xi1>
          %masked_sort3A_598, %masked_sort3A_599, %masked_sort3A_600 = tpu.sort %get3A_593, %add3A_596 masked %masked_sort3A_597 {descending = true} : (vector<16xf32>, vector<16xi32>, vector<16xi1>) -> (vector<16xi1>, vector<16xf32>, vector<16xi32>)
          %get3A_601 = arith.index_cast %scan3A_194 : i32 to index
          %get3A_602 = arith.constant 16 : index
          %get3A_603 = tpu.vector_load %arg9[%get3A_601, %get3A_602] {strides = array<i32>} : memref<28x392xf32, #tpu.memory_space<vmem>>, vector<16xf32>,
          %add3A_604 = arith.constant 16 : i32
          %add3A_605 = vector.broadcast %add3A_604 : i32 to vector<16xi32>
          %add3A_606 = arith.addi %iota3A, %add3A_605 : vector<16xi32>
          %masked_sort3A_607 = arith.constant dense<true> : vector<16xi1>
          %masked_sort3A_608, %masked_sort3A_609, %masked_sort3A_610 = tpu.sort %get3A_603, %add3A_606 masked %masked_sort3A_607 : (vector<16xf32>, vector<16xi32>, vector<16xi1>) -> (vector<16xi1>, vector<16xf32>, vector<16xi32>)
          %get3A_611 = arith.index_cast %scan3A_194 : i32 to index
          %get3A_612 = arith.constant 32 : index
          %get3A_613 = tpu.vector_load %arg9[%get3A_611, %get3A_612] {strides = array<i32>} : memref<28x392xf32, #tpu.memory_space<vmem>>, vector<16xf32>,
          %add3A_614 = arith.constant 32 : i32
          %add3A_615 = vector.broadcast %add3A_614 : i32 to vector<16xi32>
          %add3A_616 = arith.addi %iota3A, %add3A_615 : vector<16xi32>
          %masked_sort3A_617 = arith.constant dense<true> : vector<16xi1>
          %masked_sort3A_618, %masked_sort3A_619, %masked_sort3A_620 = tpu.sort %get3A_613, %add3A_616 masked %masked_sort3A_617 : (vector<16xf32>, vector<16xi32>, vector<16xi1>) -> (vector<16xi1>, vector<16xf32>, vector<16xi32>)
          %get3A_621 = arith.index_cast %scan3A_194 : i32 to index
          %get3A_622 = arith.constant 48 : index
          %get3A_623 = tpu.vector_load %arg9[%get3A_621, %get3A_622] {strides = array<i32>} : memref<28x392xf32, #tpu.memory_space<vmem>>, vector<16xf32>,
          %add3A_624 = arith.constant 48 : i32
          %add3A_625 = vector.broadcast %add3A_624 : i32 to vector<16xi32>
          %add3A_626 = arith.addi %iota3A, %add3A_625 : vector<16xi32>
          %masked_sort3A_627 = arith.constant dense<true> : vector<16xi1>
          %masked_sort3A_628, %masked_sort3A_629, %masked_sort3A_630 = tpu.sort %get3A_623, %add3A_626 masked %masked_sort3A_627 {descending = true} : (vector<16xf32>, vector<16xi32>, vector<16xi1>) -> (vector<16xi1>, vector<16xf32>, vector<16xi32>)
          %get3A_631 = arith.index_cast %scan3A_194 : i32 to index
          %get3A_632 = arith.constant 64 : index
          %get3A_633 = tpu.vector_load %arg9[%get3A_631, %get3A_632] {strides = array<i32>} : memref<28x392xf32, #tpu.memory_space<vmem>>, vector<16xf32>,
          %add3A_634 = arith.constant 64 : i32
          %add3A_635 = vector.broadcast %add3A_634 : i32 to vector<16xi32>
          %add3A_636 = arith.addi %iota3A, %add3A_635 : vector<16xi32>
          %masked_sort3A_637 = arith.constant dense<true> : vector<16xi1>
          %masked_sort3A_638, %masked_sort3A_639, %masked_sort3A_640 = tpu.sort %get3A_633, %add3A_636 masked %masked_sort3A_637 : (vector<16xf32>, vector<16xi32>, vector<16xi1>) -> (vector<16xi1>, vector<16xf32>, vector<16xi32>)
          %get3A_641 = arith.index_cast %scan3A_194 : i32 to index
          %get3A_642 = arith.constant 80 : index
          %get3A_643 = tpu.vector_load %arg9[%get3A_641, %get3A_642] {strides = array<i32>} : memref<28x392xf32, #tpu.memory_space<vmem>>, vector<16xf32>,
          %add3A_644 = arith.constant 80 : i32
          %add3A_645 = vector.broadcast %add3A_644 : i32 to vector<16xi32>
          %add3A_646 = arith.addi %iota3A, %add3A_645 : vector<16xi32>
          %masked_sort3A_647 = arith.constant dense<true> : vector<16xi1>
          %masked_sort3A_648, %masked_sort3A_649, %masked_sort3A_650 = tpu.sort %get3A_643, %add3A_646 masked %masked_sort3A_647 {descending = true} : (vector<16xf32>, vector<16xi32>, vector<16xi1>) -> (vector<16xi1>, vector<16xf32>, vector<16xi32>)
          %get3A_651 = arith.index_cast %scan3A_194 : i32 to index
          %get3A_652 = arith.constant 96 : index
          %get3A_653 = tpu.vector_load %arg9[%get3A_651, %get3A_652] {strides = array<i32>} : memref<28x392xf32, #tpu.memory_space<vmem>>, vector<16xf32>,
          %add3A_654 = arith.constant 96 : i32
          %add3A_655 = vector.broadcast %add3A_654 : i32 to vector<16xi32>
          %add3A_656 = arith.addi %iota3A, %add3A_655 : vector<16xi32>
          %masked_sort3A_657 = arith.constant dense<true> : vector<16xi1>
          %masked_sort3A_658, %masked_sort3A_659, %masked_sort3A_660 = tpu.sort %get3A_653, %add3A_656 masked %masked_sort3A_657 {descending = true} : (vector<16xf32>, vector<16xi32>, vector<16xi1>) -> (vector<16xi1>, vector<16xf32>, vector<16xi32>)
          %get3A_661 = arith.index_cast %scan3A_194 : i32 to index
          %get3A_662 = arith.constant 112 : index
          %get3A_663 = tpu.vector_load %arg9[%get3A_661, %get3A_662] {strides = array<i32>} : memref<28x392xf32, #tpu.memory_space<vmem>>, vector<16xf32>,
          %add3A_664 = arith.constant 112 : i32
          %add3A_665 = vector.broadcast %add3A_664 : i32 to vector<16xi32>
          %add3A_666 = arith.addi %iota3A, %add3A_665 : vector<16xi32>
          %masked_sort3A_667 = arith.constant dense<true> : vector<16xi1>
          %masked_sort3A_668, %masked_sort3A_669, %masked_sort3A_670 = tpu.sort %get3A_663, %add3A_666 masked %masked_sort3A_667 : (vector<16xf32>, vector<16xi32>, vector<16xi1>) -> (vector<16xi1>, vector<16xf32>, vector<16xi32>)
          %get3A_671 = arith.index_cast %scan3A_194 : i32 to index
          %get3A_672 = arith.constant 128 : index
          %get3A_673 = tpu.vector_load %arg9[%get3A_671, %get3A_672] {strides = array<i32>} : memref<28x392xf32, #tpu.memory_space<vmem>>, vector<16xf32>,
          %add3A_674 = arith.constant 128 : i32
          %add3A_675 = vector.broadcast %add3A_674 : i32 to vector<16xi32>
          %add3A_676 = arith.addi %iota3A, %add3A_675 : vector<16xi32>
          %masked_sort3A_677 = arith.constant dense<true> : vector<16xi1>
          %masked_sort3A_678, %masked_sort3A_679, %masked_sort3A_680 = tpu.sort %get3A_673, %add3A_676 masked %masked_sort3A_677 : (vector<16xf32>, vector<16xi32>, vector<16xi1>) -> (vector<16xi1>, vector<16xf32>, vector<16xi32>)
          %get3A_681 = arith.index_cast %scan3A_194 : i32 to index
          %get3A_682 = arith.constant 144 : index
          %get3A_683 = tpu.vector_load %arg9[%get3A_681, %get3A_682] {strides = array<i32>} : memref<28x392xf32, #tpu.memory_space<vmem>>, vector<16xf32>,
          %add3A_684 = arith.constant 144 : i32
          %add3A_685 = vector.broadcast %add3A_684 : i32 to vector<16xi32>
          %add3A_686 = arith.addi %iota3A, %add3A_685 : vector<16xi32>
          %masked_sort3A_687 = arith.constant dense<true> : vector<16xi1>
          %masked_sort3A_688, %masked_sort3A_689, %masked_sort3A_690 = tpu.sort %get3A_683, %add3A_686 masked %masked_sort3A_687 {descending = true} : (vector<16xf32>, vector<16xi32>, vector<16xi1>) -> (vector<16xi1>, vector<16xf32>, vector<16xi32>)
          %get3A_691 = arith.index_cast %scan3A_194 : i32 to index
          %get3A_692 = arith.constant 160 : index
          %get3A_693 = tpu.vector_load %arg9[%get3A_691, %get3A_692] {strides = array<i32>} : memref<28x392xf32, #tpu.memory_space<vmem>>, vector<16xf32>,
          %add3A_694 = arith.constant 160 : i32
          %add3A_695 = vector.broadcast %add3A_694 : i32 to vector<16xi32>
          %add3A_696 = arith.addi %iota3A, %add3A_695 : vector<16xi32>
          %masked_sort3A_697 = arith.constant dense<true> : vector<16xi1>
          %masked_sort3A_698, %masked_sort3A_699, %masked_sort3A_700 = tpu.sort %get3A_693, %add3A_696 masked %masked_sort3A_697 {descending = true} : (vector<16xf32>, vector<16xi32>, vector<16xi1>) -> (vector<16xi1>, vector<16xf32>, vector<16xi32>)
          %get3A_701 = arith.index_cast %scan3A_194 : i32 to index
          %get3A_702 = arith.constant 176 : index
          %get3A_703 = tpu.vector_load %arg9[%get3A_701, %get3A_702] {strides = array<i32>} : memref<28x392xf32, #tpu.memory_space<vmem>>, vector<16xf32>,
          %add3A_704 = arith.constant 176 : i32
          %add3A_705 = vector.broadcast %add3A_704 : i32 to vector<16xi32>
          %add3A_706 = arith.addi %iota3A, %add3A_705 : vector<16xi32>
          %masked_sort3A_707 = arith.constant dense<true> : vector<16xi1>
          %masked_sort3A_708, %masked_sort3A_709, %masked_sort3A_710 = tpu.sort %get3A_703, %add3A_706 masked %masked_sort3A_707 : (vector<16xf32>, vector<16xi32>, vector<16xi1>) -> (vector<16xi1>, vector<16xf32>, vector<16xi32>)
          %get3A_711 = arith.index_cast %scan3A_194 : i32 to index
          %get3A_712 = arith.constant 196 : index
          %get3A_713 = tpu.vector_load %arg9[%get3A_711, %get3A_712] {strides = array<i32>} : memref<28x392xf32, #tpu.memory_space<vmem>>, vector<16xf32>,
          %add3A_714 = arith.constant 0 : i32
          %add3A_715 = vector.broadcast %add3A_714 : i32 to vector<16xi32>
          %add3A_716 = arith.addi %iota3A, %add3A_715 : vector<16xi32>
          %masked_sort3A_717 = arith.constant dense<true> : vector<16xi1>
          %masked_sort3A_718, %masked_sort3A_719, %masked_sort3A_720 = tpu.sort %get3A_713, %add3A_716 masked %masked_sort3A_717 {descending = true} : (vector<16xf32>, vector<16xi32>, vector<16xi1>) -> (vector<16xi1>, vector<16xf32>, vector<16xi32>)
          %get3A_721 = arith.index_cast %scan3A_194 : i32 to index
          %get3A_722 = arith.constant 212 : index
          %get3A_723 = tpu.vector_load %arg9[%get3A_721, %get3A_722] {strides = array<i32>} : memref<28x392xf32, #tpu.memory_space<vmem>>, vector<16xf32>,
          %add3A_724 = arith.constant 16 : i32
          %add3A_725 = vector.broadcast %add3A_724 : i32 to vector<16xi32>
          %add3A_726 = arith.addi %iota3A, %add3A_725 : vector<16xi32>
          %masked_sort3A_727 = arith.constant dense<true> : vector<16xi1>
          %masked_sort3A_728, %masked_sort3A_729, %masked_sort3A_730 = tpu.sort %get3A_723, %add3A_726 masked %masked_sort3A_727 : (vector<16xf32>, vector<16xi32>, vector<16xi1>) -> (vector<16xi1>, vector<16xf32>, vector<16xi32>)
          %get3A_731 = arith.index_cast %scan3A_194 : i32 to index
          %get3A_732 = arith.constant 228 : index
          %get3A_733 = tpu.vector_load %arg9[%get3A_731, %get3A_732] {strides = array<i32>} : memref<28x392xf32, #tpu.memory_space<vmem>>, vector<16xf32>,
          %add3A_734 = arith.constant 32 : i32
          %add3A_735 = vector.broadcast %add3A_734 : i32 to vector<16xi32>
          %add3A_736 = arith.addi %iota3A, %add3A_735 : vector<16xi32>
          %masked_sort3A_737 = arith.constant dense<true> : vector<16xi1>
          %masked_sort3A_738, %masked_sort3A_739, %masked_sort3A_740 = tpu.sort %get3A_733, %add3A_736 masked %masked_sort3A_737 : (vector<16xf32>, vector<16xi32>, vector<16xi1>) -> (vector<16xi1>, vector<16xf32>, vector<16xi32>)
          %get3A_741 = arith.index_cast %scan3A_194 : i32 to index
          %get3A_742 = arith.constant 244 : index
          %get3A_743 = tpu.vector_load %arg9[%get3A_741, %get3A_742] {strides = array<i32>} : memref<28x392xf32, #tpu.memory_space<vmem>>, vector<16xf32>,
          %add3A_744 = arith.constant 48 : i32
          %add3A_745 = vector.broadcast %add3A_744 : i32 to vector<16xi32>
          %add3A_746 = arith.addi %iota3A, %add3A_745 : vector<16xi32>
          %masked_sort3A_747 = arith.constant dense<true> : vector<16xi1>
          %masked_sort3A_748, %masked_sort3A_749, %masked_sort3A_750 = tpu.sort %get3A_743, %add3A_746 masked %masked_sort3A_747 {descending = true} : (vector<16xf32>, vector<16xi32>, vector<16xi1>) -> (vector<16xi1>, vector<16xf32>, vector<16xi32>)
          %get3A_751 = arith.index_cast %scan3A_194 : i32 to index
          %get3A_752 = arith.constant 260 : index
          %get3A_753 = tpu.vector_load %arg9[%get3A_751, %get3A_752] {strides = array<i32>} : memref<28x392xf32, #tpu.memory_space<vmem>>, vector<16xf32>,
          %add3A_754 = arith.constant 64 : i32
          %add3A_755 = vector.broadcast %add3A_754 : i32 to vector<16xi32>
          %add3A_756 = arith.addi %iota3A, %add3A_755 : vector<16xi32>
          %masked_sort3A_757 = arith.constant dense<true> : vector<16xi1>
          %masked_sort3A_758, %masked_sort3A_759, %masked_sort3A_760 = tpu.sort %get3A_753, %add3A_756 masked %masked_sort3A_757 : (vector<16xf32>, vector<16xi32>, vector<16xi1>) -> (vector<16xi1>, vector<16xf32>, vector<16xi32>)
          %get3A_761 = arith.index_cast %scan3A_194 : i32 to index
          %get3A_762 = arith.constant 276 : index
          %get3A_763 = tpu.vector_load %arg9[%get3A_761, %get3A_762] {strides = array<i32>} : memref<28x392xf32, #tpu.memory_space<vmem>>, vector<16xf32>,
          %add3A_764 = arith.constant 80 : i32
          %add3A_765 = vector.broadcast %add3A_764 : i32 to vector<16xi32>
          %add3A_766 = arith.addi %iota3A, %add3A_765 : vector<16xi32>
          %masked_sort3A_767 = arith.constant dense<true> : vector<16xi1>
          %masked_sort3A_768, %masked_sort3A_769, %masked_sort3A_770 = tpu.sort %get3A_763, %add3A_766 masked %masked_sort3A_767 {descending = true} : (vector<16xf32>, vector<16xi32>, vector<16xi1>) -> (vector<16xi1>, vector<16xf32>, vector<16xi32>)
          %get3A_771 = arith.index_cast %scan3A_194 : i32 to index
          %get3A_772 = arith.constant 292 : index
          %get3A_773 = tpu.vector_load %arg9[%get3A_771, %get3A_772] {strides = array<i32>} : memref<28x392xf32, #tpu.memory_space<vmem>>, vector<16xf32>,
          %add3A_774 = arith.constant 96 : i32
          %add3A_775 = vector.broadcast %add3A_774 : i32 to vector<16xi32>
          %add3A_776 = arith.addi %iota3A, %add3A_775 : vector<16xi32>
          %masked_sort3A_777 = arith.constant dense<true> : vector<16xi1>
          %masked_sort3A_778, %masked_sort3A_779, %masked_sort3A_780 = tpu.sort %get3A_773, %add3A_776 masked %masked_sort3A_777 {descending = true} : (vector<16xf32>, vector<16xi32>, vector<16xi1>) -> (vector<16xi1>, vector<16xf32>, vector<16xi32>)
          %get3A_781 = arith.index_cast %scan3A_194 : i32 to index
          %get3A_782 = arith.constant 308 : index
          %get3A_783 = tpu.vector_load %arg9[%get3A_781, %get3A_782] {strides = array<i32>} : memref<28x392xf32, #tpu.memory_space<vmem>>, vector<16xf32>,
          %add3A_784 = arith.constant 112 : i32
          %add3A_785 = vector.broadcast %add3A_784 : i32 to vector<16xi32>
          %add3A_786 = arith.addi %iota3A, %add3A_785 : vector<16xi32>
          %masked_sort3A_787 = arith.constant dense<true> : vector<16xi1>
          %masked_sort3A_788, %masked_sort3A_789, %masked_sort3A_790 = tpu.sort %get3A_783, %add3A_786 masked %masked_sort3A_787 : (vector<16xf32>, vector<16xi32>, vector<16xi1>) -> (vector<16xi1>, vector<16xf32>, vector<16xi32>)
          %get3A_791 = arith.index_cast %scan3A_194 : i32 to index
          %get3A_792 = arith.constant 324 : index
          %get3A_793 = tpu.vector_load %arg9[%get3A_791, %get3A_792] {strides = array<i32>} : memref<28x392xf32, #tpu.memory_space<vmem>>, vector<16xf32>,
          %add3A_794 = arith.constant 128 : i32
          %add3A_795 = vector.broadcast %add3A_794 : i32 to vector<16xi32>
          %add3A_796 = arith.addi %iota3A, %add3A_795 : vector<16xi32>
          %masked_sort3A_797 = arith.constant dense<true> : vector<16xi1>
          %masked_sort3A_798, %masked_sort3A_799, %masked_sort3A_800 = tpu.sort %get3A_793, %add3A_796 masked %masked_sort3A_797 : (vector<16xf32>, vector<16xi32>, vector<16xi1>) -> (vector<16xi1>, vector<16xf32>, vector<16xi32>)
          %get3A_801 = arith.index_cast %scan3A_194 : i32 to index
          %get3A_802 = arith.constant 340 : index
          %get3A_803 = tpu.vector_load %arg9[%get3A_801, %get3A_802] {strides = array<i32>} : memref<28x392xf32, #tpu.memory_space<vmem>>, vector<16xf32>,
          %add3A_804 = arith.constant 144 : i32
          %add3A_805 = vector.broadcast %add3A_804 : i32 to vector<16xi32>
          %add3A_806 = arith.addi %iota3A, %add3A_805 : vector<16xi32>
          %masked_sort3A_807 = arith.constant dense<true> : vector<16xi1>
          %masked_sort3A_808, %masked_sort3A_809, %masked_sort3A_810 = tpu.sort %get3A_803, %add3A_806 masked %masked_sort3A_807 {descending = true} : (vector<16xf32>, vector<16xi32>, vector<16xi1>) -> (vector<16xi1>, vector<16xf32>, vector<16xi32>)
          %get3A_811 = arith.index_cast %scan3A_194 : i32 to index
          %get3A_812 = arith.constant 356 : index
          %get3A_813 = tpu.vector_load %arg9[%get3A_811, %get3A_812] {strides = array<i32>} : memref<28x392xf32, #tpu.memory_space<vmem>>, vector<16xf32>,
          %add3A_814 = arith.constant 160 : i32
          %add3A_815 = vector.broadcast %add3A_814 : i32 to vector<16xi32>
          %add3A_816 = arith.addi %iota3A, %add3A_815 : vector<16xi32>
          %masked_sort3A_817 = arith.constant dense<true> : vector<16xi1>
          %masked_sort3A_818, %masked_sort3A_819, %masked_sort3A_820 = tpu.sort %get3A_813, %add3A_816 masked %masked_sort3A_817 {descending = true} : (vector<16xf32>, vector<16xi32>, vector<16xi1>) -> (vector<16xi1>, vector<16xf32>, vector<16xi32>)
          %get3A_821 = arith.index_cast %scan3A_194 : i32 to index
          %get3A_822 = arith.constant 372 : index
          %get3A_823 = tpu.vector_load %arg9[%get3A_821, %get3A_822] {strides = array<i32>} : memref<28x392xf32, #tpu.memory_space<vmem>>, vector<16xf32>,
          %add3A_824 = arith.constant 176 : i32
          %add3A_825 = vector.broadcast %add3A_824 : i32 to vector<16xi32>
          %add3A_826 = arith.addi %iota3A, %add3A_825 : vector<16xi32>
          %masked_sort3A_827 = arith.constant dense<true> : vector<16xi1>
          %masked_sort3A_828, %masked_sort3A_829, %masked_sort3A_830 = tpu.sort %get3A_823, %add3A_826 masked %masked_sort3A_827 : (vector<16xf32>, vector<16xi32>, vector<16xi1>) -> (vector<16xi1>, vector<16xf32>, vector<16xi32>)
          %ge3A_831 = arith.cmpf oge, %masked_sort3A_522, %masked_sort3A_529 : vector<16xf32>
          %select_n3A_832 = arith.select %ge3A_831, %masked_sort3A_522, %masked_sort3A_529 : vector<16xi1>, vector<16xf32>
          %select_n3A_833 = arith.select %ge3A_831, %masked_sort3A_523, %masked_sort3A_530 : vector<16xi1>, vector<16xi32>
          %masked_sort3A_834 = arith.constant dense<true> : vector<16xi1>
          %masked_sort3A_835, %masked_sort3A_836, %masked_sort3A_837 = tpu.sort %select_n3A_832, %select_n3A_833 masked %masked_sort3A_834 {descending = true} : (vector<16xf32>, vector<16xi32>, vector<16xi1>) -> (vector<16xi1>, vector<16xf32>, vector<16xi32>)
          %ge3A_838 = arith.cmpf oge, %masked_sort3A_536, %masked_sort3A_552 : vector<16xf32>
          %select_n3A_839 = arith.select %ge3A_838, %masked_sort3A_536, %masked_sort3A_552 : vector<16xi1>, vector<16xf32>
          %select_n3A_840 = arith.select %ge3A_838, %masked_sort3A_537, %masked_sort3A_553 : vector<16xi1>, vector<16xi32>
          %masked_sort3A_841 = arith.constant dense<true> : vector<16xi1>
          %masked_sort3A_842, %masked_sort3A_843, %masked_sort3A_844 = tpu.sort %select_n3A_839, %select_n3A_840 masked %masked_sort3A_841 : (vector<16xf32>, vector<16xi32>, vector<16xi1>) -> (vector<16xi1>, vector<16xf32>, vector<16xi32>)
          %ge3A_845 = arith.cmpf oge, %masked_sort3A_559, %masked_sort3A_566 : vector<16xf32>
          %select_n3A_846 = arith.select %ge3A_845, %masked_sort3A_559, %masked_sort3A_566 : vector<16xi1>, vector<16xf32>
          %select_n3A_847 = arith.select %ge3A_845, %masked_sort3A_560, %masked_sort3A_567 : vector<16xi1>, vector<16xi32>
          %masked_sort3A_848 = arith.constant dense<true> : vector<16xi1>
          %masked_sort3A_849, %masked_sort3A_850, %masked_sort3A_851 = tpu.sort %select_n3A_846, %select_n3A_847 masked %masked_sort3A_848 {descending = true} : (vector<16xf32>, vector<16xi32>, vector<16xi1>) -> (vector<16xi1>, vector<16xf32>, vector<16xi32>)
          %ge3A_852 = arith.cmpf oge, %masked_sort3A_573, %masked_sort3A_589 : vector<16xf32>
          %select_n3A_853 = arith.select %ge3A_852, %masked_sort3A_573, %masked_sort3A_589 : vector<16xi1>, vector<16xf32>
          %select_n3A_854 = arith.select %ge3A_852, %masked_sort3A_574, %masked_sort3A_590 : vector<16xi1>, vector<16xi32>
          %masked_sort3A_855 = arith.constant dense<true> : vector<16xi1>
          %masked_sort3A_856, %masked_sort3A_857, %masked_sort3A_858 = tpu.sort %select_n3A_853, %select_n3A_854 masked %masked_sort3A_855 : (vector<16xf32>, vector<16xi32>, vector<16xi1>) -> (vector<16xi1>, vector<16xf32>, vector<16xi32>)
          %ge3A_859 = arith.cmpf oge, %masked_sort3A_599, %masked_sort3A_609 : vector<16xf32>
          %select_n3A_860 = arith.select %ge3A_859, %masked_sort3A_599, %masked_sort3A_609 : vector<16xi1>, vector<16xf32>
          %select_n3A_861 = arith.select %ge3A_859, %masked_sort3A_600, %masked_sort3A_610 : vector<16xi1>, vector<16xi32>
          %masked_sort3A_862 = arith.constant dense<true> : vector<16xi1>
          %masked_sort3A_863, %masked_sort3A_864, %masked_sort3A_865 = tpu.sort %select_n3A_860, %select_n3A_861 masked %masked_sort3A_862 {descending = true} : (vector<16xf32>, vector<16xi32>, vector<16xi1>) -> (vector<16xi1>, vector<16xf32>, vector<16xi32>)
          %ge3A_866 = arith.cmpf oge, %masked_sort3A_619, %masked_sort3A_629 : vector<16xf32>
          %select_n3A_867 = arith.select %ge3A_866, %masked_sort3A_619, %masked_sort3A_629 : vector<16xi1>, vector<16xf32>
          %select_n3A_868 = arith.select %ge3A_866, %masked_sort3A_620, %masked_sort3A_630 : vector<16xi1>, vector<16xi32>
          %masked_sort3A_869 = arith.constant dense<true> : vector<16xi1>
          %masked_sort3A_870, %masked_sort3A_871, %masked_sort3A_872 = tpu.sort %select_n3A_867, %select_n3A_868 masked %masked_sort3A_869 : (vector<16xf32>, vector<16xi32>, vector<16xi1>) -> (vector<16xi1>, vector<16xf32>, vector<16xi32>)
          %ge3A_873 = arith.cmpf oge, %masked_sort3A_639, %masked_sort3A_649 : vector<16xf32>
          %select_n3A_874 = arith.select %ge3A_873, %masked_sort3A_639, %masked_sort3A_649 : vector<16xi1>, vector<16xf32>
          %select_n3A_875 = arith.select %ge3A_873, %masked_sort3A_640, %masked_sort3A_650 : vector<16xi1>, vector<16xi32>
          %masked_sort3A_876 = arith.constant dense<true> : vector<16xi1>
          %masked_sort3A_877, %masked_sort3A_878, %masked_sort3A_879 = tpu.sort %select_n3A_874, %select_n3A_875 masked %masked_sort3A_876 : (vector<16xf32>, vector<16xi32>, vector<16xi1>) -> (vector<16xi1>, vector<16xf32>, vector<16xi32>)
          %ge3A_880 = arith.cmpf oge, %masked_sort3A_659, %masked_sort3A_669 : vector<16xf32>
          %select_n3A_881 = arith.select %ge3A_880, %masked_sort3A_659, %masked_sort3A_669 : vector<16xi1>, vector<16xf32>
          %select_n3A_882 = arith.select %ge3A_880, %masked_sort3A_660, %masked_sort3A_670 : vector<16xi1>, vector<16xi32>
          %masked_sort3A_883 = arith.constant dense<true> : vector<16xi1>
          %masked_sort3A_884, %masked_sort3A_885, %masked_sort3A_886 = tpu.sort %select_n3A_881, %select_n3A_882 masked %masked_sort3A_883 {descending = true} : (vector<16xf32>, vector<16xi32>, vector<16xi1>) -> (vector<16xi1>, vector<16xf32>, vector<16xi32>)
          %ge3A_887 = arith.cmpf oge, %masked_sort3A_679, %masked_sort3A_689 : vector<16xf32>
          %select_n3A_888 = arith.select %ge3A_887, %masked_sort3A_679, %masked_sort3A_689 : vector<16xi1>, vector<16xf32>
          %select_n3A_889 = arith.select %ge3A_887, %masked_sort3A_680, %masked_sort3A_690 : vector<16xi1>, vector<16xi32>
          %masked_sort3A_890 = arith.constant dense<true> : vector<16xi1>
          %masked_sort3A_891, %masked_sort3A_892, %masked_sort3A_893 = tpu.sort %select_n3A_888, %select_n3A_889 masked %masked_sort3A_890 : (vector<16xf32>, vector<16xi32>, vector<16xi1>) -> (vector<16xi1>, vector<16xf32>, vector<16xi32>)
          %ge3A_894 = arith.cmpf oge, %masked_sort3A_699, %masked_sort3A_709 : vector<16xf32>
          %select_n3A_895 = arith.select %ge3A_894, %masked_sort3A_699, %masked_sort3A_709 : vector<16xi1>, vector<16xf32>
          %select_n3A_896 = arith.select %ge3A_894, %masked_sort3A_700, %masked_sort3A_710 : vector<16xi1>, vector<16xi32>
          %masked_sort3A_897 = arith.constant dense<true> : vector<16xi1>
          %masked_sort3A_898, %masked_sort3A_899, %masked_sort3A_900 = tpu.sort %select_n3A_895, %select_n3A_896 masked %masked_sort3A_897 {descending = true} : (vector<16xf32>, vector<16xi32>, vector<16xi1>) -> (vector<16xi1>, vector<16xf32>, vector<16xi32>)
          %ge3A_901 = arith.cmpf oge, %masked_sort3A_719, %masked_sort3A_729 : vector<16xf32>
          %select_n3A_902 = arith.select %ge3A_901, %masked_sort3A_719, %masked_sort3A_729 : vector<16xi1>, vector<16xf32>
          %select_n3A_903 = arith.select %ge3A_901, %masked_sort3A_720, %masked_sort3A_730 : vector<16xi1>, vector<16xi32>
          %masked_sort3A_904 = arith.constant dense<true> : vector<16xi1>
          %masked_sort3A_905, %masked_sort3A_906, %masked_sort3A_907 = tpu.sort %select_n3A_902, %select_n3A_903 masked %masked_sort3A_904 {descending = true} : (vector<16xf32>, vector<16xi32>, vector<16xi1>) -> (vector<16xi1>, vector<16xf32>, vector<16xi32>)
          %ge3A_908 = arith.cmpf oge, %masked_sort3A_739, %masked_sort3A_749 : vector<16xf32>
          %select_n3A_909 = arith.select %ge3A_908, %masked_sort3A_739, %masked_sort3A_749 : vector<16xi1>, vector<16xf32>
          %select_n3A_910 = arith.select %ge3A_908, %masked_sort3A_740, %masked_sort3A_750 : vector<16xi1>, vector<16xi32>
          %masked_sort3A_911 = arith.constant dense<true> : vector<16xi1>
          %masked_sort3A_912, %masked_sort3A_913, %masked_sort3A_914 = tpu.sort %select_n3A_909, %select_n3A_910 masked %masked_sort3A_911 : (vector<16xf32>, vector<16xi32>, vector<16xi1>) -> (vector<16xi1>, vector<16xf32>, vector<16xi32>)
          %ge3A_915 = arith.cmpf oge, %masked_sort3A_759, %masked_sort3A_769 : vector<16xf32>
          %select_n3A_916 = arith.select %ge3A_915, %masked_sort3A_759, %masked_sort3A_769 : vector<16xi1>, vector<16xf32>
          %select_n3A_917 = arith.select %ge3A_915, %masked_sort3A_760, %masked_sort3A_770 : vector<16xi1>, vector<16xi32>
          %masked_sort3A_918 = arith.constant dense<true> : vector<16xi1>
          %masked_sort3A_919, %masked_sort3A_920, %masked_sort3A_921 = tpu.sort %select_n3A_916, %select_n3A_917 masked %masked_sort3A_918 : (vector<16xf32>, vector<16xi32>, vector<16xi1>) -> (vector<16xi1>, vector<16xf32>, vector<16xi32>)
          %ge3A_922 = arith.cmpf oge, %masked_sort3A_779, %masked_sort3A_789 : vector<16xf32>
          %select_n3A_923 = arith.select %ge3A_922, %masked_sort3A_779, %masked_sort3A_789 : vector<16xi1>, vector<16xf32>
          %select_n3A_924 = arith.select %ge3A_922, %masked_sort3A_780, %masked_sort3A_790 : vector<16xi1>, vector<16xi32>
          %masked_sort3A_925 = arith.constant dense<true> : vector<16xi1>
          %masked_sort3A_926, %masked_sort3A_927, %masked_sort3A_928 = tpu.sort %select_n3A_923, %select_n3A_924 masked %masked_sort3A_925 {descending = true} : (vector<16xf32>, vector<16xi32>, vector<16xi1>) -> (vector<16xi1>, vector<16xf32>, vector<16xi32>)
          %ge3A_929 = arith.cmpf oge, %masked_sort3A_799, %masked_sort3A_809 : vector<16xf32>
          %select_n3A_930 = arith.select %ge3A_929, %masked_sort3A_799, %masked_sort3A_809 : vector<16xi1>, vector<16xf32>
          %select_n3A_931 = arith.select %ge3A_929, %masked_sort3A_800, %masked_sort3A_810 : vector<16xi1>, vector<16xi32>
          %masked_sort3A_932 = arith.constant dense<true> : vector<16xi1>
          %masked_sort3A_933, %masked_sort3A_934, %masked_sort3A_935 = tpu.sort %select_n3A_930, %select_n3A_931 masked %masked_sort3A_932 : (vector<16xf32>, vector<16xi32>, vector<16xi1>) -> (vector<16xi1>, vector<16xf32>, vector<16xi32>)
          %ge3A_936 = arith.cmpf oge, %masked_sort3A_819, %masked_sort3A_829 : vector<16xf32>
          %select_n3A_937 = arith.select %ge3A_936, %masked_sort3A_819, %masked_sort3A_829 : vector<16xi1>, vector<16xf32>
          %select_n3A_938 = arith.select %ge3A_936, %masked_sort3A_820, %masked_sort3A_830 : vector<16xi1>, vector<16xi32>
          %masked_sort3A_939 = arith.constant dense<true> : vector<16xi1>
          %masked_sort3A_940, %masked_sort3A_941, %masked_sort3A_942 = tpu.sort %select_n3A_937, %select_n3A_938 masked %masked_sort3A_939 {descending = true} : (vector<16xf32>, vector<16xi32>, vector<16xi1>) -> (vector<16xi1>, vector<16xf32>, vector<16xi32>)
          %ge3A_943 = arith.cmpf oge, %masked_sort3A_836, %masked_sort3A_843 : vector<16xf32>
          %select_n3A_944 = arith.select %ge3A_943, %masked_sort3A_836, %masked_sort3A_843 : vector<16xi1>, vector<16xf32>
          %select_n3A_945 = arith.select %ge3A_943, %masked_sort3A_837, %masked_sort3A_844 : vector<16xi1>, vector<16xi32>
          %masked_sort3A_946 = arith.constant dense<true> : vector<16xi1>
          %masked_sort3A_947, %masked_sort3A_948, %masked_sort3A_949 = tpu.sort %select_n3A_944, %select_n3A_945 masked %masked_sort3A_946 {descending = true} : (vector<16xf32>, vector<16xi32>, vector<16xi1>) -> (vector<16xi1>, vector<16xf32>, vector<16xi32>)
          %ge3A_950 = arith.cmpf oge, %masked_sort3A_850, %masked_sort3A_857 : vector<16xf32>
          %select_n3A_951 = arith.select %ge3A_950, %masked_sort3A_850, %masked_sort3A_857 : vector<16xi1>, vector<16xf32>
          %select_n3A_952 = arith.select %ge3A_950, %masked_sort3A_851, %masked_sort3A_858 : vector<16xi1>, vector<16xi32>
          %masked_sort3A_953 = arith.constant dense<true> : vector<16xi1>
          %masked_sort3A_954, %masked_sort3A_955, %masked_sort3A_956 = tpu.sort %select_n3A_951, %select_n3A_952 masked %masked_sort3A_953 {descending = true} : (vector<16xf32>, vector<16xi32>, vector<16xi1>) -> (vector<16xi1>, vector<16xf32>, vector<16xi32>)
          %ge3A_957 = arith.cmpf oge, %masked_sort3A_864, %masked_sort3A_871 : vector<16xf32>
          %select_n3A_958 = arith.select %ge3A_957, %masked_sort3A_864, %masked_sort3A_871 : vector<16xi1>, vector<16xf32>
          %select_n3A_959 = arith.select %ge3A_957, %masked_sort3A_865, %masked_sort3A_872 : vector<16xi1>, vector<16xi32>
          %masked_sort3A_960 = arith.constant dense<true> : vector<16xi1>
          %masked_sort3A_961, %masked_sort3A_962, %masked_sort3A_963 = tpu.sort %select_n3A_958, %select_n3A_959 masked %masked_sort3A_960 {descending = true} : (vector<16xf32>, vector<16xi32>, vector<16xi1>) -> (vector<16xi1>, vector<16xf32>, vector<16xi32>)
          %ge3A_964 = arith.cmpf oge, %masked_sort3A_878, %masked_sort3A_885 : vector<16xf32>
          %select_n3A_965 = arith.select %ge3A_964, %masked_sort3A_878, %masked_sort3A_885 : vector<16xi1>, vector<16xf32>
          %select_n3A_966 = arith.select %ge3A_964, %masked_sort3A_879, %masked_sort3A_886 : vector<16xi1>, vector<16xi32>
          %masked_sort3A_967 = arith.constant dense<true> : vector<16xi1>
          %masked_sort3A_968, %masked_sort3A_969, %masked_sort3A_970 = tpu.sort %select_n3A_965, %select_n3A_966 masked %masked_sort3A_967 : (vector<16xf32>, vector<16xi32>, vector<16xi1>) -> (vector<16xi1>, vector<16xf32>, vector<16xi32>)
          %ge3A_971 = arith.cmpf oge, %masked_sort3A_892, %masked_sort3A_899 : vector<16xf32>
          %select_n3A_972 = arith.select %ge3A_971, %masked_sort3A_892, %masked_sort3A_899 : vector<16xi1>, vector<16xf32>
          %select_n3A_973 = arith.select %ge3A_971, %masked_sort3A_893, %masked_sort3A_900 : vector<16xi1>, vector<16xi32>
          %masked_sort3A_974 = arith.constant dense<true> : vector<16xi1>
          %masked_sort3A_975, %masked_sort3A_976, %masked_sort3A_977 = tpu.sort %select_n3A_972, %select_n3A_973 masked %masked_sort3A_974 : (vector<16xf32>, vector<16xi32>, vector<16xi1>) -> (vector<16xi1>, vector<16xf32>, vector<16xi32>)
          %get3A_978 = arith.index_cast %scan3A_194 : i32 to index
          %get3A_979 = arith.constant 180 : index
          %get3A_980 = tpu.vector_load %arg9[%get3A_978, %get3A_979] {strides = array<i32>} : memref<28x392xf32, #tpu.memory_space<vmem>>, vector<16xf32>,
          %add3A_981 = arith.constant 180 : i32
          %add3A_982 = vector.broadcast %add3A_981 : i32 to vector<16xi32>
          %add3A_983 = arith.addi %iota3A, %add3A_982 : vector<16xi32>
          %ge3A_984 = arith.constant 12 : i32
          %ge3A_985 = vector.broadcast %ge3A_984 : i32 to vector<16xi32>
          %ge3A_986 = arith.cmpi sge, %iota3A, %ge3A_985 : vector<16xi32>
          %jit3A_987 = arith.constant -3.400000e+38 : f32
          %broadcast_in_dim3A_988 = vector.broadcast %jit3A_987 : f32 to vector<16xf32>
          %select_n3A_989 = arith.select %ge3A_986, %get3A_980, %broadcast_in_dim3A_988 : vector<16xi1>, vector<16xf32>
          %masked_sort3A_990 = arith.constant dense<true> : vector<16xi1>
          %masked_sort3A_991, %masked_sort3A_992, %masked_sort3A_993 = tpu.sort %select_n3A_989, %add3A_983 masked %masked_sort3A_990 {descending = true} : (vector<16xf32>, vector<16xi32>, vector<16xi1>) -> (vector<16xi1>, vector<16xf32>, vector<16xi32>)
          %ge3A_994 = arith.cmpf oge, %masked_sort3A_906, %masked_sort3A_913 : vector<16xf32>
          %select_n3A_995 = arith.select %ge3A_994, %masked_sort3A_906, %masked_sort3A_913 : vector<16xi1>, vector<16xf32>
          %select_n3A_996 = arith.select %ge3A_994, %masked_sort3A_907, %masked_sort3A_914 : vector<16xi1>, vector<16xi32>
          %masked_sort3A_997 = arith.constant dense<true> : vector<16xi1>
          %masked_sort3A_998, %masked_sort3A_999, %masked_sort3A_1000 = tpu.sort %select_n3A_995, %select_n3A_996 masked %masked_sort3A_997 {descending = true} : (vector<16xf32>, vector<16xi32>, vector<16xi1>) -> (vector<16xi1>, vector<16xf32>, vector<16xi32>)
          %ge3A_1001 = arith.cmpf oge, %masked_sort3A_920, %masked_sort3A_927 : vector<16xf32>
          %select_n3A_1002 = arith.select %ge3A_1001, %masked_sort3A_920, %masked_sort3A_927 : vector<16xi1>, vector<16xf32>
          %select_n3A_1003 = arith.select %ge3A_1001, %masked_sort3A_921, %masked_sort3A_928 : vector<16xi1>, vector<16xi32>
          %masked_sort3A_1004 = arith.constant dense<true> : vector<16xi1>
          %masked_sort3A_1005, %masked_sort3A_1006, %masked_sort3A_1007 = tpu.sort %select_n3A_1002, %select_n3A_1003 masked %masked_sort3A_1004 : (vector<16xf32>, vector<16xi32>, vector<16xi1>) -> (vector<16xi1>, vector<16xf32>, vector<16xi32>)
          %ge3A_1008 = arith.cmpf oge, %masked_sort3A_934, %masked_sort3A_941 : vector<16xf32>
          %select_n3A_1009 = arith.select %ge3A_1008, %masked_sort3A_934, %masked_sort3A_941 : vector<16xi1>, vector<16xf32>
          %select_n3A_1010 = arith.select %ge3A_1008, %masked_sort3A_935, %masked_sort3A_942 : vector<16xi1>, vector<16xi32>
          %masked_sort3A_1011 = arith.constant dense<true> : vector<16xi1>
          %masked_sort3A_1012, %masked_sort3A_1013, %masked_sort3A_1014 = tpu.sort %select_n3A_1009, %select_n3A_1010 masked %masked_sort3A_1011 : (vector<16xf32>, vector<16xi32>, vector<16xi1>) -> (vector<16xi1>, vector<16xf32>, vector<16xi32>)
          %get3A_1015 = arith.index_cast %scan3A_194 : i32 to index
          %get3A_1016 = arith.constant 376 : index
          %get3A_1017 = tpu.vector_load %arg9[%get3A_1015, %get3A_1016] {strides = array<i32>} : memref<28x392xf32, #tpu.memory_space<vmem>>, vector<16xf32>,
          %add3A_1018 = arith.constant 180 : i32
          %add3A_1019 = vector.broadcast %add3A_1018 : i32 to vector<16xi32>
          %add3A_1020 = arith.addi %iota3A, %add3A_1019 : vector<16xi32>
          %ge3A_1021 = arith.constant 12 : i32
          %ge3A_1022 = vector.broadcast %ge3A_1021 : i32 to vector<16xi32>
          %ge3A_1023 = arith.cmpi sge, %iota3A, %ge3A_1022 : vector<16xi32>
          %jit3A_1024 = arith.constant -3.400000e+38 : f32
          %broadcast_in_dim3A_1025 = vector.broadcast %jit3A_1024 : f32 to vector<16xf32>
          %select_n3A_1026 = arith.select %ge3A_1023, %get3A_1017, %broadcast_in_dim3A_1025 : vector<16xi1>, vector<16xf32>
          %masked_sort3A_1027 = arith.constant dense<true> : vector<16xi1>
          %masked_sort3A_1028, %masked_sort3A_1029, %masked_sort3A_1030 = tpu.sort %select_n3A_1026, %add3A_1020 masked %masked_sort3A_1027 {descending = true} : (vector<16xf32>, vector<16xi32>, vector<16xi1>) -> (vector<16xi1>, vector<16xf32>, vector<16xi32>)
          %ge3A_1031 = arith.cmpf oge, %masked_sort3A_962, %masked_sort3A_969 : vector<16xf32>
          %select_n3A_1032 = arith.select %ge3A_1031, %masked_sort3A_962, %masked_sort3A_969 : vector<16xi1>, vector<16xf32>
          %select_n3A_1033 = arith.select %ge3A_1031, %masked_sort3A_963, %masked_sort3A_970 : vector<16xi1>, vector<16xi32>
          %masked_sort3A_1034 = arith.constant dense<true> : vector<16xi1>
          %masked_sort3A_1035, %masked_sort3A_1036, %masked_sort3A_1037 = tpu.sort %select_n3A_1032, %select_n3A_1033 masked %masked_sort3A_1034 {descending = true} : (vector<16xf32>, vector<16xi32>, vector<16xi1>) -> (vector<16xi1>, vector<16xf32>, vector<16xi32>)
          %ge3A_1038 = arith.cmpf oge, %masked_sort3A_976, %masked_sort3A_992 : vector<16xf32>
          %select_n3A_1039 = arith.select %ge3A_1038, %masked_sort3A_976, %masked_sort3A_992 : vector<16xi1>, vector<16xf32>
          %select_n3A_1040 = arith.select %ge3A_1038, %masked_sort3A_977, %masked_sort3A_993 : vector<16xi1>, vector<16xi32>
          %masked_sort3A_1041 = arith.constant dense<true> : vector<16xi1>
          %masked_sort3A_1042, %masked_sort3A_1043, %masked_sort3A_1044 = tpu.sort %select_n3A_1039, %select_n3A_1040 masked %masked_sort3A_1041 : (vector<16xf32>, vector<16xi32>, vector<16xi1>) -> (vector<16xi1>, vector<16xf32>, vector<16xi32>)
          %ge3A_1045 = arith.cmpf oge, %masked_sort3A_999, %masked_sort3A_1006 : vector<16xf32>
          %select_n3A_1046 = arith.select %ge3A_1045, %masked_sort3A_999, %masked_sort3A_1006 : vector<16xi1>, vector<16xf32>
          %select_n3A_1047 = arith.select %ge3A_1045, %masked_sort3A_1000, %masked_sort3A_1007 : vector<16xi1>, vector<16xi32>
          %masked_sort3A_1048 = arith.constant dense<true> : vector<16xi1>
          %masked_sort3A_1049, %masked_sort3A_1050, %masked_sort3A_1051 = tpu.sort %select_n3A_1046, %select_n3A_1047 masked %masked_sort3A_1048 {descending = true} : (vector<16xf32>, vector<16xi32>, vector<16xi1>) -> (vector<16xi1>, vector<16xf32>, vector<16xi32>)
          %ge3A_1052 = arith.cmpf oge, %masked_sort3A_1013, %masked_sort3A_1029 : vector<16xf32>
          %select_n3A_1053 = arith.select %ge3A_1052, %masked_sort3A_1013, %masked_sort3A_1029 : vector<16xi1>, vector<16xf32>
          %select_n3A_1054 = arith.select %ge3A_1052, %masked_sort3A_1014, %masked_sort3A_1030 : vector<16xi1>, vector<16xi32>
          %masked_sort3A_1055 = arith.constant dense<true> : vector<16xi1>
          %masked_sort3A_1056, %masked_sort3A_1057, %masked_sort3A_1058 = tpu.sort %select_n3A_1053, %select_n3A_1054 masked %masked_sort3A_1055 : (vector<16xf32>, vector<16xi32>, vector<16xi1>) -> (vector<16xi1>, vector<16xf32>, vector<16xi32>)
          %ge3A_1059 = arith.cmpf oge, %masked_sort3A_1036, %masked_sort3A_1043 : vector<16xf32>
          %select_n3A_1060 = arith.select %ge3A_1059, %masked_sort3A_1036, %masked_sort3A_1043 : vector<16xi1>, vector<16xf32>
          %select_n3A_1061 = arith.select %ge3A_1059, %masked_sort3A_1037, %masked_sort3A_1044 : vector<16xi1>, vector<16xi32>
          %masked_sort3A_1062 = arith.constant dense<true> : vector<16xi1>
          %masked_sort3A_1063, %masked_sort3A_1064, %masked_sort3A_1065 = tpu.sort %select_n3A_1060, %select_n3A_1061 masked %masked_sort3A_1062 {descending = true} : (vector<16xf32>, vector<16xi32>, vector<16xi1>) -> (vector<16xi1>, vector<16xf32>, vector<16xi32>)
          %ge3A_1066 = arith.cmpf oge, %masked_sort3A_1050, %masked_sort3A_1057 : vector<16xf32>
          %select_n3A_1067 = arith.select %ge3A_1066, %masked_sort3A_1050, %masked_sort3A_1057 : vector<16xi1>, vector<16xf32>
          %select_n3A_1068 = arith.select %ge3A_1066, %masked_sort3A_1051, %masked_sort3A_1058 : vector<16xi1>, vector<16xi32>
          %masked_sort3A_1069 = arith.constant dense<true> : vector<16xi1>
          %masked_sort3A_1070, %masked_sort3A_1071, %masked_sort3A_1072 = tpu.sort %select_n3A_1067, %select_n3A_1068 masked %masked_sort3A_1069 {descending = true} : (vector<16xf32>, vector<16xi32>, vector<16xi1>) -> (vector<16xi1>, vector<16xf32>, vector<16xi32>)
          %reduce_max3A = arith.constant true
          %reduce_max3A_1073 = vector.broadcast %reduce_max3A : i1 to vector<16xi1>
          %reduce_max3A_1074 = tpu.scan <max>, %masked_sort3A_948 masked %reduce_max3A_1073 : vector<16xf32>, vector<16xi1> -> vector<16xf32>
          %reduce_max3A_1075 = vector.extract %reduce_max3A_1074[15] : f32 from vector<16xf32>
          %lt3A_1076 = arith.constant 10 : i32
          %lt3A_1077 = vector.broadcast %lt3A_1076 : i32 to vector<16xi32>
          %lt3A_1078 = arith.cmpi slt, %iota3A, %lt3A_1077 : vector<16xi32>
          %sub3A_1079 = vector.broadcast %reduce_max3A_1075 : f32 to vector<16xf32>
          %sub3A_1080 = arith.subf %masked_sort3A_948, %sub3A_1079 : vector<16xf32>
          %exp3A = math.exp %sub3A_1080 : vector<16xf32>
          %jit3A_1081 = arith.constant 0.000000e+00 : f32
          %broadcast_in_dim3A_1082 = vector.broadcast %jit3A_1081 : f32 to vector<16xf32>
          %select_n3A_1083 = arith.select %lt3A_1078, %exp3A, %broadcast_in_dim3A_1082 : vector<16xi1>, vector<16xf32>
          %reduce_max3A_1084 = arith.constant true
          %reduce_max3A_1085 = vector.broadcast %reduce_max3A_1084 : i1 to vector<16xi1>
          %reduce_max3A_1086 = tpu.scan <max>, %masked_sort3A_1064 masked %reduce_max3A_1085 : vector<16xf32>, vector<16xi1> -> vector<16xf32>
          %reduce_max3A_1087 = vector.extract %reduce_max3A_1086[15] : f32 from vector<16xf32>
          %lt3A_1088 = arith.constant 10 : i32
          %lt3A_1089 = vector.broadcast %lt3A_1088 : i32 to vector<16xi32>
          %lt3A_1090 = arith.cmpi slt, %iota3A, %lt3A_1089 : vector<16xi32>
          %sub3A_1091 = vector.broadcast %reduce_max3A_1087 : f32 to vector<16xf32>
          %sub3A_1092 = arith.subf %masked_sort3A_1064, %sub3A_1091 : vector<16xf32>
          %exp3A_1093 = math.exp %sub3A_1092 : vector<16xf32>
          %jit3A_1094 = arith.constant 0.000000e+00 : f32
          %broadcast_in_dim3A_1095 = vector.broadcast %jit3A_1094 : f32 to vector<16xf32>
          %select_n3A_1096 = arith.select %lt3A_1090, %exp3A_1093, %broadcast_in_dim3A_1095 : vector<16xi1>, vector<16xf32>
          %reduce_max3A_1097 = arith.constant true
          %reduce_max3A_1098 = vector.broadcast %reduce_max3A_1097 : i1 to vector<16xi1>
          %reduce_max3A_1099 = tpu.scan <max>, %masked_sort3A_955 masked %reduce_max3A_1098 : vector<16xf32>, vector<16xi1> -> vector<16xf32>
          %reduce_max3A_1100 = vector.extract %reduce_max3A_1099[15] : f32 from vector<16xf32>
          %lt3A_1101 = arith.constant 10 : i32
          %lt3A_1102 = vector.broadcast %lt3A_1101 : i32 to vector<16xi32>
          %lt3A_1103 = arith.cmpi slt, %iota3A, %lt3A_1102 : vector<16xi32>
          %sub3A_1104 = vector.broadcast %reduce_max3A_1100 : f32 to vector<16xf32>
          %sub3A_1105 = arith.subf %masked_sort3A_955, %sub3A_1104 : vector<16xf32>
          %exp3A_1106 = math.exp %sub3A_1105 : vector<16xf32>
          %jit3A_1107 = arith.constant 0.000000e+00 : f32
          %broadcast_in_dim3A_1108 = vector.broadcast %jit3A_1107 : f32 to vector<16xf32>
          %select_n3A_1109 = arith.select %lt3A_1103, %exp3A_1106, %broadcast_in_dim3A_1108 : vector<16xi1>, vector<16xf32>
          %reduce_max3A_1110 = arith.constant true
          %reduce_max3A_1111 = vector.broadcast %reduce_max3A_1110 : i1 to vector<16xi1>
          %reduce_max3A_1112 = tpu.scan <max>, %masked_sort3A_1071 masked %reduce_max3A_1111 : vector<16xf32>, vector<16xi1> -> vector<16xf32>
          %reduce_max3A_1113 = vector.extract %reduce_max3A_1112[15] : f32 from vector<16xf32>
          %lt3A_1114 = arith.constant 10 : i32
          %lt3A_1115 = vector.broadcast %lt3A_1114 : i32 to vector<16xi32>
          %lt3A_1116 = arith.cmpi slt, %iota3A, %lt3A_1115 : vector<16xi32>
          %sub3A_1117 = vector.broadcast %reduce_max3A_1113 : f32 to vector<16xf32>
          %sub3A_1118 = arith.subf %masked_sort3A_1071, %sub3A_1117 : vector<16xf32>
          %exp3A_1119 = math.exp %sub3A_1118 : vector<16xf32>
          %jit3A_1120 = arith.constant 0.000000e+00 : f32
          %broadcast_in_dim3A_1121 = vector.broadcast %jit3A_1120 : f32 to vector<16xf32>
          %select_n3A_1122 = arith.select %lt3A_1116, %exp3A_1119, %broadcast_in_dim3A_1121 : vector<16xi1>, vector<16xf32>
          %reduce_sum3A = arith.constant true
          %reduce_sum3A_1123 = vector.broadcast %reduce_sum3A : i1 to vector<16xi1>
          %reduce_sum3A_1124 = tpu.scan <sum>, %select_n3A_1083 masked %reduce_sum3A_1123 : vector<16xf32>, vector<16xi1> -> vector<16xf32>
          %reduce_sum3A_1125 = vector.extract %reduce_sum3A_1124[15] : f32 from vector<16xf32>
          %broadcast_in_dim3A_1126 = vector.broadcast %reduce_sum3A_1125 : f32 to vector<16xf32>
          %broadcast_in_dim3A_1127 = arith.constant 1.000000e+00 : f32
          %broadcast_in_dim3A_1128 = vector.broadcast %broadcast_in_dim3A_1127 : f32 to vector<16xf32>
          %div3A_1129 = arith.divf %broadcast_in_dim3A_1128, %broadcast_in_dim3A_1126 : vector<16xf32>
          %reduce_sum3A_1130 = arith.constant true
          %reduce_sum3A_1131 = vector.broadcast %reduce_sum3A_1130 : i1 to vector<16xi1>
          %reduce_sum3A_1132 = tpu.scan <sum>, %select_n3A_1096 masked %reduce_sum3A_1131 : vector<16xf32>, vector<16xi1> -> vector<16xf32>
          %reduce_sum3A_1133 = vector.extract %reduce_sum3A_1132[15] : f32 from vector<16xf32>
          %broadcast_in_dim3A_1134 = vector.broadcast %reduce_sum3A_1133 : f32 to vector<16xf32>
          %broadcast_in_dim3A_1135 = arith.constant 1.000000e+00 : f32
          %broadcast_in_dim3A_1136 = vector.broadcast %broadcast_in_dim3A_1135 : f32 to vector<16xf32>
          %div3A_1137 = arith.divf %broadcast_in_dim3A_1136, %broadcast_in_dim3A_1134 : vector<16xf32>
          %reduce_sum3A_1138 = arith.constant true
          %reduce_sum3A_1139 = vector.broadcast %reduce_sum3A_1138 : i1 to vector<16xi1>
          %reduce_sum3A_1140 = tpu.scan <sum>, %select_n3A_1109 masked %reduce_sum3A_1139 : vector<16xf32>, vector<16xi1> -> vector<16xf32>
          %reduce_sum3A_1141 = vector.extract %reduce_sum3A_1140[15] : f32 from vector<16xf32>
          %broadcast_in_dim3A_1142 = vector.broadcast %reduce_sum3A_1141 : f32 to vector<16xf32>
          %broadcast_in_dim3A_1143 = arith.constant 1.000000e+00 : f32
          %broadcast_in_dim3A_1144 = vector.broadcast %broadcast_in_dim3A_1143 : f32 to vector<16xf32>
          %div3A_1145 = arith.divf %broadcast_in_dim3A_1144, %broadcast_in_dim3A_1142 : vector<16xf32>
          %reduce_sum3A_1146 = arith.constant true
          %reduce_sum3A_1147 = vector.broadcast %reduce_sum3A_1146 : i1 to vector<16xi1>
          %reduce_sum3A_1148 = tpu.scan <sum>, %select_n3A_1122 masked %reduce_sum3A_1147 : vector<16xf32>, vector<16xi1> -> vector<16xf32>
          %reduce_sum3A_1149 = vector.extract %reduce_sum3A_1148[15] : f32 from vector<16xf32>
          %broadcast_in_dim3A_1150 = vector.broadcast %reduce_sum3A_1149 : f32 to vector<16xf32>
          %broadcast_in_dim3A_1151 = arith.constant 1.000000e+00 : f32
          %broadcast_in_dim3A_1152 = vector.broadcast %broadcast_in_dim3A_1151 : f32 to vector<16xf32>
          %div3A_1153 = arith.divf %broadcast_in_dim3A_1152, %broadcast_in_dim3A_1150 : vector<16xf32>
          %broadcast_in_dim3A_1154 = arith.constant 0.000000e+00 : f32
          %broadcast_in_dim3A_1155 = vector.broadcast %broadcast_in_dim3A_1154 : f32 to vector<16xf32>
          %broadcast_in_dim3A_1156 = arith.constant 0.000000e+00 : f32
          %broadcast_in_dim3A_1157 = vector.broadcast %broadcast_in_dim3A_1156 : f32 to vector<16xf32>
          %broadcast_in_dim3A_1158 = arith.constant 0.000000e+00 : f32
          %broadcast_in_dim3A_1159 = vector.broadcast %broadcast_in_dim3A_1158 : f32 to vector<16xf32>
          %broadcast_in_dim3A_1160 = arith.constant 0.000000e+00 : f32
          %broadcast_in_dim3A_1161 = vector.broadcast %broadcast_in_dim3A_1160 : f32 to vector<16xf32>
          %broadcast_in_dim3A_1162 = arith.constant 0.000000e+00 : f32
          %broadcast_in_dim3A_1163 = vector.broadcast %broadcast_in_dim3A_1162 : f32 to vector<16xf32>
          %broadcast_in_dim3A_1164 = arith.constant 0.000000e+00 : f32
          %broadcast_in_dim3A_1165 = vector.broadcast %broadcast_in_dim3A_1164 : f32 to vector<16xf32>
          %broadcast_in_dim3A_1166 = arith.constant 0.000000e+00 : f32
          %broadcast_in_dim3A_1167 = vector.broadcast %broadcast_in_dim3A_1166 : f32 to vector<16xf32>
          %broadcast_in_dim3A_1168 = arith.constant 0.000000e+00 : f32
          %broadcast_in_dim3A_1169 = vector.broadcast %broadcast_in_dim3A_1168 : f32 to vector<16xf32>
          %broadcast_in_dim3A_1170 = arith.constant 0.000000e+00 : f32
          %broadcast_in_dim3A_1171 = vector.broadcast %broadcast_in_dim3A_1170 : f32 to vector<16xf32>
          %broadcast_in_dim3A_1172 = arith.constant 0.000000e+00 : f32
          %broadcast_in_dim3A_1173 = vector.broadcast %broadcast_in_dim3A_1172 : f32 to vector<16xf32>
          %broadcast_in_dim3A_1174 = arith.constant 0.000000e+00 : f32
          %broadcast_in_dim3A_1175 = vector.broadcast %broadcast_in_dim3A_1174 : f32 to vector<16xf32>
          %broadcast_in_dim3A_1176 = arith.constant 0.000000e+00 : f32
          %broadcast_in_dim3A_1177 = vector.broadcast %broadcast_in_dim3A_1176 : f32 to vector<16xf32>
          %broadcast_in_dim3A_1178 = arith.constant 0.000000e+00 : f32
          %broadcast_in_dim3A_1179 = vector.broadcast %broadcast_in_dim3A_1178 : f32 to vector<16xf32>
          %broadcast_in_dim3A_1180 = arith.constant 0.000000e+00 : f32
          %broadcast_in_dim3A_1181 = vector.broadcast %broadcast_in_dim3A_1180 : f32 to vector<16xf32>
          %broadcast_in_dim3A_1182 = arith.constant 0.000000e+00 : f32
          %broadcast_in_dim3A_1183 = vector.broadcast %broadcast_in_dim3A_1182 : f32 to vector<16xf32>
          %broadcast_in_dim3A_1184 = arith.constant 0.000000e+00 : f32
          %broadcast_in_dim3A_1185 = vector.broadcast %broadcast_in_dim3A_1184 : f32 to vector<16xf32>
          %slice3A = vector.extract_strided_slice %masked_sort3A_949 {offsets = [0], sizes = [1], strides = [1]} : vector<16xi32> to vector<1xi32>
          %squeeze3A = vector.extract %slice3A[0] : i32 from vector<1xi32>
          %slice3A_1186 = vector.extract_strided_slice %select_n3A_1083 {offsets = [0], sizes = [1], strides = [1]} : vector<16xf32> to vector<1xf32>
          %squeeze3A_1187 = vector.extract %slice3A_1186[0] : f32 from vector<1xf32>
          %get3A_1188 = arith.index_cast %squeeze3A : i32 to index
          %get3A_1189 = arith.constant 0 : index
          %get3A_1190 = tpu.vector_load %arg11[%get3A_1188, %get3A_1189] {strides = array<i32>} : memref<196x64xbf16, #tpu.memory_space<vmem>>, vector<32xbf16>,
          %unpack3A = tpu.unpack_subelements %get3A_1190, 0 {pack_format = #tpu.pack_format<interleaved>} : vector<32xbf16> -> vector<16xf32>
          %unpack3A_1191 = tpu.unpack_subelements %get3A_1190, 1 {pack_format = #tpu.pack_format<interleaved>} : vector<32xbf16> -> vector<16xf32>
          %mul3A_1192 = vector.broadcast %squeeze3A_1187 : f32 to vector<16xf32>
          %mul3A_1193 = arith.mulf %mul3A_1192, %unpack3A : vector<16xf32>
          %add3A_1194 = arith.addf %broadcast_in_dim3A_1155, %mul3A_1193 : vector<16xf32>
          %mul3A_1195 = vector.broadcast %squeeze3A_1187 : f32 to vector<16xf32>
          %mul3A_1196 = arith.mulf %mul3A_1195, %unpack3A_1191 : vector<16xf32>
          %add3A_1197 = arith.addf %broadcast_in_dim3A_1157, %mul3A_1196 : vector<16xf32>
          %get3A_1198 = arith.index_cast %squeeze3A : i32 to index
          %get3A_1199 = arith.constant 32 : index
          %get3A_1200 = tpu.vector_load %arg11[%get3A_1198, %get3A_1199] {strides = array<i32>} : memref<196x64xbf16, #tpu.memory_space<vmem>>, vector<32xbf16>,
          %unpack3A_1201 = tpu.unpack_subelements %get3A_1200, 0 {pack_format = #tpu.pack_format<interleaved>} : vector<32xbf16> -> vector<16xf32>
          %unpack3A_1202 = tpu.unpack_subelements %get3A_1200, 1 {pack_format = #tpu.pack_format<interleaved>} : vector<32xbf16> -> vector<16xf32>
          %mul3A_1203 = vector.broadcast %squeeze3A_1187 : f32 to vector<16xf32>
          %mul3A_1204 = arith.mulf %mul3A_1203, %unpack3A_1201 : vector<16xf32>
          %add3A_1205 = arith.addf %broadcast_in_dim3A_1159, %mul3A_1204 : vector<16xf32>
          %mul3A_1206 = vector.broadcast %squeeze3A_1187 : f32 to vector<16xf32>
          %mul3A_1207 = arith.mulf %mul3A_1206, %unpack3A_1202 : vector<16xf32>
          %add3A_1208 = arith.addf %broadcast_in_dim3A_1161, %mul3A_1207 : vector<16xf32>
          %slice3A_1209 = vector.extract_strided_slice %masked_sort3A_1065 {offsets = [0], sizes = [1], strides = [1]} : vector<16xi32> to vector<1xi32>
          %squeeze3A_1210 = vector.extract %slice3A_1209[0] : i32 from vector<1xi32>
          %slice3A_1211 = vector.extract_strided_slice %select_n3A_1096 {offsets = [0], sizes = [1], strides = [1]} : vector<16xf32> to vector<1xf32>
          %squeeze3A_1212 = vector.extract %slice3A_1211[0] : f32 from vector<1xf32>
          %get3A_1213 = arith.index_cast %squeeze3A_1210 : i32 to index
          %get3A_1214 = arith.constant 0 : index
          %get3A_1215 = tpu.vector_load %arg13[%get3A_1213, %get3A_1214] {strides = array<i32>} : memref<196x64xbf16, #tpu.memory_space<vmem>>, vector<32xbf16>,
          %unpack3A_1216 = tpu.unpack_subelements %get3A_1215, 0 {pack_format = #tpu.pack_format<interleaved>} : vector<32xbf16> -> vector<16xf32>
          %unpack3A_1217 = tpu.unpack_subelements %get3A_1215, 1 {pack_format = #tpu.pack_format<interleaved>} : vector<32xbf16> -> vector<16xf32>
          %mul3A_1218 = vector.broadcast %squeeze3A_1212 : f32 to vector<16xf32>
          %mul3A_1219 = arith.mulf %mul3A_1218, %unpack3A_1216 : vector<16xf32>
          %add3A_1220 = arith.addf %broadcast_in_dim3A_1163, %mul3A_1219 : vector<16xf32>
          %mul3A_1221 = vector.broadcast %squeeze3A_1212 : f32 to vector<16xf32>
          %mul3A_1222 = arith.mulf %mul3A_1221, %unpack3A_1217 : vector<16xf32>
          %add3A_1223 = arith.addf %broadcast_in_dim3A_1165, %mul3A_1222 : vector<16xf32>
          %get3A_1224 = arith.index_cast %squeeze3A_1210 : i32 to index
          %get3A_1225 = arith.constant 32 : index
          %get3A_1226 = tpu.vector_load %arg13[%get3A_1224, %get3A_1225] {strides = array<i32>} : memref<196x64xbf16, #tpu.memory_space<vmem>>, vector<32xbf16>,
          %unpack3A_1227 = tpu.unpack_subelements %get3A_1226, 0 {pack_format = #tpu.pack_format<interleaved>} : vector<32xbf16> -> vector<16xf32>
          %unpack3A_1228 = tpu.unpack_subelements %get3A_1226, 1 {pack_format = #tpu.pack_format<interleaved>} : vector<32xbf16> -> vector<16xf32>
          %mul3A_1229 = vector.broadcast %squeeze3A_1212 : f32 to vector<16xf32>
          %mul3A_1230 = arith.mulf %mul3A_1229, %unpack3A_1227 : vector<16xf32>
          %add3A_1231 = arith.addf %broadcast_in_dim3A_1167, %mul3A_1230 : vector<16xf32>
          %mul3A_1232 = vector.broadcast %squeeze3A_1212 : f32 to vector<16xf32>
          %mul3A_1233 = arith.mulf %mul3A_1232, %unpack3A_1228 : vector<16xf32>
          %add3A_1234 = arith.addf %broadcast_in_dim3A_1169, %mul3A_1233 : vector<16xf32>
          %slice3A_1235 = vector.extract_strided_slice %masked_sort3A_956 {offsets = [0], sizes = [1], strides = [1]} : vector<16xi32> to vector<1xi32>
          %squeeze3A_1236 = vector.extract %slice3A_1235[0] : i32 from vector<1xi32>
          %slice3A_1237 = vector.extract_strided_slice %select_n3A_1109 {offsets = [0], sizes = [1], strides = [1]} : vector<16xf32> to vector<1xf32>
          %squeeze3A_1238 = vector.extract %slice3A_1237[0] : f32 from vector<1xf32>
          %get3A_1239 = arith.index_cast %squeeze3A_1236 : i32 to index
          %get3A_1240 = arith.constant 0 : index
          %get3A_1241 = tpu.vector_load %arg12[%get3A_1239, %get3A_1240] {strides = array<i32>} : memref<196x64xbf16, #tpu.memory_space<vmem>>, vector<32xbf16>,
          %unpack3A_1242 = tpu.unpack_subelements %get3A_1241, 0 {pack_format = #tpu.pack_format<interleaved>} : vector<32xbf16> -> vector<16xf32>
          %unpack3A_1243 = tpu.unpack_subelements %get3A_1241, 1 {pack_format = #tpu.pack_format<interleaved>} : vector<32xbf16> -> vector<16xf32>
          %mul3A_1244 = vector.broadcast %squeeze3A_1238 : f32 to vector<16xf32>
          %mul3A_1245 = arith.mulf %mul3A_1244, %unpack3A_1242 : vector<16xf32>
          %add3A_1246 = arith.addf %broadcast_in_dim3A_1171, %mul3A_1245 : vector<16xf32>
          %mul3A_1247 = vector.broadcast %squeeze3A_1238 : f32 to vector<16xf32>
          %mul3A_1248 = arith.mulf %mul3A_1247, %unpack3A_1243 : vector<16xf32>
          %add3A_1249 = arith.addf %broadcast_in_dim3A_1173, %mul3A_1248 : vector<16xf32>
          %get3A_1250 = arith.index_cast %squeeze3A_1236 : i32 to index
          %get3A_1251 = arith.constant 32 : index
          %get3A_1252 = tpu.vector_load %arg12[%get3A_1250, %get3A_1251] {strides = array<i32>} : memref<196x64xbf16, #tpu.memory_space<vmem>>, vector<32xbf16>,
          %unpack3A_1253 = tpu.unpack_subelements %get3A_1252, 0 {pack_format = #tpu.pack_format<interleaved>} : vector<32xbf16> -> vector<16xf32>
          %unpack3A_1254 = tpu.unpack_subelements %get3A_1252, 1 {pack_format = #tpu.pack_format<interleaved>} : vector<32xbf16> -> vector<16xf32>
          %mul3A_1255 = vector.broadcast %squeeze3A_1238 : f32 to vector<16xf32>
          %mul3A_1256 = arith.mulf %mul3A_1255, %unpack3A_1253 : vector<16xf32>
          %add3A_1257 = arith.addf %broadcast_in_dim3A_1175, %mul3A_1256 : vector<16xf32>
          %mul3A_1258 = vector.broadcast %squeeze3A_1238 : f32 to vector<16xf32>
          %mul3A_1259 = arith.mulf %mul3A_1258, %unpack3A_1254 : vector<16xf32>
          %add3A_1260 = arith.addf %broadcast_in_dim3A_1177, %mul3A_1259 : vector<16xf32>
          %slice3A_1261 = vector.extract_strided_slice %masked_sort3A_1072 {offsets = [0], sizes = [1], strides = [1]} : vector<16xi32> to vector<1xi32>
          %squeeze3A_1262 = vector.extract %slice3A_1261[0] : i32 from vector<1xi32>
          %slice3A_1263 = vector.extract_strided_slice %select_n3A_1122 {offsets = [0], sizes = [1], strides = [1]} : vector<16xf32> to vector<1xf32>
          %squeeze3A_1264 = vector.extract %slice3A_1263[0] : f32 from vector<1xf32>
          %get3A_1265 = arith.index_cast %squeeze3A_1262 : i32 to index
          %get3A_1266 = arith.constant 0 : index
          %get3A_1267 = tpu.vector_load %arg14[%get3A_1265, %get3A_1266] {strides = array<i32>} : memref<196x64xbf16, #tpu.memory_space<vmem>>, vector<32xbf16>,
          %unpack3A_1268 = tpu.unpack_subelements %get3A_1267, 0 {pack_format = #tpu.pack_format<interleaved>} : vector<32xbf16> -> vector<16xf32>
          %unpack3A_1269 = tpu.unpack_subelements %get3A_1267, 1 {pack_format = #tpu.pack_format<interleaved>} : vector<32xbf16> -> vector<16xf32>
          %mul3A_1270 = vector.broadcast %squeeze3A_1264 : f32 to vector<16xf32>
          %mul3A_1271 = arith.mulf %mul3A_1270, %unpack3A_1268 : vector<16xf32>
          %add3A_1272 = arith.addf %broadcast_in_dim3A_1179, %mul3A_1271 : vector<16xf32>
          %mul3A_1273 = vector.broadcast %squeeze3A_1264 : f32 to vector<16xf32>
          %mul3A_1274 = arith.mulf %mul3A_1273, %unpack3A_1269 : vector<16xf32>
          %add3A_1275 = arith.addf %broadcast_in_dim3A_1181, %mul3A_1274 : vector<16xf32>
          %get3A_1276 = arith.index_cast %squeeze3A_1262 : i32 to index
          %get3A_1277 = arith.constant 32 : index
          %get3A_1278 = tpu.vector_load %arg14[%get3A_1276, %get3A_1277] {strides = array<i32>} : memref<196x64xbf16, #tpu.memory_space<vmem>>, vector<32xbf16>,
          %unpack3A_1279 = tpu.unpack_subelements %get3A_1278, 0 {pack_format = #tpu.pack_format<interleaved>} : vector<32xbf16> -> vector<16xf32>
          %unpack3A_1280 = tpu.unpack_subelements %get3A_1278, 1 {pack_format = #tpu.pack_format<interleaved>} : vector<32xbf16> -> vector<16xf32>
          %mul3A_1281 = vector.broadcast %squeeze3A_1264 : f32 to vector<16xf32>
          %mul3A_1282 = arith.mulf %mul3A_1281, %unpack3A_1279 : vector<16xf32>
          %add3A_1283 = arith.addf %broadcast_in_dim3A_1183, %mul3A_1282 : vector<16xf32>
          %mul3A_1284 = vector.broadcast %squeeze3A_1264 : f32 to vector<16xf32>
          %mul3A_1285 = arith.mulf %mul3A_1284, %unpack3A_1280 : vector<16xf32>
          %add3A_1286 = arith.addf %broadcast_in_dim3A_1185, %mul3A_1285 : vector<16xf32>
          %slice3A_1287 = vector.extract_strided_slice %masked_sort3A_949 {offsets = [1], sizes = [1], strides = [1]} : vector<16xi32> to vector<1xi32>
          %squeeze3A_1288 = vector.extract %slice3A_1287[0] : i32 from vector<1xi32>
          %slice3A_1289 = vector.extract_strided_slice %select_n3A_1083 {offsets = [1], sizes = [1], strides = [1]} : vector<16xf32> to vector<1xf32>
          %squeeze3A_1290 = vector.extract %slice3A_1289[0] : f32 from vector<1xf32>
          %get3A_1291 = arith.index_cast %squeeze3A_1288 : i32 to index
          %get3A_1292 = arith.constant 0 : index
          %get3A_1293 = tpu.vector_load %arg11[%get3A_1291, %get3A_1292] {strides = array<i32>} : memref<196x64xbf16, #tpu.memory_space<vmem>>, vector<32xbf16>,
          %unpack3A_1294 = tpu.unpack_subelements %get3A_1293, 0 {pack_format = #tpu.pack_format<interleaved>} : vector<32xbf16> -> vector<16xf32>
          %unpack3A_1295 = tpu.unpack_subelements %get3A_1293, 1 {pack_format = #tpu.pack_format<interleaved>} : vector<32xbf16> -> vector<16xf32>
          %mul3A_1296 = vector.broadcast %squeeze3A_1290 : f32 to vector<16xf32>
          %mul3A_1297 = arith.mulf %mul3A_1296, %unpack3A_1294 : vector<16xf32>
          %add3A_1298 = arith.addf %add3A_1194, %mul3A_1297 : vector<16xf32>
          %mul3A_1299 = vector.broadcast %squeeze3A_1290 : f32 to vector<16xf32>
          %mul3A_1300 = arith.mulf %mul3A_1299, %unpack3A_1295 : vector<16xf32>
          %add3A_1301 = arith.addf %add3A_1197, %mul3A_1300 : vector<16xf32>
          %get3A_1302 = arith.index_cast %squeeze3A_1288 : i32 to index
          %get3A_1303 = arith.constant 32 : index
          %get3A_1304 = tpu.vector_load %arg11[%get3A_1302, %get3A_1303] {strides = array<i32>} : memref<196x64xbf16, #tpu.memory_space<vmem>>, vector<32xbf16>,
          %unpack3A_1305 = tpu.unpack_subelements %get3A_1304, 0 {pack_format = #tpu.pack_format<interleaved>} : vector<32xbf16> -> vector<16xf32>
          %unpack3A_1306 = tpu.unpack_subelements %get3A_1304, 1 {pack_format = #tpu.pack_format<interleaved>} : vector<32xbf16> -> vector<16xf32>
          %mul3A_1307 = vector.broadcast %squeeze3A_1290 : f32 to vector<16xf32>
          %mul3A_1308 = arith.mulf %mul3A_1307, %unpack3A_1305 : vector<16xf32>
          %add3A_1309 = arith.addf %add3A_1205, %mul3A_1308 : vector<16xf32>
          %mul3A_1310 = vector.broadcast %squeeze3A_1290 : f32 to vector<16xf32>
          %mul3A_1311 = arith.mulf %mul3A_1310, %unpack3A_1306 : vector<16xf32>
          %add3A_1312 = arith.addf %add3A_1208, %mul3A_1311 : vector<16xf32>
          %slice3A_1313 = vector.extract_strided_slice %masked_sort3A_1065 {offsets = [1], sizes = [1], strides = [1]} : vector<16xi32> to vector<1xi32>
          %squeeze3A_1314 = vector.extract %slice3A_1313[0] : i32 from vector<1xi32>
          %slice3A_1315 = vector.extract_strided_slice %select_n3A_1096 {offsets = [1], sizes = [1], strides = [1]} : vector<16xf32> to vector<1xf32>
          %squeeze3A_1316 = vector.extract %slice3A_1315[0] : f32 from vector<1xf32>
          %get3A_1317 = arith.index_cast %squeeze3A_1314 : i32 to index
          %get3A_1318 = arith.constant 0 : index
          %get3A_1319 = tpu.vector_load %arg13[%get3A_1317, %get3A_1318] {strides = array<i32>} : memref<196x64xbf16, #tpu.memory_space<vmem>>, vector<32xbf16>,
          %unpack3A_1320 = tpu.unpack_subelements %get3A_1319, 0 {pack_format = #tpu.pack_format<interleaved>} : vector<32xbf16> -> vector<16xf32>
          %unpack3A_1321 = tpu.unpack_subelements %get3A_1319, 1 {pack_format = #tpu.pack_format<interleaved>} : vector<32xbf16> -> vector<16xf32>
          %mul3A_1322 = vector.broadcast %squeeze3A_1316 : f32 to vector<16xf32>
          %mul3A_1323 = arith.mulf %mul3A_1322, %unpack3A_1320 : vector<16xf32>
          %add3A_1324 = arith.addf %add3A_1220, %mul3A_1323 : vector<16xf32>
          %mul3A_1325 = vector.broadcast %squeeze3A_1316 : f32 to vector<16xf32>
          %mul3A_1326 = arith.mulf %mul3A_1325, %unpack3A_1321 : vector<16xf32>
          %add3A_1327 = arith.addf %add3A_1223, %mul3A_1326 : vector<16xf32>
          %get3A_1328 = arith.index_cast %squeeze3A_1314 : i32 to index
          %get3A_1329 = arith.constant 32 : index
          %get3A_1330 = tpu.vector_load %arg13[%get3A_1328, %get3A_1329] {strides = array<i32>} : memref<196x64xbf16, #tpu.memory_space<vmem>>, vector<32xbf16>,
          %unpack3A_1331 = tpu.unpack_subelements %get3A_1330, 0 {pack_format = #tpu.pack_format<interleaved>} : vector<32xbf16> -> vector<16xf32>
          %unpack3A_1332 = tpu.unpack_subelements %get3A_1330, 1 {pack_format = #tpu.pack_format<interleaved>} : vector<32xbf16> -> vector<16xf32>
          %mul3A_1333 = vector.broadcast %squeeze3A_1316 : f32 to vector<16xf32>
          %mul3A_1334 = arith.mulf %mul3A_1333, %unpack3A_1331 : vector<16xf32>
          %add3A_1335 = arith.addf %add3A_1231, %mul3A_1334 : vector<16xf32>
          %mul3A_1336 = vector.broadcast %squeeze3A_1316 : f32 to vector<16xf32>
          %mul3A_1337 = arith.mulf %mul3A_1336, %unpack3A_1332 : vector<16xf32>
          %add3A_1338 = arith.addf %add3A_1234, %mul3A_1337 : vector<16xf32>
          %slice3A_1339 = vector.extract_strided_slice %masked_sort3A_956 {offsets = [1], sizes = [1], strides = [1]} : vector<16xi32> to vector<1xi32>
          %squeeze3A_1340 = vector.extract %slice3A_1339[0] : i32 from vector<1xi32>
          %slice3A_1341 = vector.extract_strided_slice %select_n3A_1109 {offsets = [1], sizes = [1], strides = [1]} : vector<16xf32> to vector<1xf32>
          %squeeze3A_1342 = vector.extract %slice3A_1341[0] : f32 from vector<1xf32>
          %get3A_1343 = arith.index_cast %squeeze3A_1340 : i32 to index
          %get3A_1344 = arith.constant 0 : index
          %get3A_1345 = tpu.vector_load %arg12[%get3A_1343, %get3A_1344] {strides = array<i32>} : memref<196x64xbf16, #tpu.memory_space<vmem>>, vector<32xbf16>,
          %unpack3A_1346 = tpu.unpack_subelements %get3A_1345, 0 {pack_format = #tpu.pack_format<interleaved>} : vector<32xbf16> -> vector<16xf32>
          %unpack3A_1347 = tpu.unpack_subelements %get3A_1345, 1 {pack_format = #tpu.pack_format<interleaved>} : vector<32xbf16> -> vector<16xf32>
          %mul3A_1348 = vector.broadcast %squeeze3A_1342 : f32 to vector<16xf32>
          %mul3A_1349 = arith.mulf %mul3A_1348, %unpack3A_1346 : vector<16xf32>
          %add3A_1350 = arith.addf %add3A_1246, %mul3A_1349 : vector<16xf32>
          %mul3A_1351 = vector.broadcast %squeeze3A_1342 : f32 to vector<16xf32>
          %mul3A_1352 = arith.mulf %mul3A_1351, %unpack3A_1347 : vector<16xf32>
          %add3A_1353 = arith.addf %add3A_1249, %mul3A_1352 : vector<16xf32>
          %get3A_1354 = arith.index_cast %squeeze3A_1340 : i32 to index
          %get3A_1355 = arith.constant 32 : index
          %get3A_1356 = tpu.vector_load %arg12[%get3A_1354, %get3A_1355] {strides = array<i32>} : memref<196x64xbf16, #tpu.memory_space<vmem>>, vector<32xbf16>,
          %unpack3A_1357 = tpu.unpack_subelements %get3A_1356, 0 {pack_format = #tpu.pack_format<interleaved>} : vector<32xbf16> -> vector<16xf32>
          %unpack3A_1358 = tpu.unpack_subelements %get3A_1356, 1 {pack_format = #tpu.pack_format<interleaved>} : vector<32xbf16> -> vector<16xf32>
          %mul3A_1359 = vector.broadcast %squeeze3A_1342 : f32 to vector<16xf32>
          %mul3A_1360 = arith.mulf %mul3A_1359, %unpack3A_1357 : vector<16xf32>
          %add3A_1361 = arith.addf %add3A_1257, %mul3A_1360 : vector<16xf32>
          %mul3A_1362 = vector.broadcast %squeeze3A_1342 : f32 to vector<16xf32>
          %mul3A_1363 = arith.mulf %mul3A_1362, %unpack3A_1358 : vector<16xf32>
          %add3A_1364 = arith.addf %add3A_1260, %mul3A_1363 : vector<16xf32>
          %slice3A_1365 = vector.extract_strided_slice %masked_sort3A_1072 {offsets = [1], sizes = [1], strides = [1]} : vector<16xi32> to vector<1xi32>
          %squeeze3A_1366 = vector.extract %slice3A_1365[0] : i32 from vector<1xi32>
          %slice3A_1367 = vector.extract_strided_slice %select_n3A_1122 {offsets = [1], sizes = [1], strides = [1]} : vector<16xf32> to vector<1xf32>
          %squeeze3A_1368 = vector.extract %slice3A_1367[0] : f32 from vector<1xf32>
          %get3A_1369 = arith.index_cast %squeeze3A_1366 : i32 to index
          %get3A_1370 = arith.constant 0 : index
          %get3A_1371 = tpu.vector_load %arg14[%get3A_1369, %get3A_1370] {strides = array<i32>} : memref<196x64xbf16, #tpu.memory_space<vmem>>, vector<32xbf16>,
          %unpack3A_1372 = tpu.unpack_subelements %get3A_1371, 0 {pack_format = #tpu.pack_format<interleaved>} : vector<32xbf16> -> vector<16xf32>
          %unpack3A_1373 = tpu.unpack_subelements %get3A_1371, 1 {pack_format = #tpu.pack_format<interleaved>} : vector<32xbf16> -> vector<16xf32>
          %mul3A_1374 = vector.broadcast %squeeze3A_1368 : f32 to vector<16xf32>
          %mul3A_1375 = arith.mulf %mul3A_1374, %unpack3A_1372 : vector<16xf32>
          %add3A_1376 = arith.addf %add3A_1272, %mul3A_1375 : vector<16xf32>
          %mul3A_1377 = vector.broadcast %squeeze3A_1368 : f32 to vector<16xf32>
          %mul3A_1378 = arith.mulf %mul3A_1377, %unpack3A_1373 : vector<16xf32>
          %add3A_1379 = arith.addf %add3A_1275, %mul3A_1378 : vector<16xf32>
          %get3A_1380 = arith.index_cast %squeeze3A_1366 : i32 to index
          %get3A_1381 = arith.constant 32 : index
          %get3A_1382 = tpu.vector_load %arg14[%get3A_1380, %get3A_1381] {strides = array<i32>} : memref<196x64xbf16, #tpu.memory_space<vmem>>, vector<32xbf16>,
          %unpack3A_1383 = tpu.unpack_subelements %get3A_1382, 0 {pack_format = #tpu.pack_format<interleaved>} : vector<32xbf16> -> vector<16xf32>
          %unpack3A_1384 = tpu.unpack_subelements %get3A_1382, 1 {pack_format = #tpu.pack_format<interleaved>} : vector<32xbf16> -> vector<16xf32>
          %mul3A_1385 = vector.broadcast %squeeze3A_1368 : f32 to vector<16xf32>
          %mul3A_1386 = arith.mulf %mul3A_1385, %unpack3A_1383 : vector<16xf32>
          %add3A_1387 = arith.addf %add3A_1283, %mul3A_1386 : vector<16xf32>
          %mul3A_1388 = vector.broadcast %squeeze3A_1368 : f32 to vector<16xf32>
          %mul3A_1389 = arith.mulf %mul3A_1388, %unpack3A_1384 : vector<16xf32>
          %add3A_1390 = arith.addf %add3A_1286, %mul3A_1389 : vector<16xf32>
          %slice3A_1391 = vector.extract_strided_slice %masked_sort3A_949 {offsets = [2], sizes = [1], strides = [1]} : vector<16xi32> to vector<1xi32>
          %squeeze3A_1392 = vector.extract %slice3A_1391[0] : i32 from vector<1xi32>
          %slice3A_1393 = vector.extract_strided_slice %select_n3A_1083 {offsets = [2], sizes = [1], strides = [1]} : vector<16xf32> to vector<1xf32>
          %squeeze3A_1394 = vector.extract %slice3A_1393[0] : f32 from vector<1xf32>
          %get3A_1395 = arith.index_cast %squeeze3A_1392 : i32 to index
          %get3A_1396 = arith.constant 0 : index
          %get3A_1397 = tpu.vector_load %arg11[%get3A_1395, %get3A_1396] {strides = array<i32>} : memref<196x64xbf16, #tpu.memory_space<vmem>>, vector<32xbf16>,
          %unpack3A_1398 = tpu.unpack_subelements %get3A_1397, 0 {pack_format = #tpu.pack_format<interleaved>} : vector<32xbf16> -> vector<16xf32>
          %unpack3A_1399 = tpu.unpack_subelements %get3A_1397, 1 {pack_format = #tpu.pack_format<interleaved>} : vector<32xbf16> -> vector<16xf32>
          %mul3A_1400 = vector.broadcast %squeeze3A_1394 : f32 to vector<16xf32>
          %mul3A_1401 = arith.mulf %mul3A_1400, %unpack3A_1398 : vector<16xf32>
          %add3A_1402 = arith.addf %add3A_1298, %mul3A_1401 : vector<16xf32>
          %mul3A_1403 = vector.broadcast %squeeze3A_1394 : f32 to vector<16xf32>
          %mul3A_1404 = arith.mulf %mul3A_1403, %unpack3A_1399 : vector<16xf32>
          %add3A_1405 = arith.addf %add3A_1301, %mul3A_1404 : vector<16xf32>
          %get3A_1406 = arith.index_cast %squeeze3A_1392 : i32 to index
          %get3A_1407 = arith.constant 32 : index
          %get3A_1408 = tpu.vector_load %arg11[%get3A_1406, %get3A_1407] {strides = array<i32>} : memref<196x64xbf16, #tpu.memory_space<vmem>>, vector<32xbf16>,
          %unpack3A_1409 = tpu.unpack_subelements %get3A_1408, 0 {pack_format = #tpu.pack_format<interleaved>} : vector<32xbf16> -> vector<16xf32>
          %unpack3A_1410 = tpu.unpack_subelements %get3A_1408, 1 {pack_format = #tpu.pack_format<interleaved>} : vector<32xbf16> -> vector<16xf32>
          %mul3A_1411 = vector.broadcast %squeeze3A_1394 : f32 to vector<16xf32>
          %mul3A_1412 = arith.mulf %mul3A_1411, %unpack3A_1409 : vector<16xf32>
          %add3A_1413 = arith.addf %add3A_1309, %mul3A_1412 : vector<16xf32>
          %mul3A_1414 = vector.broadcast %squeeze3A_1394 : f32 to vector<16xf32>
          %mul3A_1415 = arith.mulf %mul3A_1414, %unpack3A_1410 : vector<16xf32>
          %add3A_1416 = arith.addf %add3A_1312, %mul3A_1415 : vector<16xf32>
          %slice3A_1417 = vector.extract_strided_slice %masked_sort3A_1065 {offsets = [2], sizes = [1], strides = [1]} : vector<16xi32> to vector<1xi32>
          %squeeze3A_1418 = vector.extract %slice3A_1417[0] : i32 from vector<1xi32>
          %slice3A_1419 = vector.extract_strided_slice %select_n3A_1096 {offsets = [2], sizes = [1], strides = [1]} : vector<16xf32> to vector<1xf32>
          %squeeze3A_1420 = vector.extract %slice3A_1419[0] : f32 from vector<1xf32>
          %get3A_1421 = arith.index_cast %squeeze3A_1418 : i32 to index
          %get3A_1422 = arith.constant 0 : index
          %get3A_1423 = tpu.vector_load %arg13[%get3A_1421, %get3A_1422] {strides = array<i32>} : memref<196x64xbf16, #tpu.memory_space<vmem>>, vector<32xbf16>,
          %unpack3A_1424 = tpu.unpack_subelements %get3A_1423, 0 {pack_format = #tpu.pack_format<interleaved>} : vector<32xbf16> -> vector<16xf32>
          %unpack3A_1425 = tpu.unpack_subelements %get3A_1423, 1 {pack_format = #tpu.pack_format<interleaved>} : vector<32xbf16> -> vector<16xf32>
          %mul3A_1426 = vector.broadcast %squeeze3A_1420 : f32 to vector<16xf32>
          %mul3A_1427 = arith.mulf %mul3A_1426, %unpack3A_1424 : vector<16xf32>
          %add3A_1428 = arith.addf %add3A_1324, %mul3A_1427 : vector<16xf32>
          %mul3A_1429 = vector.broadcast %squeeze3A_1420 : f32 to vector<16xf32>
          %mul3A_1430 = arith.mulf %mul3A_1429, %unpack3A_1425 : vector<16xf32>
          %add3A_1431 = arith.addf %add3A_1327, %mul3A_1430 : vector<16xf32>
          %get3A_1432 = arith.index_cast %squeeze3A_1418 : i32 to index
          %get3A_1433 = arith.constant 32 : index
          %get3A_1434 = tpu.vector_load %arg13[%get3A_1432, %get3A_1433] {strides = array<i32>} : memref<196x64xbf16, #tpu.memory_space<vmem>>, vector<32xbf16>,
          %unpack3A_1435 = tpu.unpack_subelements %get3A_1434, 0 {pack_format = #tpu.pack_format<interleaved>} : vector<32xbf16> -> vector<16xf32>
          %unpack3A_1436 = tpu.unpack_subelements %get3A_1434, 1 {pack_format = #tpu.pack_format<interleaved>} : vector<32xbf16> -> vector<16xf32>
          %mul3A_1437 = vector.broadcast %squeeze3A_1420 : f32 to vector<16xf32>
          %mul3A_1438 = arith.mulf %mul3A_1437, %unpack3A_1435 : vector<16xf32>
          %add3A_1439 = arith.addf %add3A_1335, %mul3A_1438 : vector<16xf32>
          %mul3A_1440 = vector.broadcast %squeeze3A_1420 : f32 to vector<16xf32>
          %mul3A_1441 = arith.mulf %mul3A_1440, %unpack3A_1436 : vector<16xf32>
          %add3A_1442 = arith.addf %add3A_1338, %mul3A_1441 : vector<16xf32>
          %slice3A_1443 = vector.extract_strided_slice %masked_sort3A_956 {offsets = [2], sizes = [1], strides = [1]} : vector<16xi32> to vector<1xi32>
          %squeeze3A_1444 = vector.extract %slice3A_1443[0] : i32 from vector<1xi32>
          %slice3A_1445 = vector.extract_strided_slice %select_n3A_1109 {offsets = [2], sizes = [1], strides = [1]} : vector<16xf32> to vector<1xf32>
          %squeeze3A_1446 = vector.extract %slice3A_1445[0] : f32 from vector<1xf32>
          %get3A_1447 = arith.index_cast %squeeze3A_1444 : i32 to index
          %get3A_1448 = arith.constant 0 : index
          %get3A_1449 = tpu.vector_load %arg12[%get3A_1447, %get3A_1448] {strides = array<i32>} : memref<196x64xbf16, #tpu.memory_space<vmem>>, vector<32xbf16>,
          %unpack3A_1450 = tpu.unpack_subelements %get3A_1449, 0 {pack_format = #tpu.pack_format<interleaved>} : vector<32xbf16> -> vector<16xf32>
          %unpack3A_1451 = tpu.unpack_subelements %get3A_1449, 1 {pack_format = #tpu.pack_format<interleaved>} : vector<32xbf16> -> vector<16xf32>
          %mul3A_1452 = vector.broadcast %squeeze3A_1446 : f32 to vector<16xf32>
          %mul3A_1453 = arith.mulf %mul3A_1452, %unpack3A_1450 : vector<16xf32>
          %add3A_1454 = arith.addf %add3A_1350, %mul3A_1453 : vector<16xf32>
          %mul3A_1455 = vector.broadcast %squeeze3A_1446 : f32 to vector<16xf32>
          %mul3A_1456 = arith.mulf %mul3A_1455, %unpack3A_1451 : vector<16xf32>
          %add3A_1457 = arith.addf %add3A_1353, %mul3A_1456 : vector<16xf32>
          %get3A_1458 = arith.index_cast %squeeze3A_1444 : i32 to index
          %get3A_1459 = arith.constant 32 : index
          %get3A_1460 = tpu.vector_load %arg12[%get3A_1458, %get3A_1459] {strides = array<i32>} : memref<196x64xbf16, #tpu.memory_space<vmem>>, vector<32xbf16>,
          %unpack3A_1461 = tpu.unpack_subelements %get3A_1460, 0 {pack_format = #tpu.pack_format<interleaved>} : vector<32xbf16> -> vector<16xf32>
          %unpack3A_1462 = tpu.unpack_subelements %get3A_1460, 1 {pack_format = #tpu.pack_format<interleaved>} : vector<32xbf16> -> vector<16xf32>
          %mul3A_1463 = vector.broadcast %squeeze3A_1446 : f32 to vector<16xf32>
          %mul3A_1464 = arith.mulf %mul3A_1463, %unpack3A_1461 : vector<16xf32>
          %add3A_1465 = arith.addf %add3A_1361, %mul3A_1464 : vector<16xf32>
          %mul3A_1466 = vector.broadcast %squeeze3A_1446 : f32 to vector<16xf32>
          %mul3A_1467 = arith.mulf %mul3A_1466, %unpack3A_1462 : vector<16xf32>
          %add3A_1468 = arith.addf %add3A_1364, %mul3A_1467 : vector<16xf32>
          %slice3A_1469 = vector.extract_strided_slice %masked_sort3A_1072 {offsets = [2], sizes = [1], strides = [1]} : vector<16xi32> to vector<1xi32>
          %squeeze3A_1470 = vector.extract %slice3A_1469[0] : i32 from vector<1xi32>
          %slice3A_1471 = vector.extract_strided_slice %select_n3A_1122 {offsets = [2], sizes = [1], strides = [1]} : vector<16xf32> to vector<1xf32>
          %squeeze3A_1472 = vector.extract %slice3A_1471[0] : f32 from vector<1xf32>
          %get3A_1473 = arith.index_cast %squeeze3A_1470 : i32 to index
          %get3A_1474 = arith.constant 0 : index
          %get3A_1475 = tpu.vector_load %arg14[%get3A_1473, %get3A_1474] {strides = array<i32>} : memref<196x64xbf16, #tpu.memory_space<vmem>>, vector<32xbf16>,
          %unpack3A_1476 = tpu.unpack_subelements %get3A_1475, 0 {pack_format = #tpu.pack_format<interleaved>} : vector<32xbf16> -> vector<16xf32>
          %unpack3A_1477 = tpu.unpack_subelements %get3A_1475, 1 {pack_format = #tpu.pack_format<interleaved>} : vector<32xbf16> -> vector<16xf32>
          %mul3A_1478 = vector.broadcast %squeeze3A_1472 : f32 to vector<16xf32>
          %mul3A_1479 = arith.mulf %mul3A_1478, %unpack3A_1476 : vector<16xf32>
          %add3A_1480 = arith.addf %add3A_1376, %mul3A_1479 : vector<16xf32>
          %mul3A_1481 = vector.broadcast %squeeze3A_1472 : f32 to vector<16xf32>
          %mul3A_1482 = arith.mulf %mul3A_1481, %unpack3A_1477 : vector<16xf32>
          %add3A_1483 = arith.addf %add3A_1379, %mul3A_1482 : vector<16xf32>
          %get3A_1484 = arith.index_cast %squeeze3A_1470 : i32 to index
          %get3A_1485 = arith.constant 32 : index
          %get3A_1486 = tpu.vector_load %arg14[%get3A_1484, %get3A_1485] {strides = array<i32>} : memref<196x64xbf16, #tpu.memory_space<vmem>>, vector<32xbf16>,
          %unpack3A_1487 = tpu.unpack_subelements %get3A_1486, 0 {pack_format = #tpu.pack_format<interleaved>} : vector<32xbf16> -> vector<16xf32>
          %unpack3A_1488 = tpu.unpack_subelements %get3A_1486, 1 {pack_format = #tpu.pack_format<interleaved>} : vector<32xbf16> -> vector<16xf32>
          %mul3A_1489 = vector.broadcast %squeeze3A_1472 : f32 to vector<16xf32>
          %mul3A_1490 = arith.mulf %mul3A_1489, %unpack3A_1487 : vector<16xf32>
          %add3A_1491 = arith.addf %add3A_1387, %mul3A_1490 : vector<16xf32>
          %mul3A_1492 = vector.broadcast %squeeze3A_1472 : f32 to vector<16xf32>
          %mul3A_1493 = arith.mulf %mul3A_1492, %unpack3A_1488 : vector<16xf32>
          %add3A_1494 = arith.addf %add3A_1390, %mul3A_1493 : vector<16xf32>
          %slice3A_1495 = vector.extract_strided_slice %masked_sort3A_949 {offsets = [3], sizes = [1], strides = [1]} : vector<16xi32> to vector<1xi32>
          %squeeze3A_1496 = vector.extract %slice3A_1495[0] : i32 from vector<1xi32>
          %slice3A_1497 = vector.extract_strided_slice %select_n3A_1083 {offsets = [3], sizes = [1], strides = [1]} : vector<16xf32> to vector<1xf32>
          %squeeze3A_1498 = vector.extract %slice3A_1497[0] : f32 from vector<1xf32>
          %get3A_1499 = arith.index_cast %squeeze3A_1496 : i32 to index
          %get3A_1500 = arith.constant 0 : index
          %get3A_1501 = tpu.vector_load %arg11[%get3A_1499, %get3A_1500] {strides = array<i32>} : memref<196x64xbf16, #tpu.memory_space<vmem>>, vector<32xbf16>,
          %unpack3A_1502 = tpu.unpack_subelements %get3A_1501, 0 {pack_format = #tpu.pack_format<interleaved>} : vector<32xbf16> -> vector<16xf32>
          %unpack3A_1503 = tpu.unpack_subelements %get3A_1501, 1 {pack_format = #tpu.pack_format<interleaved>} : vector<32xbf16> -> vector<16xf32>
          %mul3A_1504 = vector.broadcast %squeeze3A_1498 : f32 to vector<16xf32>
          %mul3A_1505 = arith.mulf %mul3A_1504, %unpack3A_1502 : vector<16xf32>
          %add3A_1506 = arith.addf %add3A_1402, %mul3A_1505 : vector<16xf32>
          %mul3A_1507 = vector.broadcast %squeeze3A_1498 : f32 to vector<16xf32>
          %mul3A_1508 = arith.mulf %mul3A_1507, %unpack3A_1503 : vector<16xf32>
          %add3A_1509 = arith.addf %add3A_1405, %mul3A_1508 : vector<16xf32>
          %get3A_1510 = arith.index_cast %squeeze3A_1496 : i32 to index
          %get3A_1511 = arith.constant 32 : index
          %get3A_1512 = tpu.vector_load %arg11[%get3A_1510, %get3A_1511] {strides = array<i32>} : memref<196x64xbf16, #tpu.memory_space<vmem>>, vector<32xbf16>,
          %unpack3A_1513 = tpu.unpack_subelements %get3A_1512, 0 {pack_format = #tpu.pack_format<interleaved>} : vector<32xbf16> -> vector<16xf32>
          %unpack3A_1514 = tpu.unpack_subelements %get3A_1512, 1 {pack_format = #tpu.pack_format<interleaved>} : vector<32xbf16> -> vector<16xf32>
          %mul3A_1515 = vector.broadcast %squeeze3A_1498 : f32 to vector<16xf32>
          %mul3A_1516 = arith.mulf %mul3A_1515, %unpack3A_1513 : vector<16xf32>
          %add3A_1517 = arith.addf %add3A_1413, %mul3A_1516 : vector<16xf32>
          %mul3A_1518 = vector.broadcast %squeeze3A_1498 : f32 to vector<16xf32>
          %mul3A_1519 = arith.mulf %mul3A_1518, %unpack3A_1514 : vector<16xf32>
          %add3A_1520 = arith.addf %add3A_1416, %mul3A_1519 : vector<16xf32>
          %slice3A_1521 = vector.extract_strided_slice %masked_sort3A_1065 {offsets = [3], sizes = [1], strides = [1]} : vector<16xi32> to vector<1xi32>
          %squeeze3A_1522 = vector.extract %slice3A_1521[0] : i32 from vector<1xi32>
          %slice3A_1523 = vector.extract_strided_slice %select_n3A_1096 {offsets = [3], sizes = [1], strides = [1]} : vector<16xf32> to vector<1xf32>
          %squeeze3A_1524 = vector.extract %slice3A_1523[0] : f32 from vector<1xf32>
          %get3A_1525 = arith.index_cast %squeeze3A_1522 : i32 to index
          %get3A_1526 = arith.constant 0 : index
          %get3A_1527 = tpu.vector_load %arg13[%get3A_1525, %get3A_1526] {strides = array<i32>} : memref<196x64xbf16, #tpu.memory_space<vmem>>, vector<32xbf16>,
          %unpack3A_1528 = tpu.unpack_subelements %get3A_1527, 0 {pack_format = #tpu.pack_format<interleaved>} : vector<32xbf16> -> vector<16xf32>
          %unpack3A_1529 = tpu.unpack_subelements %get3A_1527, 1 {pack_format = #tpu.pack_format<interleaved>} : vector<32xbf16> -> vector<16xf32>
          %mul3A_1530 = vector.broadcast %squeeze3A_1524 : f32 to vector<16xf32>
          %mul3A_1531 = arith.mulf %mul3A_1530, %unpack3A_1528 : vector<16xf32>
          %add3A_1532 = arith.addf %add3A_1428, %mul3A_1531 : vector<16xf32>
          %mul3A_1533 = vector.broadcast %squeeze3A_1524 : f32 to vector<16xf32>
          %mul3A_1534 = arith.mulf %mul3A_1533, %unpack3A_1529 : vector<16xf32>
          %add3A_1535 = arith.addf %add3A_1431, %mul3A_1534 : vector<16xf32>
          %get3A_1536 = arith.index_cast %squeeze3A_1522 : i32 to index
          %get3A_1537 = arith.constant 32 : index
          %get3A_1538 = tpu.vector_load %arg13[%get3A_1536, %get3A_1537] {strides = array<i32>} : memref<196x64xbf16, #tpu.memory_space<vmem>>, vector<32xbf16>,
          %unpack3A_1539 = tpu.unpack_subelements %get3A_1538, 0 {pack_format = #tpu.pack_format<interleaved>} : vector<32xbf16> -> vector<16xf32>
          %unpack3A_1540 = tpu.unpack_subelements %get3A_1538, 1 {pack_format = #tpu.pack_format<interleaved>} : vector<32xbf16> -> vector<16xf32>
          %mul3A_1541 = vector.broadcast %squeeze3A_1524 : f32 to vector<16xf32>
          %mul3A_1542 = arith.mulf %mul3A_1541, %unpack3A_1539 : vector<16xf32>
          %add3A_1543 = arith.addf %add3A_1439, %mul3A_1542 : vector<16xf32>
          %mul3A_1544 = vector.broadcast %squeeze3A_1524 : f32 to vector<16xf32>
          %mul3A_1545 = arith.mulf %mul3A_1544, %unpack3A_1540 : vector<16xf32>
          %add3A_1546 = arith.addf %add3A_1442, %mul3A_1545 : vector<16xf32>
          %slice3A_1547 = vector.extract_strided_slice %masked_sort3A_956 {offsets = [3], sizes = [1], strides = [1]} : vector<16xi32> to vector<1xi32>
          %squeeze3A_1548 = vector.extract %slice3A_1547[0] : i32 from vector<1xi32>
          %slice3A_1549 = vector.extract_strided_slice %select_n3A_1109 {offsets = [3], sizes = [1], strides = [1]} : vector<16xf32> to vector<1xf32>
          %squeeze3A_1550 = vector.extract %slice3A_1549[0] : f32 from vector<1xf32>
          %get3A_1551 = arith.index_cast %squeeze3A_1548 : i32 to index
          %get3A_1552 = arith.constant 0 : index
          %get3A_1553 = tpu.vector_load %arg12[%get3A_1551, %get3A_1552] {strides = array<i32>} : memref<196x64xbf16, #tpu.memory_space<vmem>>, vector<32xbf16>,
          %unpack3A_1554 = tpu.unpack_subelements %get3A_1553, 0 {pack_format = #tpu.pack_format<interleaved>} : vector<32xbf16> -> vector<16xf32>
          %unpack3A_1555 = tpu.unpack_subelements %get3A_1553, 1 {pack_format = #tpu.pack_format<interleaved>} : vector<32xbf16> -> vector<16xf32>
          %mul3A_1556 = vector.broadcast %squeeze3A_1550 : f32 to vector<16xf32>
          %mul3A_1557 = arith.mulf %mul3A_1556, %unpack3A_1554 : vector<16xf32>
          %add3A_1558 = arith.addf %add3A_1454, %mul3A_1557 : vector<16xf32>
          %mul3A_1559 = vector.broadcast %squeeze3A_1550 : f32 to vector<16xf32>
          %mul3A_1560 = arith.mulf %mul3A_1559, %unpack3A_1555 : vector<16xf32>
          %add3A_1561 = arith.addf %add3A_1457, %mul3A_1560 : vector<16xf32>
          %get3A_1562 = arith.index_cast %squeeze3A_1548 : i32 to index
          %get3A_1563 = arith.constant 32 : index
          %get3A_1564 = tpu.vector_load %arg12[%get3A_1562, %get3A_1563] {strides = array<i32>} : memref<196x64xbf16, #tpu.memory_space<vmem>>, vector<32xbf16>,
          %unpack3A_1565 = tpu.unpack_subelements %get3A_1564, 0 {pack_format = #tpu.pack_format<interleaved>} : vector<32xbf16> -> vector<16xf32>
          %unpack3A_1566 = tpu.unpack_subelements %get3A_1564, 1 {pack_format = #tpu.pack_format<interleaved>} : vector<32xbf16> -> vector<16xf32>
          %mul3A_1567 = vector.broadcast %squeeze3A_1550 : f32 to vector<16xf32>
          %mul3A_1568 = arith.mulf %mul3A_1567, %unpack3A_1565 : vector<16xf32>
          %add3A_1569 = arith.addf %add3A_1465, %mul3A_1568 : vector<16xf32>
          %mul3A_1570 = vector.broadcast %squeeze3A_1550 : f32 to vector<16xf32>
          %mul3A_1571 = arith.mulf %mul3A_1570, %unpack3A_1566 : vector<16xf32>
          %add3A_1572 = arith.addf %add3A_1468, %mul3A_1571 : vector<16xf32>
          %slice3A_1573 = vector.extract_strided_slice %masked_sort3A_1072 {offsets = [3], sizes = [1], strides = [1]} : vector<16xi32> to vector<1xi32>
          %squeeze3A_1574 = vector.extract %slice3A_1573[0] : i32 from vector<1xi32>
          %slice3A_1575 = vector.extract_strided_slice %select_n3A_1122 {offsets = [3], sizes = [1], strides = [1]} : vector<16xf32> to vector<1xf32>
          %squeeze3A_1576 = vector.extract %slice3A_1575[0] : f32 from vector<1xf32>
          %get3A_1577 = arith.index_cast %squeeze3A_1574 : i32 to index
          %get3A_1578 = arith.constant 0 : index
          %get3A_1579 = tpu.vector_load %arg14[%get3A_1577, %get3A_1578] {strides = array<i32>} : memref<196x64xbf16, #tpu.memory_space<vmem>>, vector<32xbf16>,
          %unpack3A_1580 = tpu.unpack_subelements %get3A_1579, 0 {pack_format = #tpu.pack_format<interleaved>} : vector<32xbf16> -> vector<16xf32>
          %unpack3A_1581 = tpu.unpack_subelements %get3A_1579, 1 {pack_format = #tpu.pack_format<interleaved>} : vector<32xbf16> -> vector<16xf32>
          %mul3A_1582 = vector.broadcast %squeeze3A_1576 : f32 to vector<16xf32>
          %mul3A_1583 = arith.mulf %mul3A_1582, %unpack3A_1580 : vector<16xf32>
          %add3A_1584 = arith.addf %add3A_1480, %mul3A_1583 : vector<16xf32>
          %mul3A_1585 = vector.broadcast %squeeze3A_1576 : f32 to vector<16xf32>
          %mul3A_1586 = arith.mulf %mul3A_1585, %unpack3A_1581 : vector<16xf32>
          %add3A_1587 = arith.addf %add3A_1483, %mul3A_1586 : vector<16xf32>
          %get3A_1588 = arith.index_cast %squeeze3A_1574 : i32 to index
          %get3A_1589 = arith.constant 32 : index
          %get3A_1590 = tpu.vector_load %arg14[%get3A_1588, %get3A_1589] {strides = array<i32>} : memref<196x64xbf16, #tpu.memory_space<vmem>>, vector<32xbf16>,
          %unpack3A_1591 = tpu.unpack_subelements %get3A_1590, 0 {pack_format = #tpu.pack_format<interleaved>} : vector<32xbf16> -> vector<16xf32>
          %unpack3A_1592 = tpu.unpack_subelements %get3A_1590, 1 {pack_format = #tpu.pack_format<interleaved>} : vector<32xbf16> -> vector<16xf32>
          %mul3A_1593 = vector.broadcast %squeeze3A_1576 : f32 to vector<16xf32>
          %mul3A_1594 = arith.mulf %mul3A_1593, %unpack3A_1591 : vector<16xf32>
          %add3A_1595 = arith.addf %add3A_1491, %mul3A_1594 : vector<16xf32>
          %mul3A_1596 = vector.broadcast %squeeze3A_1576 : f32 to vector<16xf32>
          %mul3A_1597 = arith.mulf %mul3A_1596, %unpack3A_1592 : vector<16xf32>
          %add3A_1598 = arith.addf %add3A_1494, %mul3A_1597 : vector<16xf32>
          %slice3A_1599 = vector.extract_strided_slice %masked_sort3A_949 {offsets = [4], sizes = [1], strides = [1]} : vector<16xi32> to vector<1xi32>
          %squeeze3A_1600 = vector.extract %slice3A_1599[0] : i32 from vector<1xi32>
          %slice3A_1601 = vector.extract_strided_slice %select_n3A_1083 {offsets = [4], sizes = [1], strides = [1]} : vector<16xf32> to vector<1xf32>
          %squeeze3A_1602 = vector.extract %slice3A_1601[0] : f32 from vector<1xf32>
          %get3A_1603 = arith.index_cast %squeeze3A_1600 : i32 to index
          %get3A_1604 = arith.constant 0 : index
          %get3A_1605 = tpu.vector_load %arg11[%get3A_1603, %get3A_1604] {strides = array<i32>} : memref<196x64xbf16, #tpu.memory_space<vmem>>, vector<32xbf16>,
          %unpack3A_1606 = tpu.unpack_subelements %get3A_1605, 0 {pack_format = #tpu.pack_format<interleaved>} : vector<32xbf16> -> vector<16xf32>
          %unpack3A_1607 = tpu.unpack_subelements %get3A_1605, 1 {pack_format = #tpu.pack_format<interleaved>} : vector<32xbf16> -> vector<16xf32>
          %mul3A_1608 = vector.broadcast %squeeze3A_1602 : f32 to vector<16xf32>
          %mul3A_1609 = arith.mulf %mul3A_1608, %unpack3A_1606 : vector<16xf32>
          %add3A_1610 = arith.addf %add3A_1506, %mul3A_1609 : vector<16xf32>
          %mul3A_1611 = vector.broadcast %squeeze3A_1602 : f32 to vector<16xf32>
          %mul3A_1612 = arith.mulf %mul3A_1611, %unpack3A_1607 : vector<16xf32>
          %add3A_1613 = arith.addf %add3A_1509, %mul3A_1612 : vector<16xf32>
          %get3A_1614 = arith.index_cast %squeeze3A_1600 : i32 to index
          %get3A_1615 = arith.constant 32 : index
          %get3A_1616 = tpu.vector_load %arg11[%get3A_1614, %get3A_1615] {strides = array<i32>} : memref<196x64xbf16, #tpu.memory_space<vmem>>, vector<32xbf16>,
          %unpack3A_1617 = tpu.unpack_subelements %get3A_1616, 0 {pack_format = #tpu.pack_format<interleaved>} : vector<32xbf16> -> vector<16xf32>
          %unpack3A_1618 = tpu.unpack_subelements %get3A_1616, 1 {pack_format = #tpu.pack_format<interleaved>} : vector<32xbf16> -> vector<16xf32>
          %mul3A_1619 = vector.broadcast %squeeze3A_1602 : f32 to vector<16xf32>
          %mul3A_1620 = arith.mulf %mul3A_1619, %unpack3A_1617 : vector<16xf32>
          %add3A_1621 = arith.addf %add3A_1517, %mul3A_1620 : vector<16xf32>
          %mul3A_1622 = vector.broadcast %squeeze3A_1602 : f32 to vector<16xf32>
          %mul3A_1623 = arith.mulf %mul3A_1622, %unpack3A_1618 : vector<16xf32>
          %add3A_1624 = arith.addf %add3A_1520, %mul3A_1623 : vector<16xf32>
          %slice3A_1625 = vector.extract_strided_slice %masked_sort3A_1065 {offsets = [4], sizes = [1], strides = [1]} : vector<16xi32> to vector<1xi32>
          %squeeze3A_1626 = vector.extract %slice3A_1625[0] : i32 from vector<1xi32>
          %slice3A_1627 = vector.extract_strided_slice %select_n3A_1096 {offsets = [4], sizes = [1], strides = [1]} : vector<16xf32> to vector<1xf32>
          %squeeze3A_1628 = vector.extract %slice3A_1627[0] : f32 from vector<1xf32>
          %get3A_1629 = arith.index_cast %squeeze3A_1626 : i32 to index
          %get3A_1630 = arith.constant 0 : index
          %get3A_1631 = tpu.vector_load %arg13[%get3A_1629, %get3A_1630] {strides = array<i32>} : memref<196x64xbf16, #tpu.memory_space<vmem>>, vector<32xbf16>,
          %unpack3A_1632 = tpu.unpack_subelements %get3A_1631, 0 {pack_format = #tpu.pack_format<interleaved>} : vector<32xbf16> -> vector<16xf32>
          %unpack3A_1633 = tpu.unpack_subelements %get3A_1631, 1 {pack_format = #tpu.pack_format<interleaved>} : vector<32xbf16> -> vector<16xf32>
          %mul3A_1634 = vector.broadcast %squeeze3A_1628 : f32 to vector<16xf32>
          %mul3A_1635 = arith.mulf %mul3A_1634, %unpack3A_1632 : vector<16xf32>
          %add3A_1636 = arith.addf %add3A_1532, %mul3A_1635 : vector<16xf32>
          %mul3A_1637 = vector.broadcast %squeeze3A_1628 : f32 to vector<16xf32>
          %mul3A_1638 = arith.mulf %mul3A_1637, %unpack3A_1633 : vector<16xf32>
          %add3A_1639 = arith.addf %add3A_1535, %mul3A_1638 : vector<16xf32>
          %get3A_1640 = arith.index_cast %squeeze3A_1626 : i32 to index
          %get3A_1641 = arith.constant 32 : index
          %get3A_1642 = tpu.vector_load %arg13[%get3A_1640, %get3A_1641] {strides = array<i32>} : memref<196x64xbf16, #tpu.memory_space<vmem>>, vector<32xbf16>,
          %unpack3A_1643 = tpu.unpack_subelements %get3A_1642, 0 {pack_format = #tpu.pack_format<interleaved>} : vector<32xbf16> -> vector<16xf32>
          %unpack3A_1644 = tpu.unpack_subelements %get3A_1642, 1 {pack_format = #tpu.pack_format<interleaved>} : vector<32xbf16> -> vector<16xf32>
          %mul3A_1645 = vector.broadcast %squeeze3A_1628 : f32 to vector<16xf32>
          %mul3A_1646 = arith.mulf %mul3A_1645, %unpack3A_1643 : vector<16xf32>
          %add3A_1647 = arith.addf %add3A_1543, %mul3A_1646 : vector<16xf32>
          %mul3A_1648 = vector.broadcast %squeeze3A_1628 : f32 to vector<16xf32>
          %mul3A_1649 = arith.mulf %mul3A_1648, %unpack3A_1644 : vector<16xf32>
          %add3A_1650 = arith.addf %add3A_1546, %mul3A_1649 : vector<16xf32>
          %slice3A_1651 = vector.extract_strided_slice %masked_sort3A_956 {offsets = [4], sizes = [1], strides = [1]} : vector<16xi32> to vector<1xi32>
          %squeeze3A_1652 = vector.extract %slice3A_1651[0] : i32 from vector<1xi32>
          %slice3A_1653 = vector.extract_strided_slice %select_n3A_1109 {offsets = [4], sizes = [1], strides = [1]} : vector<16xf32> to vector<1xf32>
          %squeeze3A_1654 = vector.extract %slice3A_1653[0] : f32 from vector<1xf32>
          %get3A_1655 = arith.index_cast %squeeze3A_1652 : i32 to index
          %get3A_1656 = arith.constant 0 : index
          %get3A_1657 = tpu.vector_load %arg12[%get3A_1655, %get3A_1656] {strides = array<i32>} : memref<196x64xbf16, #tpu.memory_space<vmem>>, vector<32xbf16>,
          %unpack3A_1658 = tpu.unpack_subelements %get3A_1657, 0 {pack_format = #tpu.pack_format<interleaved>} : vector<32xbf16> -> vector<16xf32>
          %unpack3A_1659 = tpu.unpack_subelements %get3A_1657, 1 {pack_format = #tpu.pack_format<interleaved>} : vector<32xbf16> -> vector<16xf32>
          %mul3A_1660 = vector.broadcast %squeeze3A_1654 : f32 to vector<16xf32>
          %mul3A_1661 = arith.mulf %mul3A_1660, %unpack3A_1658 : vector<16xf32>
          %add3A_1662 = arith.addf %add3A_1558, %mul3A_1661 : vector<16xf32>
          %mul3A_1663 = vector.broadcast %squeeze3A_1654 : f32 to vector<16xf32>
          %mul3A_1664 = arith.mulf %mul3A_1663, %unpack3A_1659 : vector<16xf32>
          %add3A_1665 = arith.addf %add3A_1561, %mul3A_1664 : vector<16xf32>
          %get3A_1666 = arith.index_cast %squeeze3A_1652 : i32 to index
          %get3A_1667 = arith.constant 32 : index
          %get3A_1668 = tpu.vector_load %arg12[%get3A_1666, %get3A_1667] {strides = array<i32>} : memref<196x64xbf16, #tpu.memory_space<vmem>>, vector<32xbf16>,
          %unpack3A_1669 = tpu.unpack_subelements %get3A_1668, 0 {pack_format = #tpu.pack_format<interleaved>} : vector<32xbf16> -> vector<16xf32>
          %unpack3A_1670 = tpu.unpack_subelements %get3A_1668, 1 {pack_format = #tpu.pack_format<interleaved>} : vector<32xbf16> -> vector<16xf32>
          %mul3A_1671 = vector.broadcast %squeeze3A_1654 : f32 to vector<16xf32>
          %mul3A_1672 = arith.mulf %mul3A_1671, %unpack3A_1669 : vector<16xf32>
          %add3A_1673 = arith.addf %add3A_1569, %mul3A_1672 : vector<16xf32>
          %mul3A_1674 = vector.broadcast %squeeze3A_1654 : f32 to vector<16xf32>
          %mul3A_1675 = arith.mulf %mul3A_1674, %unpack3A_1670 : vector<16xf32>
          %add3A_1676 = arith.addf %add3A_1572, %mul3A_1675 : vector<16xf32>
          %slice3A_1677 = vector.extract_strided_slice %masked_sort3A_1072 {offsets = [4], sizes = [1], strides = [1]} : vector<16xi32> to vector<1xi32>
          %squeeze3A_1678 = vector.extract %slice3A_1677[0] : i32 from vector<1xi32>
          %slice3A_1679 = vector.extract_strided_slice %select_n3A_1122 {offsets = [4], sizes = [1], strides = [1]} : vector<16xf32> to vector<1xf32>
          %squeeze3A_1680 = vector.extract %slice3A_1679[0] : f32 from vector<1xf32>
          %get3A_1681 = arith.index_cast %squeeze3A_1678 : i32 to index
          %get3A_1682 = arith.constant 0 : index
          %get3A_1683 = tpu.vector_load %arg14[%get3A_1681, %get3A_1682] {strides = array<i32>} : memref<196x64xbf16, #tpu.memory_space<vmem>>, vector<32xbf16>,
          %unpack3A_1684 = tpu.unpack_subelements %get3A_1683, 0 {pack_format = #tpu.pack_format<interleaved>} : vector<32xbf16> -> vector<16xf32>
          %unpack3A_1685 = tpu.unpack_subelements %get3A_1683, 1 {pack_format = #tpu.pack_format<interleaved>} : vector<32xbf16> -> vector<16xf32>
          %mul3A_1686 = vector.broadcast %squeeze3A_1680 : f32 to vector<16xf32>
          %mul3A_1687 = arith.mulf %mul3A_1686, %unpack3A_1684 : vector<16xf32>
          %add3A_1688 = arith.addf %add3A_1584, %mul3A_1687 : vector<16xf32>
          %mul3A_1689 = vector.broadcast %squeeze3A_1680 : f32 to vector<16xf32>
          %mul3A_1690 = arith.mulf %mul3A_1689, %unpack3A_1685 : vector<16xf32>
          %add3A_1691 = arith.addf %add3A_1587, %mul3A_1690 : vector<16xf32>
          %get3A_1692 = arith.index_cast %squeeze3A_1678 : i32 to index
          %get3A_1693 = arith.constant 32 : index
          %get3A_1694 = tpu.vector_load %arg14[%get3A_1692, %get3A_1693] {strides = array<i32>} : memref<196x64xbf16, #tpu.memory_space<vmem>>, vector<32xbf16>,
          %unpack3A_1695 = tpu.unpack_subelements %get3A_1694, 0 {pack_format = #tpu.pack_format<interleaved>} : vector<32xbf16> -> vector<16xf32>
          %unpack3A_1696 = tpu.unpack_subelements %get3A_1694, 1 {pack_format = #tpu.pack_format<interleaved>} : vector<32xbf16> -> vector<16xf32>
          %mul3A_1697 = vector.broadcast %squeeze3A_1680 : f32 to vector<16xf32>
          %mul3A_1698 = arith.mulf %mul3A_1697, %unpack3A_1695 : vector<16xf32>
          %add3A_1699 = arith.addf %add3A_1595, %mul3A_1698 : vector<16xf32>
          %mul3A_1700 = vector.broadcast %squeeze3A_1680 : f32 to vector<16xf32>
          %mul3A_1701 = arith.mulf %mul3A_1700, %unpack3A_1696 : vector<16xf32>
          %add3A_1702 = arith.addf %add3A_1598, %mul3A_1701 : vector<16xf32>
          %slice3A_1703 = vector.extract_strided_slice %masked_sort3A_949 {offsets = [5], sizes = [1], strides = [1]} : vector<16xi32> to vector<1xi32>
          %squeeze3A_1704 = vector.extract %slice3A_1703[0] : i32 from vector<1xi32>
          %slice3A_1705 = vector.extract_strided_slice %select_n3A_1083 {offsets = [5], sizes = [1], strides = [1]} : vector<16xf32> to vector<1xf32>
          %squeeze3A_1706 = vector.extract %slice3A_1705[0] : f32 from vector<1xf32>
          %get3A_1707 = arith.index_cast %squeeze3A_1704 : i32 to index
          %get3A_1708 = arith.constant 0 : index
          %get3A_1709 = tpu.vector_load %arg11[%get3A_1707, %get3A_1708] {strides = array<i32>} : memref<196x64xbf16, #tpu.memory_space<vmem>>, vector<32xbf16>,
          %unpack3A_1710 = tpu.unpack_subelements %get3A_1709, 0 {pack_format = #tpu.pack_format<interleaved>} : vector<32xbf16> -> vector<16xf32>
          %unpack3A_1711 = tpu.unpack_subelements %get3A_1709, 1 {pack_format = #tpu.pack_format<interleaved>} : vector<32xbf16> -> vector<16xf32>
          %mul3A_1712 = vector.broadcast %squeeze3A_1706 : f32 to vector<16xf32>
          %mul3A_1713 = arith.mulf %mul3A_1712, %unpack3A_1710 : vector<16xf32>
          %add3A_1714 = arith.addf %add3A_1610, %mul3A_1713 : vector<16xf32>
          %mul3A_1715 = vector.broadcast %squeeze3A_1706 : f32 to vector<16xf32>
          %mul3A_1716 = arith.mulf %mul3A_1715, %unpack3A_1711 : vector<16xf32>
          %add3A_1717 = arith.addf %add3A_1613, %mul3A_1716 : vector<16xf32>
          %get3A_1718 = arith.index_cast %squeeze3A_1704 : i32 to index
          %get3A_1719 = arith.constant 32 : index
          %get3A_1720 = tpu.vector_load %arg11[%get3A_1718, %get3A_1719] {strides = array<i32>} : memref<196x64xbf16, #tpu.memory_space<vmem>>, vector<32xbf16>,
          %unpack3A_1721 = tpu.unpack_subelements %get3A_1720, 0 {pack_format = #tpu.pack_format<interleaved>} : vector<32xbf16> -> vector<16xf32>
          %unpack3A_1722 = tpu.unpack_subelements %get3A_1720, 1 {pack_format = #tpu.pack_format<interleaved>} : vector<32xbf16> -> vector<16xf32>
          %mul3A_1723 = vector.broadcast %squeeze3A_1706 : f32 to vector<16xf32>
          %mul3A_1724 = arith.mulf %mul3A_1723, %unpack3A_1721 : vector<16xf32>
          %add3A_1725 = arith.addf %add3A_1621, %mul3A_1724 : vector<16xf32>
          %mul3A_1726 = vector.broadcast %squeeze3A_1706 : f32 to vector<16xf32>
          %mul3A_1727 = arith.mulf %mul3A_1726, %unpack3A_1722 : vector<16xf32>
          %add3A_1728 = arith.addf %add3A_1624, %mul3A_1727 : vector<16xf32>
          %slice3A_1729 = vector.extract_strided_slice %masked_sort3A_1065 {offsets = [5], sizes = [1], strides = [1]} : vector<16xi32> to vector<1xi32>
          %squeeze3A_1730 = vector.extract %slice3A_1729[0] : i32 from vector<1xi32>
          %slice3A_1731 = vector.extract_strided_slice %select_n3A_1096 {offsets = [5], sizes = [1], strides = [1]} : vector<16xf32> to vector<1xf32>
          %squeeze3A_1732 = vector.extract %slice3A_1731[0] : f32 from vector<1xf32>
          %get3A_1733 = arith.index_cast %squeeze3A_1730 : i32 to index
          %get3A_1734 = arith.constant 0 : index
          %get3A_1735 = tpu.vector_load %arg13[%get3A_1733, %get3A_1734] {strides = array<i32>} : memref<196x64xbf16, #tpu.memory_space<vmem>>, vector<32xbf16>,
          %unpack3A_1736 = tpu.unpack_subelements %get3A_1735, 0 {pack_format = #tpu.pack_format<interleaved>} : vector<32xbf16> -> vector<16xf32>
          %unpack3A_1737 = tpu.unpack_subelements %get3A_1735, 1 {pack_format = #tpu.pack_format<interleaved>} : vector<32xbf16> -> vector<16xf32>
          %mul3A_1738 = vector.broadcast %squeeze3A_1732 : f32 to vector<16xf32>
          %mul3A_1739 = arith.mulf %mul3A_1738, %unpack3A_1736 : vector<16xf32>
          %add3A_1740 = arith.addf %add3A_1636, %mul3A_1739 : vector<16xf32>
          %mul3A_1741 = vector.broadcast %squeeze3A_1732 : f32 to vector<16xf32>
          %mul3A_1742 = arith.mulf %mul3A_1741, %unpack3A_1737 : vector<16xf32>
          %add3A_1743 = arith.addf %add3A_1639, %mul3A_1742 : vector<16xf32>
          %get3A_1744 = arith.index_cast %squeeze3A_1730 : i32 to index
          %get3A_1745 = arith.constant 32 : index
          %get3A_1746 = tpu.vector_load %arg13[%get3A_1744, %get3A_1745] {strides = array<i32>} : memref<196x64xbf16, #tpu.memory_space<vmem>>, vector<32xbf16>,
          %unpack3A_1747 = tpu.unpack_subelements %get3A_1746, 0 {pack_format = #tpu.pack_format<interleaved>} : vector<32xbf16> -> vector<16xf32>
          %unpack3A_1748 = tpu.unpack_subelements %get3A_1746, 1 {pack_format = #tpu.pack_format<interleaved>} : vector<32xbf16> -> vector<16xf32>
          %mul3A_1749 = vector.broadcast %squeeze3A_1732 : f32 to vector<16xf32>
          %mul3A_1750 = arith.mulf %mul3A_1749, %unpack3A_1747 : vector<16xf32>
          %add3A_1751 = arith.addf %add3A_1647, %mul3A_1750 : vector<16xf32>
          %mul3A_1752 = vector.broadcast %squeeze3A_1732 : f32 to vector<16xf32>
          %mul3A_1753 = arith.mulf %mul3A_1752, %unpack3A_1748 : vector<16xf32>
          %add3A_1754 = arith.addf %add3A_1650, %mul3A_1753 : vector<16xf32>
          %slice3A_1755 = vector.extract_strided_slice %masked_sort3A_956 {offsets = [5], sizes = [1], strides = [1]} : vector<16xi32> to vector<1xi32>
          %squeeze3A_1756 = vector.extract %slice3A_1755[0] : i32 from vector<1xi32>
          %slice3A_1757 = vector.extract_strided_slice %select_n3A_1109 {offsets = [5], sizes = [1], strides = [1]} : vector<16xf32> to vector<1xf32>
          %squeeze3A_1758 = vector.extract %slice3A_1757[0] : f32 from vector<1xf32>
          %get3A_1759 = arith.index_cast %squeeze3A_1756 : i32 to index
          %get3A_1760 = arith.constant 0 : index
          %get3A_1761 = tpu.vector_load %arg12[%get3A_1759, %get3A_1760] {strides = array<i32>} : memref<196x64xbf16, #tpu.memory_space<vmem>>, vector<32xbf16>,
          %unpack3A_1762 = tpu.unpack_subelements %get3A_1761, 0 {pack_format = #tpu.pack_format<interleaved>} : vector<32xbf16> -> vector<16xf32>
          %unpack3A_1763 = tpu.unpack_subelements %get3A_1761, 1 {pack_format = #tpu.pack_format<interleaved>} : vector<32xbf16> -> vector<16xf32>
          %mul3A_1764 = vector.broadcast %squeeze3A_1758 : f32 to vector<16xf32>
          %mul3A_1765 = arith.mulf %mul3A_1764, %unpack3A_1762 : vector<16xf32>
          %add3A_1766 = arith.addf %add3A_1662, %mul3A_1765 : vector<16xf32>
          %mul3A_1767 = vector.broadcast %squeeze3A_1758 : f32 to vector<16xf32>
          %mul3A_1768 = arith.mulf %mul3A_1767, %unpack3A_1763 : vector<16xf32>
          %add3A_1769 = arith.addf %add3A_1665, %mul3A_1768 : vector<16xf32>
          %get3A_1770 = arith.index_cast %squeeze3A_1756 : i32 to index
          %get3A_1771 = arith.constant 32 : index
          %get3A_1772 = tpu.vector_load %arg12[%get3A_1770, %get3A_1771] {strides = array<i32>} : memref<196x64xbf16, #tpu.memory_space<vmem>>, vector<32xbf16>,
          %unpack3A_1773 = tpu.unpack_subelements %get3A_1772, 0 {pack_format = #tpu.pack_format<interleaved>} : vector<32xbf16> -> vector<16xf32>
          %unpack3A_1774 = tpu.unpack_subelements %get3A_1772, 1 {pack_format = #tpu.pack_format<interleaved>} : vector<32xbf16> -> vector<16xf32>
          %mul3A_1775 = vector.broadcast %squeeze3A_1758 : f32 to vector<16xf32>
          %mul3A_1776 = arith.mulf %mul3A_1775, %unpack3A_1773 : vector<16xf32>
          %add3A_1777 = arith.addf %add3A_1673, %mul3A_1776 : vector<16xf32>
          %mul3A_1778 = vector.broadcast %squeeze3A_1758 : f32 to vector<16xf32>
          %mul3A_1779 = arith.mulf %mul3A_1778, %unpack3A_1774 : vector<16xf32>
          %add3A_1780 = arith.addf %add3A_1676, %mul3A_1779 : vector<16xf32>
          %slice3A_1781 = vector.extract_strided_slice %masked_sort3A_1072 {offsets = [5], sizes = [1], strides = [1]} : vector<16xi32> to vector<1xi32>
          %squeeze3A_1782 = vector.extract %slice3A_1781[0] : i32 from vector<1xi32>
          %slice3A_1783 = vector.extract_strided_slice %select_n3A_1122 {offsets = [5], sizes = [1], strides = [1]} : vector<16xf32> to vector<1xf32>
          %squeeze3A_1784 = vector.extract %slice3A_1783[0] : f32 from vector<1xf32>
          %get3A_1785 = arith.index_cast %squeeze3A_1782 : i32 to index
          %get3A_1786 = arith.constant 0 : index
          %get3A_1787 = tpu.vector_load %arg14[%get3A_1785, %get3A_1786] {strides = array<i32>} : memref<196x64xbf16, #tpu.memory_space<vmem>>, vector<32xbf16>,
          %unpack3A_1788 = tpu.unpack_subelements %get3A_1787, 0 {pack_format = #tpu.pack_format<interleaved>} : vector<32xbf16> -> vector<16xf32>
          %unpack3A_1789 = tpu.unpack_subelements %get3A_1787, 1 {pack_format = #tpu.pack_format<interleaved>} : vector<32xbf16> -> vector<16xf32>
          %mul3A_1790 = vector.broadcast %squeeze3A_1784 : f32 to vector<16xf32>
          %mul3A_1791 = arith.mulf %mul3A_1790, %unpack3A_1788 : vector<16xf32>
          %add3A_1792 = arith.addf %add3A_1688, %mul3A_1791 : vector<16xf32>
          %mul3A_1793 = vector.broadcast %squeeze3A_1784 : f32 to vector<16xf32>
          %mul3A_1794 = arith.mulf %mul3A_1793, %unpack3A_1789 : vector<16xf32>
          %add3A_1795 = arith.addf %add3A_1691, %mul3A_1794 : vector<16xf32>
          %get3A_1796 = arith.index_cast %squeeze3A_1782 : i32 to index
          %get3A_1797 = arith.constant 32 : index
          %get3A_1798 = tpu.vector_load %arg14[%get3A_1796, %get3A_1797] {strides = array<i32>} : memref<196x64xbf16, #tpu.memory_space<vmem>>, vector<32xbf16>,
          %unpack3A_1799 = tpu.unpack_subelements %get3A_1798, 0 {pack_format = #tpu.pack_format<interleaved>} : vector<32xbf16> -> vector<16xf32>
          %unpack3A_1800 = tpu.unpack_subelements %get3A_1798, 1 {pack_format = #tpu.pack_format<interleaved>} : vector<32xbf16> -> vector<16xf32>
          %mul3A_1801 = vector.broadcast %squeeze3A_1784 : f32 to vector<16xf32>
          %mul3A_1802 = arith.mulf %mul3A_1801, %unpack3A_1799 : vector<16xf32>
          %add3A_1803 = arith.addf %add3A_1699, %mul3A_1802 : vector<16xf32>
          %mul3A_1804 = vector.broadcast %squeeze3A_1784 : f32 to vector<16xf32>
          %mul3A_1805 = arith.mulf %mul3A_1804, %unpack3A_1800 : vector<16xf32>
          %add3A_1806 = arith.addf %add3A_1702, %mul3A_1805 : vector<16xf32>
          %slice3A_1807 = vector.extract_strided_slice %masked_sort3A_949 {offsets = [6], sizes = [1], strides = [1]} : vector<16xi32> to vector<1xi32>
          %squeeze3A_1808 = vector.extract %slice3A_1807[0] : i32 from vector<1xi32>
          %slice3A_1809 = vector.extract_strided_slice %select_n3A_1083 {offsets = [6], sizes = [1], strides = [1]} : vector<16xf32> to vector<1xf32>
          %squeeze3A_1810 = vector.extract %slice3A_1809[0] : f32 from vector<1xf32>
          %get3A_1811 = arith.index_cast %squeeze3A_1808 : i32 to index
          %get3A_1812 = arith.constant 0 : index
          %get3A_1813 = tpu.vector_load %arg11[%get3A_1811, %get3A_1812] {strides = array<i32>} : memref<196x64xbf16, #tpu.memory_space<vmem>>, vector<32xbf16>,
          %unpack3A_1814 = tpu.unpack_subelements %get3A_1813, 0 {pack_format = #tpu.pack_format<interleaved>} : vector<32xbf16> -> vector<16xf32>
          %unpack3A_1815 = tpu.unpack_subelements %get3A_1813, 1 {pack_format = #tpu.pack_format<interleaved>} : vector<32xbf16> -> vector<16xf32>
          %mul3A_1816 = vector.broadcast %squeeze3A_1810 : f32 to vector<16xf32>
          %mul3A_1817 = arith.mulf %mul3A_1816, %unpack3A_1814 : vector<16xf32>
          %add3A_1818 = arith.addf %add3A_1714, %mul3A_1817 : vector<16xf32>
          %mul3A_1819 = vector.broadcast %squeeze3A_1810 : f32 to vector<16xf32>
          %mul3A_1820 = arith.mulf %mul3A_1819, %unpack3A_1815 : vector<16xf32>
          %add3A_1821 = arith.addf %add3A_1717, %mul3A_1820 : vector<16xf32>
          %get3A_1822 = arith.index_cast %squeeze3A_1808 : i32 to index
          %get3A_1823 = arith.constant 32 : index
          %get3A_1824 = tpu.vector_load %arg11[%get3A_1822, %get3A_1823] {strides = array<i32>} : memref<196x64xbf16, #tpu.memory_space<vmem>>, vector<32xbf16>,
          %unpack3A_1825 = tpu.unpack_subelements %get3A_1824, 0 {pack_format = #tpu.pack_format<interleaved>} : vector<32xbf16> -> vector<16xf32>
          %unpack3A_1826 = tpu.unpack_subelements %get3A_1824, 1 {pack_format = #tpu.pack_format<interleaved>} : vector<32xbf16> -> vector<16xf32>
          %mul3A_1827 = vector.broadcast %squeeze3A_1810 : f32 to vector<16xf32>
          %mul3A_1828 = arith.mulf %mul3A_1827, %unpack3A_1825 : vector<16xf32>
          %add3A_1829 = arith.addf %add3A_1725, %mul3A_1828 : vector<16xf32>
          %mul3A_1830 = vector.broadcast %squeeze3A_1810 : f32 to vector<16xf32>
          %mul3A_1831 = arith.mulf %mul3A_1830, %unpack3A_1826 : vector<16xf32>
          %add3A_1832 = arith.addf %add3A_1728, %mul3A_1831 : vector<16xf32>
          %slice3A_1833 = vector.extract_strided_slice %masked_sort3A_1065 {offsets = [6], sizes = [1], strides = [1]} : vector<16xi32> to vector<1xi32>
          %squeeze3A_1834 = vector.extract %slice3A_1833[0] : i32 from vector<1xi32>
          %slice3A_1835 = vector.extract_strided_slice %select_n3A_1096 {offsets = [6], sizes = [1], strides = [1]} : vector<16xf32> to vector<1xf32>
          %squeeze3A_1836 = vector.extract %slice3A_1835[0] : f32 from vector<1xf32>
          %get3A_1837 = arith.index_cast %squeeze3A_1834 : i32 to index
          %get3A_1838 = arith.constant 0 : index
          %get3A_1839 = tpu.vector_load %arg13[%get3A_1837, %get3A_1838] {strides = array<i32>} : memref<196x64xbf16, #tpu.memory_space<vmem>>, vector<32xbf16>,
          %unpack3A_1840 = tpu.unpack_subelements %get3A_1839, 0 {pack_format = #tpu.pack_format<interleaved>} : vector<32xbf16> -> vector<16xf32>
          %unpack3A_1841 = tpu.unpack_subelements %get3A_1839, 1 {pack_format = #tpu.pack_format<interleaved>} : vector<32xbf16> -> vector<16xf32>
          %mul3A_1842 = vector.broadcast %squeeze3A_1836 : f32 to vector<16xf32>
          %mul3A_1843 = arith.mulf %mul3A_1842, %unpack3A_1840 : vector<16xf32>
          %add3A_1844 = arith.addf %add3A_1740, %mul3A_1843 : vector<16xf32>
          %mul3A_1845 = vector.broadcast %squeeze3A_1836 : f32 to vector<16xf32>
          %mul3A_1846 = arith.mulf %mul3A_1845, %unpack3A_1841 : vector<16xf32>
          %add3A_1847 = arith.addf %add3A_1743, %mul3A_1846 : vector<16xf32>
          %get3A_1848 = arith.index_cast %squeeze3A_1834 : i32 to index
          %get3A_1849 = arith.constant 32 : index
          %get3A_1850 = tpu.vector_load %arg13[%get3A_1848, %get3A_1849] {strides = array<i32>} : memref<196x64xbf16, #tpu.memory_space<vmem>>, vector<32xbf16>,
          %unpack3A_1851 = tpu.unpack_subelements %get3A_1850, 0 {pack_format = #tpu.pack_format<interleaved>} : vector<32xbf16> -> vector<16xf32>
          %unpack3A_1852 = tpu.unpack_subelements %get3A_1850, 1 {pack_format = #tpu.pack_format<interleaved>} : vector<32xbf16> -> vector<16xf32>
          %mul3A_1853 = vector.broadcast %squeeze3A_1836 : f32 to vector<16xf32>
          %mul3A_1854 = arith.mulf %mul3A_1853, %unpack3A_1851 : vector<16xf32>
          %add3A_1855 = arith.addf %add3A_1751, %mul3A_1854 : vector<16xf32>
          %mul3A_1856 = vector.broadcast %squeeze3A_1836 : f32 to vector<16xf32>
          %mul3A_1857 = arith.mulf %mul3A_1856, %unpack3A_1852 : vector<16xf32>
          %add3A_1858 = arith.addf %add3A_1754, %mul3A_1857 : vector<16xf32>
          %slice3A_1859 = vector.extract_strided_slice %masked_sort3A_956 {offsets = [6], sizes = [1], strides = [1]} : vector<16xi32> to vector<1xi32>
          %squeeze3A_1860 = vector.extract %slice3A_1859[0] : i32 from vector<1xi32>
          %slice3A_1861 = vector.extract_strided_slice %select_n3A_1109 {offsets = [6], sizes = [1], strides = [1]} : vector<16xf32> to vector<1xf32>
          %squeeze3A_1862 = vector.extract %slice3A_1861[0] : f32 from vector<1xf32>
          %get3A_1863 = arith.index_cast %squeeze3A_1860 : i32 to index
          %get3A_1864 = arith.constant 0 : index
          %get3A_1865 = tpu.vector_load %arg12[%get3A_1863, %get3A_1864] {strides = array<i32>} : memref<196x64xbf16, #tpu.memory_space<vmem>>, vector<32xbf16>,
          %unpack3A_1866 = tpu.unpack_subelements %get3A_1865, 0 {pack_format = #tpu.pack_format<interleaved>} : vector<32xbf16> -> vector<16xf32>
          %unpack3A_1867 = tpu.unpack_subelements %get3A_1865, 1 {pack_format = #tpu.pack_format<interleaved>} : vector<32xbf16> -> vector<16xf32>
          %mul3A_1868 = vector.broadcast %squeeze3A_1862 : f32 to vector<16xf32>
          %mul3A_1869 = arith.mulf %mul3A_1868, %unpack3A_1866 : vector<16xf32>
          %add3A_1870 = arith.addf %add3A_1766, %mul3A_1869 : vector<16xf32>
          %mul3A_1871 = vector.broadcast %squeeze3A_1862 : f32 to vector<16xf32>
          %mul3A_1872 = arith.mulf %mul3A_1871, %unpack3A_1867 : vector<16xf32>
          %add3A_1873 = arith.addf %add3A_1769, %mul3A_1872 : vector<16xf32>
          %get3A_1874 = arith.index_cast %squeeze3A_1860 : i32 to index
          %get3A_1875 = arith.constant 32 : index
          %get3A_1876 = tpu.vector_load %arg12[%get3A_1874, %get3A_1875] {strides = array<i32>} : memref<196x64xbf16, #tpu.memory_space<vmem>>, vector<32xbf16>,
          %unpack3A_1877 = tpu.unpack_subelements %get3A_1876, 0 {pack_format = #tpu.pack_format<interleaved>} : vector<32xbf16> -> vector<16xf32>
          %unpack3A_1878 = tpu.unpack_subelements %get3A_1876, 1 {pack_format = #tpu.pack_format<interleaved>} : vector<32xbf16> -> vector<16xf32>
          %mul3A_1879 = vector.broadcast %squeeze3A_1862 : f32 to vector<16xf32>
          %mul3A_1880 = arith.mulf %mul3A_1879, %unpack3A_1877 : vector<16xf32>
          %add3A_1881 = arith.addf %add3A_1777, %mul3A_1880 : vector<16xf32>
          %mul3A_1882 = vector.broadcast %squeeze3A_1862 : f32 to vector<16xf32>
          %mul3A_1883 = arith.mulf %mul3A_1882, %unpack3A_1878 : vector<16xf32>
          %add3A_1884 = arith.addf %add3A_1780, %mul3A_1883 : vector<16xf32>
          %slice3A_1885 = vector.extract_strided_slice %masked_sort3A_1072 {offsets = [6], sizes = [1], strides = [1]} : vector<16xi32> to vector<1xi32>
          %squeeze3A_1886 = vector.extract %slice3A_1885[0] : i32 from vector<1xi32>
          %slice3A_1887 = vector.extract_strided_slice %select_n3A_1122 {offsets = [6], sizes = [1], strides = [1]} : vector<16xf32> to vector<1xf32>
          %squeeze3A_1888 = vector.extract %slice3A_1887[0] : f32 from vector<1xf32>
          %get3A_1889 = arith.index_cast %squeeze3A_1886 : i32 to index
          %get3A_1890 = arith.constant 0 : index
          %get3A_1891 = tpu.vector_load %arg14[%get3A_1889, %get3A_1890] {strides = array<i32>} : memref<196x64xbf16, #tpu.memory_space<vmem>>, vector<32xbf16>,
          %unpack3A_1892 = tpu.unpack_subelements %get3A_1891, 0 {pack_format = #tpu.pack_format<interleaved>} : vector<32xbf16> -> vector<16xf32>
          %unpack3A_1893 = tpu.unpack_subelements %get3A_1891, 1 {pack_format = #tpu.pack_format<interleaved>} : vector<32xbf16> -> vector<16xf32>
          %mul3A_1894 = vector.broadcast %squeeze3A_1888 : f32 to vector<16xf32>
          %mul3A_1895 = arith.mulf %mul3A_1894, %unpack3A_1892 : vector<16xf32>
          %add3A_1896 = arith.addf %add3A_1792, %mul3A_1895 : vector<16xf32>
          %mul3A_1897 = vector.broadcast %squeeze3A_1888 : f32 to vector<16xf32>
          %mul3A_1898 = arith.mulf %mul3A_1897, %unpack3A_1893 : vector<16xf32>
          %add3A_1899 = arith.addf %add3A_1795, %mul3A_1898 : vector<16xf32>
          %get3A_1900 = arith.index_cast %squeeze3A_1886 : i32 to index
          %get3A_1901 = arith.constant 32 : index
          %get3A_1902 = tpu.vector_load %arg14[%get3A_1900, %get3A_1901] {strides = array<i32>} : memref<196x64xbf16, #tpu.memory_space<vmem>>, vector<32xbf16>,
          %unpack3A_1903 = tpu.unpack_subelements %get3A_1902, 0 {pack_format = #tpu.pack_format<interleaved>} : vector<32xbf16> -> vector<16xf32>
          %unpack3A_1904 = tpu.unpack_subelements %get3A_1902, 1 {pack_format = #tpu.pack_format<interleaved>} : vector<32xbf16> -> vector<16xf32>
          %mul3A_1905 = vector.broadcast %squeeze3A_1888 : f32 to vector<16xf32>
          %mul3A_1906 = arith.mulf %mul3A_1905, %unpack3A_1903 : vector<16xf32>
          %add3A_1907 = arith.addf %add3A_1803, %mul3A_1906 : vector<16xf32>
          %mul3A_1908 = vector.broadcast %squeeze3A_1888 : f32 to vector<16xf32>
          %mul3A_1909 = arith.mulf %mul3A_1908, %unpack3A_1904 : vector<16xf32>
          %add3A_1910 = arith.addf %add3A_1806, %mul3A_1909 : vector<16xf32>
          %slice3A_1911 = vector.extract_strided_slice %masked_sort3A_949 {offsets = [7], sizes = [1], strides = [1]} : vector<16xi32> to vector<1xi32>
          %squeeze3A_1912 = vector.extract %slice3A_1911[0] : i32 from vector<1xi32>
          %slice3A_1913 = vector.extract_strided_slice %select_n3A_1083 {offsets = [7], sizes = [1], strides = [1]} : vector<16xf32> to vector<1xf32>
          %squeeze3A_1914 = vector.extract %slice3A_1913[0] : f32 from vector<1xf32>
          %get3A_1915 = arith.index_cast %squeeze3A_1912 : i32 to index
          %get3A_1916 = arith.constant 0 : index
          %get3A_1917 = tpu.vector_load %arg11[%get3A_1915, %get3A_1916] {strides = array<i32>} : memref<196x64xbf16, #tpu.memory_space<vmem>>, vector<32xbf16>,
          %unpack3A_1918 = tpu.unpack_subelements %get3A_1917, 0 {pack_format = #tpu.pack_format<interleaved>} : vector<32xbf16> -> vector<16xf32>
          %unpack3A_1919 = tpu.unpack_subelements %get3A_1917, 1 {pack_format = #tpu.pack_format<interleaved>} : vector<32xbf16> -> vector<16xf32>
          %mul3A_1920 = vector.broadcast %squeeze3A_1914 : f32 to vector<16xf32>
          %mul3A_1921 = arith.mulf %mul3A_1920, %unpack3A_1918 : vector<16xf32>
          %add3A_1922 = arith.addf %add3A_1818, %mul3A_1921 : vector<16xf32>
          %mul3A_1923 = vector.broadcast %squeeze3A_1914 : f32 to vector<16xf32>
          %mul3A_1924 = arith.mulf %mul3A_1923, %unpack3A_1919 : vector<16xf32>
          %add3A_1925 = arith.addf %add3A_1821, %mul3A_1924 : vector<16xf32>
          %get3A_1926 = arith.index_cast %squeeze3A_1912 : i32 to index
          %get3A_1927 = arith.constant 32 : index
          %get3A_1928 = tpu.vector_load %arg11[%get3A_1926, %get3A_1927] {strides = array<i32>} : memref<196x64xbf16, #tpu.memory_space<vmem>>, vector<32xbf16>,
          %unpack3A_1929 = tpu.unpack_subelements %get3A_1928, 0 {pack_format = #tpu.pack_format<interleaved>} : vector<32xbf16> -> vector<16xf32>
          %unpack3A_1930 = tpu.unpack_subelements %get3A_1928, 1 {pack_format = #tpu.pack_format<interleaved>} : vector<32xbf16> -> vector<16xf32>
          %mul3A_1931 = vector.broadcast %squeeze3A_1914 : f32 to vector<16xf32>
          %mul3A_1932 = arith.mulf %mul3A_1931, %unpack3A_1929 : vector<16xf32>
          %add3A_1933 = arith.addf %add3A_1829, %mul3A_1932 : vector<16xf32>
          %mul3A_1934 = vector.broadcast %squeeze3A_1914 : f32 to vector<16xf32>
          %mul3A_1935 = arith.mulf %mul3A_1934, %unpack3A_1930 : vector<16xf32>
          %add3A_1936 = arith.addf %add3A_1832, %mul3A_1935 : vector<16xf32>
          %slice3A_1937 = vector.extract_strided_slice %masked_sort3A_1065 {offsets = [7], sizes = [1], strides = [1]} : vector<16xi32> to vector<1xi32>
          %squeeze3A_1938 = vector.extract %slice3A_1937[0] : i32 from vector<1xi32>
          %slice3A_1939 = vector.extract_strided_slice %select_n3A_1096 {offsets = [7], sizes = [1], strides = [1]} : vector<16xf32> to vector<1xf32>
          %squeeze3A_1940 = vector.extract %slice3A_1939[0] : f32 from vector<1xf32>
          %get3A_1941 = arith.index_cast %squeeze3A_1938 : i32 to index
          %get3A_1942 = arith.constant 0 : index
          %get3A_1943 = tpu.vector_load %arg13[%get3A_1941, %get3A_1942] {strides = array<i32>} : memref<196x64xbf16, #tpu.memory_space<vmem>>, vector<32xbf16>,
          %unpack3A_1944 = tpu.unpack_subelements %get3A_1943, 0 {pack_format = #tpu.pack_format<interleaved>} : vector<32xbf16> -> vector<16xf32>
          %unpack3A_1945 = tpu.unpack_subelements %get3A_1943, 1 {pack_format = #tpu.pack_format<interleaved>} : vector<32xbf16> -> vector<16xf32>
          %mul3A_1946 = vector.broadcast %squeeze3A_1940 : f32 to vector<16xf32>
          %mul3A_1947 = arith.mulf %mul3A_1946, %unpack3A_1944 : vector<16xf32>
          %add3A_1948 = arith.addf %add3A_1844, %mul3A_1947 : vector<16xf32>
          %mul3A_1949 = vector.broadcast %squeeze3A_1940 : f32 to vector<16xf32>
          %mul3A_1950 = arith.mulf %mul3A_1949, %unpack3A_1945 : vector<16xf32>
          %add3A_1951 = arith.addf %add3A_1847, %mul3A_1950 : vector<16xf32>
          %get3A_1952 = arith.index_cast %squeeze3A_1938 : i32 to index
          %get3A_1953 = arith.constant 32 : index
          %get3A_1954 = tpu.vector_load %arg13[%get3A_1952, %get3A_1953] {strides = array<i32>} : memref<196x64xbf16, #tpu.memory_space<vmem>>, vector<32xbf16>,
          %unpack3A_1955 = tpu.unpack_subelements %get3A_1954, 0 {pack_format = #tpu.pack_format<interleaved>} : vector<32xbf16> -> vector<16xf32>
          %unpack3A_1956 = tpu.unpack_subelements %get3A_1954, 1 {pack_format = #tpu.pack_format<interleaved>} : vector<32xbf16> -> vector<16xf32>
          %mul3A_1957 = vector.broadcast %squeeze3A_1940 : f32 to vector<16xf32>
          %mul3A_1958 = arith.mulf %mul3A_1957, %unpack3A_1955 : vector<16xf32>
          %add3A_1959 = arith.addf %add3A_1855, %mul3A_1958 : vector<16xf32>
          %mul3A_1960 = vector.broadcast %squeeze3A_1940 : f32 to vector<16xf32>
          %mul3A_1961 = arith.mulf %mul3A_1960, %unpack3A_1956 : vector<16xf32>
          %add3A_1962 = arith.addf %add3A_1858, %mul3A_1961 : vector<16xf32>
          %slice3A_1963 = vector.extract_strided_slice %masked_sort3A_956 {offsets = [7], sizes = [1], strides = [1]} : vector<16xi32> to vector<1xi32>
          %squeeze3A_1964 = vector.extract %slice3A_1963[0] : i32 from vector<1xi32>
          %slice3A_1965 = vector.extract_strided_slice %select_n3A_1109 {offsets = [7], sizes = [1], strides = [1]} : vector<16xf32> to vector<1xf32>
          %squeeze3A_1966 = vector.extract %slice3A_1965[0] : f32 from vector<1xf32>
          %get3A_1967 = arith.index_cast %squeeze3A_1964 : i32 to index
          %get3A_1968 = arith.constant 0 : index
          %get3A_1969 = tpu.vector_load %arg12[%get3A_1967, %get3A_1968] {strides = array<i32>} : memref<196x64xbf16, #tpu.memory_space<vmem>>, vector<32xbf16>,
          %unpack3A_1970 = tpu.unpack_subelements %get3A_1969, 0 {pack_format = #tpu.pack_format<interleaved>} : vector<32xbf16> -> vector<16xf32>
          %unpack3A_1971 = tpu.unpack_subelements %get3A_1969, 1 {pack_format = #tpu.pack_format<interleaved>} : vector<32xbf16> -> vector<16xf32>
          %mul3A_1972 = vector.broadcast %squeeze3A_1966 : f32 to vector<16xf32>
          %mul3A_1973 = arith.mulf %mul3A_1972, %unpack3A_1970 : vector<16xf32>
          %add3A_1974 = arith.addf %add3A_1870, %mul3A_1973 : vector<16xf32>
          %mul3A_1975 = vector.broadcast %squeeze3A_1966 : f32 to vector<16xf32>
          %mul3A_1976 = arith.mulf %mul3A_1975, %unpack3A_1971 : vector<16xf32>
          %add3A_1977 = arith.addf %add3A_1873, %mul3A_1976 : vector<16xf32>
          %get3A_1978 = arith.index_cast %squeeze3A_1964 : i32 to index
          %get3A_1979 = arith.constant 32 : index
          %get3A_1980 = tpu.vector_load %arg12[%get3A_1978, %get3A_1979] {strides = array<i32>} : memref<196x64xbf16, #tpu.memory_space<vmem>>, vector<32xbf16>,
          %unpack3A_1981 = tpu.unpack_subelements %get3A_1980, 0 {pack_format = #tpu.pack_format<interleaved>} : vector<32xbf16> -> vector<16xf32>
          %unpack3A_1982 = tpu.unpack_subelements %get3A_1980, 1 {pack_format = #tpu.pack_format<interleaved>} : vector<32xbf16> -> vector<16xf32>
          %mul3A_1983 = vector.broadcast %squeeze3A_1966 : f32 to vector<16xf32>
          %mul3A_1984 = arith.mulf %mul3A_1983, %unpack3A_1981 : vector<16xf32>
          %add3A_1985 = arith.addf %add3A_1881, %mul3A_1984 : vector<16xf32>
          %mul3A_1986 = vector.broadcast %squeeze3A_1966 : f32 to vector<16xf32>
          %mul3A_1987 = arith.mulf %mul3A_1986, %unpack3A_1982 : vector<16xf32>
          %add3A_1988 = arith.addf %add3A_1884, %mul3A_1987 : vector<16xf32>
          %slice3A_1989 = vector.extract_strided_slice %masked_sort3A_1072 {offsets = [7], sizes = [1], strides = [1]} : vector<16xi32> to vector<1xi32>
          %squeeze3A_1990 = vector.extract %slice3A_1989[0] : i32 from vector<1xi32>
          %slice3A_1991 = vector.extract_strided_slice %select_n3A_1122 {offsets = [7], sizes = [1], strides = [1]} : vector<16xf32> to vector<1xf32>
          %squeeze3A_1992 = vector.extract %slice3A_1991[0] : f32 from vector<1xf32>
          %get3A_1993 = arith.index_cast %squeeze3A_1990 : i32 to index
          %get3A_1994 = arith.constant 0 : index
          %get3A_1995 = tpu.vector_load %arg14[%get3A_1993, %get3A_1994] {strides = array<i32>} : memref<196x64xbf16, #tpu.memory_space<vmem>>, vector<32xbf16>,
          %unpack3A_1996 = tpu.unpack_subelements %get3A_1995, 0 {pack_format = #tpu.pack_format<interleaved>} : vector<32xbf16> -> vector<16xf32>
          %unpack3A_1997 = tpu.unpack_subelements %get3A_1995, 1 {pack_format = #tpu.pack_format<interleaved>} : vector<32xbf16> -> vector<16xf32>
          %mul3A_1998 = vector.broadcast %squeeze3A_1992 : f32 to vector<16xf32>
          %mul3A_1999 = arith.mulf %mul3A_1998, %unpack3A_1996 : vector<16xf32>
          %add3A_2000 = arith.addf %add3A_1896, %mul3A_1999 : vector<16xf32>
          %mul3A_2001 = vector.broadcast %squeeze3A_1992 : f32 to vector<16xf32>
          %mul3A_2002 = arith.mulf %mul3A_2001, %unpack3A_1997 : vector<16xf32>
          %add3A_2003 = arith.addf %add3A_1899, %mul3A_2002 : vector<16xf32>
          %get3A_2004 = arith.index_cast %squeeze3A_1990 : i32 to index
          %get3A_2005 = arith.constant 32 : index
          %get3A_2006 = tpu.vector_load %arg14[%get3A_2004, %get3A_2005] {strides = array<i32>} : memref<196x64xbf16, #tpu.memory_space<vmem>>, vector<32xbf16>,
          %unpack3A_2007 = tpu.unpack_subelements %get3A_2006, 0 {pack_format = #tpu.pack_format<interleaved>} : vector<32xbf16> -> vector<16xf32>
          %unpack3A_2008 = tpu.unpack_subelements %get3A_2006, 1 {pack_format = #tpu.pack_format<interleaved>} : vector<32xbf16> -> vector<16xf32>
          %mul3A_2009 = vector.broadcast %squeeze3A_1992 : f32 to vector<16xf32>
          %mul3A_2010 = arith.mulf %mul3A_2009, %unpack3A_2007 : vector<16xf32>
          %add3A_2011 = arith.addf %add3A_1907, %mul3A_2010 : vector<16xf32>
          %mul3A_2012 = vector.broadcast %squeeze3A_1992 : f32 to vector<16xf32>
          %mul3A_2013 = arith.mulf %mul3A_2012, %unpack3A_2008 : vector<16xf32>
          %add3A_2014 = arith.addf %add3A_1910, %mul3A_2013 : vector<16xf32>
          %slice3A_2015 = vector.extract_strided_slice %masked_sort3A_949 {offsets = [8], sizes = [1], strides = [1]} : vector<16xi32> to vector<1xi32>
          %squeeze3A_2016 = vector.extract %slice3A_2015[0] : i32 from vector<1xi32>
          %slice3A_2017 = vector.extract_strided_slice %select_n3A_1083 {offsets = [8], sizes = [1], strides = [1]} : vector<16xf32> to vector<1xf32>
          %squeeze3A_2018 = vector.extract %slice3A_2017[0] : f32 from vector<1xf32>
          %get3A_2019 = arith.index_cast %squeeze3A_2016 : i32 to index
          %get3A_2020 = arith.constant 0 : index
          %get3A_2021 = tpu.vector_load %arg11[%get3A_2019, %get3A_2020] {strides = array<i32>} : memref<196x64xbf16, #tpu.memory_space<vmem>>, vector<32xbf16>,
          %unpack3A_2022 = tpu.unpack_subelements %get3A_2021, 0 {pack_format = #tpu.pack_format<interleaved>} : vector<32xbf16> -> vector<16xf32>
          %unpack3A_2023 = tpu.unpack_subelements %get3A_2021, 1 {pack_format = #tpu.pack_format<interleaved>} : vector<32xbf16> -> vector<16xf32>
          %mul3A_2024 = vector.broadcast %squeeze3A_2018 : f32 to vector<16xf32>
          %mul3A_2025 = arith.mulf %mul3A_2024, %unpack3A_2022 : vector<16xf32>
          %add3A_2026 = arith.addf %add3A_1922, %mul3A_2025 : vector<16xf32>
          %mul3A_2027 = vector.broadcast %squeeze3A_2018 : f32 to vector<16xf32>
          %mul3A_2028 = arith.mulf %mul3A_2027, %unpack3A_2023 : vector<16xf32>
          %add3A_2029 = arith.addf %add3A_1925, %mul3A_2028 : vector<16xf32>
          %get3A_2030 = arith.index_cast %squeeze3A_2016 : i32 to index
          %get3A_2031 = arith.constant 32 : index
          %get3A_2032 = tpu.vector_load %arg11[%get3A_2030, %get3A_2031] {strides = array<i32>} : memref<196x64xbf16, #tpu.memory_space<vmem>>, vector<32xbf16>,
          %unpack3A_2033 = tpu.unpack_subelements %get3A_2032, 0 {pack_format = #tpu.pack_format<interleaved>} : vector<32xbf16> -> vector<16xf32>
          %unpack3A_2034 = tpu.unpack_subelements %get3A_2032, 1 {pack_format = #tpu.pack_format<interleaved>} : vector<32xbf16> -> vector<16xf32>
          %mul3A_2035 = vector.broadcast %squeeze3A_2018 : f32 to vector<16xf32>
          %mul3A_2036 = arith.mulf %mul3A_2035, %unpack3A_2033 : vector<16xf32>
          %add3A_2037 = arith.addf %add3A_1933, %mul3A_2036 : vector<16xf32>
          %mul3A_2038 = vector.broadcast %squeeze3A_2018 : f32 to vector<16xf32>
          %mul3A_2039 = arith.mulf %mul3A_2038, %unpack3A_2034 : vector<16xf32>
          %add3A_2040 = arith.addf %add3A_1936, %mul3A_2039 : vector<16xf32>
          %slice3A_2041 = vector.extract_strided_slice %masked_sort3A_1065 {offsets = [8], sizes = [1], strides = [1]} : vector<16xi32> to vector<1xi32>
          %squeeze3A_2042 = vector.extract %slice3A_2041[0] : i32 from vector<1xi32>
          %slice3A_2043 = vector.extract_strided_slice %select_n3A_1096 {offsets = [8], sizes = [1], strides = [1]} : vector<16xf32> to vector<1xf32>
          %squeeze3A_2044 = vector.extract %slice3A_2043[0] : f32 from vector<1xf32>
          %get3A_2045 = arith.index_cast %squeeze3A_2042 : i32 to index
          %get3A_2046 = arith.constant 0 : index
          %get3A_2047 = tpu.vector_load %arg13[%get3A_2045, %get3A_2046] {strides = array<i32>} : memref<196x64xbf16, #tpu.memory_space<vmem>>, vector<32xbf16>,
          %unpack3A_2048 = tpu.unpack_subelements %get3A_2047, 0 {pack_format = #tpu.pack_format<interleaved>} : vector<32xbf16> -> vector<16xf32>
          %unpack3A_2049 = tpu.unpack_subelements %get3A_2047, 1 {pack_format = #tpu.pack_format<interleaved>} : vector<32xbf16> -> vector<16xf32>
          %mul3A_2050 = vector.broadcast %squeeze3A_2044 : f32 to vector<16xf32>
          %mul3A_2051 = arith.mulf %mul3A_2050, %unpack3A_2048 : vector<16xf32>
          %add3A_2052 = arith.addf %add3A_1948, %mul3A_2051 : vector<16xf32>
          %mul3A_2053 = vector.broadcast %squeeze3A_2044 : f32 to vector<16xf32>
          %mul3A_2054 = arith.mulf %mul3A_2053, %unpack3A_2049 : vector<16xf32>
          %add3A_2055 = arith.addf %add3A_1951, %mul3A_2054 : vector<16xf32>
          %get3A_2056 = arith.index_cast %squeeze3A_2042 : i32 to index
          %get3A_2057 = arith.constant 32 : index
          %get3A_2058 = tpu.vector_load %arg13[%get3A_2056, %get3A_2057] {strides = array<i32>} : memref<196x64xbf16, #tpu.memory_space<vmem>>, vector<32xbf16>,
          %unpack3A_2059 = tpu.unpack_subelements %get3A_2058, 0 {pack_format = #tpu.pack_format<interleaved>} : vector<32xbf16> -> vector<16xf32>
          %unpack3A_2060 = tpu.unpack_subelements %get3A_2058, 1 {pack_format = #tpu.pack_format<interleaved>} : vector<32xbf16> -> vector<16xf32>
          %mul3A_2061 = vector.broadcast %squeeze3A_2044 : f32 to vector<16xf32>
          %mul3A_2062 = arith.mulf %mul3A_2061, %unpack3A_2059 : vector<16xf32>
          %add3A_2063 = arith.addf %add3A_1959, %mul3A_2062 : vector<16xf32>
          %mul3A_2064 = vector.broadcast %squeeze3A_2044 : f32 to vector<16xf32>
          %mul3A_2065 = arith.mulf %mul3A_2064, %unpack3A_2060 : vector<16xf32>
          %add3A_2066 = arith.addf %add3A_1962, %mul3A_2065 : vector<16xf32>
          %slice3A_2067 = vector.extract_strided_slice %masked_sort3A_956 {offsets = [8], sizes = [1], strides = [1]} : vector<16xi32> to vector<1xi32>
          %squeeze3A_2068 = vector.extract %slice3A_2067[0] : i32 from vector<1xi32>
          %slice3A_2069 = vector.extract_strided_slice %select_n3A_1109 {offsets = [8], sizes = [1], strides = [1]} : vector<16xf32> to vector<1xf32>
          %squeeze3A_2070 = vector.extract %slice3A_2069[0] : f32 from vector<1xf32>
          %get3A_2071 = arith.index_cast %squeeze3A_2068 : i32 to index
          %get3A_2072 = arith.constant 0 : index
          %get3A_2073 = tpu.vector_load %arg12[%get3A_2071, %get3A_2072] {strides = array<i32>} : memref<196x64xbf16, #tpu.memory_space<vmem>>, vector<32xbf16>,
          %unpack3A_2074 = tpu.unpack_subelements %get3A_2073, 0 {pack_format = #tpu.pack_format<interleaved>} : vector<32xbf16> -> vector<16xf32>
          %unpack3A_2075 = tpu.unpack_subelements %get3A_2073, 1 {pack_format = #tpu.pack_format<interleaved>} : vector<32xbf16> -> vector<16xf32>
          %mul3A_2076 = vector.broadcast %squeeze3A_2070 : f32 to vector<16xf32>
          %mul3A_2077 = arith.mulf %mul3A_2076, %unpack3A_2074 : vector<16xf32>
          %add3A_2078 = arith.addf %add3A_1974, %mul3A_2077 : vector<16xf32>
          %mul3A_2079 = vector.broadcast %squeeze3A_2070 : f32 to vector<16xf32>
          %mul3A_2080 = arith.mulf %mul3A_2079, %unpack3A_2075 : vector<16xf32>
          %add3A_2081 = arith.addf %add3A_1977, %mul3A_2080 : vector<16xf32>
          %get3A_2082 = arith.index_cast %squeeze3A_2068 : i32 to index
          %get3A_2083 = arith.constant 32 : index
          %get3A_2084 = tpu.vector_load %arg12[%get3A_2082, %get3A_2083] {strides = array<i32>} : memref<196x64xbf16, #tpu.memory_space<vmem>>, vector<32xbf16>,
          %unpack3A_2085 = tpu.unpack_subelements %get3A_2084, 0 {pack_format = #tpu.pack_format<interleaved>} : vector<32xbf16> -> vector<16xf32>
          %unpack3A_2086 = tpu.unpack_subelements %get3A_2084, 1 {pack_format = #tpu.pack_format<interleaved>} : vector<32xbf16> -> vector<16xf32>
          %mul3A_2087 = vector.broadcast %squeeze3A_2070 : f32 to vector<16xf32>
          %mul3A_2088 = arith.mulf %mul3A_2087, %unpack3A_2085 : vector<16xf32>
          %add3A_2089 = arith.addf %add3A_1985, %mul3A_2088 : vector<16xf32>
          %mul3A_2090 = vector.broadcast %squeeze3A_2070 : f32 to vector<16xf32>
          %mul3A_2091 = arith.mulf %mul3A_2090, %unpack3A_2086 : vector<16xf32>
          %add3A_2092 = arith.addf %add3A_1988, %mul3A_2091 : vector<16xf32>
          %slice3A_2093 = vector.extract_strided_slice %masked_sort3A_1072 {offsets = [8], sizes = [1], strides = [1]} : vector<16xi32> to vector<1xi32>
          %squeeze3A_2094 = vector.extract %slice3A_2093[0] : i32 from vector<1xi32>
          %slice3A_2095 = vector.extract_strided_slice %select_n3A_1122 {offsets = [8], sizes = [1], strides = [1]} : vector<16xf32> to vector<1xf32>
          %squeeze3A_2096 = vector.extract %slice3A_2095[0] : f32 from vector<1xf32>
          %get3A_2097 = arith.index_cast %squeeze3A_2094 : i32 to index
          %get3A_2098 = arith.constant 0 : index
          %get3A_2099 = tpu.vector_load %arg14[%get3A_2097, %get3A_2098] {strides = array<i32>} : memref<196x64xbf16, #tpu.memory_space<vmem>>, vector<32xbf16>,
          %unpack3A_2100 = tpu.unpack_subelements %get3A_2099, 0 {pack_format = #tpu.pack_format<interleaved>} : vector<32xbf16> -> vector<16xf32>
          %unpack3A_2101 = tpu.unpack_subelements %get3A_2099, 1 {pack_format = #tpu.pack_format<interleaved>} : vector<32xbf16> -> vector<16xf32>
          %mul3A_2102 = vector.broadcast %squeeze3A_2096 : f32 to vector<16xf32>
          %mul3A_2103 = arith.mulf %mul3A_2102, %unpack3A_2100 : vector<16xf32>
          %add3A_2104 = arith.addf %add3A_2000, %mul3A_2103 : vector<16xf32>
          %mul3A_2105 = vector.broadcast %squeeze3A_2096 : f32 to vector<16xf32>
          %mul3A_2106 = arith.mulf %mul3A_2105, %unpack3A_2101 : vector<16xf32>
          %add3A_2107 = arith.addf %add3A_2003, %mul3A_2106 : vector<16xf32>
          %get3A_2108 = arith.index_cast %squeeze3A_2094 : i32 to index
          %get3A_2109 = arith.constant 32 : index
          %get3A_2110 = tpu.vector_load %arg14[%get3A_2108, %get3A_2109] {strides = array<i32>} : memref<196x64xbf16, #tpu.memory_space<vmem>>, vector<32xbf16>,
          %unpack3A_2111 = tpu.unpack_subelements %get3A_2110, 0 {pack_format = #tpu.pack_format<interleaved>} : vector<32xbf16> -> vector<16xf32>
          %unpack3A_2112 = tpu.unpack_subelements %get3A_2110, 1 {pack_format = #tpu.pack_format<interleaved>} : vector<32xbf16> -> vector<16xf32>
          %mul3A_2113 = vector.broadcast %squeeze3A_2096 : f32 to vector<16xf32>
          %mul3A_2114 = arith.mulf %mul3A_2113, %unpack3A_2111 : vector<16xf32>
          %add3A_2115 = arith.addf %add3A_2011, %mul3A_2114 : vector<16xf32>
          %mul3A_2116 = vector.broadcast %squeeze3A_2096 : f32 to vector<16xf32>
          %mul3A_2117 = arith.mulf %mul3A_2116, %unpack3A_2112 : vector<16xf32>
          %add3A_2118 = arith.addf %add3A_2014, %mul3A_2117 : vector<16xf32>
          %slice3A_2119 = vector.extract_strided_slice %masked_sort3A_949 {offsets = [9], sizes = [1], strides = [1]} : vector<16xi32> to vector<1xi32>
          %squeeze3A_2120 = vector.extract %slice3A_2119[0] : i32 from vector<1xi32>
          %slice3A_2121 = vector.extract_strided_slice %select_n3A_1083 {offsets = [9], sizes = [1], strides = [1]} : vector<16xf32> to vector<1xf32>
          %squeeze3A_2122 = vector.extract %slice3A_2121[0] : f32 from vector<1xf32>
          %get3A_2123 = arith.index_cast %squeeze3A_2120 : i32 to index
          %get3A_2124 = arith.constant 0 : index
          %get3A_2125 = tpu.vector_load %arg11[%get3A_2123, %get3A_2124] {strides = array<i32>} : memref<196x64xbf16, #tpu.memory_space<vmem>>, vector<32xbf16>,
          %unpack3A_2126 = tpu.unpack_subelements %get3A_2125, 0 {pack_format = #tpu.pack_format<interleaved>} : vector<32xbf16> -> vector<16xf32>
          %unpack3A_2127 = tpu.unpack_subelements %get3A_2125, 1 {pack_format = #tpu.pack_format<interleaved>} : vector<32xbf16> -> vector<16xf32>
          %mul3A_2128 = vector.broadcast %squeeze3A_2122 : f32 to vector<16xf32>
          %mul3A_2129 = arith.mulf %mul3A_2128, %unpack3A_2126 : vector<16xf32>
          %add3A_2130 = arith.addf %add3A_2026, %mul3A_2129 : vector<16xf32>
          %mul3A_2131 = vector.broadcast %squeeze3A_2122 : f32 to vector<16xf32>
          %mul3A_2132 = arith.mulf %mul3A_2131, %unpack3A_2127 : vector<16xf32>
          %add3A_2133 = arith.addf %add3A_2029, %mul3A_2132 : vector<16xf32>
          %get3A_2134 = arith.index_cast %squeeze3A_2120 : i32 to index
          %get3A_2135 = arith.constant 32 : index
          %get3A_2136 = tpu.vector_load %arg11[%get3A_2134, %get3A_2135] {strides = array<i32>} : memref<196x64xbf16, #tpu.memory_space<vmem>>, vector<32xbf16>,
          %unpack3A_2137 = tpu.unpack_subelements %get3A_2136, 0 {pack_format = #tpu.pack_format<interleaved>} : vector<32xbf16> -> vector<16xf32>
          %unpack3A_2138 = tpu.unpack_subelements %get3A_2136, 1 {pack_format = #tpu.pack_format<interleaved>} : vector<32xbf16> -> vector<16xf32>
          %mul3A_2139 = vector.broadcast %squeeze3A_2122 : f32 to vector<16xf32>
          %mul3A_2140 = arith.mulf %mul3A_2139, %unpack3A_2137 : vector<16xf32>
          %add3A_2141 = arith.addf %add3A_2037, %mul3A_2140 : vector<16xf32>
          %mul3A_2142 = vector.broadcast %squeeze3A_2122 : f32 to vector<16xf32>
          %mul3A_2143 = arith.mulf %mul3A_2142, %unpack3A_2138 : vector<16xf32>
          %add3A_2144 = arith.addf %add3A_2040, %mul3A_2143 : vector<16xf32>
          %slice3A_2145 = vector.extract_strided_slice %masked_sort3A_1065 {offsets = [9], sizes = [1], strides = [1]} : vector<16xi32> to vector<1xi32>
          %squeeze3A_2146 = vector.extract %slice3A_2145[0] : i32 from vector<1xi32>
          %slice3A_2147 = vector.extract_strided_slice %select_n3A_1096 {offsets = [9], sizes = [1], strides = [1]} : vector<16xf32> to vector<1xf32>
          %squeeze3A_2148 = vector.extract %slice3A_2147[0] : f32 from vector<1xf32>
          %get3A_2149 = arith.index_cast %squeeze3A_2146 : i32 to index
          %get3A_2150 = arith.constant 0 : index
          %get3A_2151 = tpu.vector_load %arg13[%get3A_2149, %get3A_2150] {strides = array<i32>} : memref<196x64xbf16, #tpu.memory_space<vmem>>, vector<32xbf16>,
          %unpack3A_2152 = tpu.unpack_subelements %get3A_2151, 0 {pack_format = #tpu.pack_format<interleaved>} : vector<32xbf16> -> vector<16xf32>
          %unpack3A_2153 = tpu.unpack_subelements %get3A_2151, 1 {pack_format = #tpu.pack_format<interleaved>} : vector<32xbf16> -> vector<16xf32>
          %mul3A_2154 = vector.broadcast %squeeze3A_2148 : f32 to vector<16xf32>
          %mul3A_2155 = arith.mulf %mul3A_2154, %unpack3A_2152 : vector<16xf32>
          %add3A_2156 = arith.addf %add3A_2052, %mul3A_2155 : vector<16xf32>
          %mul3A_2157 = vector.broadcast %squeeze3A_2148 : f32 to vector<16xf32>
          %mul3A_2158 = arith.mulf %mul3A_2157, %unpack3A_2153 : vector<16xf32>
          %add3A_2159 = arith.addf %add3A_2055, %mul3A_2158 : vector<16xf32>
          %get3A_2160 = arith.index_cast %squeeze3A_2146 : i32 to index
          %get3A_2161 = arith.constant 32 : index
          %get3A_2162 = tpu.vector_load %arg13[%get3A_2160, %get3A_2161] {strides = array<i32>} : memref<196x64xbf16, #tpu.memory_space<vmem>>, vector<32xbf16>,
          %unpack3A_2163 = tpu.unpack_subelements %get3A_2162, 0 {pack_format = #tpu.pack_format<interleaved>} : vector<32xbf16> -> vector<16xf32>
          %unpack3A_2164 = tpu.unpack_subelements %get3A_2162, 1 {pack_format = #tpu.pack_format<interleaved>} : vector<32xbf16> -> vector<16xf32>
          %mul3A_2165 = vector.broadcast %squeeze3A_2148 : f32 to vector<16xf32>
          %mul3A_2166 = arith.mulf %mul3A_2165, %unpack3A_2163 : vector<16xf32>
          %add3A_2167 = arith.addf %add3A_2063, %mul3A_2166 : vector<16xf32>
          %mul3A_2168 = vector.broadcast %squeeze3A_2148 : f32 to vector<16xf32>
          %mul3A_2169 = arith.mulf %mul3A_2168, %unpack3A_2164 : vector<16xf32>
          %add3A_2170 = arith.addf %add3A_2066, %mul3A_2169 : vector<16xf32>
          %slice3A_2171 = vector.extract_strided_slice %masked_sort3A_956 {offsets = [9], sizes = [1], strides = [1]} : vector<16xi32> to vector<1xi32>
          %squeeze3A_2172 = vector.extract %slice3A_2171[0] : i32 from vector<1xi32>
          %slice3A_2173 = vector.extract_strided_slice %select_n3A_1109 {offsets = [9], sizes = [1], strides = [1]} : vector<16xf32> to vector<1xf32>
          %squeeze3A_2174 = vector.extract %slice3A_2173[0] : f32 from vector<1xf32>
          %get3A_2175 = arith.index_cast %squeeze3A_2172 : i32 to index
          %get3A_2176 = arith.constant 0 : index
          %get3A_2177 = tpu.vector_load %arg12[%get3A_2175, %get3A_2176] {strides = array<i32>} : memref<196x64xbf16, #tpu.memory_space<vmem>>, vector<32xbf16>,
          %unpack3A_2178 = tpu.unpack_subelements %get3A_2177, 0 {pack_format = #tpu.pack_format<interleaved>} : vector<32xbf16> -> vector<16xf32>
          %unpack3A_2179 = tpu.unpack_subelements %get3A_2177, 1 {pack_format = #tpu.pack_format<interleaved>} : vector<32xbf16> -> vector<16xf32>
          %mul3A_2180 = vector.broadcast %squeeze3A_2174 : f32 to vector<16xf32>
          %mul3A_2181 = arith.mulf %mul3A_2180, %unpack3A_2178 : vector<16xf32>
          %add3A_2182 = arith.addf %add3A_2078, %mul3A_2181 : vector<16xf32>
          %mul3A_2183 = vector.broadcast %squeeze3A_2174 : f32 to vector<16xf32>
          %mul3A_2184 = arith.mulf %mul3A_2183, %unpack3A_2179 : vector<16xf32>
          %add3A_2185 = arith.addf %add3A_2081, %mul3A_2184 : vector<16xf32>
          %get3A_2186 = arith.index_cast %squeeze3A_2172 : i32 to index
          %get3A_2187 = arith.constant 32 : index
          %get3A_2188 = tpu.vector_load %arg12[%get3A_2186, %get3A_2187] {strides = array<i32>} : memref<196x64xbf16, #tpu.memory_space<vmem>>, vector<32xbf16>,
          %unpack3A_2189 = tpu.unpack_subelements %get3A_2188, 0 {pack_format = #tpu.pack_format<interleaved>} : vector<32xbf16> -> vector<16xf32>
          %unpack3A_2190 = tpu.unpack_subelements %get3A_2188, 1 {pack_format = #tpu.pack_format<interleaved>} : vector<32xbf16> -> vector<16xf32>
          %mul3A_2191 = vector.broadcast %squeeze3A_2174 : f32 to vector<16xf32>
          %mul3A_2192 = arith.mulf %mul3A_2191, %unpack3A_2189 : vector<16xf32>
          %add3A_2193 = arith.addf %add3A_2089, %mul3A_2192 : vector<16xf32>
          %mul3A_2194 = vector.broadcast %squeeze3A_2174 : f32 to vector<16xf32>
          %mul3A_2195 = arith.mulf %mul3A_2194, %unpack3A_2190 : vector<16xf32>
          %add3A_2196 = arith.addf %add3A_2092, %mul3A_2195 : vector<16xf32>
          %slice3A_2197 = vector.extract_strided_slice %masked_sort3A_1072 {offsets = [9], sizes = [1], strides = [1]} : vector<16xi32> to vector<1xi32>
          %squeeze3A_2198 = vector.extract %slice3A_2197[0] : i32 from vector<1xi32>
          %slice3A_2199 = vector.extract_strided_slice %select_n3A_1122 {offsets = [9], sizes = [1], strides = [1]} : vector<16xf32> to vector<1xf32>
          %squeeze3A_2200 = vector.extract %slice3A_2199[0] : f32 from vector<1xf32>
          %get3A_2201 = arith.index_cast %squeeze3A_2198 : i32 to index
          %get3A_2202 = arith.constant 0 : index
          %get3A_2203 = tpu.vector_load %arg14[%get3A_2201, %get3A_2202] {strides = array<i32>} : memref<196x64xbf16, #tpu.memory_space<vmem>>, vector<32xbf16>,
          %unpack3A_2204 = tpu.unpack_subelements %get3A_2203, 0 {pack_format = #tpu.pack_format<interleaved>} : vector<32xbf16> -> vector<16xf32>
          %unpack3A_2205 = tpu.unpack_subelements %get3A_2203, 1 {pack_format = #tpu.pack_format<interleaved>} : vector<32xbf16> -> vector<16xf32>
          %mul3A_2206 = vector.broadcast %squeeze3A_2200 : f32 to vector<16xf32>
          %mul3A_2207 = arith.mulf %mul3A_2206, %unpack3A_2204 : vector<16xf32>
          %add3A_2208 = arith.addf %add3A_2104, %mul3A_2207 : vector<16xf32>
          %mul3A_2209 = vector.broadcast %squeeze3A_2200 : f32 to vector<16xf32>
          %mul3A_2210 = arith.mulf %mul3A_2209, %unpack3A_2205 : vector<16xf32>
          %add3A_2211 = arith.addf %add3A_2107, %mul3A_2210 : vector<16xf32>
          %get3A_2212 = arith.index_cast %squeeze3A_2198 : i32 to index
          %get3A_2213 = arith.constant 32 : index
          %get3A_2214 = tpu.vector_load %arg14[%get3A_2212, %get3A_2213] {strides = array<i32>} : memref<196x64xbf16, #tpu.memory_space<vmem>>, vector<32xbf16>,
          %unpack3A_2215 = tpu.unpack_subelements %get3A_2214, 0 {pack_format = #tpu.pack_format<interleaved>} : vector<32xbf16> -> vector<16xf32>
          %unpack3A_2216 = tpu.unpack_subelements %get3A_2214, 1 {pack_format = #tpu.pack_format<interleaved>} : vector<32xbf16> -> vector<16xf32>
          %mul3A_2217 = vector.broadcast %squeeze3A_2200 : f32 to vector<16xf32>
          %mul3A_2218 = arith.mulf %mul3A_2217, %unpack3A_2215 : vector<16xf32>
          %add3A_2219 = arith.addf %add3A_2115, %mul3A_2218 : vector<16xf32>
          %mul3A_2220 = vector.broadcast %squeeze3A_2200 : f32 to vector<16xf32>
          %mul3A_2221 = arith.mulf %mul3A_2220, %unpack3A_2216 : vector<16xf32>
          %add3A_2222 = arith.addf %add3A_2118, %mul3A_2221 : vector<16xf32>
          %mul3A_2223 = arith.mulf %add3A_2130, %div3A_1129 : vector<16xf32>
          %mul3A_2224 = arith.mulf %add3A_2133, %div3A_1129 : vector<16xf32>
          %mul3A_2225 = arith.mulf %add3A_2141, %div3A_1129 : vector<16xf32>
          %mul3A_2226 = arith.mulf %add3A_2144, %div3A_1129 : vector<16xf32>
          %mul3A_2227 = arith.mulf %add3A_2156, %div3A_1137 : vector<16xf32>
          %mul3A_2228 = arith.mulf %add3A_2159, %div3A_1137 : vector<16xf32>
          %mul3A_2229 = arith.mulf %add3A_2167, %div3A_1137 : vector<16xf32>
          %mul3A_2230 = arith.mulf %add3A_2170, %div3A_1137 : vector<16xf32>
          %mul3A_2231 = arith.mulf %add3A_2182, %div3A_1145 : vector<16xf32>
          %mul3A_2232 = arith.mulf %add3A_2185, %div3A_1145 : vector<16xf32>
          %mul3A_2233 = arith.mulf %add3A_2193, %div3A_1145 : vector<16xf32>
          %mul3A_2234 = arith.mulf %add3A_2196, %div3A_1145 : vector<16xf32>
          %mul3A_2235 = arith.mulf %add3A_2208, %div3A_1153 : vector<16xf32>
          %mul3A_2236 = arith.mulf %add3A_2211, %div3A_1153 : vector<16xf32>
          %mul3A_2237 = arith.mulf %add3A_2219, %div3A_1153 : vector<16xf32>
          %mul3A_2238 = arith.mulf %add3A_2222, %div3A_1153 : vector<16xf32>
          %sub3A_2239 = arith.subf %mul3A_2223, %mul3A_2227 : vector<16xf32>
          %sub3A_2240 = arith.subf %mul3A_2231, %mul3A_2235 : vector<16xf32>
          %mul3A_2241 = arith.mulf %sub3A_2239, %sub3A_2239 : vector<16xf32>
          %add3A_2242 = arith.addf %scan3A_195, %mul3A_2241 : vector<16xf32>
          %mul3A_2243 = arith.mulf %sub3A_2240, %sub3A_2240 : vector<16xf32>
          %add3A_2244 = arith.addf %add3A_2242, %mul3A_2243 : vector<16xf32>
          %sub3A_2245 = arith.subf %mul3A_2224, %mul3A_2228 : vector<16xf32>
          %sub3A_2246 = arith.subf %mul3A_2232, %mul3A_2236 : vector<16xf32>
          %mul3A_2247 = arith.mulf %sub3A_2245, %sub3A_2245 : vector<16xf32>
          %add3A_2248 = arith.addf %add3A_2244, %mul3A_2247 : vector<16xf32>
          %mul3A_2249 = arith.mulf %sub3A_2246, %sub3A_2246 : vector<16xf32>
          %add3A_2250 = arith.addf %add3A_2248, %mul3A_2249 : vector<16xf32>
          %sub3A_2251 = arith.subf %mul3A_2225, %mul3A_2229 : vector<16xf32>
          %sub3A_2252 = arith.subf %mul3A_2233, %mul3A_2237 : vector<16xf32>
          %mul3A_2253 = arith.mulf %sub3A_2251, %sub3A_2251 : vector<16xf32>
          %add3A_2254 = arith.addf %add3A_2250, %mul3A_2253 : vector<16xf32>
          %mul3A_2255 = arith.mulf %sub3A_2252, %sub3A_2252 : vector<16xf32>
          %add3A_2256 = arith.addf %add3A_2254, %mul3A_2255 : vector<16xf32>
          %sub3A_2257 = arith.subf %mul3A_2226, %mul3A_2230 : vector<16xf32>
          %sub3A_2258 = arith.subf %mul3A_2234, %mul3A_2238 : vector<16xf32>
          %mul3A_2259 = arith.mulf %sub3A_2257, %sub3A_2257 : vector<16xf32>
          %add3A_2260 = arith.addf %add3A_2256, %mul3A_2259 : vector<16xf32>
          %mul3A_2261 = arith.mulf %sub3A_2258, %sub3A_2258 : vector<16xf32>
          %add3A_2262 = arith.addf %add3A_2260, %mul3A_2261 : vector<16xf32>
          scf.yield %add3A_2262 : vector<16xf32>
        }
        %scan3A_162 = arith.constant 28 : i32
        %lt3A_163 = arith.constant 13 : i32
        %lt3A_164 = arith.cmpi slt, %scan3A_116, %lt3A_163 : i32
        %convert_element_type3A = arith.extui %lt3A_164 : i1 to i32
        %cond3A = arith.constant 0 : i32
        %cond3A_165 = arith.cmpi ne, %convert_element_type3A, %cond3A : i32
        scf.if %cond3A_165 {
          %mul3A_194 = arith.constant 2 : i32
          %mul3A_195 = arith.muli %mul3A_194, %scan3A_116 : i32
          %add3A_196 = arith.constant 2 : i32
          %add3A_197 = arith.addi %mul3A_195, %add3A_196 : i32
          %mul3A_198 = arith.constant 28 : i32
          %mul3A_199 = arith.muli %add3A_197, %mul3A_198 : i32
          %add3A_200 = arith.addi %mul3A_84, %mul3A_199 : i32
          %dma_start3A_201 = tpu.memref_slice %arg2[%select_n3A, %add3A_200, %mul3A_86] : memref<12x1568x1568xf32, #tpu.memory_space<hbm>> -> memref<1x28x392xf32, #tpu.memory_space<hbm>>
          %dma_start3A_202 = tpu.memref_squeeze %dma_start3A_201 : memref<1x28x392xf32, #tpu.memory_space<hbm>> -> memref<28x392xf32, #tpu.memory_space<hbm>>
          %dma_start3A_203 = tpu.memref_slice %arg2[%select_n3A, %add3A_200, %mul3A_86] : memref<12x1568x1568xf32, #tpu.memory_space<hbm>> -> memref<1x28x392xf32, #tpu.memory_space<hbm>>
          %dma_start3A_204 = tpu.memref_squeeze %dma_start3A_203 : memref<1x28x392xf32, #tpu.memory_space<hbm>> -> memref<28x392xf32, #tpu.memory_space<hbm>>
          tpu.enqueue_dma source(%dma_start3A_204 : memref<28x392xf32, #tpu.memory_space<hbm>>) target(%arg7 : memref<28x392xf32, #tpu.memory_space<vmem>>) target_semaphore(%arg16 : memref<!tpu.dma_semaphore, #tpu.memory_space<semaphore_mem>>)
          %mul3A_205 = arith.constant 2 : i32
          %mul3A_206 = arith.muli %mul3A_205, %scan3A_116 : i32
          %add3A_207 = arith.constant 2 : i32
          %add3A_208 = arith.addi %mul3A_206, %add3A_207 : i32
          %mul3A_209 = arith.constant 28 : i32
          %mul3A_210 = arith.muli %add3A_208, %mul3A_209 : i32
          %add3A_211 = arith.addi %mul3A_84, %mul3A_210 : i32
          %dma_start3A_212 = tpu.memref_slice %arg3[%select_n3A, %add3A_211, %mul3A_86] : memref<12x1568x1568xf32, #tpu.memory_space<hbm>> -> memref<1x28x392xf32, #tpu.memory_space<hbm>>
          %dma_start3A_213 = tpu.memref_squeeze %dma_start3A_212 : memref<1x28x392xf32, #tpu.memory_space<hbm>> -> memref<28x392xf32, #tpu.memory_space<hbm>>
          %dma_start3A_214 = tpu.memref_slice %arg3[%select_n3A, %add3A_211, %mul3A_86] : memref<12x1568x1568xf32, #tpu.memory_space<hbm>> -> memref<1x28x392xf32, #tpu.memory_space<hbm>>
          %dma_start3A_215 = tpu.memref_squeeze %dma_start3A_214 : memref<1x28x392xf32, #tpu.memory_space<hbm>> -> memref<28x392xf32, #tpu.memory_space<hbm>>
          tpu.enqueue_dma source(%dma_start3A_215 : memref<28x392xf32, #tpu.memory_space<hbm>>) target(%arg9 : memref<28x392xf32, #tpu.memory_space<vmem>>) target_semaphore(%arg18 : memref<!tpu.dma_semaphore, #tpu.memory_space<semaphore_mem>>)
        } else {
        }
        %mul3A_166 = arith.constant 2 : i32
        %mul3A_167 = arith.muli %mul3A_166, %scan3A_116 : i32
        %add3A_168 = arith.constant 1 : i32
        %add3A_169 = arith.addi %mul3A_167, %add3A_168 : i32
        %mul3A_170 = arith.constant 28 : i32
        %mul3A_171 = arith.muli %add3A_169, %mul3A_170 : i32
        %add3A_172 = arith.addi %mul3A_84, %mul3A_171 : i32
        %dma_wait3A_173 = tpu.memref_slice %arg2[%select_n3A, %add3A_172, %mul3A_86] : memref<12x1568x1568xf32, #tpu.memory_space<hbm>> -> memref<1x28x392xf32, #tpu.memory_space<hbm>>
        %dma_wait3A_174 = tpu.memref_squeeze %dma_wait3A_173 : memref<1x28x392xf32, #tpu.memory_space<hbm>> -> memref<28x392xf32, #tpu.memory_space<hbm>>
        %dma_wait3A_175 = tpu.memref_slice %arg2[%select_n3A, %add3A_172, %mul3A_86] : memref<12x1568x1568xf32, #tpu.memory_space<hbm>> -> memref<1x28x392xf32, #tpu.memory_space<hbm>>
        %dma_wait3A_176 = tpu.memref_squeeze %dma_wait3A_175 : memref<1x28x392xf32, #tpu.memory_space<hbm>> -> memref<28x392xf32, #tpu.memory_space<hbm>>
        tpu.wait_dma2 semaphore(%arg17 : memref<!tpu.dma_semaphore, #tpu.memory_space<semaphore_mem>>) src(%dma_wait3A_176 : memref<28x392xf32, #tpu.memory_space<hbm>>) dst(%arg8 : memref<28x392xf32, #tpu.memory_space<vmem>>)
        %mul3A_177 = arith.constant 2 : i32
        %mul3A_178 = arith.muli %mul3A_177, %scan3A_116 : i32
        %add3A_179 = arith.constant 1 : i32
        %add3A_180 = arith.addi %mul3A_178, %add3A_179 : i32
        %mul3A_181 = arith.constant 28 : i32
        %mul3A_182 = arith.muli %add3A_180, %mul3A_181 : i32
        %add3A_183 = arith.addi %mul3A_84, %mul3A_182 : i32
        %dma_wait3A_184 = tpu.memref_slice %arg3[%select_n3A, %add3A_183, %mul3A_86] : memref<12x1568x1568xf32, #tpu.memory_space<hbm>> -> memref<1x28x392xf32, #tpu.memory_space<hbm>>
        %dma_wait3A_185 = tpu.memref_squeeze %dma_wait3A_184 : memref<1x28x392xf32, #tpu.memory_space<hbm>> -> memref<28x392xf32, #tpu.memory_space<hbm>>
        %dma_wait3A_186 = tpu.memref_slice %arg3[%select_n3A, %add3A_183, %mul3A_86] : memref<12x1568x1568xf32, #tpu.memory_space<hbm>> -> memref<1x28x392xf32, #tpu.memory_space<hbm>>
        %dma_wait3A_187 = tpu.memref_squeeze %dma_wait3A_186 : memref<1x28x392xf32, #tpu.memory_space<hbm>> -> memref<28x392xf32, #tpu.memory_space<hbm>>
        tpu.wait_dma2 semaphore(%arg19 : memref<!tpu.dma_semaphore, #tpu.memory_space<semaphore_mem>>) src(%dma_wait3A_187 : memref<28x392xf32, #tpu.memory_space<hbm>>) dst(%arg10 : memref<28x392xf32, #tpu.memory_space<vmem>>)
        %scan3A_188 = arith.constant 0 : i32
        %scan3A_189 = arith.constant 28 : i32
        %scan3A_190 = arith.addi %scan3A_188, %scan3A_189 : i32
        %scan3A_191 = arith.constant 1 : i32
        %scan3A_192 = scf.for %scan3A_194 = %scan3A_188 to %scan3A_190 step %scan3A_191 iter_args(%scan3A_195 = %scan3A_161) -> (vector<16xf32>)  : i32 {
          %iota3A = tpu.iota {dimensions = array<i32: 0>} : vector<16xi32>
          %get3A = arith.index_cast %scan3A_194 : i32 to index
          %get3A_196 = arith.constant 0 : index
          %get3A_197 = tpu.vector_load %arg8[%get3A, %get3A_196] {strides = array<i32>} : memref<28x392xf32, #tpu.memory_space<vmem>>, vector<16xf32>,
          %add3A_198 = arith.constant 0 : i32
          %add3A_199 = vector.broadcast %add3A_198 : i32 to vector<16xi32>
          %add3A_200 = arith.addi %iota3A, %add3A_199 : vector<16xi32>
          %masked_sort3A = arith.constant dense<true> : vector<16xi1>
          %masked_sort3A_201, %masked_sort3A_202, %masked_sort3A_203 = tpu.sort %get3A_197, %add3A_200 masked %masked_sort3A {descending = true} : (vector<16xf32>, vector<16xi32>, vector<16xi1>) -> (vector<16xi1>, vector<16xf32>, vector<16xi32>)
          %get3A_204 = arith.index_cast %scan3A_194 : i32 to index
          %get3A_205 = arith.constant 16 : index
          %get3A_206 = tpu.vector_load %arg8[%get3A_204, %get3A_205] {strides = array<i32>} : memref<28x392xf32, #tpu.memory_space<vmem>>, vector<16xf32>,
          %add3A_207 = arith.constant 16 : i32
          %add3A_208 = vector.broadcast %add3A_207 : i32 to vector<16xi32>
          %add3A_209 = arith.addi %iota3A, %add3A_208 : vector<16xi32>
          %masked_sort3A_210 = arith.constant dense<true> : vector<16xi1>
          %masked_sort3A_211, %masked_sort3A_212, %masked_sort3A_213 = tpu.sort %get3A_206, %add3A_209 masked %masked_sort3A_210 : (vector<16xf32>, vector<16xi32>, vector<16xi1>) -> (vector<16xi1>, vector<16xf32>, vector<16xi32>)
          %get3A_214 = arith.index_cast %scan3A_194 : i32 to index
          %get3A_215 = arith.constant 32 : index
          %get3A_216 = tpu.vector_load %arg8[%get3A_214, %get3A_215] {strides = array<i32>} : memref<28x392xf32, #tpu.memory_space<vmem>>, vector<16xf32>,
          %add3A_217 = arith.constant 32 : i32
          %add3A_218 = vector.broadcast %add3A_217 : i32 to vector<16xi32>
          %add3A_219 = arith.addi %iota3A, %add3A_218 : vector<16xi32>
          %masked_sort3A_220 = arith.constant dense<true> : vector<16xi1>
          %masked_sort3A_221, %masked_sort3A_222, %masked_sort3A_223 = tpu.sort %get3A_216, %add3A_219 masked %masked_sort3A_220 : (vector<16xf32>, vector<16xi32>, vector<16xi1>) -> (vector<16xi1>, vector<16xf32>, vector<16xi32>)
          %get3A_224 = arith.index_cast %scan3A_194 : i32 to index
          %get3A_225 = arith.constant 48 : index
          %get3A_226 = tpu.vector_load %arg8[%get3A_224, %get3A_225] {strides = array<i32>} : memref<28x392xf32, #tpu.memory_space<vmem>>, vector<16xf32>,
          %add3A_227 = arith.constant 48 : i32
          %add3A_228 = vector.broadcast %add3A_227 : i32 to vector<16xi32>
          %add3A_229 = arith.addi %iota3A, %add3A_228 : vector<16xi32>
          %masked_sort3A_230 = arith.constant dense<true> : vector<16xi1>
          %masked_sort3A_231, %masked_sort3A_232, %masked_sort3A_233 = tpu.sort %get3A_226, %add3A_229 masked %masked_sort3A_230 {descending = true} : (vector<16xf32>, vector<16xi32>, vector<16xi1>) -> (vector<16xi1>, vector<16xf32>, vector<16xi32>)
          %get3A_234 = arith.index_cast %scan3A_194 : i32 to index
          %get3A_235 = arith.constant 64 : index
          %get3A_236 = tpu.vector_load %arg8[%get3A_234, %get3A_235] {strides = array<i32>} : memref<28x392xf32, #tpu.memory_space<vmem>>, vector<16xf32>,
          %add3A_237 = arith.constant 64 : i32
          %add3A_238 = vector.broadcast %add3A_237 : i32 to vector<16xi32>
          %add3A_239 = arith.addi %iota3A, %add3A_238 : vector<16xi32>
          %masked_sort3A_240 = arith.constant dense<true> : vector<16xi1>
          %masked_sort3A_241, %masked_sort3A_242, %masked_sort3A_243 = tpu.sort %get3A_236, %add3A_239 masked %masked_sort3A_240 : (vector<16xf32>, vector<16xi32>, vector<16xi1>) -> (vector<16xi1>, vector<16xf32>, vector<16xi32>)
          %get3A_244 = arith.index_cast %scan3A_194 : i32 to index
          %get3A_245 = arith.constant 80 : index
          %get3A_246 = tpu.vector_load %arg8[%get3A_244, %get3A_245] {strides = array<i32>} : memref<28x392xf32, #tpu.memory_space<vmem>>, vector<16xf32>,
          %add3A_247 = arith.constant 80 : i32
          %add3A_248 = vector.broadcast %add3A_247 : i32 to vector<16xi32>
          %add3A_249 = arith.addi %iota3A, %add3A_248 : vector<16xi32>
          %masked_sort3A_250 = arith.constant dense<true> : vector<16xi1>
          %masked_sort3A_251, %masked_sort3A_252, %masked_sort3A_253 = tpu.sort %get3A_246, %add3A_249 masked %masked_sort3A_250 {descending = true} : (vector<16xf32>, vector<16xi32>, vector<16xi1>) -> (vector<16xi1>, vector<16xf32>, vector<16xi32>)
          %get3A_254 = arith.index_cast %scan3A_194 : i32 to index
          %get3A_255 = arith.constant 96 : index
          %get3A_256 = tpu.vector_load %arg8[%get3A_254, %get3A_255] {strides = array<i32>} : memref<28x392xf32, #tpu.memory_space<vmem>>, vector<16xf32>,
          %add3A_257 = arith.constant 96 : i32
          %add3A_258 = vector.broadcast %add3A_257 : i32 to vector<16xi32>
          %add3A_259 = arith.addi %iota3A, %add3A_258 : vector<16xi32>
          %masked_sort3A_260 = arith.constant dense<true> : vector<16xi1>
          %masked_sort3A_261, %masked_sort3A_262, %masked_sort3A_263 = tpu.sort %get3A_256, %add3A_259 masked %masked_sort3A_260 {descending = true} : (vector<16xf32>, vector<16xi32>, vector<16xi1>) -> (vector<16xi1>, vector<16xf32>, vector<16xi32>)
          %get3A_264 = arith.index_cast %scan3A_194 : i32 to index
          %get3A_265 = arith.constant 112 : index
          %get3A_266 = tpu.vector_load %arg8[%get3A_264, %get3A_265] {strides = array<i32>} : memref<28x392xf32, #tpu.memory_space<vmem>>, vector<16xf32>,
          %add3A_267 = arith.constant 112 : i32
          %add3A_268 = vector.broadcast %add3A_267 : i32 to vector<16xi32>
          %add3A_269 = arith.addi %iota3A, %add3A_268 : vector<16xi32>
          %masked_sort3A_270 = arith.constant dense<true> : vector<16xi1>
          %masked_sort3A_271, %masked_sort3A_272, %masked_sort3A_273 = tpu.sort %get3A_266, %add3A_269 masked %masked_sort3A_270 : (vector<16xf32>, vector<16xi32>, vector<16xi1>) -> (vector<16xi1>, vector<16xf32>, vector<16xi32>)
          %get3A_274 = arith.index_cast %scan3A_194 : i32 to index
          %get3A_275 = arith.constant 128 : index
          %get3A_276 = tpu.vector_load %arg8[%get3A_274, %get3A_275] {strides = array<i32>} : memref<28x392xf32, #tpu.memory_space<vmem>>, vector<16xf32>,
          %add3A_277 = arith.constant 128 : i32
          %add3A_278 = vector.broadcast %add3A_277 : i32 to vector<16xi32>
          %add3A_279 = arith.addi %iota3A, %add3A_278 : vector<16xi32>
          %masked_sort3A_280 = arith.constant dense<true> : vector<16xi1>
          %masked_sort3A_281, %masked_sort3A_282, %masked_sort3A_283 = tpu.sort %get3A_276, %add3A_279 masked %masked_sort3A_280 : (vector<16xf32>, vector<16xi32>, vector<16xi1>) -> (vector<16xi1>, vector<16xf32>, vector<16xi32>)
          %get3A_284 = arith.index_cast %scan3A_194 : i32 to index
          %get3A_285 = arith.constant 144 : index
          %get3A_286 = tpu.vector_load %arg8[%get3A_284, %get3A_285] {strides = array<i32>} : memref<28x392xf32, #tpu.memory_space<vmem>>, vector<16xf32>,
          %add3A_287 = arith.constant 144 : i32
          %add3A_288 = vector.broadcast %add3A_287 : i32 to vector<16xi32>
          %add3A_289 = arith.addi %iota3A, %add3A_288 : vector<16xi32>
          %masked_sort3A_290 = arith.constant dense<true> : vector<16xi1>
          %masked_sort3A_291, %masked_sort3A_292, %masked_sort3A_293 = tpu.sort %get3A_286, %add3A_289 masked %masked_sort3A_290 {descending = true} : (vector<16xf32>, vector<16xi32>, vector<16xi1>) -> (vector<16xi1>, vector<16xf32>, vector<16xi32>)
          %get3A_294 = arith.index_cast %scan3A_194 : i32 to index
          %get3A_295 = arith.constant 160 : index
          %get3A_296 = tpu.vector_load %arg8[%get3A_294, %get3A_295] {strides = array<i32>} : memref<28x392xf32, #tpu.memory_space<vmem>>, vector<16xf32>,
          %add3A_297 = arith.constant 160 : i32
          %add3A_298 = vector.broadcast %add3A_297 : i32 to vector<16xi32>
          %add3A_299 = arith.addi %iota3A, %add3A_298 : vector<16xi32>
          %masked_sort3A_300 = arith.constant dense<true> : vector<16xi1>
          %masked_sort3A_301, %masked_sort3A_302, %masked_sort3A_303 = tpu.sort %get3A_296, %add3A_299 masked %masked_sort3A_300 {descending = true} : (vector<16xf32>, vector<16xi32>, vector<16xi1>) -> (vector<16xi1>, vector<16xf32>, vector<16xi32>)
          %get3A_304 = arith.index_cast %scan3A_194 : i32 to index
          %get3A_305 = arith.constant 176 : index
          %get3A_306 = tpu.vector_load %arg8[%get3A_304, %get3A_305] {strides = array<i32>} : memref<28x392xf32, #tpu.memory_space<vmem>>, vector<16xf32>,
          %add3A_307 = arith.constant 176 : i32
          %add3A_308 = vector.broadcast %add3A_307 : i32 to vector<16xi32>
          %add3A_309 = arith.addi %iota3A, %add3A_308 : vector<16xi32>
          %masked_sort3A_310 = arith.constant dense<true> : vector<16xi1>
          %masked_sort3A_311, %masked_sort3A_312, %masked_sort3A_313 = tpu.sort %get3A_306, %add3A_309 masked %masked_sort3A_310 : (vector<16xf32>, vector<16xi32>, vector<16xi1>) -> (vector<16xi1>, vector<16xf32>, vector<16xi32>)
          %get3A_314 = arith.index_cast %scan3A_194 : i32 to index
          %get3A_315 = arith.constant 196 : index
          %get3A_316 = tpu.vector_load %arg8[%get3A_314, %get3A_315] {strides = array<i32>} : memref<28x392xf32, #tpu.memory_space<vmem>>, vector<16xf32>,
          %add3A_317 = arith.constant 0 : i32
          %add3A_318 = vector.broadcast %add3A_317 : i32 to vector<16xi32>
          %add3A_319 = arith.addi %iota3A, %add3A_318 : vector<16xi32>
          %masked_sort3A_320 = arith.constant dense<true> : vector<16xi1>
          %masked_sort3A_321, %masked_sort3A_322, %masked_sort3A_323 = tpu.sort %get3A_316, %add3A_319 masked %masked_sort3A_320 {descending = true} : (vector<16xf32>, vector<16xi32>, vector<16xi1>) -> (vector<16xi1>, vector<16xf32>, vector<16xi32>)
          %get3A_324 = arith.index_cast %scan3A_194 : i32 to index
          %get3A_325 = arith.constant 212 : index
          %get3A_326 = tpu.vector_load %arg8[%get3A_324, %get3A_325] {strides = array<i32>} : memref<28x392xf32, #tpu.memory_space<vmem>>, vector<16xf32>,
          %add3A_327 = arith.constant 16 : i32
          %add3A_328 = vector.broadcast %add3A_327 : i32 to vector<16xi32>
          %add3A_329 = arith.addi %iota3A, %add3A_328 : vector<16xi32>
          %masked_sort3A_330 = arith.constant dense<true> : vector<16xi1>
          %masked_sort3A_331, %masked_sort3A_332, %masked_sort3A_333 = tpu.sort %get3A_326, %add3A_329 masked %masked_sort3A_330 : (vector<16xf32>, vector<16xi32>, vector<16xi1>) -> (vector<16xi1>, vector<16xf32>, vector<16xi32>)
          %get3A_334 = arith.index_cast %scan3A_194 : i32 to index
          %get3A_335 = arith.constant 228 : index
          %get3A_336 = tpu.vector_load %arg8[%get3A_334, %get3A_335] {strides = array<i32>} : memref<28x392xf32, #tpu.memory_space<vmem>>, vector<16xf32>,
          %add3A_337 = arith.constant 32 : i32
          %add3A_338 = vector.broadcast %add3A_337 : i32 to vector<16xi32>
          %add3A_339 = arith.addi %iota3A, %add3A_338 : vector<16xi32>
          %masked_sort3A_340 = arith.constant dense<true> : vector<16xi1>
          %masked_sort3A_341, %masked_sort3A_342, %masked_sort3A_343 = tpu.sort %get3A_336, %add3A_339 masked %masked_sort3A_340 : (vector<16xf32>, vector<16xi32>, vector<16xi1>) -> (vector<16xi1>, vector<16xf32>, vector<16xi32>)
          %get3A_344 = arith.index_cast %scan3A_194 : i32 to index
          %get3A_345 = arith.constant 244 : index
          %get3A_346 = tpu.vector_load %arg8[%get3A_344, %get3A_345] {strides = array<i32>} : memref<28x392xf32, #tpu.memory_space<vmem>>, vector<16xf32>,
          %add3A_347 = arith.constant 48 : i32
          %add3A_348 = vector.broadcast %add3A_347 : i32 to vector<16xi32>
          %add3A_349 = arith.addi %iota3A, %add3A_348 : vector<16xi32>
          %masked_sort3A_350 = arith.constant dense<true> : vector<16xi1>
          %masked_sort3A_351, %masked_sort3A_352, %masked_sort3A_353 = tpu.sort %get3A_346, %add3A_349 masked %masked_sort3A_350 {descending = true} : (vector<16xf32>, vector<16xi32>, vector<16xi1>) -> (vector<16xi1>, vector<16xf32>, vector<16xi32>)
          %get3A_354 = arith.index_cast %scan3A_194 : i32 to index
          %get3A_355 = arith.constant 260 : index
          %get3A_356 = tpu.vector_load %arg8[%get3A_354, %get3A_355] {strides = array<i32>} : memref<28x392xf32, #tpu.memory_space<vmem>>, vector<16xf32>,
          %add3A_357 = arith.constant 64 : i32
          %add3A_358 = vector.broadcast %add3A_357 : i32 to vector<16xi32>
          %add3A_359 = arith.addi %iota3A, %add3A_358 : vector<16xi32>
          %masked_sort3A_360 = arith.constant dense<true> : vector<16xi1>
          %masked_sort3A_361, %masked_sort3A_362, %masked_sort3A_363 = tpu.sort %get3A_356, %add3A_359 masked %masked_sort3A_360 : (vector<16xf32>, vector<16xi32>, vector<16xi1>) -> (vector<16xi1>, vector<16xf32>, vector<16xi32>)
          %get3A_364 = arith.index_cast %scan3A_194 : i32 to index
          %get3A_365 = arith.constant 276 : index
          %get3A_366 = tpu.vector_load %arg8[%get3A_364, %get3A_365] {strides = array<i32>} : memref<28x392xf32, #tpu.memory_space<vmem>>, vector<16xf32>,
          %add3A_367 = arith.constant 80 : i32
          %add3A_368 = vector.broadcast %add3A_367 : i32 to vector<16xi32>
          %add3A_369 = arith.addi %iota3A, %add3A_368 : vector<16xi32>
          %masked_sort3A_370 = arith.constant dense<true> : vector<16xi1>
          %masked_sort3A_371, %masked_sort3A_372, %masked_sort3A_373 = tpu.sort %get3A_366, %add3A_369 masked %masked_sort3A_370 {descending = true} : (vector<16xf32>, vector<16xi32>, vector<16xi1>) -> (vector<16xi1>, vector<16xf32>, vector<16xi32>)
          %get3A_374 = arith.index_cast %scan3A_194 : i32 to index
          %get3A_375 = arith.constant 292 : index
          %get3A_376 = tpu.vector_load %arg8[%get3A_374, %get3A_375] {strides = array<i32>} : memref<28x392xf32, #tpu.memory_space<vmem>>, vector<16xf32>,
          %add3A_377 = arith.constant 96 : i32
          %add3A_378 = vector.broadcast %add3A_377 : i32 to vector<16xi32>
          %add3A_379 = arith.addi %iota3A, %add3A_378 : vector<16xi32>
          %masked_sort3A_380 = arith.constant dense<true> : vector<16xi1>
          %masked_sort3A_381, %masked_sort3A_382, %masked_sort3A_383 = tpu.sort %get3A_376, %add3A_379 masked %masked_sort3A_380 {descending = true} : (vector<16xf32>, vector<16xi32>, vector<16xi1>) -> (vector<16xi1>, vector<16xf32>, vector<16xi32>)
          %get3A_384 = arith.index_cast %scan3A_194 : i32 to index
          %get3A_385 = arith.constant 308 : index
          %get3A_386 = tpu.vector_load %arg8[%get3A_384, %get3A_385] {strides = array<i32>} : memref<28x392xf32, #tpu.memory_space<vmem>>, vector<16xf32>,
          %add3A_387 = arith.constant 112 : i32
          %add3A_388 = vector.broadcast %add3A_387 : i32 to vector<16xi32>
          %add3A_389 = arith.addi %iota3A, %add3A_388 : vector<16xi32>
          %masked_sort3A_390 = arith.constant dense<true> : vector<16xi1>
          %masked_sort3A_391, %masked_sort3A_392, %masked_sort3A_393 = tpu.sort %get3A_386, %add3A_389 masked %masked_sort3A_390 : (vector<16xf32>, vector<16xi32>, vector<16xi1>) -> (vector<16xi1>, vector<16xf32>, vector<16xi32>)
          %get3A_394 = arith.index_cast %scan3A_194 : i32 to index
          %get3A_395 = arith.constant 324 : index
          %get3A_396 = tpu.vector_load %arg8[%get3A_394, %get3A_395] {strides = array<i32>} : memref<28x392xf32, #tpu.memory_space<vmem>>, vector<16xf32>,
          %add3A_397 = arith.constant 128 : i32
          %add3A_398 = vector.broadcast %add3A_397 : i32 to vector<16xi32>
          %add3A_399 = arith.addi %iota3A, %add3A_398 : vector<16xi32>
          %masked_sort3A_400 = arith.constant dense<true> : vector<16xi1>
          %masked_sort3A_401, %masked_sort3A_402, %masked_sort3A_403 = tpu.sort %get3A_396, %add3A_399 masked %masked_sort3A_400 : (vector<16xf32>, vector<16xi32>, vector<16xi1>) -> (vector<16xi1>, vector<16xf32>, vector<16xi32>)
          %get3A_404 = arith.index_cast %scan3A_194 : i32 to index
          %get3A_405 = arith.constant 340 : index
          %get3A_406 = tpu.vector_load %arg8[%get3A_404, %get3A_405] {strides = array<i32>} : memref<28x392xf32, #tpu.memory_space<vmem>>, vector<16xf32>,
          %add3A_407 = arith.constant 144 : i32
          %add3A_408 = vector.broadcast %add3A_407 : i32 to vector<16xi32>
          %add3A_409 = arith.addi %iota3A, %add3A_408 : vector<16xi32>
          %masked_sort3A_410 = arith.constant dense<true> : vector<16xi1>
          %masked_sort3A_411, %masked_sort3A_412, %masked_sort3A_413 = tpu.sort %get3A_406, %add3A_409 masked %masked_sort3A_410 {descending = true} : (vector<16xf32>, vector<16xi32>, vector<16xi1>) -> (vector<16xi1>, vector<16xf32>, vector<16xi32>)
          %get3A_414 = arith.index_cast %scan3A_194 : i32 to index
          %get3A_415 = arith.constant 356 : index
          %get3A_416 = tpu.vector_load %arg8[%get3A_414, %get3A_415] {strides = array<i32>} : memref<28x392xf32, #tpu.memory_space<vmem>>, vector<16xf32>,
          %add3A_417 = arith.constant 160 : i32
          %add3A_418 = vector.broadcast %add3A_417 : i32 to vector<16xi32>
          %add3A_419 = arith.addi %iota3A, %add3A_418 : vector<16xi32>
          %masked_sort3A_420 = arith.constant dense<true> : vector<16xi1>
          %masked_sort3A_421, %masked_sort3A_422, %masked_sort3A_423 = tpu.sort %get3A_416, %add3A_419 masked %masked_sort3A_420 {descending = true} : (vector<16xf32>, vector<16xi32>, vector<16xi1>) -> (vector<16xi1>, vector<16xf32>, vector<16xi32>)
          %get3A_424 = arith.index_cast %scan3A_194 : i32 to index
          %get3A_425 = arith.constant 372 : index
          %get3A_426 = tpu.vector_load %arg8[%get3A_424, %get3A_425] {strides = array<i32>} : memref<28x392xf32, #tpu.memory_space<vmem>>, vector<16xf32>,
          %add3A_427 = arith.constant 176 : i32
          %add3A_428 = vector.broadcast %add3A_427 : i32 to vector<16xi32>
          %add3A_429 = arith.addi %iota3A, %add3A_428 : vector<16xi32>
          %masked_sort3A_430 = arith.constant dense<true> : vector<16xi1>
          %masked_sort3A_431, %masked_sort3A_432, %masked_sort3A_433 = tpu.sort %get3A_426, %add3A_429 masked %masked_sort3A_430 : (vector<16xf32>, vector<16xi32>, vector<16xi1>) -> (vector<16xi1>, vector<16xf32>, vector<16xi32>)
          %ge3A = arith.cmpf oge, %masked_sort3A_202, %masked_sort3A_212 : vector<16xf32>
          %select_n3A_434 = arith.select %ge3A, %masked_sort3A_202, %masked_sort3A_212 : vector<16xi1>, vector<16xf32>
          %select_n3A_435 = arith.select %ge3A, %masked_sort3A_203, %masked_sort3A_213 : vector<16xi1>, vector<16xi32>
          %masked_sort3A_436 = arith.constant dense<true> : vector<16xi1>
          %masked_sort3A_437, %masked_sort3A_438, %masked_sort3A_439 = tpu.sort %select_n3A_434, %select_n3A_435 masked %masked_sort3A_436 {descending = true} : (vector<16xf32>, vector<16xi32>, vector<16xi1>) -> (vector<16xi1>, vector<16xf32>, vector<16xi32>)
          %ge3A_440 = arith.cmpf oge, %masked_sort3A_222, %masked_sort3A_232 : vector<16xf32>
          %select_n3A_441 = arith.select %ge3A_440, %masked_sort3A_222, %masked_sort3A_232 : vector<16xi1>, vector<16xf32>
          %select_n3A_442 = arith.select %ge3A_440, %masked_sort3A_223, %masked_sort3A_233 : vector<16xi1>, vector<16xi32>
          %masked_sort3A_443 = arith.constant dense<true> : vector<16xi1>
          %masked_sort3A_444, %masked_sort3A_445, %masked_sort3A_446 = tpu.sort %select_n3A_441, %select_n3A_442 masked %masked_sort3A_443 : (vector<16xf32>, vector<16xi32>, vector<16xi1>) -> (vector<16xi1>, vector<16xf32>, vector<16xi32>)
          %ge3A_447 = arith.cmpf oge, %masked_sort3A_242, %masked_sort3A_252 : vector<16xf32>
          %select_n3A_448 = arith.select %ge3A_447, %masked_sort3A_242, %masked_sort3A_252 : vector<16xi1>, vector<16xf32>
          %select_n3A_449 = arith.select %ge3A_447, %masked_sort3A_243, %masked_sort3A_253 : vector<16xi1>, vector<16xi32>
          %masked_sort3A_450 = arith.constant dense<true> : vector<16xi1>
          %masked_sort3A_451, %masked_sort3A_452, %masked_sort3A_453 = tpu.sort %select_n3A_448, %select_n3A_449 masked %masked_sort3A_450 : (vector<16xf32>, vector<16xi32>, vector<16xi1>) -> (vector<16xi1>, vector<16xf32>, vector<16xi32>)
          %ge3A_454 = arith.cmpf oge, %masked_sort3A_262, %masked_sort3A_272 : vector<16xf32>
          %select_n3A_455 = arith.select %ge3A_454, %masked_sort3A_262, %masked_sort3A_272 : vector<16xi1>, vector<16xf32>
          %select_n3A_456 = arith.select %ge3A_454, %masked_sort3A_263, %masked_sort3A_273 : vector<16xi1>, vector<16xi32>
          %masked_sort3A_457 = arith.constant dense<true> : vector<16xi1>
          %masked_sort3A_458, %masked_sort3A_459, %masked_sort3A_460 = tpu.sort %select_n3A_455, %select_n3A_456 masked %masked_sort3A_457 {descending = true} : (vector<16xf32>, vector<16xi32>, vector<16xi1>) -> (vector<16xi1>, vector<16xf32>, vector<16xi32>)
          %ge3A_461 = arith.cmpf oge, %masked_sort3A_282, %masked_sort3A_292 : vector<16xf32>
          %select_n3A_462 = arith.select %ge3A_461, %masked_sort3A_282, %masked_sort3A_292 : vector<16xi1>, vector<16xf32>
          %select_n3A_463 = arith.select %ge3A_461, %masked_sort3A_283, %masked_sort3A_293 : vector<16xi1>, vector<16xi32>
          %masked_sort3A_464 = arith.constant dense<true> : vector<16xi1>
          %masked_sort3A_465, %masked_sort3A_466, %masked_sort3A_467 = tpu.sort %select_n3A_462, %select_n3A_463 masked %masked_sort3A_464 : (vector<16xf32>, vector<16xi32>, vector<16xi1>) -> (vector<16xi1>, vector<16xf32>, vector<16xi32>)
          %ge3A_468 = arith.cmpf oge, %masked_sort3A_302, %masked_sort3A_312 : vector<16xf32>
          %select_n3A_469 = arith.select %ge3A_468, %masked_sort3A_302, %masked_sort3A_312 : vector<16xi1>, vector<16xf32>
          %select_n3A_470 = arith.select %ge3A_468, %masked_sort3A_303, %masked_sort3A_313 : vector<16xi1>, vector<16xi32>
          %masked_sort3A_471 = arith.constant dense<true> : vector<16xi1>
          %masked_sort3A_472, %masked_sort3A_473, %masked_sort3A_474 = tpu.sort %select_n3A_469, %select_n3A_470 masked %masked_sort3A_471 {descending = true} : (vector<16xf32>, vector<16xi32>, vector<16xi1>) -> (vector<16xi1>, vector<16xf32>, vector<16xi32>)
          %ge3A_475 = arith.cmpf oge, %masked_sort3A_322, %masked_sort3A_332 : vector<16xf32>
          %select_n3A_476 = arith.select %ge3A_475, %masked_sort3A_322, %masked_sort3A_332 : vector<16xi1>, vector<16xf32>
          %select_n3A_477 = arith.select %ge3A_475, %masked_sort3A_323, %masked_sort3A_333 : vector<16xi1>, vector<16xi32>
          %masked_sort3A_478 = arith.constant dense<true> : vector<16xi1>
          %masked_sort3A_479, %masked_sort3A_480, %masked_sort3A_481 = tpu.sort %select_n3A_476, %select_n3A_477 masked %masked_sort3A_478 {descending = true} : (vector<16xf32>, vector<16xi32>, vector<16xi1>) -> (vector<16xi1>, vector<16xf32>, vector<16xi32>)
          %ge3A_482 = arith.cmpf oge, %masked_sort3A_342, %masked_sort3A_352 : vector<16xf32>
          %select_n3A_483 = arith.select %ge3A_482, %masked_sort3A_342, %masked_sort3A_352 : vector<16xi1>, vector<16xf32>
          %select_n3A_484 = arith.select %ge3A_482, %masked_sort3A_343, %masked_sort3A_353 : vector<16xi1>, vector<16xi32>
          %masked_sort3A_485 = arith.constant dense<true> : vector<16xi1>
          %masked_sort3A_486, %masked_sort3A_487, %masked_sort3A_488 = tpu.sort %select_n3A_483, %select_n3A_484 masked %masked_sort3A_485 : (vector<16xf32>, vector<16xi32>, vector<16xi1>) -> (vector<16xi1>, vector<16xf32>, vector<16xi32>)
          %ge3A_489 = arith.cmpf oge, %masked_sort3A_362, %masked_sort3A_372 : vector<16xf32>
          %select_n3A_490 = arith.select %ge3A_489, %masked_sort3A_362, %masked_sort3A_372 : vector<16xi1>, vector<16xf32>
          %select_n3A_491 = arith.select %ge3A_489, %masked_sort3A_363, %masked_sort3A_373 : vector<16xi1>, vector<16xi32>
          %masked_sort3A_492 = arith.constant dense<true> : vector<16xi1>
          %masked_sort3A_493, %masked_sort3A_494, %masked_sort3A_495 = tpu.sort %select_n3A_490, %select_n3A_491 masked %masked_sort3A_492 : (vector<16xf32>, vector<16xi32>, vector<16xi1>) -> (vector<16xi1>, vector<16xf32>, vector<16xi32>)
          %ge3A_496 = arith.cmpf oge, %masked_sort3A_382, %masked_sort3A_392 : vector<16xf32>
          %select_n3A_497 = arith.select %ge3A_496, %masked_sort3A_382, %masked_sort3A_392 : vector<16xi1>, vector<16xf32>
          %select_n3A_498 = arith.select %ge3A_496, %masked_sort3A_383, %masked_sort3A_393 : vector<16xi1>, vector<16xi32>
          %masked_sort3A_499 = arith.constant dense<true> : vector<16xi1>
          %masked_sort3A_500, %masked_sort3A_501, %masked_sort3A_502 = tpu.sort %select_n3A_497, %select_n3A_498 masked %masked_sort3A_499 {descending = true} : (vector<16xf32>, vector<16xi32>, vector<16xi1>) -> (vector<16xi1>, vector<16xf32>, vector<16xi32>)
          %ge3A_503 = arith.cmpf oge, %masked_sort3A_402, %masked_sort3A_412 : vector<16xf32>
          %select_n3A_504 = arith.select %ge3A_503, %masked_sort3A_402, %masked_sort3A_412 : vector<16xi1>, vector<16xf32>
          %select_n3A_505 = arith.select %ge3A_503, %masked_sort3A_403, %masked_sort3A_413 : vector<16xi1>, vector<16xi32>
          %masked_sort3A_506 = arith.constant dense<true> : vector<16xi1>
          %masked_sort3A_507, %masked_sort3A_508, %masked_sort3A_509 = tpu.sort %select_n3A_504, %select_n3A_505 masked %masked_sort3A_506 : (vector<16xf32>, vector<16xi32>, vector<16xi1>) -> (vector<16xi1>, vector<16xf32>, vector<16xi32>)
          %ge3A_510 = arith.cmpf oge, %masked_sort3A_422, %masked_sort3A_432 : vector<16xf32>
          %select_n3A_511 = arith.select %ge3A_510, %masked_sort3A_422, %masked_sort3A_432 : vector<16xi1>, vector<16xf32>
          %select_n3A_512 = arith.select %ge3A_510, %masked_sort3A_423, %masked_sort3A_433 : vector<16xi1>, vector<16xi32>
          %masked_sort3A_513 = arith.constant dense<true> : vector<16xi1>
          %masked_sort3A_514, %masked_sort3A_515, %masked_sort3A_516 = tpu.sort %select_n3A_511, %select_n3A_512 masked %masked_sort3A_513 {descending = true} : (vector<16xf32>, vector<16xi32>, vector<16xi1>) -> (vector<16xi1>, vector<16xf32>, vector<16xi32>)
          %ge3A_517 = arith.cmpf oge, %masked_sort3A_438, %masked_sort3A_445 : vector<16xf32>
          %select_n3A_518 = arith.select %ge3A_517, %masked_sort3A_438, %masked_sort3A_445 : vector<16xi1>, vector<16xf32>
          %select_n3A_519 = arith.select %ge3A_517, %masked_sort3A_439, %masked_sort3A_446 : vector<16xi1>, vector<16xi32>
          %masked_sort3A_520 = arith.constant dense<true> : vector<16xi1>
          %masked_sort3A_521, %masked_sort3A_522, %masked_sort3A_523 = tpu.sort %select_n3A_518, %select_n3A_519 masked %masked_sort3A_520 {descending = true} : (vector<16xf32>, vector<16xi32>, vector<16xi1>) -> (vector<16xi1>, vector<16xf32>, vector<16xi32>)
          %ge3A_524 = arith.cmpf oge, %masked_sort3A_452, %masked_sort3A_459 : vector<16xf32>
          %select_n3A_525 = arith.select %ge3A_524, %masked_sort3A_452, %masked_sort3A_459 : vector<16xi1>, vector<16xf32>
          %select_n3A_526 = arith.select %ge3A_524, %masked_sort3A_453, %masked_sort3A_460 : vector<16xi1>, vector<16xi32>
          %masked_sort3A_527 = arith.constant dense<true> : vector<16xi1>
          %masked_sort3A_528, %masked_sort3A_529, %masked_sort3A_530 = tpu.sort %select_n3A_525, %select_n3A_526 masked %masked_sort3A_527 : (vector<16xf32>, vector<16xi32>, vector<16xi1>) -> (vector<16xi1>, vector<16xf32>, vector<16xi32>)
          %ge3A_531 = arith.cmpf oge, %masked_sort3A_466, %masked_sort3A_473 : vector<16xf32>
          %select_n3A_532 = arith.select %ge3A_531, %masked_sort3A_466, %masked_sort3A_473 : vector<16xi1>, vector<16xf32>
          %select_n3A_533 = arith.select %ge3A_531, %masked_sort3A_467, %masked_sort3A_474 : vector<16xi1>, vector<16xi32>
          %masked_sort3A_534 = arith.constant dense<true> : vector<16xi1>
          %masked_sort3A_535, %masked_sort3A_536, %masked_sort3A_537 = tpu.sort %select_n3A_532, %select_n3A_533 masked %masked_sort3A_534 : (vector<16xf32>, vector<16xi32>, vector<16xi1>) -> (vector<16xi1>, vector<16xf32>, vector<16xi32>)
          %get3A_538 = arith.index_cast %scan3A_194 : i32 to index
          %get3A_539 = arith.constant 180 : index
          %get3A_540 = tpu.vector_load %arg8[%get3A_538, %get3A_539] {strides = array<i32>} : memref<28x392xf32, #tpu.memory_space<vmem>>, vector<16xf32>,
          %add3A_541 = arith.constant 180 : i32
          %add3A_542 = vector.broadcast %add3A_541 : i32 to vector<16xi32>
          %add3A_543 = arith.addi %iota3A, %add3A_542 : vector<16xi32>
          %ge3A_544 = arith.constant 12 : i32
          %ge3A_545 = vector.broadcast %ge3A_544 : i32 to vector<16xi32>
          %ge3A_546 = arith.cmpi sge, %iota3A, %ge3A_545 : vector<16xi32>
          %jit3A_547 = arith.constant -3.400000e+38 : f32
          %broadcast_in_dim3A_548 = vector.broadcast %jit3A_547 : f32 to vector<16xf32>
          %select_n3A_549 = arith.select %ge3A_546, %get3A_540, %broadcast_in_dim3A_548 : vector<16xi1>, vector<16xf32>
          %masked_sort3A_550 = arith.constant dense<true> : vector<16xi1>
          %masked_sort3A_551, %masked_sort3A_552, %masked_sort3A_553 = tpu.sort %select_n3A_549, %add3A_543 masked %masked_sort3A_550 {descending = true} : (vector<16xf32>, vector<16xi32>, vector<16xi1>) -> (vector<16xi1>, vector<16xf32>, vector<16xi32>)
          %ge3A_554 = arith.cmpf oge, %masked_sort3A_480, %masked_sort3A_487 : vector<16xf32>
          %select_n3A_555 = arith.select %ge3A_554, %masked_sort3A_480, %masked_sort3A_487 : vector<16xi1>, vector<16xf32>
          %select_n3A_556 = arith.select %ge3A_554, %masked_sort3A_481, %masked_sort3A_488 : vector<16xi1>, vector<16xi32>
          %masked_sort3A_557 = arith.constant dense<true> : vector<16xi1>
          %masked_sort3A_558, %masked_sort3A_559, %masked_sort3A_560 = tpu.sort %select_n3A_555, %select_n3A_556 masked %masked_sort3A_557 {descending = true} : (vector<16xf32>, vector<16xi32>, vector<16xi1>) -> (vector<16xi1>, vector<16xf32>, vector<16xi32>)
          %ge3A_561 = arith.cmpf oge, %masked_sort3A_494, %masked_sort3A_501 : vector<16xf32>
          %select_n3A_562 = arith.select %ge3A_561, %masked_sort3A_494, %masked_sort3A_501 : vector<16xi1>, vector<16xf32>
          %select_n3A_563 = arith.select %ge3A_561, %masked_sort3A_495, %masked_sort3A_502 : vector<16xi1>, vector<16xi32>
          %masked_sort3A_564 = arith.constant dense<true> : vector<16xi1>
          %masked_sort3A_565, %masked_sort3A_566, %masked_sort3A_567 = tpu.sort %select_n3A_562, %select_n3A_563 masked %masked_sort3A_564 : (vector<16xf32>, vector<16xi32>, vector<16xi1>) -> (vector<16xi1>, vector<16xf32>, vector<16xi32>)
          %ge3A_568 = arith.cmpf oge, %masked_sort3A_508, %masked_sort3A_515 : vector<16xf32>
          %select_n3A_569 = arith.select %ge3A_568, %masked_sort3A_508, %masked_sort3A_515 : vector<16xi1>, vector<16xf32>
          %select_n3A_570 = arith.select %ge3A_568, %masked_sort3A_509, %masked_sort3A_516 : vector<16xi1>, vector<16xi32>
          %masked_sort3A_571 = arith.constant dense<true> : vector<16xi1>
          %masked_sort3A_572, %masked_sort3A_573, %masked_sort3A_574 = tpu.sort %select_n3A_569, %select_n3A_570 masked %masked_sort3A_571 : (vector<16xf32>, vector<16xi32>, vector<16xi1>) -> (vector<16xi1>, vector<16xf32>, vector<16xi32>)
          %get3A_575 = arith.index_cast %scan3A_194 : i32 to index
          %get3A_576 = arith.constant 376 : index
          %get3A_577 = tpu.vector_load %arg8[%get3A_575, %get3A_576] {strides = array<i32>} : memref<28x392xf32, #tpu.memory_space<vmem>>, vector<16xf32>,
          %add3A_578 = arith.constant 180 : i32
          %add3A_579 = vector.broadcast %add3A_578 : i32 to vector<16xi32>
          %add3A_580 = arith.addi %iota3A, %add3A_579 : vector<16xi32>
          %ge3A_581 = arith.constant 12 : i32
          %ge3A_582 = vector.broadcast %ge3A_581 : i32 to vector<16xi32>
          %ge3A_583 = arith.cmpi sge, %iota3A, %ge3A_582 : vector<16xi32>
          %jit3A_584 = arith.constant -3.400000e+38 : f32
          %broadcast_in_dim3A_585 = vector.broadcast %jit3A_584 : f32 to vector<16xf32>
          %select_n3A_586 = arith.select %ge3A_583, %get3A_577, %broadcast_in_dim3A_585 : vector<16xi1>, vector<16xf32>
          %masked_sort3A_587 = arith.constant dense<true> : vector<16xi1>
          %masked_sort3A_588, %masked_sort3A_589, %masked_sort3A_590 = tpu.sort %select_n3A_586, %add3A_580 masked %masked_sort3A_587 {descending = true} : (vector<16xf32>, vector<16xi32>, vector<16xi1>) -> (vector<16xi1>, vector<16xf32>, vector<16xi32>)
          %get3A_591 = arith.index_cast %scan3A_194 : i32 to index
          %get3A_592 = arith.constant 0 : index
          %get3A_593 = tpu.vector_load %arg10[%get3A_591, %get3A_592] {strides = array<i32>} : memref<28x392xf32, #tpu.memory_space<vmem>>, vector<16xf32>,
          %add3A_594 = arith.constant 0 : i32
          %add3A_595 = vector.broadcast %add3A_594 : i32 to vector<16xi32>
          %add3A_596 = arith.addi %iota3A, %add3A_595 : vector<16xi32>
          %masked_sort3A_597 = arith.constant dense<true> : vector<16xi1>
          %masked_sort3A_598, %masked_sort3A_599, %masked_sort3A_600 = tpu.sort %get3A_593, %add3A_596 masked %masked_sort3A_597 {descending = true} : (vector<16xf32>, vector<16xi32>, vector<16xi1>) -> (vector<16xi1>, vector<16xf32>, vector<16xi32>)
          %get3A_601 = arith.index_cast %scan3A_194 : i32 to index
          %get3A_602 = arith.constant 16 : index
          %get3A_603 = tpu.vector_load %arg10[%get3A_601, %get3A_602] {strides = array<i32>} : memref<28x392xf32, #tpu.memory_space<vmem>>, vector<16xf32>,
          %add3A_604 = arith.constant 16 : i32
          %add3A_605 = vector.broadcast %add3A_604 : i32 to vector<16xi32>
          %add3A_606 = arith.addi %iota3A, %add3A_605 : vector<16xi32>
          %masked_sort3A_607 = arith.constant dense<true> : vector<16xi1>
          %masked_sort3A_608, %masked_sort3A_609, %masked_sort3A_610 = tpu.sort %get3A_603, %add3A_606 masked %masked_sort3A_607 : (vector<16xf32>, vector<16xi32>, vector<16xi1>) -> (vector<16xi1>, vector<16xf32>, vector<16xi32>)
          %get3A_611 = arith.index_cast %scan3A_194 : i32 to index
          %get3A_612 = arith.constant 32 : index
          %get3A_613 = tpu.vector_load %arg10[%get3A_611, %get3A_612] {strides = array<i32>} : memref<28x392xf32, #tpu.memory_space<vmem>>, vector<16xf32>,
          %add3A_614 = arith.constant 32 : i32
          %add3A_615 = vector.broadcast %add3A_614 : i32 to vector<16xi32>
          %add3A_616 = arith.addi %iota3A, %add3A_615 : vector<16xi32>
          %masked_sort3A_617 = arith.constant dense<true> : vector<16xi1>
          %masked_sort3A_618, %masked_sort3A_619, %masked_sort3A_620 = tpu.sort %get3A_613, %add3A_616 masked %masked_sort3A_617 : (vector<16xf32>, vector<16xi32>, vector<16xi1>) -> (vector<16xi1>, vector<16xf32>, vector<16xi32>)
          %get3A_621 = arith.index_cast %scan3A_194 : i32 to index
          %get3A_622 = arith.constant 48 : index
          %get3A_623 = tpu.vector_load %arg10[%get3A_621, %get3A_622] {strides = array<i32>} : memref<28x392xf32, #tpu.memory_space<vmem>>, vector<16xf32>,
          %add3A_624 = arith.constant 48 : i32
          %add3A_625 = vector.broadcast %add3A_624 : i32 to vector<16xi32>
          %add3A_626 = arith.addi %iota3A, %add3A_625 : vector<16xi32>
          %masked_sort3A_627 = arith.constant dense<true> : vector<16xi1>
          %masked_sort3A_628, %masked_sort3A_629, %masked_sort3A_630 = tpu.sort %get3A_623, %add3A_626 masked %masked_sort3A_627 {descending = true} : (vector<16xf32>, vector<16xi32>, vector<16xi1>) -> (vector<16xi1>, vector<16xf32>, vector<16xi32>)
          %get3A_631 = arith.index_cast %scan3A_194 : i32 to index
          %get3A_632 = arith.constant 64 : index
          %get3A_633 = tpu.vector_load %arg10[%get3A_631, %get3A_632] {strides = array<i32>} : memref<28x392xf32, #tpu.memory_space<vmem>>, vector<16xf32>,
          %add3A_634 = arith.constant 64 : i32
          %add3A_635 = vector.broadcast %add3A_634 : i32 to vector<16xi32>
          %add3A_636 = arith.addi %iota3A, %add3A_635 : vector<16xi32>
          %masked_sort3A_637 = arith.constant dense<true> : vector<16xi1>
          %masked_sort3A_638, %masked_sort3A_639, %masked_sort3A_640 = tpu.sort %get3A_633, %add3A_636 masked %masked_sort3A_637 : (vector<16xf32>, vector<16xi32>, vector<16xi1>) -> (vector<16xi1>, vector<16xf32>, vector<16xi32>)
          %get3A_641 = arith.index_cast %scan3A_194 : i32 to index
          %get3A_642 = arith.constant 80 : index
          %get3A_643 = tpu.vector_load %arg10[%get3A_641, %get3A_642] {strides = array<i32>} : memref<28x392xf32, #tpu.memory_space<vmem>>, vector<16xf32>,
          %add3A_644 = arith.constant 80 : i32
          %add3A_645 = vector.broadcast %add3A_644 : i32 to vector<16xi32>
          %add3A_646 = arith.addi %iota3A, %add3A_645 : vector<16xi32>
          %masked_sort3A_647 = arith.constant dense<true> : vector<16xi1>
          %masked_sort3A_648, %masked_sort3A_649, %masked_sort3A_650 = tpu.sort %get3A_643, %add3A_646 masked %masked_sort3A_647 {descending = true} : (vector<16xf32>, vector<16xi32>, vector<16xi1>) -> (vector<16xi1>, vector<16xf32>, vector<16xi32>)
          %get3A_651 = arith.index_cast %scan3A_194 : i32 to index
          %get3A_652 = arith.constant 96 : index
          %get3A_653 = tpu.vector_load %arg10[%get3A_651, %get3A_652] {strides = array<i32>} : memref<28x392xf32, #tpu.memory_space<vmem>>, vector<16xf32>,
          %add3A_654 = arith.constant 96 : i32
          %add3A_655 = vector.broadcast %add3A_654 : i32 to vector<16xi32>
          %add3A_656 = arith.addi %iota3A, %add3A_655 : vector<16xi32>
          %masked_sort3A_657 = arith.constant dense<true> : vector<16xi1>
          %masked_sort3A_658, %masked_sort3A_659, %masked_sort3A_660 = tpu.sort %get3A_653, %add3A_656 masked %masked_sort3A_657 {descending = true} : (vector<16xf32>, vector<16xi32>, vector<16xi1>) -> (vector<16xi1>, vector<16xf32>, vector<16xi32>)
          %get3A_661 = arith.index_cast %scan3A_194 : i32 to index
          %get3A_662 = arith.constant 112 : index
          %get3A_663 = tpu.vector_load %arg10[%get3A_661, %get3A_662] {strides = array<i32>} : memref<28x392xf32, #tpu.memory_space<vmem>>, vector<16xf32>,
          %add3A_664 = arith.constant 112 : i32
          %add3A_665 = vector.broadcast %add3A_664 : i32 to vector<16xi32>
          %add3A_666 = arith.addi %iota3A, %add3A_665 : vector<16xi32>
          %masked_sort3A_667 = arith.constant dense<true> : vector<16xi1>
          %masked_sort3A_668, %masked_sort3A_669, %masked_sort3A_670 = tpu.sort %get3A_663, %add3A_666 masked %masked_sort3A_667 : (vector<16xf32>, vector<16xi32>, vector<16xi1>) -> (vector<16xi1>, vector<16xf32>, vector<16xi32>)
          %get3A_671 = arith.index_cast %scan3A_194 : i32 to index
          %get3A_672 = arith.constant 128 : index
          %get3A_673 = tpu.vector_load %arg10[%get3A_671, %get3A_672] {strides = array<i32>} : memref<28x392xf32, #tpu.memory_space<vmem>>, vector<16xf32>,
          %add3A_674 = arith.constant 128 : i32
          %add3A_675 = vector.broadcast %add3A_674 : i32 to vector<16xi32>
          %add3A_676 = arith.addi %iota3A, %add3A_675 : vector<16xi32>
          %masked_sort3A_677 = arith.constant dense<true> : vector<16xi1>
          %masked_sort3A_678, %masked_sort3A_679, %masked_sort3A_680 = tpu.sort %get3A_673, %add3A_676 masked %masked_sort3A_677 : (vector<16xf32>, vector<16xi32>, vector<16xi1>) -> (vector<16xi1>, vector<16xf32>, vector<16xi32>)
          %get3A_681 = arith.index_cast %scan3A_194 : i32 to index
          %get3A_682 = arith.constant 144 : index
          %get3A_683 = tpu.vector_load %arg10[%get3A_681, %get3A_682] {strides = array<i32>} : memref<28x392xf32, #tpu.memory_space<vmem>>, vector<16xf32>,
          %add3A_684 = arith.constant 144 : i32
          %add3A_685 = vector.broadcast %add3A_684 : i32 to vector<16xi32>
          %add3A_686 = arith.addi %iota3A, %add3A_685 : vector<16xi32>
          %masked_sort3A_687 = arith.constant dense<true> : vector<16xi1>
          %masked_sort3A_688, %masked_sort3A_689, %masked_sort3A_690 = tpu.sort %get3A_683, %add3A_686 masked %masked_sort3A_687 {descending = true} : (vector<16xf32>, vector<16xi32>, vector<16xi1>) -> (vector<16xi1>, vector<16xf32>, vector<16xi32>)
          %get3A_691 = arith.index_cast %scan3A_194 : i32 to index
          %get3A_692 = arith.constant 160 : index
          %get3A_693 = tpu.vector_load %arg10[%get3A_691, %get3A_692] {strides = array<i32>} : memref<28x392xf32, #tpu.memory_space<vmem>>, vector<16xf32>,
          %add3A_694 = arith.constant 160 : i32
          %add3A_695 = vector.broadcast %add3A_694 : i32 to vector<16xi32>
          %add3A_696 = arith.addi %iota3A, %add3A_695 : vector<16xi32>
          %masked_sort3A_697 = arith.constant dense<true> : vector<16xi1>
          %masked_sort3A_698, %masked_sort3A_699, %masked_sort3A_700 = tpu.sort %get3A_693, %add3A_696 masked %masked_sort3A_697 {descending = true} : (vector<16xf32>, vector<16xi32>, vector<16xi1>) -> (vector<16xi1>, vector<16xf32>, vector<16xi32>)
          %get3A_701 = arith.index_cast %scan3A_194 : i32 to index
          %get3A_702 = arith.constant 176 : index
          %get3A_703 = tpu.vector_load %arg10[%get3A_701, %get3A_702] {strides = array<i32>} : memref<28x392xf32, #tpu.memory_space<vmem>>, vector<16xf32>,
          %add3A_704 = arith.constant 176 : i32
          %add3A_705 = vector.broadcast %add3A_704 : i32 to vector<16xi32>
          %add3A_706 = arith.addi %iota3A, %add3A_705 : vector<16xi32>
          %masked_sort3A_707 = arith.constant dense<true> : vector<16xi1>
          %masked_sort3A_708, %masked_sort3A_709, %masked_sort3A_710 = tpu.sort %get3A_703, %add3A_706 masked %masked_sort3A_707 : (vector<16xf32>, vector<16xi32>, vector<16xi1>) -> (vector<16xi1>, vector<16xf32>, vector<16xi32>)
          %get3A_711 = arith.index_cast %scan3A_194 : i32 to index
          %get3A_712 = arith.constant 196 : index
          %get3A_713 = tpu.vector_load %arg10[%get3A_711, %get3A_712] {strides = array<i32>} : memref<28x392xf32, #tpu.memory_space<vmem>>, vector<16xf32>,
          %add3A_714 = arith.constant 0 : i32
          %add3A_715 = vector.broadcast %add3A_714 : i32 to vector<16xi32>
          %add3A_716 = arith.addi %iota3A, %add3A_715 : vector<16xi32>
          %masked_sort3A_717 = arith.constant dense<true> : vector<16xi1>
          %masked_sort3A_718, %masked_sort3A_719, %masked_sort3A_720 = tpu.sort %get3A_713, %add3A_716 masked %masked_sort3A_717 {descending = true} : (vector<16xf32>, vector<16xi32>, vector<16xi1>) -> (vector<16xi1>, vector<16xf32>, vector<16xi32>)
          %get3A_721 = arith.index_cast %scan3A_194 : i32 to index
          %get3A_722 = arith.constant 212 : index
          %get3A_723 = tpu.vector_load %arg10[%get3A_721, %get3A_722] {strides = array<i32>} : memref<28x392xf32, #tpu.memory_space<vmem>>, vector<16xf32>,
          %add3A_724 = arith.constant 16 : i32
          %add3A_725 = vector.broadcast %add3A_724 : i32 to vector<16xi32>
          %add3A_726 = arith.addi %iota3A, %add3A_725 : vector<16xi32>
          %masked_sort3A_727 = arith.constant dense<true> : vector<16xi1>
          %masked_sort3A_728, %masked_sort3A_729, %masked_sort3A_730 = tpu.sort %get3A_723, %add3A_726 masked %masked_sort3A_727 : (vector<16xf32>, vector<16xi32>, vector<16xi1>) -> (vector<16xi1>, vector<16xf32>, vector<16xi32>)
          %get3A_731 = arith.index_cast %scan3A_194 : i32 to index
          %get3A_732 = arith.constant 228 : index
          %get3A_733 = tpu.vector_load %arg10[%get3A_731, %get3A_732] {strides = array<i32>} : memref<28x392xf32, #tpu.memory_space<vmem>>, vector<16xf32>,
          %add3A_734 = arith.constant 32 : i32
          %add3A_735 = vector.broadcast %add3A_734 : i32 to vector<16xi32>
          %add3A_736 = arith.addi %iota3A, %add3A_735 : vector<16xi32>
          %masked_sort3A_737 = arith.constant dense<true> : vector<16xi1>
          %masked_sort3A_738, %masked_sort3A_739, %masked_sort3A_740 = tpu.sort %get3A_733, %add3A_736 masked %masked_sort3A_737 : (vector<16xf32>, vector<16xi32>, vector<16xi1>) -> (vector<16xi1>, vector<16xf32>, vector<16xi32>)
          %get3A_741 = arith.index_cast %scan3A_194 : i32 to index
          %get3A_742 = arith.constant 244 : index
          %get3A_743 = tpu.vector_load %arg10[%get3A_741, %get3A_742] {strides = array<i32>} : memref<28x392xf32, #tpu.memory_space<vmem>>, vector<16xf32>,
          %add3A_744 = arith.constant 48 : i32
          %add3A_745 = vector.broadcast %add3A_744 : i32 to vector<16xi32>
          %add3A_746 = arith.addi %iota3A, %add3A_745 : vector<16xi32>
          %masked_sort3A_747 = arith.constant dense<true> : vector<16xi1>
          %masked_sort3A_748, %masked_sort3A_749, %masked_sort3A_750 = tpu.sort %get3A_743, %add3A_746 masked %masked_sort3A_747 {descending = true} : (vector<16xf32>, vector<16xi32>, vector<16xi1>) -> (vector<16xi1>, vector<16xf32>, vector<16xi32>)
          %get3A_751 = arith.index_cast %scan3A_194 : i32 to index
          %get3A_752 = arith.constant 260 : index
          %get3A_753 = tpu.vector_load %arg10[%get3A_751, %get3A_752] {strides = array<i32>} : memref<28x392xf32, #tpu.memory_space<vmem>>, vector<16xf32>,
          %add3A_754 = arith.constant 64 : i32
          %add3A_755 = vector.broadcast %add3A_754 : i32 to vector<16xi32>
          %add3A_756 = arith.addi %iota3A, %add3A_755 : vector<16xi32>
          %masked_sort3A_757 = arith.constant dense<true> : vector<16xi1>
          %masked_sort3A_758, %masked_sort3A_759, %masked_sort3A_760 = tpu.sort %get3A_753, %add3A_756 masked %masked_sort3A_757 : (vector<16xf32>, vector<16xi32>, vector<16xi1>) -> (vector<16xi1>, vector<16xf32>, vector<16xi32>)
          %get3A_761 = arith.index_cast %scan3A_194 : i32 to index
          %get3A_762 = arith.constant 276 : index
          %get3A_763 = tpu.vector_load %arg10[%get3A_761, %get3A_762] {strides = array<i32>} : memref<28x392xf32, #tpu.memory_space<vmem>>, vector<16xf32>,
          %add3A_764 = arith.constant 80 : i32
          %add3A_765 = vector.broadcast %add3A_764 : i32 to vector<16xi32>
          %add3A_766 = arith.addi %iota3A, %add3A_765 : vector<16xi32>
          %masked_sort3A_767 = arith.constant dense<true> : vector<16xi1>
          %masked_sort3A_768, %masked_sort3A_769, %masked_sort3A_770 = tpu.sort %get3A_763, %add3A_766 masked %masked_sort3A_767 {descending = true} : (vector<16xf32>, vector<16xi32>, vector<16xi1>) -> (vector<16xi1>, vector<16xf32>, vector<16xi32>)
          %get3A_771 = arith.index_cast %scan3A_194 : i32 to index
          %get3A_772 = arith.constant 292 : index
          %get3A_773 = tpu.vector_load %arg10[%get3A_771, %get3A_772] {strides = array<i32>} : memref<28x392xf32, #tpu.memory_space<vmem>>, vector<16xf32>,
          %add3A_774 = arith.constant 96 : i32
          %add3A_775 = vector.broadcast %add3A_774 : i32 to vector<16xi32>
          %add3A_776 = arith.addi %iota3A, %add3A_775 : vector<16xi32>
          %masked_sort3A_777 = arith.constant dense<true> : vector<16xi1>
          %masked_sort3A_778, %masked_sort3A_779, %masked_sort3A_780 = tpu.sort %get3A_773, %add3A_776 masked %masked_sort3A_777 {descending = true} : (vector<16xf32>, vector<16xi32>, vector<16xi1>) -> (vector<16xi1>, vector<16xf32>, vector<16xi32>)
          %get3A_781 = arith.index_cast %scan3A_194 : i32 to index
          %get3A_782 = arith.constant 308 : index
          %get3A_783 = tpu.vector_load %arg10[%get3A_781, %get3A_782] {strides = array<i32>} : memref<28x392xf32, #tpu.memory_space<vmem>>, vector<16xf32>,
          %add3A_784 = arith.constant 112 : i32
          %add3A_785 = vector.broadcast %add3A_784 : i32 to vector<16xi32>
          %add3A_786 = arith.addi %iota3A, %add3A_785 : vector<16xi32>
          %masked_sort3A_787 = arith.constant dense<true> : vector<16xi1>
          %masked_sort3A_788, %masked_sort3A_789, %masked_sort3A_790 = tpu.sort %get3A_783, %add3A_786 masked %masked_sort3A_787 : (vector<16xf32>, vector<16xi32>, vector<16xi1>) -> (vector<16xi1>, vector<16xf32>, vector<16xi32>)
          %get3A_791 = arith.index_cast %scan3A_194 : i32 to index
          %get3A_792 = arith.constant 324 : index
          %get3A_793 = tpu.vector_load %arg10[%get3A_791, %get3A_792] {strides = array<i32>} : memref<28x392xf32, #tpu.memory_space<vmem>>, vector<16xf32>,
          %add3A_794 = arith.constant 128 : i32
          %add3A_795 = vector.broadcast %add3A_794 : i32 to vector<16xi32>
          %add3A_796 = arith.addi %iota3A, %add3A_795 : vector<16xi32>
          %masked_sort3A_797 = arith.constant dense<true> : vector<16xi1>
          %masked_sort3A_798, %masked_sort3A_799, %masked_sort3A_800 = tpu.sort %get3A_793, %add3A_796 masked %masked_sort3A_797 : (vector<16xf32>, vector<16xi32>, vector<16xi1>) -> (vector<16xi1>, vector<16xf32>, vector<16xi32>)
          %get3A_801 = arith.index_cast %scan3A_194 : i32 to index
          %get3A_802 = arith.constant 340 : index
          %get3A_803 = tpu.vector_load %arg10[%get3A_801, %get3A_802] {strides = array<i32>} : memref<28x392xf32, #tpu.memory_space<vmem>>, vector<16xf32>,
          %add3A_804 = arith.constant 144 : i32
          %add3A_805 = vector.broadcast %add3A_804 : i32 to vector<16xi32>
          %add3A_806 = arith.addi %iota3A, %add3A_805 : vector<16xi32>
          %masked_sort3A_807 = arith.constant dense<true> : vector<16xi1>
          %masked_sort3A_808, %masked_sort3A_809, %masked_sort3A_810 = tpu.sort %get3A_803, %add3A_806 masked %masked_sort3A_807 {descending = true} : (vector<16xf32>, vector<16xi32>, vector<16xi1>) -> (vector<16xi1>, vector<16xf32>, vector<16xi32>)
          %get3A_811 = arith.index_cast %scan3A_194 : i32 to index
          %get3A_812 = arith.constant 356 : index
          %get3A_813 = tpu.vector_load %arg10[%get3A_811, %get3A_812] {strides = array<i32>} : memref<28x392xf32, #tpu.memory_space<vmem>>, vector<16xf32>,
          %add3A_814 = arith.constant 160 : i32
          %add3A_815 = vector.broadcast %add3A_814 : i32 to vector<16xi32>
          %add3A_816 = arith.addi %iota3A, %add3A_815 : vector<16xi32>
          %masked_sort3A_817 = arith.constant dense<true> : vector<16xi1>
          %masked_sort3A_818, %masked_sort3A_819, %masked_sort3A_820 = tpu.sort %get3A_813, %add3A_816 masked %masked_sort3A_817 {descending = true} : (vector<16xf32>, vector<16xi32>, vector<16xi1>) -> (vector<16xi1>, vector<16xf32>, vector<16xi32>)
          %get3A_821 = arith.index_cast %scan3A_194 : i32 to index
          %get3A_822 = arith.constant 372 : index
          %get3A_823 = tpu.vector_load %arg10[%get3A_821, %get3A_822] {strides = array<i32>} : memref<28x392xf32, #tpu.memory_space<vmem>>, vector<16xf32>,
          %add3A_824 = arith.constant 176 : i32
          %add3A_825 = vector.broadcast %add3A_824 : i32 to vector<16xi32>
          %add3A_826 = arith.addi %iota3A, %add3A_825 : vector<16xi32>
          %masked_sort3A_827 = arith.constant dense<true> : vector<16xi1>
          %masked_sort3A_828, %masked_sort3A_829, %masked_sort3A_830 = tpu.sort %get3A_823, %add3A_826 masked %masked_sort3A_827 : (vector<16xf32>, vector<16xi32>, vector<16xi1>) -> (vector<16xi1>, vector<16xf32>, vector<16xi32>)
          %ge3A_831 = arith.cmpf oge, %masked_sort3A_522, %masked_sort3A_529 : vector<16xf32>
          %select_n3A_832 = arith.select %ge3A_831, %masked_sort3A_522, %masked_sort3A_529 : vector<16xi1>, vector<16xf32>
          %select_n3A_833 = arith.select %ge3A_831, %masked_sort3A_523, %masked_sort3A_530 : vector<16xi1>, vector<16xi32>
          %masked_sort3A_834 = arith.constant dense<true> : vector<16xi1>
          %masked_sort3A_835, %masked_sort3A_836, %masked_sort3A_837 = tpu.sort %select_n3A_832, %select_n3A_833 masked %masked_sort3A_834 {descending = true} : (vector<16xf32>, vector<16xi32>, vector<16xi1>) -> (vector<16xi1>, vector<16xf32>, vector<16xi32>)
          %ge3A_838 = arith.cmpf oge, %masked_sort3A_536, %masked_sort3A_552 : vector<16xf32>
          %select_n3A_839 = arith.select %ge3A_838, %masked_sort3A_536, %masked_sort3A_552 : vector<16xi1>, vector<16xf32>
          %select_n3A_840 = arith.select %ge3A_838, %masked_sort3A_537, %masked_sort3A_553 : vector<16xi1>, vector<16xi32>
          %masked_sort3A_841 = arith.constant dense<true> : vector<16xi1>
          %masked_sort3A_842, %masked_sort3A_843, %masked_sort3A_844 = tpu.sort %select_n3A_839, %select_n3A_840 masked %masked_sort3A_841 : (vector<16xf32>, vector<16xi32>, vector<16xi1>) -> (vector<16xi1>, vector<16xf32>, vector<16xi32>)
          %ge3A_845 = arith.cmpf oge, %masked_sort3A_559, %masked_sort3A_566 : vector<16xf32>
          %select_n3A_846 = arith.select %ge3A_845, %masked_sort3A_559, %masked_sort3A_566 : vector<16xi1>, vector<16xf32>
          %select_n3A_847 = arith.select %ge3A_845, %masked_sort3A_560, %masked_sort3A_567 : vector<16xi1>, vector<16xi32>
          %masked_sort3A_848 = arith.constant dense<true> : vector<16xi1>
          %masked_sort3A_849, %masked_sort3A_850, %masked_sort3A_851 = tpu.sort %select_n3A_846, %select_n3A_847 masked %masked_sort3A_848 {descending = true} : (vector<16xf32>, vector<16xi32>, vector<16xi1>) -> (vector<16xi1>, vector<16xf32>, vector<16xi32>)
          %ge3A_852 = arith.cmpf oge, %masked_sort3A_573, %masked_sort3A_589 : vector<16xf32>
          %select_n3A_853 = arith.select %ge3A_852, %masked_sort3A_573, %masked_sort3A_589 : vector<16xi1>, vector<16xf32>
          %select_n3A_854 = arith.select %ge3A_852, %masked_sort3A_574, %masked_sort3A_590 : vector<16xi1>, vector<16xi32>
          %masked_sort3A_855 = arith.constant dense<true> : vector<16xi1>
          %masked_sort3A_856, %masked_sort3A_857, %masked_sort3A_858 = tpu.sort %select_n3A_853, %select_n3A_854 masked %masked_sort3A_855 : (vector<16xf32>, vector<16xi32>, vector<16xi1>) -> (vector<16xi1>, vector<16xf32>, vector<16xi32>)
          %ge3A_859 = arith.cmpf oge, %masked_sort3A_599, %masked_sort3A_609 : vector<16xf32>
          %select_n3A_860 = arith.select %ge3A_859, %masked_sort3A_599, %masked_sort3A_609 : vector<16xi1>, vector<16xf32>
          %select_n3A_861 = arith.select %ge3A_859, %masked_sort3A_600, %masked_sort3A_610 : vector<16xi1>, vector<16xi32>
          %masked_sort3A_862 = arith.constant dense<true> : vector<16xi1>
          %masked_sort3A_863, %masked_sort3A_864, %masked_sort3A_865 = tpu.sort %select_n3A_860, %select_n3A_861 masked %masked_sort3A_862 {descending = true} : (vector<16xf32>, vector<16xi32>, vector<16xi1>) -> (vector<16xi1>, vector<16xf32>, vector<16xi32>)
          %ge3A_866 = arith.cmpf oge, %masked_sort3A_619, %masked_sort3A_629 : vector<16xf32>
          %select_n3A_867 = arith.select %ge3A_866, %masked_sort3A_619, %masked_sort3A_629 : vector<16xi1>, vector<16xf32>
          %select_n3A_868 = arith.select %ge3A_866, %masked_sort3A_620, %masked_sort3A_630 : vector<16xi1>, vector<16xi32>
          %masked_sort3A_869 = arith.constant dense<true> : vector<16xi1>
          %masked_sort3A_870, %masked_sort3A_871, %masked_sort3A_872 = tpu.sort %select_n3A_867, %select_n3A_868 masked %masked_sort3A_869 : (vector<16xf32>, vector<16xi32>, vector<16xi1>) -> (vector<16xi1>, vector<16xf32>, vector<16xi32>)
          %ge3A_873 = arith.cmpf oge, %masked_sort3A_639, %masked_sort3A_649 : vector<16xf32>
          %select_n3A_874 = arith.select %ge3A_873, %masked_sort3A_639, %masked_sort3A_649 : vector<16xi1>, vector<16xf32>
          %select_n3A_875 = arith.select %ge3A_873, %masked_sort3A_640, %masked_sort3A_650 : vector<16xi1>, vector<16xi32>
          %masked_sort3A_876 = arith.constant dense<true> : vector<16xi1>
          %masked_sort3A_877, %masked_sort3A_878, %masked_sort3A_879 = tpu.sort %select_n3A_874, %select_n3A_875 masked %masked_sort3A_876 : (vector<16xf32>, vector<16xi32>, vector<16xi1>) -> (vector<16xi1>, vector<16xf32>, vector<16xi32>)
          %ge3A_880 = arith.cmpf oge, %masked_sort3A_659, %masked_sort3A_669 : vector<16xf32>
          %select_n3A_881 = arith.select %ge3A_880, %masked_sort3A_659, %masked_sort3A_669 : vector<16xi1>, vector<16xf32>
          %select_n3A_882 = arith.select %ge3A_880, %masked_sort3A_660, %masked_sort3A_670 : vector<16xi1>, vector<16xi32>
          %masked_sort3A_883 = arith.constant dense<true> : vector<16xi1>
          %masked_sort3A_884, %masked_sort3A_885, %masked_sort3A_886 = tpu.sort %select_n3A_881, %select_n3A_882 masked %masked_sort3A_883 {descending = true} : (vector<16xf32>, vector<16xi32>, vector<16xi1>) -> (vector<16xi1>, vector<16xf32>, vector<16xi32>)
          %ge3A_887 = arith.cmpf oge, %masked_sort3A_679, %masked_sort3A_689 : vector<16xf32>
          %select_n3A_888 = arith.select %ge3A_887, %masked_sort3A_679, %masked_sort3A_689 : vector<16xi1>, vector<16xf32>
          %select_n3A_889 = arith.select %ge3A_887, %masked_sort3A_680, %masked_sort3A_690 : vector<16xi1>, vector<16xi32>
          %masked_sort3A_890 = arith.constant dense<true> : vector<16xi1>
          %masked_sort3A_891, %masked_sort3A_892, %masked_sort3A_893 = tpu.sort %select_n3A_888, %select_n3A_889 masked %masked_sort3A_890 : (vector<16xf32>, vector<16xi32>, vector<16xi1>) -> (vector<16xi1>, vector<16xf32>, vector<16xi32>)
          %ge3A_894 = arith.cmpf oge, %masked_sort3A_699, %masked_sort3A_709 : vector<16xf32>
          %select_n3A_895 = arith.select %ge3A_894, %masked_sort3A_699, %masked_sort3A_709 : vector<16xi1>, vector<16xf32>
          %select_n3A_896 = arith.select %ge3A_894, %masked_sort3A_700, %masked_sort3A_710 : vector<16xi1>, vector<16xi32>
          %masked_sort3A_897 = arith.constant dense<true> : vector<16xi1>
          %masked_sort3A_898, %masked_sort3A_899, %masked_sort3A_900 = tpu.sort %select_n3A_895, %select_n3A_896 masked %masked_sort3A_897 {descending = true} : (vector<16xf32>, vector<16xi32>, vector<16xi1>) -> (vector<16xi1>, vector<16xf32>, vector<16xi32>)
          %ge3A_901 = arith.cmpf oge, %masked_sort3A_719, %masked_sort3A_729 : vector<16xf32>
          %select_n3A_902 = arith.select %ge3A_901, %masked_sort3A_719, %masked_sort3A_729 : vector<16xi1>, vector<16xf32>
          %select_n3A_903 = arith.select %ge3A_901, %masked_sort3A_720, %masked_sort3A_730 : vector<16xi1>, vector<16xi32>
          %masked_sort3A_904 = arith.constant dense<true> : vector<16xi1>
          %masked_sort3A_905, %masked_sort3A_906, %masked_sort3A_907 = tpu.sort %select_n3A_902, %select_n3A_903 masked %masked_sort3A_904 {descending = true} : (vector<16xf32>, vector<16xi32>, vector<16xi1>) -> (vector<16xi1>, vector<16xf32>, vector<16xi32>)
          %ge3A_908 = arith.cmpf oge, %masked_sort3A_739, %masked_sort3A_749 : vector<16xf32>
          %select_n3A_909 = arith.select %ge3A_908, %masked_sort3A_739, %masked_sort3A_749 : vector<16xi1>, vector<16xf32>
          %select_n3A_910 = arith.select %ge3A_908, %masked_sort3A_740, %masked_sort3A_750 : vector<16xi1>, vector<16xi32>
          %masked_sort3A_911 = arith.constant dense<true> : vector<16xi1>
          %masked_sort3A_912, %masked_sort3A_913, %masked_sort3A_914 = tpu.sort %select_n3A_909, %select_n3A_910 masked %masked_sort3A_911 : (vector<16xf32>, vector<16xi32>, vector<16xi1>) -> (vector<16xi1>, vector<16xf32>, vector<16xi32>)
          %ge3A_915 = arith.cmpf oge, %masked_sort3A_759, %masked_sort3A_769 : vector<16xf32>
          %select_n3A_916 = arith.select %ge3A_915, %masked_sort3A_759, %masked_sort3A_769 : vector<16xi1>, vector<16xf32>
          %select_n3A_917 = arith.select %ge3A_915, %masked_sort3A_760, %masked_sort3A_770 : vector<16xi1>, vector<16xi32>
          %masked_sort3A_918 = arith.constant dense<true> : vector<16xi1>
          %masked_sort3A_919, %masked_sort3A_920, %masked_sort3A_921 = tpu.sort %select_n3A_916, %select_n3A_917 masked %masked_sort3A_918 : (vector<16xf32>, vector<16xi32>, vector<16xi1>) -> (vector<16xi1>, vector<16xf32>, vector<16xi32>)
          %ge3A_922 = arith.cmpf oge, %masked_sort3A_779, %masked_sort3A_789 : vector<16xf32>
          %select_n3A_923 = arith.select %ge3A_922, %masked_sort3A_779, %masked_sort3A_789 : vector<16xi1>, vector<16xf32>
          %select_n3A_924 = arith.select %ge3A_922, %masked_sort3A_780, %masked_sort3A_790 : vector<16xi1>, vector<16xi32>
          %masked_sort3A_925 = arith.constant dense<true> : vector<16xi1>
          %masked_sort3A_926, %masked_sort3A_927, %masked_sort3A_928 = tpu.sort %select_n3A_923, %select_n3A_924 masked %masked_sort3A_925 {descending = true} : (vector<16xf32>, vector<16xi32>, vector<16xi1>) -> (vector<16xi1>, vector<16xf32>, vector<16xi32>)
          %ge3A_929 = arith.cmpf oge, %masked_sort3A_799, %masked_sort3A_809 : vector<16xf32>
          %select_n3A_930 = arith.select %ge3A_929, %masked_sort3A_799, %masked_sort3A_809 : vector<16xi1>, vector<16xf32>
          %select_n3A_931 = arith.select %ge3A_929, %masked_sort3A_800, %masked_sort3A_810 : vector<16xi1>, vector<16xi32>
          %masked_sort3A_932 = arith.constant dense<true> : vector<16xi1>
          %masked_sort3A_933, %masked_sort3A_934, %masked_sort3A_935 = tpu.sort %select_n3A_930, %select_n3A_931 masked %masked_sort3A_932 : (vector<16xf32>, vector<16xi32>, vector<16xi1>) -> (vector<16xi1>, vector<16xf32>, vector<16xi32>)
          %ge3A_936 = arith.cmpf oge, %masked_sort3A_819, %masked_sort3A_829 : vector<16xf32>
          %select_n3A_937 = arith.select %ge3A_936, %masked_sort3A_819, %masked_sort3A_829 : vector<16xi1>, vector<16xf32>
          %select_n3A_938 = arith.select %ge3A_936, %masked_sort3A_820, %masked_sort3A_830 : vector<16xi1>, vector<16xi32>
          %masked_sort3A_939 = arith.constant dense<true> : vector<16xi1>
          %masked_sort3A_940, %masked_sort3A_941, %masked_sort3A_942 = tpu.sort %select_n3A_937, %select_n3A_938 masked %masked_sort3A_939 {descending = true} : (vector<16xf32>, vector<16xi32>, vector<16xi1>) -> (vector<16xi1>, vector<16xf32>, vector<16xi32>)
          %ge3A_943 = arith.cmpf oge, %masked_sort3A_836, %masked_sort3A_843 : vector<16xf32>
          %select_n3A_944 = arith.select %ge3A_943, %masked_sort3A_836, %masked_sort3A_843 : vector<16xi1>, vector<16xf32>
          %select_n3A_945 = arith.select %ge3A_943, %masked_sort3A_837, %masked_sort3A_844 : vector<16xi1>, vector<16xi32>
          %masked_sort3A_946 = arith.constant dense<true> : vector<16xi1>
          %masked_sort3A_947, %masked_sort3A_948, %masked_sort3A_949 = tpu.sort %select_n3A_944, %select_n3A_945 masked %masked_sort3A_946 {descending = true} : (vector<16xf32>, vector<16xi32>, vector<16xi1>) -> (vector<16xi1>, vector<16xf32>, vector<16xi32>)
          %ge3A_950 = arith.cmpf oge, %masked_sort3A_850, %masked_sort3A_857 : vector<16xf32>
          %select_n3A_951 = arith.select %ge3A_950, %masked_sort3A_850, %masked_sort3A_857 : vector<16xi1>, vector<16xf32>
          %select_n3A_952 = arith.select %ge3A_950, %masked_sort3A_851, %masked_sort3A_858 : vector<16xi1>, vector<16xi32>
          %masked_sort3A_953 = arith.constant dense<true> : vector<16xi1>
          %masked_sort3A_954, %masked_sort3A_955, %masked_sort3A_956 = tpu.sort %select_n3A_951, %select_n3A_952 masked %masked_sort3A_953 {descending = true} : (vector<16xf32>, vector<16xi32>, vector<16xi1>) -> (vector<16xi1>, vector<16xf32>, vector<16xi32>)
          %ge3A_957 = arith.cmpf oge, %masked_sort3A_864, %masked_sort3A_871 : vector<16xf32>
          %select_n3A_958 = arith.select %ge3A_957, %masked_sort3A_864, %masked_sort3A_871 : vector<16xi1>, vector<16xf32>
          %select_n3A_959 = arith.select %ge3A_957, %masked_sort3A_865, %masked_sort3A_872 : vector<16xi1>, vector<16xi32>
          %masked_sort3A_960 = arith.constant dense<true> : vector<16xi1>
          %masked_sort3A_961, %masked_sort3A_962, %masked_sort3A_963 = tpu.sort %select_n3A_958, %select_n3A_959 masked %masked_sort3A_960 {descending = true} : (vector<16xf32>, vector<16xi32>, vector<16xi1>) -> (vector<16xi1>, vector<16xf32>, vector<16xi32>)
          %ge3A_964 = arith.cmpf oge, %masked_sort3A_878, %masked_sort3A_885 : vector<16xf32>
          %select_n3A_965 = arith.select %ge3A_964, %masked_sort3A_878, %masked_sort3A_885 : vector<16xi1>, vector<16xf32>
          %select_n3A_966 = arith.select %ge3A_964, %masked_sort3A_879, %masked_sort3A_886 : vector<16xi1>, vector<16xi32>
          %masked_sort3A_967 = arith.constant dense<true> : vector<16xi1>
          %masked_sort3A_968, %masked_sort3A_969, %masked_sort3A_970 = tpu.sort %select_n3A_965, %select_n3A_966 masked %masked_sort3A_967 : (vector<16xf32>, vector<16xi32>, vector<16xi1>) -> (vector<16xi1>, vector<16xf32>, vector<16xi32>)
          %ge3A_971 = arith.cmpf oge, %masked_sort3A_892, %masked_sort3A_899 : vector<16xf32>
          %select_n3A_972 = arith.select %ge3A_971, %masked_sort3A_892, %masked_sort3A_899 : vector<16xi1>, vector<16xf32>
          %select_n3A_973 = arith.select %ge3A_971, %masked_sort3A_893, %masked_sort3A_900 : vector<16xi1>, vector<16xi32>
          %masked_sort3A_974 = arith.constant dense<true> : vector<16xi1>
          %masked_sort3A_975, %masked_sort3A_976, %masked_sort3A_977 = tpu.sort %select_n3A_972, %select_n3A_973 masked %masked_sort3A_974 : (vector<16xf32>, vector<16xi32>, vector<16xi1>) -> (vector<16xi1>, vector<16xf32>, vector<16xi32>)
          %get3A_978 = arith.index_cast %scan3A_194 : i32 to index
          %get3A_979 = arith.constant 180 : index
          %get3A_980 = tpu.vector_load %arg10[%get3A_978, %get3A_979] {strides = array<i32>} : memref<28x392xf32, #tpu.memory_space<vmem>>, vector<16xf32>,
          %add3A_981 = arith.constant 180 : i32
          %add3A_982 = vector.broadcast %add3A_981 : i32 to vector<16xi32>
          %add3A_983 = arith.addi %iota3A, %add3A_982 : vector<16xi32>
          %ge3A_984 = arith.constant 12 : i32
          %ge3A_985 = vector.broadcast %ge3A_984 : i32 to vector<16xi32>
          %ge3A_986 = arith.cmpi sge, %iota3A, %ge3A_985 : vector<16xi32>
          %jit3A_987 = arith.constant -3.400000e+38 : f32
          %broadcast_in_dim3A_988 = vector.broadcast %jit3A_987 : f32 to vector<16xf32>
          %select_n3A_989 = arith.select %ge3A_986, %get3A_980, %broadcast_in_dim3A_988 : vector<16xi1>, vector<16xf32>
          %masked_sort3A_990 = arith.constant dense<true> : vector<16xi1>
          %masked_sort3A_991, %masked_sort3A_992, %masked_sort3A_993 = tpu.sort %select_n3A_989, %add3A_983 masked %masked_sort3A_990 {descending = true} : (vector<16xf32>, vector<16xi32>, vector<16xi1>) -> (vector<16xi1>, vector<16xf32>, vector<16xi32>)
          %ge3A_994 = arith.cmpf oge, %masked_sort3A_906, %masked_sort3A_913 : vector<16xf32>
          %select_n3A_995 = arith.select %ge3A_994, %masked_sort3A_906, %masked_sort3A_913 : vector<16xi1>, vector<16xf32>
          %select_n3A_996 = arith.select %ge3A_994, %masked_sort3A_907, %masked_sort3A_914 : vector<16xi1>, vector<16xi32>
          %masked_sort3A_997 = arith.constant dense<true> : vector<16xi1>
          %masked_sort3A_998, %masked_sort3A_999, %masked_sort3A_1000 = tpu.sort %select_n3A_995, %select_n3A_996 masked %masked_sort3A_997 {descending = true} : (vector<16xf32>, vector<16xi32>, vector<16xi1>) -> (vector<16xi1>, vector<16xf32>, vector<16xi32>)
          %ge3A_1001 = arith.cmpf oge, %masked_sort3A_920, %masked_sort3A_927 : vector<16xf32>
          %select_n3A_1002 = arith.select %ge3A_1001, %masked_sort3A_920, %masked_sort3A_927 : vector<16xi1>, vector<16xf32>
          %select_n3A_1003 = arith.select %ge3A_1001, %masked_sort3A_921, %masked_sort3A_928 : vector<16xi1>, vector<16xi32>
          %masked_sort3A_1004 = arith.constant dense<true> : vector<16xi1>
          %masked_sort3A_1005, %masked_sort3A_1006, %masked_sort3A_1007 = tpu.sort %select_n3A_1002, %select_n3A_1003 masked %masked_sort3A_1004 : (vector<16xf32>, vector<16xi32>, vector<16xi1>) -> (vector<16xi1>, vector<16xf32>, vector<16xi32>)
          %ge3A_1008 = arith.cmpf oge, %masked_sort3A_934, %masked_sort3A_941 : vector<16xf32>
          %select_n3A_1009 = arith.select %ge3A_1008, %masked_sort3A_934, %masked_sort3A_941 : vector<16xi1>, vector<16xf32>
          %select_n3A_1010 = arith.select %ge3A_1008, %masked_sort3A_935, %masked_sort3A_942 : vector<16xi1>, vector<16xi32>
          %masked_sort3A_1011 = arith.constant dense<true> : vector<16xi1>
          %masked_sort3A_1012, %masked_sort3A_1013, %masked_sort3A_1014 = tpu.sort %select_n3A_1009, %select_n3A_1010 masked %masked_sort3A_1011 : (vector<16xf32>, vector<16xi32>, vector<16xi1>) -> (vector<16xi1>, vector<16xf32>, vector<16xi32>)
          %get3A_1015 = arith.index_cast %scan3A_194 : i32 to index
          %get3A_1016 = arith.constant 376 : index
          %get3A_1017 = tpu.vector_load %arg10[%get3A_1015, %get3A_1016] {strides = array<i32>} : memref<28x392xf32, #tpu.memory_space<vmem>>, vector<16xf32>,
          %add3A_1018 = arith.constant 180 : i32
          %add3A_1019 = vector.broadcast %add3A_1018 : i32 to vector<16xi32>
          %add3A_1020 = arith.addi %iota3A, %add3A_1019 : vector<16xi32>
          %ge3A_1021 = arith.constant 12 : i32
          %ge3A_1022 = vector.broadcast %ge3A_1021 : i32 to vector<16xi32>
          %ge3A_1023 = arith.cmpi sge, %iota3A, %ge3A_1022 : vector<16xi32>
          %jit3A_1024 = arith.constant -3.400000e+38 : f32
          %broadcast_in_dim3A_1025 = vector.broadcast %jit3A_1024 : f32 to vector<16xf32>
          %select_n3A_1026 = arith.select %ge3A_1023, %get3A_1017, %broadcast_in_dim3A_1025 : vector<16xi1>, vector<16xf32>
          %masked_sort3A_1027 = arith.constant dense<true> : vector<16xi1>
          %masked_sort3A_1028, %masked_sort3A_1029, %masked_sort3A_1030 = tpu.sort %select_n3A_1026, %add3A_1020 masked %masked_sort3A_1027 {descending = true} : (vector<16xf32>, vector<16xi32>, vector<16xi1>) -> (vector<16xi1>, vector<16xf32>, vector<16xi32>)
          %ge3A_1031 = arith.cmpf oge, %masked_sort3A_962, %masked_sort3A_969 : vector<16xf32>
          %select_n3A_1032 = arith.select %ge3A_1031, %masked_sort3A_962, %masked_sort3A_969 : vector<16xi1>, vector<16xf32>
          %select_n3A_1033 = arith.select %ge3A_1031, %masked_sort3A_963, %masked_sort3A_970 : vector<16xi1>, vector<16xi32>
          %masked_sort3A_1034 = arith.constant dense<true> : vector<16xi1>
          %masked_sort3A_1035, %masked_sort3A_1036, %masked_sort3A_1037 = tpu.sort %select_n3A_1032, %select_n3A_1033 masked %masked_sort3A_1034 {descending = true} : (vector<16xf32>, vector<16xi32>, vector<16xi1>) -> (vector<16xi1>, vector<16xf32>, vector<16xi32>)
          %ge3A_1038 = arith.cmpf oge, %masked_sort3A_976, %masked_sort3A_992 : vector<16xf32>
          %select_n3A_1039 = arith.select %ge3A_1038, %masked_sort3A_976, %masked_sort3A_992 : vector<16xi1>, vector<16xf32>
          %select_n3A_1040 = arith.select %ge3A_1038, %masked_sort3A_977, %masked_sort3A_993 : vector<16xi1>, vector<16xi32>
          %masked_sort3A_1041 = arith.constant dense<true> : vector<16xi1>
          %masked_sort3A_1042, %masked_sort3A_1043, %masked_sort3A_1044 = tpu.sort %select_n3A_1039, %select_n3A_1040 masked %masked_sort3A_1041 : (vector<16xf32>, vector<16xi32>, vector<16xi1>) -> (vector<16xi1>, vector<16xf32>, vector<16xi32>)
          %ge3A_1045 = arith.cmpf oge, %masked_sort3A_999, %masked_sort3A_1006 : vector<16xf32>
          %select_n3A_1046 = arith.select %ge3A_1045, %masked_sort3A_999, %masked_sort3A_1006 : vector<16xi1>, vector<16xf32>
          %select_n3A_1047 = arith.select %ge3A_1045, %masked_sort3A_1000, %masked_sort3A_1007 : vector<16xi1>, vector<16xi32>
          %masked_sort3A_1048 = arith.constant dense<true> : vector<16xi1>
          %masked_sort3A_1049, %masked_sort3A_1050, %masked_sort3A_1051 = tpu.sort %select_n3A_1046, %select_n3A_1047 masked %masked_sort3A_1048 {descending = true} : (vector<16xf32>, vector<16xi32>, vector<16xi1>) -> (vector<16xi1>, vector<16xf32>, vector<16xi32>)
          %ge3A_1052 = arith.cmpf oge, %masked_sort3A_1013, %masked_sort3A_1029 : vector<16xf32>
          %select_n3A_1053 = arith.select %ge3A_1052, %masked_sort3A_1013, %masked_sort3A_1029 : vector<16xi1>, vector<16xf32>
          %select_n3A_1054 = arith.select %ge3A_1052, %masked_sort3A_1014, %masked_sort3A_1030 : vector<16xi1>, vector<16xi32>
          %masked_sort3A_1055 = arith.constant dense<true> : vector<16xi1>
          %masked_sort3A_1056, %masked_sort3A_1057, %masked_sort3A_1058 = tpu.sort %select_n3A_1053, %select_n3A_1054 masked %masked_sort3A_1055 : (vector<16xf32>, vector<16xi32>, vector<16xi1>) -> (vector<16xi1>, vector<16xf32>, vector<16xi32>)
          %ge3A_1059 = arith.cmpf oge, %masked_sort3A_1036, %masked_sort3A_1043 : vector<16xf32>
          %select_n3A_1060 = arith.select %ge3A_1059, %masked_sort3A_1036, %masked_sort3A_1043 : vector<16xi1>, vector<16xf32>
          %select_n3A_1061 = arith.select %ge3A_1059, %masked_sort3A_1037, %masked_sort3A_1044 : vector<16xi1>, vector<16xi32>
          %masked_sort3A_1062 = arith.constant dense<true> : vector<16xi1>
          %masked_sort3A_1063, %masked_sort3A_1064, %masked_sort3A_1065 = tpu.sort %select_n3A_1060, %select_n3A_1061 masked %masked_sort3A_1062 {descending = true} : (vector<16xf32>, vector<16xi32>, vector<16xi1>) -> (vector<16xi1>, vector<16xf32>, vector<16xi32>)
          %ge3A_1066 = arith.cmpf oge, %masked_sort3A_1050, %masked_sort3A_1057 : vector<16xf32>
          %select_n3A_1067 = arith.select %ge3A_1066, %masked_sort3A_1050, %masked_sort3A_1057 : vector<16xi1>, vector<16xf32>
          %select_n3A_1068 = arith.select %ge3A_1066, %masked_sort3A_1051, %masked_sort3A_1058 : vector<16xi1>, vector<16xi32>
          %masked_sort3A_1069 = arith.constant dense<true> : vector<16xi1>
          %masked_sort3A_1070, %masked_sort3A_1071, %masked_sort3A_1072 = tpu.sort %select_n3A_1067, %select_n3A_1068 masked %masked_sort3A_1069 {descending = true} : (vector<16xf32>, vector<16xi32>, vector<16xi1>) -> (vector<16xi1>, vector<16xf32>, vector<16xi32>)
          %reduce_max3A = arith.constant true
          %reduce_max3A_1073 = vector.broadcast %reduce_max3A : i1 to vector<16xi1>
          %reduce_max3A_1074 = tpu.scan <max>, %masked_sort3A_948 masked %reduce_max3A_1073 : vector<16xf32>, vector<16xi1> -> vector<16xf32>
          %reduce_max3A_1075 = vector.extract %reduce_max3A_1074[15] : f32 from vector<16xf32>
          %lt3A_1076 = arith.constant 10 : i32
          %lt3A_1077 = vector.broadcast %lt3A_1076 : i32 to vector<16xi32>
          %lt3A_1078 = arith.cmpi slt, %iota3A, %lt3A_1077 : vector<16xi32>
          %sub3A_1079 = vector.broadcast %reduce_max3A_1075 : f32 to vector<16xf32>
          %sub3A_1080 = arith.subf %masked_sort3A_948, %sub3A_1079 : vector<16xf32>
          %exp3A = math.exp %sub3A_1080 : vector<16xf32>
          %jit3A_1081 = arith.constant 0.000000e+00 : f32
          %broadcast_in_dim3A_1082 = vector.broadcast %jit3A_1081 : f32 to vector<16xf32>
          %select_n3A_1083 = arith.select %lt3A_1078, %exp3A, %broadcast_in_dim3A_1082 : vector<16xi1>, vector<16xf32>
          %reduce_max3A_1084 = arith.constant true
          %reduce_max3A_1085 = vector.broadcast %reduce_max3A_1084 : i1 to vector<16xi1>
          %reduce_max3A_1086 = tpu.scan <max>, %masked_sort3A_1064 masked %reduce_max3A_1085 : vector<16xf32>, vector<16xi1> -> vector<16xf32>
          %reduce_max3A_1087 = vector.extract %reduce_max3A_1086[15] : f32 from vector<16xf32>
          %lt3A_1088 = arith.constant 10 : i32
          %lt3A_1089 = vector.broadcast %lt3A_1088 : i32 to vector<16xi32>
          %lt3A_1090 = arith.cmpi slt, %iota3A, %lt3A_1089 : vector<16xi32>
          %sub3A_1091 = vector.broadcast %reduce_max3A_1087 : f32 to vector<16xf32>
          %sub3A_1092 = arith.subf %masked_sort3A_1064, %sub3A_1091 : vector<16xf32>
          %exp3A_1093 = math.exp %sub3A_1092 : vector<16xf32>
          %jit3A_1094 = arith.constant 0.000000e+00 : f32
          %broadcast_in_dim3A_1095 = vector.broadcast %jit3A_1094 : f32 to vector<16xf32>
          %select_n3A_1096 = arith.select %lt3A_1090, %exp3A_1093, %broadcast_in_dim3A_1095 : vector<16xi1>, vector<16xf32>
          %reduce_max3A_1097 = arith.constant true
          %reduce_max3A_1098 = vector.broadcast %reduce_max3A_1097 : i1 to vector<16xi1>
          %reduce_max3A_1099 = tpu.scan <max>, %masked_sort3A_955 masked %reduce_max3A_1098 : vector<16xf32>, vector<16xi1> -> vector<16xf32>
          %reduce_max3A_1100 = vector.extract %reduce_max3A_1099[15] : f32 from vector<16xf32>
          %lt3A_1101 = arith.constant 10 : i32
          %lt3A_1102 = vector.broadcast %lt3A_1101 : i32 to vector<16xi32>
          %lt3A_1103 = arith.cmpi slt, %iota3A, %lt3A_1102 : vector<16xi32>
          %sub3A_1104 = vector.broadcast %reduce_max3A_1100 : f32 to vector<16xf32>
          %sub3A_1105 = arith.subf %masked_sort3A_955, %sub3A_1104 : vector<16xf32>
          %exp3A_1106 = math.exp %sub3A_1105 : vector<16xf32>
          %jit3A_1107 = arith.constant 0.000000e+00 : f32
          %broadcast_in_dim3A_1108 = vector.broadcast %jit3A_1107 : f32 to vector<16xf32>
          %select_n3A_1109 = arith.select %lt3A_1103, %exp3A_1106, %broadcast_in_dim3A_1108 : vector<16xi1>, vector<16xf32>
          %reduce_max3A_1110 = arith.constant true
          %reduce_max3A_1111 = vector.broadcast %reduce_max3A_1110 : i1 to vector<16xi1>
          %reduce_max3A_1112 = tpu.scan <max>, %masked_sort3A_1071 masked %reduce_max3A_1111 : vector<16xf32>, vector<16xi1> -> vector<16xf32>
          %reduce_max3A_1113 = vector.extract %reduce_max3A_1112[15] : f32 from vector<16xf32>
          %lt3A_1114 = arith.constant 10 : i32
          %lt3A_1115 = vector.broadcast %lt3A_1114 : i32 to vector<16xi32>
          %lt3A_1116 = arith.cmpi slt, %iota3A, %lt3A_1115 : vector<16xi32>
          %sub3A_1117 = vector.broadcast %reduce_max3A_1113 : f32 to vector<16xf32>
          %sub3A_1118 = arith.subf %masked_sort3A_1071, %sub3A_1117 : vector<16xf32>
          %exp3A_1119 = math.exp %sub3A_1118 : vector<16xf32>
          %jit3A_1120 = arith.constant 0.000000e+00 : f32
          %broadcast_in_dim3A_1121 = vector.broadcast %jit3A_1120 : f32 to vector<16xf32>
          %select_n3A_1122 = arith.select %lt3A_1116, %exp3A_1119, %broadcast_in_dim3A_1121 : vector<16xi1>, vector<16xf32>
          %reduce_sum3A = arith.constant true
          %reduce_sum3A_1123 = vector.broadcast %reduce_sum3A : i1 to vector<16xi1>
          %reduce_sum3A_1124 = tpu.scan <sum>, %select_n3A_1083 masked %reduce_sum3A_1123 : vector<16xf32>, vector<16xi1> -> vector<16xf32>
          %reduce_sum3A_1125 = vector.extract %reduce_sum3A_1124[15] : f32 from vector<16xf32>
          %broadcast_in_dim3A_1126 = vector.broadcast %reduce_sum3A_1125 : f32 to vector<16xf32>
          %broadcast_in_dim3A_1127 = arith.constant 1.000000e+00 : f32
          %broadcast_in_dim3A_1128 = vector.broadcast %broadcast_in_dim3A_1127 : f32 to vector<16xf32>
          %div3A_1129 = arith.divf %broadcast_in_dim3A_1128, %broadcast_in_dim3A_1126 : vector<16xf32>
          %reduce_sum3A_1130 = arith.constant true
          %reduce_sum3A_1131 = vector.broadcast %reduce_sum3A_1130 : i1 to vector<16xi1>
          %reduce_sum3A_1132 = tpu.scan <sum>, %select_n3A_1096 masked %reduce_sum3A_1131 : vector<16xf32>, vector<16xi1> -> vector<16xf32>
          %reduce_sum3A_1133 = vector.extract %reduce_sum3A_1132[15] : f32 from vector<16xf32>
          %broadcast_in_dim3A_1134 = vector.broadcast %reduce_sum3A_1133 : f32 to vector<16xf32>
          %broadcast_in_dim3A_1135 = arith.constant 1.000000e+00 : f32
          %broadcast_in_dim3A_1136 = vector.broadcast %broadcast_in_dim3A_1135 : f32 to vector<16xf32>
          %div3A_1137 = arith.divf %broadcast_in_dim3A_1136, %broadcast_in_dim3A_1134 : vector<16xf32>
          %reduce_sum3A_1138 = arith.constant true
          %reduce_sum3A_1139 = vector.broadcast %reduce_sum3A_1138 : i1 to vector<16xi1>
          %reduce_sum3A_1140 = tpu.scan <sum>, %select_n3A_1109 masked %reduce_sum3A_1139 : vector<16xf32>, vector<16xi1> -> vector<16xf32>
          %reduce_sum3A_1141 = vector.extract %reduce_sum3A_1140[15] : f32 from vector<16xf32>
          %broadcast_in_dim3A_1142 = vector.broadcast %reduce_sum3A_1141 : f32 to vector<16xf32>
          %broadcast_in_dim3A_1143 = arith.constant 1.000000e+00 : f32
          %broadcast_in_dim3A_1144 = vector.broadcast %broadcast_in_dim3A_1143 : f32 to vector<16xf32>
          %div3A_1145 = arith.divf %broadcast_in_dim3A_1144, %broadcast_in_dim3A_1142 : vector<16xf32>
          %reduce_sum3A_1146 = arith.constant true
          %reduce_sum3A_1147 = vector.broadcast %reduce_sum3A_1146 : i1 to vector<16xi1>
          %reduce_sum3A_1148 = tpu.scan <sum>, %select_n3A_1122 masked %reduce_sum3A_1147 : vector<16xf32>, vector<16xi1> -> vector<16xf32>
          %reduce_sum3A_1149 = vector.extract %reduce_sum3A_1148[15] : f32 from vector<16xf32>
          %broadcast_in_dim3A_1150 = vector.broadcast %reduce_sum3A_1149 : f32 to vector<16xf32>
          %broadcast_in_dim3A_1151 = arith.constant 1.000000e+00 : f32
          %broadcast_in_dim3A_1152 = vector.broadcast %broadcast_in_dim3A_1151 : f32 to vector<16xf32>
          %div3A_1153 = arith.divf %broadcast_in_dim3A_1152, %broadcast_in_dim3A_1150 : vector<16xf32>
          %broadcast_in_dim3A_1154 = arith.constant 0.000000e+00 : f32
          %broadcast_in_dim3A_1155 = vector.broadcast %broadcast_in_dim3A_1154 : f32 to vector<16xf32>
          %broadcast_in_dim3A_1156 = arith.constant 0.000000e+00 : f32
          %broadcast_in_dim3A_1157 = vector.broadcast %broadcast_in_dim3A_1156 : f32 to vector<16xf32>
          %broadcast_in_dim3A_1158 = arith.constant 0.000000e+00 : f32
          %broadcast_in_dim3A_1159 = vector.broadcast %broadcast_in_dim3A_1158 : f32 to vector<16xf32>
          %broadcast_in_dim3A_1160 = arith.constant 0.000000e+00 : f32
          %broadcast_in_dim3A_1161 = vector.broadcast %broadcast_in_dim3A_1160 : f32 to vector<16xf32>
          %broadcast_in_dim3A_1162 = arith.constant 0.000000e+00 : f32
          %broadcast_in_dim3A_1163 = vector.broadcast %broadcast_in_dim3A_1162 : f32 to vector<16xf32>
          %broadcast_in_dim3A_1164 = arith.constant 0.000000e+00 : f32
          %broadcast_in_dim3A_1165 = vector.broadcast %broadcast_in_dim3A_1164 : f32 to vector<16xf32>
          %broadcast_in_dim3A_1166 = arith.constant 0.000000e+00 : f32
          %broadcast_in_dim3A_1167 = vector.broadcast %broadcast_in_dim3A_1166 : f32 to vector<16xf32>
          %broadcast_in_dim3A_1168 = arith.constant 0.000000e+00 : f32
          %broadcast_in_dim3A_1169 = vector.broadcast %broadcast_in_dim3A_1168 : f32 to vector<16xf32>
          %broadcast_in_dim3A_1170 = arith.constant 0.000000e+00 : f32
          %broadcast_in_dim3A_1171 = vector.broadcast %broadcast_in_dim3A_1170 : f32 to vector<16xf32>
          %broadcast_in_dim3A_1172 = arith.constant 0.000000e+00 : f32
          %broadcast_in_dim3A_1173 = vector.broadcast %broadcast_in_dim3A_1172 : f32 to vector<16xf32>
          %broadcast_in_dim3A_1174 = arith.constant 0.000000e+00 : f32
          %broadcast_in_dim3A_1175 = vector.broadcast %broadcast_in_dim3A_1174 : f32 to vector<16xf32>
          %broadcast_in_dim3A_1176 = arith.constant 0.000000e+00 : f32
          %broadcast_in_dim3A_1177 = vector.broadcast %broadcast_in_dim3A_1176 : f32 to vector<16xf32>
          %broadcast_in_dim3A_1178 = arith.constant 0.000000e+00 : f32
          %broadcast_in_dim3A_1179 = vector.broadcast %broadcast_in_dim3A_1178 : f32 to vector<16xf32>
          %broadcast_in_dim3A_1180 = arith.constant 0.000000e+00 : f32
          %broadcast_in_dim3A_1181 = vector.broadcast %broadcast_in_dim3A_1180 : f32 to vector<16xf32>
          %broadcast_in_dim3A_1182 = arith.constant 0.000000e+00 : f32
          %broadcast_in_dim3A_1183 = vector.broadcast %broadcast_in_dim3A_1182 : f32 to vector<16xf32>
          %broadcast_in_dim3A_1184 = arith.constant 0.000000e+00 : f32
          %broadcast_in_dim3A_1185 = vector.broadcast %broadcast_in_dim3A_1184 : f32 to vector<16xf32>
          %slice3A = vector.extract_strided_slice %masked_sort3A_949 {offsets = [0], sizes = [1], strides = [1]} : vector<16xi32> to vector<1xi32>
          %squeeze3A = vector.extract %slice3A[0] : i32 from vector<1xi32>
          %slice3A_1186 = vector.extract_strided_slice %select_n3A_1083 {offsets = [0], sizes = [1], strides = [1]} : vector<16xf32> to vector<1xf32>
          %squeeze3A_1187 = vector.extract %slice3A_1186[0] : f32 from vector<1xf32>
          %get3A_1188 = arith.index_cast %squeeze3A : i32 to index
          %get3A_1189 = arith.constant 0 : index
          %get3A_1190 = tpu.vector_load %arg11[%get3A_1188, %get3A_1189] {strides = array<i32>} : memref<196x64xbf16, #tpu.memory_space<vmem>>, vector<32xbf16>,
          %unpack3A = tpu.unpack_subelements %get3A_1190, 0 {pack_format = #tpu.pack_format<interleaved>} : vector<32xbf16> -> vector<16xf32>
          %unpack3A_1191 = tpu.unpack_subelements %get3A_1190, 1 {pack_format = #tpu.pack_format<interleaved>} : vector<32xbf16> -> vector<16xf32>
          %mul3A_1192 = vector.broadcast %squeeze3A_1187 : f32 to vector<16xf32>
          %mul3A_1193 = arith.mulf %mul3A_1192, %unpack3A : vector<16xf32>
          %add3A_1194 = arith.addf %broadcast_in_dim3A_1155, %mul3A_1193 : vector<16xf32>
          %mul3A_1195 = vector.broadcast %squeeze3A_1187 : f32 to vector<16xf32>
          %mul3A_1196 = arith.mulf %mul3A_1195, %unpack3A_1191 : vector<16xf32>
          %add3A_1197 = arith.addf %broadcast_in_dim3A_1157, %mul3A_1196 : vector<16xf32>
          %get3A_1198 = arith.index_cast %squeeze3A : i32 to index
          %get3A_1199 = arith.constant 32 : index
          %get3A_1200 = tpu.vector_load %arg11[%get3A_1198, %get3A_1199] {strides = array<i32>} : memref<196x64xbf16, #tpu.memory_space<vmem>>, vector<32xbf16>,
          %unpack3A_1201 = tpu.unpack_subelements %get3A_1200, 0 {pack_format = #tpu.pack_format<interleaved>} : vector<32xbf16> -> vector<16xf32>
          %unpack3A_1202 = tpu.unpack_subelements %get3A_1200, 1 {pack_format = #tpu.pack_format<interleaved>} : vector<32xbf16> -> vector<16xf32>
          %mul3A_1203 = vector.broadcast %squeeze3A_1187 : f32 to vector<16xf32>
          %mul3A_1204 = arith.mulf %mul3A_1203, %unpack3A_1201 : vector<16xf32>
          %add3A_1205 = arith.addf %broadcast_in_dim3A_1159, %mul3A_1204 : vector<16xf32>
          %mul3A_1206 = vector.broadcast %squeeze3A_1187 : f32 to vector<16xf32>
          %mul3A_1207 = arith.mulf %mul3A_1206, %unpack3A_1202 : vector<16xf32>
          %add3A_1208 = arith.addf %broadcast_in_dim3A_1161, %mul3A_1207 : vector<16xf32>
          %slice3A_1209 = vector.extract_strided_slice %masked_sort3A_1065 {offsets = [0], sizes = [1], strides = [1]} : vector<16xi32> to vector<1xi32>
          %squeeze3A_1210 = vector.extract %slice3A_1209[0] : i32 from vector<1xi32>
          %slice3A_1211 = vector.extract_strided_slice %select_n3A_1096 {offsets = [0], sizes = [1], strides = [1]} : vector<16xf32> to vector<1xf32>
          %squeeze3A_1212 = vector.extract %slice3A_1211[0] : f32 from vector<1xf32>
          %get3A_1213 = arith.index_cast %squeeze3A_1210 : i32 to index
          %get3A_1214 = arith.constant 0 : index
          %get3A_1215 = tpu.vector_load %arg13[%get3A_1213, %get3A_1214] {strides = array<i32>} : memref<196x64xbf16, #tpu.memory_space<vmem>>, vector<32xbf16>,
          %unpack3A_1216 = tpu.unpack_subelements %get3A_1215, 0 {pack_format = #tpu.pack_format<interleaved>} : vector<32xbf16> -> vector<16xf32>
          %unpack3A_1217 = tpu.unpack_subelements %get3A_1215, 1 {pack_format = #tpu.pack_format<interleaved>} : vector<32xbf16> -> vector<16xf32>
          %mul3A_1218 = vector.broadcast %squeeze3A_1212 : f32 to vector<16xf32>
          %mul3A_1219 = arith.mulf %mul3A_1218, %unpack3A_1216 : vector<16xf32>
          %add3A_1220 = arith.addf %broadcast_in_dim3A_1163, %mul3A_1219 : vector<16xf32>
          %mul3A_1221 = vector.broadcast %squeeze3A_1212 : f32 to vector<16xf32>
          %mul3A_1222 = arith.mulf %mul3A_1221, %unpack3A_1217 : vector<16xf32>
          %add3A_1223 = arith.addf %broadcast_in_dim3A_1165, %mul3A_1222 : vector<16xf32>
          %get3A_1224 = arith.index_cast %squeeze3A_1210 : i32 to index
          %get3A_1225 = arith.constant 32 : index
          %get3A_1226 = tpu.vector_load %arg13[%get3A_1224, %get3A_1225] {strides = array<i32>} : memref<196x64xbf16, #tpu.memory_space<vmem>>, vector<32xbf16>,
          %unpack3A_1227 = tpu.unpack_subelements %get3A_1226, 0 {pack_format = #tpu.pack_format<interleaved>} : vector<32xbf16> -> vector<16xf32>
          %unpack3A_1228 = tpu.unpack_subelements %get3A_1226, 1 {pack_format = #tpu.pack_format<interleaved>} : vector<32xbf16> -> vector<16xf32>
          %mul3A_1229 = vector.broadcast %squeeze3A_1212 : f32 to vector<16xf32>
          %mul3A_1230 = arith.mulf %mul3A_1229, %unpack3A_1227 : vector<16xf32>
          %add3A_1231 = arith.addf %broadcast_in_dim3A_1167, %mul3A_1230 : vector<16xf32>
          %mul3A_1232 = vector.broadcast %squeeze3A_1212 : f32 to vector<16xf32>
          %mul3A_1233 = arith.mulf %mul3A_1232, %unpack3A_1228 : vector<16xf32>
          %add3A_1234 = arith.addf %broadcast_in_dim3A_1169, %mul3A_1233 : vector<16xf32>
          %slice3A_1235 = vector.extract_strided_slice %masked_sort3A_956 {offsets = [0], sizes = [1], strides = [1]} : vector<16xi32> to vector<1xi32>
          %squeeze3A_1236 = vector.extract %slice3A_1235[0] : i32 from vector<1xi32>
          %slice3A_1237 = vector.extract_strided_slice %select_n3A_1109 {offsets = [0], sizes = [1], strides = [1]} : vector<16xf32> to vector<1xf32>
          %squeeze3A_1238 = vector.extract %slice3A_1237[0] : f32 from vector<1xf32>
          %get3A_1239 = arith.index_cast %squeeze3A_1236 : i32 to index
          %get3A_1240 = arith.constant 0 : index
          %get3A_1241 = tpu.vector_load %arg12[%get3A_1239, %get3A_1240] {strides = array<i32>} : memref<196x64xbf16, #tpu.memory_space<vmem>>, vector<32xbf16>,
          %unpack3A_1242 = tpu.unpack_subelements %get3A_1241, 0 {pack_format = #tpu.pack_format<interleaved>} : vector<32xbf16> -> vector<16xf32>
          %unpack3A_1243 = tpu.unpack_subelements %get3A_1241, 1 {pack_format = #tpu.pack_format<interleaved>} : vector<32xbf16> -> vector<16xf32>
          %mul3A_1244 = vector.broadcast %squeeze3A_1238 : f32 to vector<16xf32>
          %mul3A_1245 = arith.mulf %mul3A_1244, %unpack3A_1242 : vector<16xf32>
          %add3A_1246 = arith.addf %broadcast_in_dim3A_1171, %mul3A_1245 : vector<16xf32>
          %mul3A_1247 = vector.broadcast %squeeze3A_1238 : f32 to vector<16xf32>
          %mul3A_1248 = arith.mulf %mul3A_1247, %unpack3A_1243 : vector<16xf32>
          %add3A_1249 = arith.addf %broadcast_in_dim3A_1173, %mul3A_1248 : vector<16xf32>
          %get3A_1250 = arith.index_cast %squeeze3A_1236 : i32 to index
          %get3A_1251 = arith.constant 32 : index
          %get3A_1252 = tpu.vector_load %arg12[%get3A_1250, %get3A_1251] {strides = array<i32>} : memref<196x64xbf16, #tpu.memory_space<vmem>>, vector<32xbf16>,
          %unpack3A_1253 = tpu.unpack_subelements %get3A_1252, 0 {pack_format = #tpu.pack_format<interleaved>} : vector<32xbf16> -> vector<16xf32>
          %unpack3A_1254 = tpu.unpack_subelements %get3A_1252, 1 {pack_format = #tpu.pack_format<interleaved>} : vector<32xbf16> -> vector<16xf32>
          %mul3A_1255 = vector.broadcast %squeeze3A_1238 : f32 to vector<16xf32>
          %mul3A_1256 = arith.mulf %mul3A_1255, %unpack3A_1253 : vector<16xf32>
          %add3A_1257 = arith.addf %broadcast_in_dim3A_1175, %mul3A_1256 : vector<16xf32>
          %mul3A_1258 = vector.broadcast %squeeze3A_1238 : f32 to vector<16xf32>
          %mul3A_1259 = arith.mulf %mul3A_1258, %unpack3A_1254 : vector<16xf32>
          %add3A_1260 = arith.addf %broadcast_in_dim3A_1177, %mul3A_1259 : vector<16xf32>
          %slice3A_1261 = vector.extract_strided_slice %masked_sort3A_1072 {offsets = [0], sizes = [1], strides = [1]} : vector<16xi32> to vector<1xi32>
          %squeeze3A_1262 = vector.extract %slice3A_1261[0] : i32 from vector<1xi32>
          %slice3A_1263 = vector.extract_strided_slice %select_n3A_1122 {offsets = [0], sizes = [1], strides = [1]} : vector<16xf32> to vector<1xf32>
          %squeeze3A_1264 = vector.extract %slice3A_1263[0] : f32 from vector<1xf32>
          %get3A_1265 = arith.index_cast %squeeze3A_1262 : i32 to index
          %get3A_1266 = arith.constant 0 : index
          %get3A_1267 = tpu.vector_load %arg14[%get3A_1265, %get3A_1266] {strides = array<i32>} : memref<196x64xbf16, #tpu.memory_space<vmem>>, vector<32xbf16>,
          %unpack3A_1268 = tpu.unpack_subelements %get3A_1267, 0 {pack_format = #tpu.pack_format<interleaved>} : vector<32xbf16> -> vector<16xf32>
          %unpack3A_1269 = tpu.unpack_subelements %get3A_1267, 1 {pack_format = #tpu.pack_format<interleaved>} : vector<32xbf16> -> vector<16xf32>
          %mul3A_1270 = vector.broadcast %squeeze3A_1264 : f32 to vector<16xf32>
          %mul3A_1271 = arith.mulf %mul3A_1270, %unpack3A_1268 : vector<16xf32>
          %add3A_1272 = arith.addf %broadcast_in_dim3A_1179, %mul3A_1271 : vector<16xf32>
          %mul3A_1273 = vector.broadcast %squeeze3A_1264 : f32 to vector<16xf32>
          %mul3A_1274 = arith.mulf %mul3A_1273, %unpack3A_1269 : vector<16xf32>
          %add3A_1275 = arith.addf %broadcast_in_dim3A_1181, %mul3A_1274 : vector<16xf32>
          %get3A_1276 = arith.index_cast %squeeze3A_1262 : i32 to index
          %get3A_1277 = arith.constant 32 : index
          %get3A_1278 = tpu.vector_load %arg14[%get3A_1276, %get3A_1277] {strides = array<i32>} : memref<196x64xbf16, #tpu.memory_space<vmem>>, vector<32xbf16>,
          %unpack3A_1279 = tpu.unpack_subelements %get3A_1278, 0 {pack_format = #tpu.pack_format<interleaved>} : vector<32xbf16> -> vector<16xf32>
          %unpack3A_1280 = tpu.unpack_subelements %get3A_1278, 1 {pack_format = #tpu.pack_format<interleaved>} : vector<32xbf16> -> vector<16xf32>
          %mul3A_1281 = vector.broadcast %squeeze3A_1264 : f32 to vector<16xf32>
          %mul3A_1282 = arith.mulf %mul3A_1281, %unpack3A_1279 : vector<16xf32>
          %add3A_1283 = arith.addf %broadcast_in_dim3A_1183, %mul3A_1282 : vector<16xf32>
          %mul3A_1284 = vector.broadcast %squeeze3A_1264 : f32 to vector<16xf32>
          %mul3A_1285 = arith.mulf %mul3A_1284, %unpack3A_1280 : vector<16xf32>
          %add3A_1286 = arith.addf %broadcast_in_dim3A_1185, %mul3A_1285 : vector<16xf32>
          %slice3A_1287 = vector.extract_strided_slice %masked_sort3A_949 {offsets = [1], sizes = [1], strides = [1]} : vector<16xi32> to vector<1xi32>
          %squeeze3A_1288 = vector.extract %slice3A_1287[0] : i32 from vector<1xi32>
          %slice3A_1289 = vector.extract_strided_slice %select_n3A_1083 {offsets = [1], sizes = [1], strides = [1]} : vector<16xf32> to vector<1xf32>
          %squeeze3A_1290 = vector.extract %slice3A_1289[0] : f32 from vector<1xf32>
          %get3A_1291 = arith.index_cast %squeeze3A_1288 : i32 to index
          %get3A_1292 = arith.constant 0 : index
          %get3A_1293 = tpu.vector_load %arg11[%get3A_1291, %get3A_1292] {strides = array<i32>} : memref<196x64xbf16, #tpu.memory_space<vmem>>, vector<32xbf16>,
          %unpack3A_1294 = tpu.unpack_subelements %get3A_1293, 0 {pack_format = #tpu.pack_format<interleaved>} : vector<32xbf16> -> vector<16xf32>
          %unpack3A_1295 = tpu.unpack_subelements %get3A_1293, 1 {pack_format = #tpu.pack_format<interleaved>} : vector<32xbf16> -> vector<16xf32>
          %mul3A_1296 = vector.broadcast %squeeze3A_1290 : f32 to vector<16xf32>
          %mul3A_1297 = arith.mulf %mul3A_1296, %unpack3A_1294 : vector<16xf32>
          %add3A_1298 = arith.addf %add3A_1194, %mul3A_1297 : vector<16xf32>
          %mul3A_1299 = vector.broadcast %squeeze3A_1290 : f32 to vector<16xf32>
          %mul3A_1300 = arith.mulf %mul3A_1299, %unpack3A_1295 : vector<16xf32>
          %add3A_1301 = arith.addf %add3A_1197, %mul3A_1300 : vector<16xf32>
          %get3A_1302 = arith.index_cast %squeeze3A_1288 : i32 to index
          %get3A_1303 = arith.constant 32 : index
          %get3A_1304 = tpu.vector_load %arg11[%get3A_1302, %get3A_1303] {strides = array<i32>} : memref<196x64xbf16, #tpu.memory_space<vmem>>, vector<32xbf16>,
          %unpack3A_1305 = tpu.unpack_subelements %get3A_1304, 0 {pack_format = #tpu.pack_format<interleaved>} : vector<32xbf16> -> vector<16xf32>
          %unpack3A_1306 = tpu.unpack_subelements %get3A_1304, 1 {pack_format = #tpu.pack_format<interleaved>} : vector<32xbf16> -> vector<16xf32>
          %mul3A_1307 = vector.broadcast %squeeze3A_1290 : f32 to vector<16xf32>
          %mul3A_1308 = arith.mulf %mul3A_1307, %unpack3A_1305 : vector<16xf32>
          %add3A_1309 = arith.addf %add3A_1205, %mul3A_1308 : vector<16xf32>
          %mul3A_1310 = vector.broadcast %squeeze3A_1290 : f32 to vector<16xf32>
          %mul3A_1311 = arith.mulf %mul3A_1310, %unpack3A_1306 : vector<16xf32>
          %add3A_1312 = arith.addf %add3A_1208, %mul3A_1311 : vector<16xf32>
          %slice3A_1313 = vector.extract_strided_slice %masked_sort3A_1065 {offsets = [1], sizes = [1], strides = [1]} : vector<16xi32> to vector<1xi32>
          %squeeze3A_1314 = vector.extract %slice3A_1313[0] : i32 from vector<1xi32>
          %slice3A_1315 = vector.extract_strided_slice %select_n3A_1096 {offsets = [1], sizes = [1], strides = [1]} : vector<16xf32> to vector<1xf32>
          %squeeze3A_1316 = vector.extract %slice3A_1315[0] : f32 from vector<1xf32>
          %get3A_1317 = arith.index_cast %squeeze3A_1314 : i32 to index
          %get3A_1318 = arith.constant 0 : index
          %get3A_1319 = tpu.vector_load %arg13[%get3A_1317, %get3A_1318] {strides = array<i32>} : memref<196x64xbf16, #tpu.memory_space<vmem>>, vector<32xbf16>,
          %unpack3A_1320 = tpu.unpack_subelements %get3A_1319, 0 {pack_format = #tpu.pack_format<interleaved>} : vector<32xbf16> -> vector<16xf32>
          %unpack3A_1321 = tpu.unpack_subelements %get3A_1319, 1 {pack_format = #tpu.pack_format<interleaved>} : vector<32xbf16> -> vector<16xf32>
          %mul3A_1322 = vector.broadcast %squeeze3A_1316 : f32 to vector<16xf32>
          %mul3A_1323 = arith.mulf %mul3A_1322, %unpack3A_1320 : vector<16xf32>
          %add3A_1324 = arith.addf %add3A_1220, %mul3A_1323 : vector<16xf32>
          %mul3A_1325 = vector.broadcast %squeeze3A_1316 : f32 to vector<16xf32>
          %mul3A_1326 = arith.mulf %mul3A_1325, %unpack3A_1321 : vector<16xf32>
          %add3A_1327 = arith.addf %add3A_1223, %mul3A_1326 : vector<16xf32>
          %get3A_1328 = arith.index_cast %squeeze3A_1314 : i32 to index
          %get3A_1329 = arith.constant 32 : index
          %get3A_1330 = tpu.vector_load %arg13[%get3A_1328, %get3A_1329] {strides = array<i32>} : memref<196x64xbf16, #tpu.memory_space<vmem>>, vector<32xbf16>,
          %unpack3A_1331 = tpu.unpack_subelements %get3A_1330, 0 {pack_format = #tpu.pack_format<interleaved>} : vector<32xbf16> -> vector<16xf32>
          %unpack3A_1332 = tpu.unpack_subelements %get3A_1330, 1 {pack_format = #tpu.pack_format<interleaved>} : vector<32xbf16> -> vector<16xf32>
          %mul3A_1333 = vector.broadcast %squeeze3A_1316 : f32 to vector<16xf32>
          %mul3A_1334 = arith.mulf %mul3A_1333, %unpack3A_1331 : vector<16xf32>
          %add3A_1335 = arith.addf %add3A_1231, %mul3A_1334 : vector<16xf32>
          %mul3A_1336 = vector.broadcast %squeeze3A_1316 : f32 to vector<16xf32>
          %mul3A_1337 = arith.mulf %mul3A_1336, %unpack3A_1332 : vector<16xf32>
          %add3A_1338 = arith.addf %add3A_1234, %mul3A_1337 : vector<16xf32>
          %slice3A_1339 = vector.extract_strided_slice %masked_sort3A_956 {offsets = [1], sizes = [1], strides = [1]} : vector<16xi32> to vector<1xi32>
          %squeeze3A_1340 = vector.extract %slice3A_1339[0] : i32 from vector<1xi32>
          %slice3A_1341 = vector.extract_strided_slice %select_n3A_1109 {offsets = [1], sizes = [1], strides = [1]} : vector<16xf32> to vector<1xf32>
          %squeeze3A_1342 = vector.extract %slice3A_1341[0] : f32 from vector<1xf32>
          %get3A_1343 = arith.index_cast %squeeze3A_1340 : i32 to index
          %get3A_1344 = arith.constant 0 : index
          %get3A_1345 = tpu.vector_load %arg12[%get3A_1343, %get3A_1344] {strides = array<i32>} : memref<196x64xbf16, #tpu.memory_space<vmem>>, vector<32xbf16>,
          %unpack3A_1346 = tpu.unpack_subelements %get3A_1345, 0 {pack_format = #tpu.pack_format<interleaved>} : vector<32xbf16> -> vector<16xf32>
          %unpack3A_1347 = tpu.unpack_subelements %get3A_1345, 1 {pack_format = #tpu.pack_format<interleaved>} : vector<32xbf16> -> vector<16xf32>
          %mul3A_1348 = vector.broadcast %squeeze3A_1342 : f32 to vector<16xf32>
          %mul3A_1349 = arith.mulf %mul3A_1348, %unpack3A_1346 : vector<16xf32>
          %add3A_1350 = arith.addf %add3A_1246, %mul3A_1349 : vector<16xf32>
          %mul3A_1351 = vector.broadcast %squeeze3A_1342 : f32 to vector<16xf32>
          %mul3A_1352 = arith.mulf %mul3A_1351, %unpack3A_1347 : vector<16xf32>
          %add3A_1353 = arith.addf %add3A_1249, %mul3A_1352 : vector<16xf32>
          %get3A_1354 = arith.index_cast %squeeze3A_1340 : i32 to index
          %get3A_1355 = arith.constant 32 : index
          %get3A_1356 = tpu.vector_load %arg12[%get3A_1354, %get3A_1355] {strides = array<i32>} : memref<196x64xbf16, #tpu.memory_space<vmem>>, vector<32xbf16>,
          %unpack3A_1357 = tpu.unpack_subelements %get3A_1356, 0 {pack_format = #tpu.pack_format<interleaved>} : vector<32xbf16> -> vector<16xf32>
          %unpack3A_1358 = tpu.unpack_subelements %get3A_1356, 1 {pack_format = #tpu.pack_format<interleaved>} : vector<32xbf16> -> vector<16xf32>
          %mul3A_1359 = vector.broadcast %squeeze3A_1342 : f32 to vector<16xf32>
          %mul3A_1360 = arith.mulf %mul3A_1359, %unpack3A_1357 : vector<16xf32>
          %add3A_1361 = arith.addf %add3A_1257, %mul3A_1360 : vector<16xf32>
          %mul3A_1362 = vector.broadcast %squeeze3A_1342 : f32 to vector<16xf32>
          %mul3A_1363 = arith.mulf %mul3A_1362, %unpack3A_1358 : vector<16xf32>
          %add3A_1364 = arith.addf %add3A_1260, %mul3A_1363 : vector<16xf32>
          %slice3A_1365 = vector.extract_strided_slice %masked_sort3A_1072 {offsets = [1], sizes = [1], strides = [1]} : vector<16xi32> to vector<1xi32>
          %squeeze3A_1366 = vector.extract %slice3A_1365[0] : i32 from vector<1xi32>
          %slice3A_1367 = vector.extract_strided_slice %select_n3A_1122 {offsets = [1], sizes = [1], strides = [1]} : vector<16xf32> to vector<1xf32>
          %squeeze3A_1368 = vector.extract %slice3A_1367[0] : f32 from vector<1xf32>
          %get3A_1369 = arith.index_cast %squeeze3A_1366 : i32 to index
          %get3A_1370 = arith.constant 0 : index
          %get3A_1371 = tpu.vector_load %arg14[%get3A_1369, %get3A_1370] {strides = array<i32>} : memref<196x64xbf16, #tpu.memory_space<vmem>>, vector<32xbf16>,
          %unpack3A_1372 = tpu.unpack_subelements %get3A_1371, 0 {pack_format = #tpu.pack_format<interleaved>} : vector<32xbf16> -> vector<16xf32>
          %unpack3A_1373 = tpu.unpack_subelements %get3A_1371, 1 {pack_format = #tpu.pack_format<interleaved>} : vector<32xbf16> -> vector<16xf32>
          %mul3A_1374 = vector.broadcast %squeeze3A_1368 : f32 to vector<16xf32>
          %mul3A_1375 = arith.mulf %mul3A_1374, %unpack3A_1372 : vector<16xf32>
          %add3A_1376 = arith.addf %add3A_1272, %mul3A_1375 : vector<16xf32>
          %mul3A_1377 = vector.broadcast %squeeze3A_1368 : f32 to vector<16xf32>
          %mul3A_1378 = arith.mulf %mul3A_1377, %unpack3A_1373 : vector<16xf32>
          %add3A_1379 = arith.addf %add3A_1275, %mul3A_1378 : vector<16xf32>
          %get3A_1380 = arith.index_cast %squeeze3A_1366 : i32 to index
          %get3A_1381 = arith.constant 32 : index
          %get3A_1382 = tpu.vector_load %arg14[%get3A_1380, %get3A_1381] {strides = array<i32>} : memref<196x64xbf16, #tpu.memory_space<vmem>>, vector<32xbf16>,
          %unpack3A_1383 = tpu.unpack_subelements %get3A_1382, 0 {pack_format = #tpu.pack_format<interleaved>} : vector<32xbf16> -> vector<16xf32>
          %unpack3A_1384 = tpu.unpack_subelements %get3A_1382, 1 {pack_format = #tpu.pack_format<interleaved>} : vector<32xbf16> -> vector<16xf32>
          %mul3A_1385 = vector.broadcast %squeeze3A_1368 : f32 to vector<16xf32>
          %mul3A_1386 = arith.mulf %mul3A_1385, %unpack3A_1383 : vector<16xf32>
          %add3A_1387 = arith.addf %add3A_1283, %mul3A_1386 : vector<16xf32>
          %mul3A_1388 = vector.broadcast %squeeze3A_1368 : f32 to vector<16xf32>
          %mul3A_1389 = arith.mulf %mul3A_1388, %unpack3A_1384 : vector<16xf32>
          %add3A_1390 = arith.addf %add3A_1286, %mul3A_1389 : vector<16xf32>
          %slice3A_1391 = vector.extract_strided_slice %masked_sort3A_949 {offsets = [2], sizes = [1], strides = [1]} : vector<16xi32> to vector<1xi32>
          %squeeze3A_1392 = vector.extract %slice3A_1391[0] : i32 from vector<1xi32>
          %slice3A_1393 = vector.extract_strided_slice %select_n3A_1083 {offsets = [2], sizes = [1], strides = [1]} : vector<16xf32> to vector<1xf32>
          %squeeze3A_1394 = vector.extract %slice3A_1393[0] : f32 from vector<1xf32>
          %get3A_1395 = arith.index_cast %squeeze3A_1392 : i32 to index
          %get3A_1396 = arith.constant 0 : index
          %get3A_1397 = tpu.vector_load %arg11[%get3A_1395, %get3A_1396] {strides = array<i32>} : memref<196x64xbf16, #tpu.memory_space<vmem>>, vector<32xbf16>,
          %unpack3A_1398 = tpu.unpack_subelements %get3A_1397, 0 {pack_format = #tpu.pack_format<interleaved>} : vector<32xbf16> -> vector<16xf32>
          %unpack3A_1399 = tpu.unpack_subelements %get3A_1397, 1 {pack_format = #tpu.pack_format<interleaved>} : vector<32xbf16> -> vector<16xf32>
          %mul3A_1400 = vector.broadcast %squeeze3A_1394 : f32 to vector<16xf32>
          %mul3A_1401 = arith.mulf %mul3A_1400, %unpack3A_1398 : vector<16xf32>
          %add3A_1402 = arith.addf %add3A_1298, %mul3A_1401 : vector<16xf32>
          %mul3A_1403 = vector.broadcast %squeeze3A_1394 : f32 to vector<16xf32>
          %mul3A_1404 = arith.mulf %mul3A_1403, %unpack3A_1399 : vector<16xf32>
          %add3A_1405 = arith.addf %add3A_1301, %mul3A_1404 : vector<16xf32>
          %get3A_1406 = arith.index_cast %squeeze3A_1392 : i32 to index
          %get3A_1407 = arith.constant 32 : index
          %get3A_1408 = tpu.vector_load %arg11[%get3A_1406, %get3A_1407] {strides = array<i32>} : memref<196x64xbf16, #tpu.memory_space<vmem>>, vector<32xbf16>,
          %unpack3A_1409 = tpu.unpack_subelements %get3A_1408, 0 {pack_format = #tpu.pack_format<interleaved>} : vector<32xbf16> -> vector<16xf32>
          %unpack3A_1410 = tpu.unpack_subelements %get3A_1408, 1 {pack_format = #tpu.pack_format<interleaved>} : vector<32xbf16> -> vector<16xf32>
          %mul3A_1411 = vector.broadcast %squeeze3A_1394 : f32 to vector<16xf32>
          %mul3A_1412 = arith.mulf %mul3A_1411, %unpack3A_1409 : vector<16xf32>
          %add3A_1413 = arith.addf %add3A_1309, %mul3A_1412 : vector<16xf32>
          %mul3A_1414 = vector.broadcast %squeeze3A_1394 : f32 to vector<16xf32>
          %mul3A_1415 = arith.mulf %mul3A_1414, %unpack3A_1410 : vector<16xf32>
          %add3A_1416 = arith.addf %add3A_1312, %mul3A_1415 : vector<16xf32>
          %slice3A_1417 = vector.extract_strided_slice %masked_sort3A_1065 {offsets = [2], sizes = [1], strides = [1]} : vector<16xi32> to vector<1xi32>
          %squeeze3A_1418 = vector.extract %slice3A_1417[0] : i32 from vector<1xi32>
          %slice3A_1419 = vector.extract_strided_slice %select_n3A_1096 {offsets = [2], sizes = [1], strides = [1]} : vector<16xf32> to vector<1xf32>
          %squeeze3A_1420 = vector.extract %slice3A_1419[0] : f32 from vector<1xf32>
          %get3A_1421 = arith.index_cast %squeeze3A_1418 : i32 to index
          %get3A_1422 = arith.constant 0 : index
          %get3A_1423 = tpu.vector_load %arg13[%get3A_1421, %get3A_1422] {strides = array<i32>} : memref<196x64xbf16, #tpu.memory_space<vmem>>, vector<32xbf16>,
          %unpack3A_1424 = tpu.unpack_subelements %get3A_1423, 0 {pack_format = #tpu.pack_format<interleaved>} : vector<32xbf16> -> vector<16xf32>
          %unpack3A_1425 = tpu.unpack_subelements %get3A_1423, 1 {pack_format = #tpu.pack_format<interleaved>} : vector<32xbf16> -> vector<16xf32>
          %mul3A_1426 = vector.broadcast %squeeze3A_1420 : f32 to vector<16xf32>
          %mul3A_1427 = arith.mulf %mul3A_1426, %unpack3A_1424 : vector<16xf32>
          %add3A_1428 = arith.addf %add3A_1324, %mul3A_1427 : vector<16xf32>
          %mul3A_1429 = vector.broadcast %squeeze3A_1420 : f32 to vector<16xf32>
          %mul3A_1430 = arith.mulf %mul3A_1429, %unpack3A_1425 : vector<16xf32>
          %add3A_1431 = arith.addf %add3A_1327, %mul3A_1430 : vector<16xf32>
          %get3A_1432 = arith.index_cast %squeeze3A_1418 : i32 to index
          %get3A_1433 = arith.constant 32 : index
          %get3A_1434 = tpu.vector_load %arg13[%get3A_1432, %get3A_1433] {strides = array<i32>} : memref<196x64xbf16, #tpu.memory_space<vmem>>, vector<32xbf16>,
          %unpack3A_1435 = tpu.unpack_subelements %get3A_1434, 0 {pack_format = #tpu.pack_format<interleaved>} : vector<32xbf16> -> vector<16xf32>
          %unpack3A_1436 = tpu.unpack_subelements %get3A_1434, 1 {pack_format = #tpu.pack_format<interleaved>} : vector<32xbf16> -> vector<16xf32>
          %mul3A_1437 = vector.broadcast %squeeze3A_1420 : f32 to vector<16xf32>
          %mul3A_1438 = arith.mulf %mul3A_1437, %unpack3A_1435 : vector<16xf32>
          %add3A_1439 = arith.addf %add3A_1335, %mul3A_1438 : vector<16xf32>
          %mul3A_1440 = vector.broadcast %squeeze3A_1420 : f32 to vector<16xf32>
          %mul3A_1441 = arith.mulf %mul3A_1440, %unpack3A_1436 : vector<16xf32>
          %add3A_1442 = arith.addf %add3A_1338, %mul3A_1441 : vector<16xf32>
          %slice3A_1443 = vector.extract_strided_slice %masked_sort3A_956 {offsets = [2], sizes = [1], strides = [1]} : vector<16xi32> to vector<1xi32>
          %squeeze3A_1444 = vector.extract %slice3A_1443[0] : i32 from vector<1xi32>
          %slice3A_1445 = vector.extract_strided_slice %select_n3A_1109 {offsets = [2], sizes = [1], strides = [1]} : vector<16xf32> to vector<1xf32>
          %squeeze3A_1446 = vector.extract %slice3A_1445[0] : f32 from vector<1xf32>
          %get3A_1447 = arith.index_cast %squeeze3A_1444 : i32 to index
          %get3A_1448 = arith.constant 0 : index
          %get3A_1449 = tpu.vector_load %arg12[%get3A_1447, %get3A_1448] {strides = array<i32>} : memref<196x64xbf16, #tpu.memory_space<vmem>>, vector<32xbf16>,
          %unpack3A_1450 = tpu.unpack_subelements %get3A_1449, 0 {pack_format = #tpu.pack_format<interleaved>} : vector<32xbf16> -> vector<16xf32>
          %unpack3A_1451 = tpu.unpack_subelements %get3A_1449, 1 {pack_format = #tpu.pack_format<interleaved>} : vector<32xbf16> -> vector<16xf32>
          %mul3A_1452 = vector.broadcast %squeeze3A_1446 : f32 to vector<16xf32>
          %mul3A_1453 = arith.mulf %mul3A_1452, %unpack3A_1450 : vector<16xf32>
          %add3A_1454 = arith.addf %add3A_1350, %mul3A_1453 : vector<16xf32>
          %mul3A_1455 = vector.broadcast %squeeze3A_1446 : f32 to vector<16xf32>
          %mul3A_1456 = arith.mulf %mul3A_1455, %unpack3A_1451 : vector<16xf32>
          %add3A_1457 = arith.addf %add3A_1353, %mul3A_1456 : vector<16xf32>
          %get3A_1458 = arith.index_cast %squeeze3A_1444 : i32 to index
          %get3A_1459 = arith.constant 32 : index
          %get3A_1460 = tpu.vector_load %arg12[%get3A_1458, %get3A_1459] {strides = array<i32>} : memref<196x64xbf16, #tpu.memory_space<vmem>>, vector<32xbf16>,
          %unpack3A_1461 = tpu.unpack_subelements %get3A_1460, 0 {pack_format = #tpu.pack_format<interleaved>} : vector<32xbf16> -> vector<16xf32>
          %unpack3A_1462 = tpu.unpack_subelements %get3A_1460, 1 {pack_format = #tpu.pack_format<interleaved>} : vector<32xbf16> -> vector<16xf32>
          %mul3A_1463 = vector.broadcast %squeeze3A_1446 : f32 to vector<16xf32>
          %mul3A_1464 = arith.mulf %mul3A_1463, %unpack3A_1461 : vector<16xf32>
          %add3A_1465 = arith.addf %add3A_1361, %mul3A_1464 : vector<16xf32>
          %mul3A_1466 = vector.broadcast %squeeze3A_1446 : f32 to vector<16xf32>
          %mul3A_1467 = arith.mulf %mul3A_1466, %unpack3A_1462 : vector<16xf32>
          %add3A_1468 = arith.addf %add3A_1364, %mul3A_1467 : vector<16xf32>
          %slice3A_1469 = vector.extract_strided_slice %masked_sort3A_1072 {offsets = [2], sizes = [1], strides = [1]} : vector<16xi32> to vector<1xi32>
          %squeeze3A_1470 = vector.extract %slice3A_1469[0] : i32 from vector<1xi32>
          %slice3A_1471 = vector.extract_strided_slice %select_n3A_1122 {offsets = [2], sizes = [1], strides = [1]} : vector<16xf32> to vector<1xf32>
          %squeeze3A_1472 = vector.extract %slice3A_1471[0] : f32 from vector<1xf32>
          %get3A_1473 = arith.index_cast %squeeze3A_1470 : i32 to index
          %get3A_1474 = arith.constant 0 : index
          %get3A_1475 = tpu.vector_load %arg14[%get3A_1473, %get3A_1474] {strides = array<i32>} : memref<196x64xbf16, #tpu.memory_space<vmem>>, vector<32xbf16>,
          %unpack3A_1476 = tpu.unpack_subelements %get3A_1475, 0 {pack_format = #tpu.pack_format<interleaved>} : vector<32xbf16> -> vector<16xf32>
          %unpack3A_1477 = tpu.unpack_subelements %get3A_1475, 1 {pack_format = #tpu.pack_format<interleaved>} : vector<32xbf16> -> vector<16xf32>
          %mul3A_1478 = vector.broadcast %squeeze3A_1472 : f32 to vector<16xf32>
          %mul3A_1479 = arith.mulf %mul3A_1478, %unpack3A_1476 : vector<16xf32>
          %add3A_1480 = arith.addf %add3A_1376, %mul3A_1479 : vector<16xf32>
          %mul3A_1481 = vector.broadcast %squeeze3A_1472 : f32 to vector<16xf32>
          %mul3A_1482 = arith.mulf %mul3A_1481, %unpack3A_1477 : vector<16xf32>
          %add3A_1483 = arith.addf %add3A_1379, %mul3A_1482 : vector<16xf32>
          %get3A_1484 = arith.index_cast %squeeze3A_1470 : i32 to index
          %get3A_1485 = arith.constant 32 : index
          %get3A_1486 = tpu.vector_load %arg14[%get3A_1484, %get3A_1485] {strides = array<i32>} : memref<196x64xbf16, #tpu.memory_space<vmem>>, vector<32xbf16>,
          %unpack3A_1487 = tpu.unpack_subelements %get3A_1486, 0 {pack_format = #tpu.pack_format<interleaved>} : vector<32xbf16> -> vector<16xf32>
          %unpack3A_1488 = tpu.unpack_subelements %get3A_1486, 1 {pack_format = #tpu.pack_format<interleaved>} : vector<32xbf16> -> vector<16xf32>
          %mul3A_1489 = vector.broadcast %squeeze3A_1472 : f32 to vector<16xf32>
          %mul3A_1490 = arith.mulf %mul3A_1489, %unpack3A_1487 : vector<16xf32>
          %add3A_1491 = arith.addf %add3A_1387, %mul3A_1490 : vector<16xf32>
          %mul3A_1492 = vector.broadcast %squeeze3A_1472 : f32 to vector<16xf32>
          %mul3A_1493 = arith.mulf %mul3A_1492, %unpack3A_1488 : vector<16xf32>
          %add3A_1494 = arith.addf %add3A_1390, %mul3A_1493 : vector<16xf32>
          %slice3A_1495 = vector.extract_strided_slice %masked_sort3A_949 {offsets = [3], sizes = [1], strides = [1]} : vector<16xi32> to vector<1xi32>
          %squeeze3A_1496 = vector.extract %slice3A_1495[0] : i32 from vector<1xi32>
          %slice3A_1497 = vector.extract_strided_slice %select_n3A_1083 {offsets = [3], sizes = [1], strides = [1]} : vector<16xf32> to vector<1xf32>
          %squeeze3A_1498 = vector.extract %slice3A_1497[0] : f32 from vector<1xf32>
          %get3A_1499 = arith.index_cast %squeeze3A_1496 : i32 to index
          %get3A_1500 = arith.constant 0 : index
          %get3A_1501 = tpu.vector_load %arg11[%get3A_1499, %get3A_1500] {strides = array<i32>} : memref<196x64xbf16, #tpu.memory_space<vmem>>, vector<32xbf16>,
          %unpack3A_1502 = tpu.unpack_subelements %get3A_1501, 0 {pack_format = #tpu.pack_format<interleaved>} : vector<32xbf16> -> vector<16xf32>
          %unpack3A_1503 = tpu.unpack_subelements %get3A_1501, 1 {pack_format = #tpu.pack_format<interleaved>} : vector<32xbf16> -> vector<16xf32>
          %mul3A_1504 = vector.broadcast %squeeze3A_1498 : f32 to vector<16xf32>
          %mul3A_1505 = arith.mulf %mul3A_1504, %unpack3A_1502 : vector<16xf32>
          %add3A_1506 = arith.addf %add3A_1402, %mul3A_1505 : vector<16xf32>
          %mul3A_1507 = vector.broadcast %squeeze3A_1498 : f32 to vector<16xf32>
          %mul3A_1508 = arith.mulf %mul3A_1507, %unpack3A_1503 : vector<16xf32>
          %add3A_1509 = arith.addf %add3A_1405, %mul3A_1508 : vector<16xf32>
          %get3A_1510 = arith.index_cast %squeeze3A_1496 : i32 to index
          %get3A_1511 = arith.constant 32 : index
          %get3A_1512 = tpu.vector_load %arg11[%get3A_1510, %get3A_1511] {strides = array<i32>} : memref<196x64xbf16, #tpu.memory_space<vmem>>, vector<32xbf16>,
          %unpack3A_1513 = tpu.unpack_subelements %get3A_1512, 0 {pack_format = #tpu.pack_format<interleaved>} : vector<32xbf16> -> vector<16xf32>
          %unpack3A_1514 = tpu.unpack_subelements %get3A_1512, 1 {pack_format = #tpu.pack_format<interleaved>} : vector<32xbf16> -> vector<16xf32>
          %mul3A_1515 = vector.broadcast %squeeze3A_1498 : f32 to vector<16xf32>
          %mul3A_1516 = arith.mulf %mul3A_1515, %unpack3A_1513 : vector<16xf32>
          %add3A_1517 = arith.addf %add3A_1413, %mul3A_1516 : vector<16xf32>
          %mul3A_1518 = vector.broadcast %squeeze3A_1498 : f32 to vector<16xf32>
          %mul3A_1519 = arith.mulf %mul3A_1518, %unpack3A_1514 : vector<16xf32>
          %add3A_1520 = arith.addf %add3A_1416, %mul3A_1519 : vector<16xf32>
          %slice3A_1521 = vector.extract_strided_slice %masked_sort3A_1065 {offsets = [3], sizes = [1], strides = [1]} : vector<16xi32> to vector<1xi32>
          %squeeze3A_1522 = vector.extract %slice3A_1521[0] : i32 from vector<1xi32>
          %slice3A_1523 = vector.extract_strided_slice %select_n3A_1096 {offsets = [3], sizes = [1], strides = [1]} : vector<16xf32> to vector<1xf32>
          %squeeze3A_1524 = vector.extract %slice3A_1523[0] : f32 from vector<1xf32>
          %get3A_1525 = arith.index_cast %squeeze3A_1522 : i32 to index
          %get3A_1526 = arith.constant 0 : index
          %get3A_1527 = tpu.vector_load %arg13[%get3A_1525, %get3A_1526] {strides = array<i32>} : memref<196x64xbf16, #tpu.memory_space<vmem>>, vector<32xbf16>,
          %unpack3A_1528 = tpu.unpack_subelements %get3A_1527, 0 {pack_format = #tpu.pack_format<interleaved>} : vector<32xbf16> -> vector<16xf32>
          %unpack3A_1529 = tpu.unpack_subelements %get3A_1527, 1 {pack_format = #tpu.pack_format<interleaved>} : vector<32xbf16> -> vector<16xf32>
          %mul3A_1530 = vector.broadcast %squeeze3A_1524 : f32 to vector<16xf32>
          %mul3A_1531 = arith.mulf %mul3A_1530, %unpack3A_1528 : vector<16xf32>
          %add3A_1532 = arith.addf %add3A_1428, %mul3A_1531 : vector<16xf32>
          %mul3A_1533 = vector.broadcast %squeeze3A_1524 : f32 to vector<16xf32>
          %mul3A_1534 = arith.mulf %mul3A_1533, %unpack3A_1529 : vector<16xf32>
          %add3A_1535 = arith.addf %add3A_1431, %mul3A_1534 : vector<16xf32>
          %get3A_1536 = arith.index_cast %squeeze3A_1522 : i32 to index
          %get3A_1537 = arith.constant 32 : index
          %get3A_1538 = tpu.vector_load %arg13[%get3A_1536, %get3A_1537] {strides = array<i32>} : memref<196x64xbf16, #tpu.memory_space<vmem>>, vector<32xbf16>,
          %unpack3A_1539 = tpu.unpack_subelements %get3A_1538, 0 {pack_format = #tpu.pack_format<interleaved>} : vector<32xbf16> -> vector<16xf32>
          %unpack3A_1540 = tpu.unpack_subelements %get3A_1538, 1 {pack_format = #tpu.pack_format<interleaved>} : vector<32xbf16> -> vector<16xf32>
          %mul3A_1541 = vector.broadcast %squeeze3A_1524 : f32 to vector<16xf32>
          %mul3A_1542 = arith.mulf %mul3A_1541, %unpack3A_1539 : vector<16xf32>
          %add3A_1543 = arith.addf %add3A_1439, %mul3A_1542 : vector<16xf32>
          %mul3A_1544 = vector.broadcast %squeeze3A_1524 : f32 to vector<16xf32>
          %mul3A_1545 = arith.mulf %mul3A_1544, %unpack3A_1540 : vector<16xf32>
          %add3A_1546 = arith.addf %add3A_1442, %mul3A_1545 : vector<16xf32>
          %slice3A_1547 = vector.extract_strided_slice %masked_sort3A_956 {offsets = [3], sizes = [1], strides = [1]} : vector<16xi32> to vector<1xi32>
          %squeeze3A_1548 = vector.extract %slice3A_1547[0] : i32 from vector<1xi32>
          %slice3A_1549 = vector.extract_strided_slice %select_n3A_1109 {offsets = [3], sizes = [1], strides = [1]} : vector<16xf32> to vector<1xf32>
          %squeeze3A_1550 = vector.extract %slice3A_1549[0] : f32 from vector<1xf32>
          %get3A_1551 = arith.index_cast %squeeze3A_1548 : i32 to index
          %get3A_1552 = arith.constant 0 : index
          %get3A_1553 = tpu.vector_load %arg12[%get3A_1551, %get3A_1552] {strides = array<i32>} : memref<196x64xbf16, #tpu.memory_space<vmem>>, vector<32xbf16>,
          %unpack3A_1554 = tpu.unpack_subelements %get3A_1553, 0 {pack_format = #tpu.pack_format<interleaved>} : vector<32xbf16> -> vector<16xf32>
          %unpack3A_1555 = tpu.unpack_subelements %get3A_1553, 1 {pack_format = #tpu.pack_format<interleaved>} : vector<32xbf16> -> vector<16xf32>
          %mul3A_1556 = vector.broadcast %squeeze3A_1550 : f32 to vector<16xf32>
          %mul3A_1557 = arith.mulf %mul3A_1556, %unpack3A_1554 : vector<16xf32>
          %add3A_1558 = arith.addf %add3A_1454, %mul3A_1557 : vector<16xf32>
          %mul3A_1559 = vector.broadcast %squeeze3A_1550 : f32 to vector<16xf32>
          %mul3A_1560 = arith.mulf %mul3A_1559, %unpack3A_1555 : vector<16xf32>
          %add3A_1561 = arith.addf %add3A_1457, %mul3A_1560 : vector<16xf32>
          %get3A_1562 = arith.index_cast %squeeze3A_1548 : i32 to index
          %get3A_1563 = arith.constant 32 : index
          %get3A_1564 = tpu.vector_load %arg12[%get3A_1562, %get3A_1563] {strides = array<i32>} : memref<196x64xbf16, #tpu.memory_space<vmem>>, vector<32xbf16>,
          %unpack3A_1565 = tpu.unpack_subelements %get3A_1564, 0 {pack_format = #tpu.pack_format<interleaved>} : vector<32xbf16> -> vector<16xf32>
          %unpack3A_1566 = tpu.unpack_subelements %get3A_1564, 1 {pack_format = #tpu.pack_format<interleaved>} : vector<32xbf16> -> vector<16xf32>
          %mul3A_1567 = vector.broadcast %squeeze3A_1550 : f32 to vector<16xf32>
          %mul3A_1568 = arith.mulf %mul3A_1567, %unpack3A_1565 : vector<16xf32>
          %add3A_1569 = arith.addf %add3A_1465, %mul3A_1568 : vector<16xf32>
          %mul3A_1570 = vector.broadcast %squeeze3A_1550 : f32 to vector<16xf32>
          %mul3A_1571 = arith.mulf %mul3A_1570, %unpack3A_1566 : vector<16xf32>
          %add3A_1572 = arith.addf %add3A_1468, %mul3A_1571 : vector<16xf32>
          %slice3A_1573 = vector.extract_strided_slice %masked_sort3A_1072 {offsets = [3], sizes = [1], strides = [1]} : vector<16xi32> to vector<1xi32>
          %squeeze3A_1574 = vector.extract %slice3A_1573[0] : i32 from vector<1xi32>
          %slice3A_1575 = vector.extract_strided_slice %select_n3A_1122 {offsets = [3], sizes = [1], strides = [1]} : vector<16xf32> to vector<1xf32>
          %squeeze3A_1576 = vector.extract %slice3A_1575[0] : f32 from vector<1xf32>
          %get3A_1577 = arith.index_cast %squeeze3A_1574 : i32 to index
          %get3A_1578 = arith.constant 0 : index
          %get3A_1579 = tpu.vector_load %arg14[%get3A_1577, %get3A_1578] {strides = array<i32>} : memref<196x64xbf16, #tpu.memory_space<vmem>>, vector<32xbf16>,
          %unpack3A_1580 = tpu.unpack_subelements %get3A_1579, 0 {pack_format = #tpu.pack_format<interleaved>} : vector<32xbf16> -> vector<16xf32>
          %unpack3A_1581 = tpu.unpack_subelements %get3A_1579, 1 {pack_format = #tpu.pack_format<interleaved>} : vector<32xbf16> -> vector<16xf32>
          %mul3A_1582 = vector.broadcast %squeeze3A_1576 : f32 to vector<16xf32>
          %mul3A_1583 = arith.mulf %mul3A_1582, %unpack3A_1580 : vector<16xf32>
          %add3A_1584 = arith.addf %add3A_1480, %mul3A_1583 : vector<16xf32>
          %mul3A_1585 = vector.broadcast %squeeze3A_1576 : f32 to vector<16xf32>
          %mul3A_1586 = arith.mulf %mul3A_1585, %unpack3A_1581 : vector<16xf32>
          %add3A_1587 = arith.addf %add3A_1483, %mul3A_1586 : vector<16xf32>
          %get3A_1588 = arith.index_cast %squeeze3A_1574 : i32 to index
          %get3A_1589 = arith.constant 32 : index
          %get3A_1590 = tpu.vector_load %arg14[%get3A_1588, %get3A_1589] {strides = array<i32>} : memref<196x64xbf16, #tpu.memory_space<vmem>>, vector<32xbf16>,
          %unpack3A_1591 = tpu.unpack_subelements %get3A_1590, 0 {pack_format = #tpu.pack_format<interleaved>} : vector<32xbf16> -> vector<16xf32>
          %unpack3A_1592 = tpu.unpack_subelements %get3A_1590, 1 {pack_format = #tpu.pack_format<interleaved>} : vector<32xbf16> -> vector<16xf32>
          %mul3A_1593 = vector.broadcast %squeeze3A_1576 : f32 to vector<16xf32>
          %mul3A_1594 = arith.mulf %mul3A_1593, %unpack3A_1591 : vector<16xf32>
          %add3A_1595 = arith.addf %add3A_1491, %mul3A_1594 : vector<16xf32>
          %mul3A_1596 = vector.broadcast %squeeze3A_1576 : f32 to vector<16xf32>
          %mul3A_1597 = arith.mulf %mul3A_1596, %unpack3A_1592 : vector<16xf32>
          %add3A_1598 = arith.addf %add3A_1494, %mul3A_1597 : vector<16xf32>
          %slice3A_1599 = vector.extract_strided_slice %masked_sort3A_949 {offsets = [4], sizes = [1], strides = [1]} : vector<16xi32> to vector<1xi32>
          %squeeze3A_1600 = vector.extract %slice3A_1599[0] : i32 from vector<1xi32>
          %slice3A_1601 = vector.extract_strided_slice %select_n3A_1083 {offsets = [4], sizes = [1], strides = [1]} : vector<16xf32> to vector<1xf32>
          %squeeze3A_1602 = vector.extract %slice3A_1601[0] : f32 from vector<1xf32>
          %get3A_1603 = arith.index_cast %squeeze3A_1600 : i32 to index
          %get3A_1604 = arith.constant 0 : index
          %get3A_1605 = tpu.vector_load %arg11[%get3A_1603, %get3A_1604] {strides = array<i32>} : memref<196x64xbf16, #tpu.memory_space<vmem>>, vector<32xbf16>,
          %unpack3A_1606 = tpu.unpack_subelements %get3A_1605, 0 {pack_format = #tpu.pack_format<interleaved>} : vector<32xbf16> -> vector<16xf32>
          %unpack3A_1607 = tpu.unpack_subelements %get3A_1605, 1 {pack_format = #tpu.pack_format<interleaved>} : vector<32xbf16> -> vector<16xf32>
          %mul3A_1608 = vector.broadcast %squeeze3A_1602 : f32 to vector<16xf32>
          %mul3A_1609 = arith.mulf %mul3A_1608, %unpack3A_1606 : vector<16xf32>
          %add3A_1610 = arith.addf %add3A_1506, %mul3A_1609 : vector<16xf32>
          %mul3A_1611 = vector.broadcast %squeeze3A_1602 : f32 to vector<16xf32>
          %mul3A_1612 = arith.mulf %mul3A_1611, %unpack3A_1607 : vector<16xf32>
          %add3A_1613 = arith.addf %add3A_1509, %mul3A_1612 : vector<16xf32>
          %get3A_1614 = arith.index_cast %squeeze3A_1600 : i32 to index
          %get3A_1615 = arith.constant 32 : index
          %get3A_1616 = tpu.vector_load %arg11[%get3A_1614, %get3A_1615] {strides = array<i32>} : memref<196x64xbf16, #tpu.memory_space<vmem>>, vector<32xbf16>,
          %unpack3A_1617 = tpu.unpack_subelements %get3A_1616, 0 {pack_format = #tpu.pack_format<interleaved>} : vector<32xbf16> -> vector<16xf32>
          %unpack3A_1618 = tpu.unpack_subelements %get3A_1616, 1 {pack_format = #tpu.pack_format<interleaved>} : vector<32xbf16> -> vector<16xf32>
          %mul3A_1619 = vector.broadcast %squeeze3A_1602 : f32 to vector<16xf32>
          %mul3A_1620 = arith.mulf %mul3A_1619, %unpack3A_1617 : vector<16xf32>
          %add3A_1621 = arith.addf %add3A_1517, %mul3A_1620 : vector<16xf32>
          %mul3A_1622 = vector.broadcast %squeeze3A_1602 : f32 to vector<16xf32>
          %mul3A_1623 = arith.mulf %mul3A_1622, %unpack3A_1618 : vector<16xf32>
          %add3A_1624 = arith.addf %add3A_1520, %mul3A_1623 : vector<16xf32>
          %slice3A_1625 = vector.extract_strided_slice %masked_sort3A_1065 {offsets = [4], sizes = [1], strides = [1]} : vector<16xi32> to vector<1xi32>
          %squeeze3A_1626 = vector.extract %slice3A_1625[0] : i32 from vector<1xi32>
          %slice3A_1627 = vector.extract_strided_slice %select_n3A_1096 {offsets = [4], sizes = [1], strides = [1]} : vector<16xf32> to vector<1xf32>
          %squeeze3A_1628 = vector.extract %slice3A_1627[0] : f32 from vector<1xf32>
          %get3A_1629 = arith.index_cast %squeeze3A_1626 : i32 to index
          %get3A_1630 = arith.constant 0 : index
          %get3A_1631 = tpu.vector_load %arg13[%get3A_1629, %get3A_1630] {strides = array<i32>} : memref<196x64xbf16, #tpu.memory_space<vmem>>, vector<32xbf16>,
          %unpack3A_1632 = tpu.unpack_subelements %get3A_1631, 0 {pack_format = #tpu.pack_format<interleaved>} : vector<32xbf16> -> vector<16xf32>
          %unpack3A_1633 = tpu.unpack_subelements %get3A_1631, 1 {pack_format = #tpu.pack_format<interleaved>} : vector<32xbf16> -> vector<16xf32>
          %mul3A_1634 = vector.broadcast %squeeze3A_1628 : f32 to vector<16xf32>
          %mul3A_1635 = arith.mulf %mul3A_1634, %unpack3A_1632 : vector<16xf32>
          %add3A_1636 = arith.addf %add3A_1532, %mul3A_1635 : vector<16xf32>
          %mul3A_1637 = vector.broadcast %squeeze3A_1628 : f32 to vector<16xf32>
          %mul3A_1638 = arith.mulf %mul3A_1637, %unpack3A_1633 : vector<16xf32>
          %add3A_1639 = arith.addf %add3A_1535, %mul3A_1638 : vector<16xf32>
          %get3A_1640 = arith.index_cast %squeeze3A_1626 : i32 to index
          %get3A_1641 = arith.constant 32 : index
          %get3A_1642 = tpu.vector_load %arg13[%get3A_1640, %get3A_1641] {strides = array<i32>} : memref<196x64xbf16, #tpu.memory_space<vmem>>, vector<32xbf16>,
          %unpack3A_1643 = tpu.unpack_subelements %get3A_1642, 0 {pack_format = #tpu.pack_format<interleaved>} : vector<32xbf16> -> vector<16xf32>
          %unpack3A_1644 = tpu.unpack_subelements %get3A_1642, 1 {pack_format = #tpu.pack_format<interleaved>} : vector<32xbf16> -> vector<16xf32>
          %mul3A_1645 = vector.broadcast %squeeze3A_1628 : f32 to vector<16xf32>
          %mul3A_1646 = arith.mulf %mul3A_1645, %unpack3A_1643 : vector<16xf32>
          %add3A_1647 = arith.addf %add3A_1543, %mul3A_1646 : vector<16xf32>
          %mul3A_1648 = vector.broadcast %squeeze3A_1628 : f32 to vector<16xf32>
          %mul3A_1649 = arith.mulf %mul3A_1648, %unpack3A_1644 : vector<16xf32>
          %add3A_1650 = arith.addf %add3A_1546, %mul3A_1649 : vector<16xf32>
          %slice3A_1651 = vector.extract_strided_slice %masked_sort3A_956 {offsets = [4], sizes = [1], strides = [1]} : vector<16xi32> to vector<1xi32>
          %squeeze3A_1652 = vector.extract %slice3A_1651[0] : i32 from vector<1xi32>
          %slice3A_1653 = vector.extract_strided_slice %select_n3A_1109 {offsets = [4], sizes = [1], strides = [1]} : vector<16xf32> to vector<1xf32>
          %squeeze3A_1654 = vector.extract %slice3A_1653[0] : f32 from vector<1xf32>
          %get3A_1655 = arith.index_cast %squeeze3A_1652 : i32 to index
          %get3A_1656 = arith.constant 0 : index
          %get3A_1657 = tpu.vector_load %arg12[%get3A_1655, %get3A_1656] {strides = array<i32>} : memref<196x64xbf16, #tpu.memory_space<vmem>>, vector<32xbf16>,
          %unpack3A_1658 = tpu.unpack_subelements %get3A_1657, 0 {pack_format = #tpu.pack_format<interleaved>} : vector<32xbf16> -> vector<16xf32>
          %unpack3A_1659 = tpu.unpack_subelements %get3A_1657, 1 {pack_format = #tpu.pack_format<interleaved>} : vector<32xbf16> -> vector<16xf32>
          %mul3A_1660 = vector.broadcast %squeeze3A_1654 : f32 to vector<16xf32>
          %mul3A_1661 = arith.mulf %mul3A_1660, %unpack3A_1658 : vector<16xf32>
          %add3A_1662 = arith.addf %add3A_1558, %mul3A_1661 : vector<16xf32>
          %mul3A_1663 = vector.broadcast %squeeze3A_1654 : f32 to vector<16xf32>
          %mul3A_1664 = arith.mulf %mul3A_1663, %unpack3A_1659 : vector<16xf32>
          %add3A_1665 = arith.addf %add3A_1561, %mul3A_1664 : vector<16xf32>
          %get3A_1666 = arith.index_cast %squeeze3A_1652 : i32 to index
          %get3A_1667 = arith.constant 32 : index
          %get3A_1668 = tpu.vector_load %arg12[%get3A_1666, %get3A_1667] {strides = array<i32>} : memref<196x64xbf16, #tpu.memory_space<vmem>>, vector<32xbf16>,
          %unpack3A_1669 = tpu.unpack_subelements %get3A_1668, 0 {pack_format = #tpu.pack_format<interleaved>} : vector<32xbf16> -> vector<16xf32>
          %unpack3A_1670 = tpu.unpack_subelements %get3A_1668, 1 {pack_format = #tpu.pack_format<interleaved>} : vector<32xbf16> -> vector<16xf32>
          %mul3A_1671 = vector.broadcast %squeeze3A_1654 : f32 to vector<16xf32>
          %mul3A_1672 = arith.mulf %mul3A_1671, %unpack3A_1669 : vector<16xf32>
          %add3A_1673 = arith.addf %add3A_1569, %mul3A_1672 : vector<16xf32>
          %mul3A_1674 = vector.broadcast %squeeze3A_1654 : f32 to vector<16xf32>
          %mul3A_1675 = arith.mulf %mul3A_1674, %unpack3A_1670 : vector<16xf32>
          %add3A_1676 = arith.addf %add3A_1572, %mul3A_1675 : vector<16xf32>
          %slice3A_1677 = vector.extract_strided_slice %masked_sort3A_1072 {offsets = [4], sizes = [1], strides = [1]} : vector<16xi32> to vector<1xi32>
          %squeeze3A_1678 = vector.extract %slice3A_1677[0] : i32 from vector<1xi32>
          %slice3A_1679 = vector.extract_strided_slice %select_n3A_1122 {offsets = [4], sizes = [1], strides = [1]} : vector<16xf32> to vector<1xf32>
          %squeeze3A_1680 = vector.extract %slice3A_1679[0] : f32 from vector<1xf32>
          %get3A_1681 = arith.index_cast %squeeze3A_1678 : i32 to index
          %get3A_1682 = arith.constant 0 : index
          %get3A_1683 = tpu.vector_load %arg14[%get3A_1681, %get3A_1682] {strides = array<i32>} : memref<196x64xbf16, #tpu.memory_space<vmem>>, vector<32xbf16>,
          %unpack3A_1684 = tpu.unpack_subelements %get3A_1683, 0 {pack_format = #tpu.pack_format<interleaved>} : vector<32xbf16> -> vector<16xf32>
          %unpack3A_1685 = tpu.unpack_subelements %get3A_1683, 1 {pack_format = #tpu.pack_format<interleaved>} : vector<32xbf16> -> vector<16xf32>
          %mul3A_1686 = vector.broadcast %squeeze3A_1680 : f32 to vector<16xf32>
          %mul3A_1687 = arith.mulf %mul3A_1686, %unpack3A_1684 : vector<16xf32>
          %add3A_1688 = arith.addf %add3A_1584, %mul3A_1687 : vector<16xf32>
          %mul3A_1689 = vector.broadcast %squeeze3A_1680 : f32 to vector<16xf32>
          %mul3A_1690 = arith.mulf %mul3A_1689, %unpack3A_1685 : vector<16xf32>
          %add3A_1691 = arith.addf %add3A_1587, %mul3A_1690 : vector<16xf32>
          %get3A_1692 = arith.index_cast %squeeze3A_1678 : i32 to index
          %get3A_1693 = arith.constant 32 : index
          %get3A_1694 = tpu.vector_load %arg14[%get3A_1692, %get3A_1693] {strides = array<i32>} : memref<196x64xbf16, #tpu.memory_space<vmem>>, vector<32xbf16>,
          %unpack3A_1695 = tpu.unpack_subelements %get3A_1694, 0 {pack_format = #tpu.pack_format<interleaved>} : vector<32xbf16> -> vector<16xf32>
          %unpack3A_1696 = tpu.unpack_subelements %get3A_1694, 1 {pack_format = #tpu.pack_format<interleaved>} : vector<32xbf16> -> vector<16xf32>
          %mul3A_1697 = vector.broadcast %squeeze3A_1680 : f32 to vector<16xf32>
          %mul3A_1698 = arith.mulf %mul3A_1697, %unpack3A_1695 : vector<16xf32>
          %add3A_1699 = arith.addf %add3A_1595, %mul3A_1698 : vector<16xf32>
          %mul3A_1700 = vector.broadcast %squeeze3A_1680 : f32 to vector<16xf32>
          %mul3A_1701 = arith.mulf %mul3A_1700, %unpack3A_1696 : vector<16xf32>
          %add3A_1702 = arith.addf %add3A_1598, %mul3A_1701 : vector<16xf32>
          %slice3A_1703 = vector.extract_strided_slice %masked_sort3A_949 {offsets = [5], sizes = [1], strides = [1]} : vector<16xi32> to vector<1xi32>
          %squeeze3A_1704 = vector.extract %slice3A_1703[0] : i32 from vector<1xi32>
          %slice3A_1705 = vector.extract_strided_slice %select_n3A_1083 {offsets = [5], sizes = [1], strides = [1]} : vector<16xf32> to vector<1xf32>
          %squeeze3A_1706 = vector.extract %slice3A_1705[0] : f32 from vector<1xf32>
          %get3A_1707 = arith.index_cast %squeeze3A_1704 : i32 to index
          %get3A_1708 = arith.constant 0 : index
          %get3A_1709 = tpu.vector_load %arg11[%get3A_1707, %get3A_1708] {strides = array<i32>} : memref<196x64xbf16, #tpu.memory_space<vmem>>, vector<32xbf16>,
          %unpack3A_1710 = tpu.unpack_subelements %get3A_1709, 0 {pack_format = #tpu.pack_format<interleaved>} : vector<32xbf16> -> vector<16xf32>
          %unpack3A_1711 = tpu.unpack_subelements %get3A_1709, 1 {pack_format = #tpu.pack_format<interleaved>} : vector<32xbf16> -> vector<16xf32>
          %mul3A_1712 = vector.broadcast %squeeze3A_1706 : f32 to vector<16xf32>
          %mul3A_1713 = arith.mulf %mul3A_1712, %unpack3A_1710 : vector<16xf32>
          %add3A_1714 = arith.addf %add3A_1610, %mul3A_1713 : vector<16xf32>
          %mul3A_1715 = vector.broadcast %squeeze3A_1706 : f32 to vector<16xf32>
          %mul3A_1716 = arith.mulf %mul3A_1715, %unpack3A_1711 : vector<16xf32>
          %add3A_1717 = arith.addf %add3A_1613, %mul3A_1716 : vector<16xf32>
          %get3A_1718 = arith.index_cast %squeeze3A_1704 : i32 to index
          %get3A_1719 = arith.constant 32 : index
          %get3A_1720 = tpu.vector_load %arg11[%get3A_1718, %get3A_1719] {strides = array<i32>} : memref<196x64xbf16, #tpu.memory_space<vmem>>, vector<32xbf16>,
          %unpack3A_1721 = tpu.unpack_subelements %get3A_1720, 0 {pack_format = #tpu.pack_format<interleaved>} : vector<32xbf16> -> vector<16xf32>
          %unpack3A_1722 = tpu.unpack_subelements %get3A_1720, 1 {pack_format = #tpu.pack_format<interleaved>} : vector<32xbf16> -> vector<16xf32>
          %mul3A_1723 = vector.broadcast %squeeze3A_1706 : f32 to vector<16xf32>
          %mul3A_1724 = arith.mulf %mul3A_1723, %unpack3A_1721 : vector<16xf32>
          %add3A_1725 = arith.addf %add3A_1621, %mul3A_1724 : vector<16xf32>
          %mul3A_1726 = vector.broadcast %squeeze3A_1706 : f32 to vector<16xf32>
          %mul3A_1727 = arith.mulf %mul3A_1726, %unpack3A_1722 : vector<16xf32>
          %add3A_1728 = arith.addf %add3A_1624, %mul3A_1727 : vector<16xf32>
          %slice3A_1729 = vector.extract_strided_slice %masked_sort3A_1065 {offsets = [5], sizes = [1], strides = [1]} : vector<16xi32> to vector<1xi32>
          %squeeze3A_1730 = vector.extract %slice3A_1729[0] : i32 from vector<1xi32>
          %slice3A_1731 = vector.extract_strided_slice %select_n3A_1096 {offsets = [5], sizes = [1], strides = [1]} : vector<16xf32> to vector<1xf32>
          %squeeze3A_1732 = vector.extract %slice3A_1731[0] : f32 from vector<1xf32>
          %get3A_1733 = arith.index_cast %squeeze3A_1730 : i32 to index
          %get3A_1734 = arith.constant 0 : index
          %get3A_1735 = tpu.vector_load %arg13[%get3A_1733, %get3A_1734] {strides = array<i32>} : memref<196x64xbf16, #tpu.memory_space<vmem>>, vector<32xbf16>,
          %unpack3A_1736 = tpu.unpack_subelements %get3A_1735, 0 {pack_format = #tpu.pack_format<interleaved>} : vector<32xbf16> -> vector<16xf32>
          %unpack3A_1737 = tpu.unpack_subelements %get3A_1735, 1 {pack_format = #tpu.pack_format<interleaved>} : vector<32xbf16> -> vector<16xf32>
          %mul3A_1738 = vector.broadcast %squeeze3A_1732 : f32 to vector<16xf32>
          %mul3A_1739 = arith.mulf %mul3A_1738, %unpack3A_1736 : vector<16xf32>
          %add3A_1740 = arith.addf %add3A_1636, %mul3A_1739 : vector<16xf32>
          %mul3A_1741 = vector.broadcast %squeeze3A_1732 : f32 to vector<16xf32>
          %mul3A_1742 = arith.mulf %mul3A_1741, %unpack3A_1737 : vector<16xf32>
          %add3A_1743 = arith.addf %add3A_1639, %mul3A_1742 : vector<16xf32>
          %get3A_1744 = arith.index_cast %squeeze3A_1730 : i32 to index
          %get3A_1745 = arith.constant 32 : index
          %get3A_1746 = tpu.vector_load %arg13[%get3A_1744, %get3A_1745] {strides = array<i32>} : memref<196x64xbf16, #tpu.memory_space<vmem>>, vector<32xbf16>,
          %unpack3A_1747 = tpu.unpack_subelements %get3A_1746, 0 {pack_format = #tpu.pack_format<interleaved>} : vector<32xbf16> -> vector<16xf32>
          %unpack3A_1748 = tpu.unpack_subelements %get3A_1746, 1 {pack_format = #tpu.pack_format<interleaved>} : vector<32xbf16> -> vector<16xf32>
          %mul3A_1749 = vector.broadcast %squeeze3A_1732 : f32 to vector<16xf32>
          %mul3A_1750 = arith.mulf %mul3A_1749, %unpack3A_1747 : vector<16xf32>
          %add3A_1751 = arith.addf %add3A_1647, %mul3A_1750 : vector<16xf32>
          %mul3A_1752 = vector.broadcast %squeeze3A_1732 : f32 to vector<16xf32>
          %mul3A_1753 = arith.mulf %mul3A_1752, %unpack3A_1748 : vector<16xf32>
          %add3A_1754 = arith.addf %add3A_1650, %mul3A_1753 : vector<16xf32>
          %slice3A_1755 = vector.extract_strided_slice %masked_sort3A_956 {offsets = [5], sizes = [1], strides = [1]} : vector<16xi32> to vector<1xi32>
          %squeeze3A_1756 = vector.extract %slice3A_1755[0] : i32 from vector<1xi32>
          %slice3A_1757 = vector.extract_strided_slice %select_n3A_1109 {offsets = [5], sizes = [1], strides = [1]} : vector<16xf32> to vector<1xf32>
          %squeeze3A_1758 = vector.extract %slice3A_1757[0] : f32 from vector<1xf32>
          %get3A_1759 = arith.index_cast %squeeze3A_1756 : i32 to index
          %get3A_1760 = arith.constant 0 : index
          %get3A_1761 = tpu.vector_load %arg12[%get3A_1759, %get3A_1760] {strides = array<i32>} : memref<196x64xbf16, #tpu.memory_space<vmem>>, vector<32xbf16>,
          %unpack3A_1762 = tpu.unpack_subelements %get3A_1761, 0 {pack_format = #tpu.pack_format<interleaved>} : vector<32xbf16> -> vector<16xf32>
          %unpack3A_1763 = tpu.unpack_subelements %get3A_1761, 1 {pack_format = #tpu.pack_format<interleaved>} : vector<32xbf16> -> vector<16xf32>
          %mul3A_1764 = vector.broadcast %squeeze3A_1758 : f32 to vector<16xf32>
          %mul3A_1765 = arith.mulf %mul3A_1764, %unpack3A_1762 : vector<16xf32>
          %add3A_1766 = arith.addf %add3A_1662, %mul3A_1765 : vector<16xf32>
          %mul3A_1767 = vector.broadcast %squeeze3A_1758 : f32 to vector<16xf32>
          %mul3A_1768 = arith.mulf %mul3A_1767, %unpack3A_1763 : vector<16xf32>
          %add3A_1769 = arith.addf %add3A_1665, %mul3A_1768 : vector<16xf32>
          %get3A_1770 = arith.index_cast %squeeze3A_1756 : i32 to index
          %get3A_1771 = arith.constant 32 : index
          %get3A_1772 = tpu.vector_load %arg12[%get3A_1770, %get3A_1771] {strides = array<i32>} : memref<196x64xbf16, #tpu.memory_space<vmem>>, vector<32xbf16>,
          %unpack3A_1773 = tpu.unpack_subelements %get3A_1772, 0 {pack_format = #tpu.pack_format<interleaved>} : vector<32xbf16> -> vector<16xf32>
          %unpack3A_1774 = tpu.unpack_subelements %get3A_1772, 1 {pack_format = #tpu.pack_format<interleaved>} : vector<32xbf16> -> vector<16xf32>
          %mul3A_1775 = vector.broadcast %squeeze3A_1758 : f32 to vector<16xf32>
          %mul3A_1776 = arith.mulf %mul3A_1775, %unpack3A_1773 : vector<16xf32>
          %add3A_1777 = arith.addf %add3A_1673, %mul3A_1776 : vector<16xf32>
          %mul3A_1778 = vector.broadcast %squeeze3A_1758 : f32 to vector<16xf32>
          %mul3A_1779 = arith.mulf %mul3A_1778, %unpack3A_1774 : vector<16xf32>
          %add3A_1780 = arith.addf %add3A_1676, %mul3A_1779 : vector<16xf32>
          %slice3A_1781 = vector.extract_strided_slice %masked_sort3A_1072 {offsets = [5], sizes = [1], strides = [1]} : vector<16xi32> to vector<1xi32>
          %squeeze3A_1782 = vector.extract %slice3A_1781[0] : i32 from vector<1xi32>
          %slice3A_1783 = vector.extract_strided_slice %select_n3A_1122 {offsets = [5], sizes = [1], strides = [1]} : vector<16xf32> to vector<1xf32>
          %squeeze3A_1784 = vector.extract %slice3A_1783[0] : f32 from vector<1xf32>
          %get3A_1785 = arith.index_cast %squeeze3A_1782 : i32 to index
          %get3A_1786 = arith.constant 0 : index
          %get3A_1787 = tpu.vector_load %arg14[%get3A_1785, %get3A_1786] {strides = array<i32>} : memref<196x64xbf16, #tpu.memory_space<vmem>>, vector<32xbf16>,
          %unpack3A_1788 = tpu.unpack_subelements %get3A_1787, 0 {pack_format = #tpu.pack_format<interleaved>} : vector<32xbf16> -> vector<16xf32>
          %unpack3A_1789 = tpu.unpack_subelements %get3A_1787, 1 {pack_format = #tpu.pack_format<interleaved>} : vector<32xbf16> -> vector<16xf32>
          %mul3A_1790 = vector.broadcast %squeeze3A_1784 : f32 to vector<16xf32>
          %mul3A_1791 = arith.mulf %mul3A_1790, %unpack3A_1788 : vector<16xf32>
          %add3A_1792 = arith.addf %add3A_1688, %mul3A_1791 : vector<16xf32>
          %mul3A_1793 = vector.broadcast %squeeze3A_1784 : f32 to vector<16xf32>
          %mul3A_1794 = arith.mulf %mul3A_1793, %unpack3A_1789 : vector<16xf32>
          %add3A_1795 = arith.addf %add3A_1691, %mul3A_1794 : vector<16xf32>
          %get3A_1796 = arith.index_cast %squeeze3A_1782 : i32 to index
          %get3A_1797 = arith.constant 32 : index
          %get3A_1798 = tpu.vector_load %arg14[%get3A_1796, %get3A_1797] {strides = array<i32>} : memref<196x64xbf16, #tpu.memory_space<vmem>>, vector<32xbf16>,
          %unpack3A_1799 = tpu.unpack_subelements %get3A_1798, 0 {pack_format = #tpu.pack_format<interleaved>} : vector<32xbf16> -> vector<16xf32>
          %unpack3A_1800 = tpu.unpack_subelements %get3A_1798, 1 {pack_format = #tpu.pack_format<interleaved>} : vector<32xbf16> -> vector<16xf32>
          %mul3A_1801 = vector.broadcast %squeeze3A_1784 : f32 to vector<16xf32>
          %mul3A_1802 = arith.mulf %mul3A_1801, %unpack3A_1799 : vector<16xf32>
          %add3A_1803 = arith.addf %add3A_1699, %mul3A_1802 : vector<16xf32>
          %mul3A_1804 = vector.broadcast %squeeze3A_1784 : f32 to vector<16xf32>
          %mul3A_1805 = arith.mulf %mul3A_1804, %unpack3A_1800 : vector<16xf32>
          %add3A_1806 = arith.addf %add3A_1702, %mul3A_1805 : vector<16xf32>
          %slice3A_1807 = vector.extract_strided_slice %masked_sort3A_949 {offsets = [6], sizes = [1], strides = [1]} : vector<16xi32> to vector<1xi32>
          %squeeze3A_1808 = vector.extract %slice3A_1807[0] : i32 from vector<1xi32>
          %slice3A_1809 = vector.extract_strided_slice %select_n3A_1083 {offsets = [6], sizes = [1], strides = [1]} : vector<16xf32> to vector<1xf32>
          %squeeze3A_1810 = vector.extract %slice3A_1809[0] : f32 from vector<1xf32>
          %get3A_1811 = arith.index_cast %squeeze3A_1808 : i32 to index
          %get3A_1812 = arith.constant 0 : index
          %get3A_1813 = tpu.vector_load %arg11[%get3A_1811, %get3A_1812] {strides = array<i32>} : memref<196x64xbf16, #tpu.memory_space<vmem>>, vector<32xbf16>,
          %unpack3A_1814 = tpu.unpack_subelements %get3A_1813, 0 {pack_format = #tpu.pack_format<interleaved>} : vector<32xbf16> -> vector<16xf32>
          %unpack3A_1815 = tpu.unpack_subelements %get3A_1813, 1 {pack_format = #tpu.pack_format<interleaved>} : vector<32xbf16> -> vector<16xf32>
          %mul3A_1816 = vector.broadcast %squeeze3A_1810 : f32 to vector<16xf32>
          %mul3A_1817 = arith.mulf %mul3A_1816, %unpack3A_1814 : vector<16xf32>
          %add3A_1818 = arith.addf %add3A_1714, %mul3A_1817 : vector<16xf32>
          %mul3A_1819 = vector.broadcast %squeeze3A_1810 : f32 to vector<16xf32>
          %mul3A_1820 = arith.mulf %mul3A_1819, %unpack3A_1815 : vector<16xf32>
          %add3A_1821 = arith.addf %add3A_1717, %mul3A_1820 : vector<16xf32>
          %get3A_1822 = arith.index_cast %squeeze3A_1808 : i32 to index
          %get3A_1823 = arith.constant 32 : index
          %get3A_1824 = tpu.vector_load %arg11[%get3A_1822, %get3A_1823] {strides = array<i32>} : memref<196x64xbf16, #tpu.memory_space<vmem>>, vector<32xbf16>,
          %unpack3A_1825 = tpu.unpack_subelements %get3A_1824, 0 {pack_format = #tpu.pack_format<interleaved>} : vector<32xbf16> -> vector<16xf32>
          %unpack3A_1826 = tpu.unpack_subelements %get3A_1824, 1 {pack_format = #tpu.pack_format<interleaved>} : vector<32xbf16> -> vector<16xf32>
          %mul3A_1827 = vector.broadcast %squeeze3A_1810 : f32 to vector<16xf32>
          %mul3A_1828 = arith.mulf %mul3A_1827, %unpack3A_1825 : vector<16xf32>
          %add3A_1829 = arith.addf %add3A_1725, %mul3A_1828 : vector<16xf32>
          %mul3A_1830 = vector.broadcast %squeeze3A_1810 : f32 to vector<16xf32>
          %mul3A_1831 = arith.mulf %mul3A_1830, %unpack3A_1826 : vector<16xf32>
          %add3A_1832 = arith.addf %add3A_1728, %mul3A_1831 : vector<16xf32>
          %slice3A_1833 = vector.extract_strided_slice %masked_sort3A_1065 {offsets = [6], sizes = [1], strides = [1]} : vector<16xi32> to vector<1xi32>
          %squeeze3A_1834 = vector.extract %slice3A_1833[0] : i32 from vector<1xi32>
          %slice3A_1835 = vector.extract_strided_slice %select_n3A_1096 {offsets = [6], sizes = [1], strides = [1]} : vector<16xf32> to vector<1xf32>
          %squeeze3A_1836 = vector.extract %slice3A_1835[0] : f32 from vector<1xf32>
          %get3A_1837 = arith.index_cast %squeeze3A_1834 : i32 to index
          %get3A_1838 = arith.constant 0 : index
          %get3A_1839 = tpu.vector_load %arg13[%get3A_1837, %get3A_1838] {strides = array<i32>} : memref<196x64xbf16, #tpu.memory_space<vmem>>, vector<32xbf16>,
          %unpack3A_1840 = tpu.unpack_subelements %get3A_1839, 0 {pack_format = #tpu.pack_format<interleaved>} : vector<32xbf16> -> vector<16xf32>
          %unpack3A_1841 = tpu.unpack_subelements %get3A_1839, 1 {pack_format = #tpu.pack_format<interleaved>} : vector<32xbf16> -> vector<16xf32>
          %mul3A_1842 = vector.broadcast %squeeze3A_1836 : f32 to vector<16xf32>
          %mul3A_1843 = arith.mulf %mul3A_1842, %unpack3A_1840 : vector<16xf32>
          %add3A_1844 = arith.addf %add3A_1740, %mul3A_1843 : vector<16xf32>
          %mul3A_1845 = vector.broadcast %squeeze3A_1836 : f32 to vector<16xf32>
          %mul3A_1846 = arith.mulf %mul3A_1845, %unpack3A_1841 : vector<16xf32>
          %add3A_1847 = arith.addf %add3A_1743, %mul3A_1846 : vector<16xf32>
          %get3A_1848 = arith.index_cast %squeeze3A_1834 : i32 to index
          %get3A_1849 = arith.constant 32 : index
          %get3A_1850 = tpu.vector_load %arg13[%get3A_1848, %get3A_1849] {strides = array<i32>} : memref<196x64xbf16, #tpu.memory_space<vmem>>, vector<32xbf16>,
          %unpack3A_1851 = tpu.unpack_subelements %get3A_1850, 0 {pack_format = #tpu.pack_format<interleaved>} : vector<32xbf16> -> vector<16xf32>
          %unpack3A_1852 = tpu.unpack_subelements %get3A_1850, 1 {pack_format = #tpu.pack_format<interleaved>} : vector<32xbf16> -> vector<16xf32>
          %mul3A_1853 = vector.broadcast %squeeze3A_1836 : f32 to vector<16xf32>
          %mul3A_1854 = arith.mulf %mul3A_1853, %unpack3A_1851 : vector<16xf32>
          %add3A_1855 = arith.addf %add3A_1751, %mul3A_1854 : vector<16xf32>
          %mul3A_1856 = vector.broadcast %squeeze3A_1836 : f32 to vector<16xf32>
          %mul3A_1857 = arith.mulf %mul3A_1856, %unpack3A_1852 : vector<16xf32>
          %add3A_1858 = arith.addf %add3A_1754, %mul3A_1857 : vector<16xf32>
          %slice3A_1859 = vector.extract_strided_slice %masked_sort3A_956 {offsets = [6], sizes = [1], strides = [1]} : vector<16xi32> to vector<1xi32>
          %squeeze3A_1860 = vector.extract %slice3A_1859[0] : i32 from vector<1xi32>
          %slice3A_1861 = vector.extract_strided_slice %select_n3A_1109 {offsets = [6], sizes = [1], strides = [1]} : vector<16xf32> to vector<1xf32>
          %squeeze3A_1862 = vector.extract %slice3A_1861[0] : f32 from vector<1xf32>
          %get3A_1863 = arith.index_cast %squeeze3A_1860 : i32 to index
          %get3A_1864 = arith.constant 0 : index
          %get3A_1865 = tpu.vector_load %arg12[%get3A_1863, %get3A_1864] {strides = array<i32>} : memref<196x64xbf16, #tpu.memory_space<vmem>>, vector<32xbf16>,
          %unpack3A_1866 = tpu.unpack_subelements %get3A_1865, 0 {pack_format = #tpu.pack_format<interleaved>} : vector<32xbf16> -> vector<16xf32>
          %unpack3A_1867 = tpu.unpack_subelements %get3A_1865, 1 {pack_format = #tpu.pack_format<interleaved>} : vector<32xbf16> -> vector<16xf32>
          %mul3A_1868 = vector.broadcast %squeeze3A_1862 : f32 to vector<16xf32>
          %mul3A_1869 = arith.mulf %mul3A_1868, %unpack3A_1866 : vector<16xf32>
          %add3A_1870 = arith.addf %add3A_1766, %mul3A_1869 : vector<16xf32>
          %mul3A_1871 = vector.broadcast %squeeze3A_1862 : f32 to vector<16xf32>
          %mul3A_1872 = arith.mulf %mul3A_1871, %unpack3A_1867 : vector<16xf32>
          %add3A_1873 = arith.addf %add3A_1769, %mul3A_1872 : vector<16xf32>
          %get3A_1874 = arith.index_cast %squeeze3A_1860 : i32 to index
          %get3A_1875 = arith.constant 32 : index
          %get3A_1876 = tpu.vector_load %arg12[%get3A_1874, %get3A_1875] {strides = array<i32>} : memref<196x64xbf16, #tpu.memory_space<vmem>>, vector<32xbf16>,
          %unpack3A_1877 = tpu.unpack_subelements %get3A_1876, 0 {pack_format = #tpu.pack_format<interleaved>} : vector<32xbf16> -> vector<16xf32>
          %unpack3A_1878 = tpu.unpack_subelements %get3A_1876, 1 {pack_format = #tpu.pack_format<interleaved>} : vector<32xbf16> -> vector<16xf32>
          %mul3A_1879 = vector.broadcast %squeeze3A_1862 : f32 to vector<16xf32>
          %mul3A_1880 = arith.mulf %mul3A_1879, %unpack3A_1877 : vector<16xf32>
          %add3A_1881 = arith.addf %add3A_1777, %mul3A_1880 : vector<16xf32>
          %mul3A_1882 = vector.broadcast %squeeze3A_1862 : f32 to vector<16xf32>
          %mul3A_1883 = arith.mulf %mul3A_1882, %unpack3A_1878 : vector<16xf32>
          %add3A_1884 = arith.addf %add3A_1780, %mul3A_1883 : vector<16xf32>
          %slice3A_1885 = vector.extract_strided_slice %masked_sort3A_1072 {offsets = [6], sizes = [1], strides = [1]} : vector<16xi32> to vector<1xi32>
          %squeeze3A_1886 = vector.extract %slice3A_1885[0] : i32 from vector<1xi32>
          %slice3A_1887 = vector.extract_strided_slice %select_n3A_1122 {offsets = [6], sizes = [1], strides = [1]} : vector<16xf32> to vector<1xf32>
          %squeeze3A_1888 = vector.extract %slice3A_1887[0] : f32 from vector<1xf32>
          %get3A_1889 = arith.index_cast %squeeze3A_1886 : i32 to index
          %get3A_1890 = arith.constant 0 : index
          %get3A_1891 = tpu.vector_load %arg14[%get3A_1889, %get3A_1890] {strides = array<i32>} : memref<196x64xbf16, #tpu.memory_space<vmem>>, vector<32xbf16>,
          %unpack3A_1892 = tpu.unpack_subelements %get3A_1891, 0 {pack_format = #tpu.pack_format<interleaved>} : vector<32xbf16> -> vector<16xf32>
          %unpack3A_1893 = tpu.unpack_subelements %get3A_1891, 1 {pack_format = #tpu.pack_format<interleaved>} : vector<32xbf16> -> vector<16xf32>
          %mul3A_1894 = vector.broadcast %squeeze3A_1888 : f32 to vector<16xf32>
          %mul3A_1895 = arith.mulf %mul3A_1894, %unpack3A_1892 : vector<16xf32>
          %add3A_1896 = arith.addf %add3A_1792, %mul3A_1895 : vector<16xf32>
          %mul3A_1897 = vector.broadcast %squeeze3A_1888 : f32 to vector<16xf32>
          %mul3A_1898 = arith.mulf %mul3A_1897, %unpack3A_1893 : vector<16xf32>
          %add3A_1899 = arith.addf %add3A_1795, %mul3A_1898 : vector<16xf32>
          %get3A_1900 = arith.index_cast %squeeze3A_1886 : i32 to index
          %get3A_1901 = arith.constant 32 : index
          %get3A_1902 = tpu.vector_load %arg14[%get3A_1900, %get3A_1901] {strides = array<i32>} : memref<196x64xbf16, #tpu.memory_space<vmem>>, vector<32xbf16>,
          %unpack3A_1903 = tpu.unpack_subelements %get3A_1902, 0 {pack_format = #tpu.pack_format<interleaved>} : vector<32xbf16> -> vector<16xf32>
          %unpack3A_1904 = tpu.unpack_subelements %get3A_1902, 1 {pack_format = #tpu.pack_format<interleaved>} : vector<32xbf16> -> vector<16xf32>
          %mul3A_1905 = vector.broadcast %squeeze3A_1888 : f32 to vector<16xf32>
          %mul3A_1906 = arith.mulf %mul3A_1905, %unpack3A_1903 : vector<16xf32>
          %add3A_1907 = arith.addf %add3A_1803, %mul3A_1906 : vector<16xf32>
          %mul3A_1908 = vector.broadcast %squeeze3A_1888 : f32 to vector<16xf32>
          %mul3A_1909 = arith.mulf %mul3A_1908, %unpack3A_1904 : vector<16xf32>
          %add3A_1910 = arith.addf %add3A_1806, %mul3A_1909 : vector<16xf32>
          %slice3A_1911 = vector.extract_strided_slice %masked_sort3A_949 {offsets = [7], sizes = [1], strides = [1]} : vector<16xi32> to vector<1xi32>
          %squeeze3A_1912 = vector.extract %slice3A_1911[0] : i32 from vector<1xi32>
          %slice3A_1913 = vector.extract_strided_slice %select_n3A_1083 {offsets = [7], sizes = [1], strides = [1]} : vector<16xf32> to vector<1xf32>
          %squeeze3A_1914 = vector.extract %slice3A_1913[0] : f32 from vector<1xf32>
          %get3A_1915 = arith.index_cast %squeeze3A_1912 : i32 to index
          %get3A_1916 = arith.constant 0 : index
          %get3A_1917 = tpu.vector_load %arg11[%get3A_1915, %get3A_1916] {strides = array<i32>} : memref<196x64xbf16, #tpu.memory_space<vmem>>, vector<32xbf16>,
          %unpack3A_1918 = tpu.unpack_subelements %get3A_1917, 0 {pack_format = #tpu.pack_format<interleaved>} : vector<32xbf16> -> vector<16xf32>
          %unpack3A_1919 = tpu.unpack_subelements %get3A_1917, 1 {pack_format = #tpu.pack_format<interleaved>} : vector<32xbf16> -> vector<16xf32>
          %mul3A_1920 = vector.broadcast %squeeze3A_1914 : f32 to vector<16xf32>
          %mul3A_1921 = arith.mulf %mul3A_1920, %unpack3A_1918 : vector<16xf32>
          %add3A_1922 = arith.addf %add3A_1818, %mul3A_1921 : vector<16xf32>
          %mul3A_1923 = vector.broadcast %squeeze3A_1914 : f32 to vector<16xf32>
          %mul3A_1924 = arith.mulf %mul3A_1923, %unpack3A_1919 : vector<16xf32>
          %add3A_1925 = arith.addf %add3A_1821, %mul3A_1924 : vector<16xf32>
          %get3A_1926 = arith.index_cast %squeeze3A_1912 : i32 to index
          %get3A_1927 = arith.constant 32 : index
          %get3A_1928 = tpu.vector_load %arg11[%get3A_1926, %get3A_1927] {strides = array<i32>} : memref<196x64xbf16, #tpu.memory_space<vmem>>, vector<32xbf16>,
          %unpack3A_1929 = tpu.unpack_subelements %get3A_1928, 0 {pack_format = #tpu.pack_format<interleaved>} : vector<32xbf16> -> vector<16xf32>
          %unpack3A_1930 = tpu.unpack_subelements %get3A_1928, 1 {pack_format = #tpu.pack_format<interleaved>} : vector<32xbf16> -> vector<16xf32>
          %mul3A_1931 = vector.broadcast %squeeze3A_1914 : f32 to vector<16xf32>
          %mul3A_1932 = arith.mulf %mul3A_1931, %unpack3A_1929 : vector<16xf32>
          %add3A_1933 = arith.addf %add3A_1829, %mul3A_1932 : vector<16xf32>
          %mul3A_1934 = vector.broadcast %squeeze3A_1914 : f32 to vector<16xf32>
          %mul3A_1935 = arith.mulf %mul3A_1934, %unpack3A_1930 : vector<16xf32>
          %add3A_1936 = arith.addf %add3A_1832, %mul3A_1935 : vector<16xf32>
          %slice3A_1937 = vector.extract_strided_slice %masked_sort3A_1065 {offsets = [7], sizes = [1], strides = [1]} : vector<16xi32> to vector<1xi32>
          %squeeze3A_1938 = vector.extract %slice3A_1937[0] : i32 from vector<1xi32>
          %slice3A_1939 = vector.extract_strided_slice %select_n3A_1096 {offsets = [7], sizes = [1], strides = [1]} : vector<16xf32> to vector<1xf32>
          %squeeze3A_1940 = vector.extract %slice3A_1939[0] : f32 from vector<1xf32>
          %get3A_1941 = arith.index_cast %squeeze3A_1938 : i32 to index
          %get3A_1942 = arith.constant 0 : index
          %get3A_1943 = tpu.vector_load %arg13[%get3A_1941, %get3A_1942] {strides = array<i32>} : memref<196x64xbf16, #tpu.memory_space<vmem>>, vector<32xbf16>,
          %unpack3A_1944 = tpu.unpack_subelements %get3A_1943, 0 {pack_format = #tpu.pack_format<interleaved>} : vector<32xbf16> -> vector<16xf32>
          %unpack3A_1945 = tpu.unpack_subelements %get3A_1943, 1 {pack_format = #tpu.pack_format<interleaved>} : vector<32xbf16> -> vector<16xf32>
          %mul3A_1946 = vector.broadcast %squeeze3A_1940 : f32 to vector<16xf32>
          %mul3A_1947 = arith.mulf %mul3A_1946, %unpack3A_1944 : vector<16xf32>
          %add3A_1948 = arith.addf %add3A_1844, %mul3A_1947 : vector<16xf32>
          %mul3A_1949 = vector.broadcast %squeeze3A_1940 : f32 to vector<16xf32>
          %mul3A_1950 = arith.mulf %mul3A_1949, %unpack3A_1945 : vector<16xf32>
          %add3A_1951 = arith.addf %add3A_1847, %mul3A_1950 : vector<16xf32>
          %get3A_1952 = arith.index_cast %squeeze3A_1938 : i32 to index
          %get3A_1953 = arith.constant 32 : index
          %get3A_1954 = tpu.vector_load %arg13[%get3A_1952, %get3A_1953] {strides = array<i32>} : memref<196x64xbf16, #tpu.memory_space<vmem>>, vector<32xbf16>,
          %unpack3A_1955 = tpu.unpack_subelements %get3A_1954, 0 {pack_format = #tpu.pack_format<interleaved>} : vector<32xbf16> -> vector<16xf32>
          %unpack3A_1956 = tpu.unpack_subelements %get3A_1954, 1 {pack_format = #tpu.pack_format<interleaved>} : vector<32xbf16> -> vector<16xf32>
          %mul3A_1957 = vector.broadcast %squeeze3A_1940 : f32 to vector<16xf32>
          %mul3A_1958 = arith.mulf %mul3A_1957, %unpack3A_1955 : vector<16xf32>
          %add3A_1959 = arith.addf %add3A_1855, %mul3A_1958 : vector<16xf32>
          %mul3A_1960 = vector.broadcast %squeeze3A_1940 : f32 to vector<16xf32>
          %mul3A_1961 = arith.mulf %mul3A_1960, %unpack3A_1956 : vector<16xf32>
          %add3A_1962 = arith.addf %add3A_1858, %mul3A_1961 : vector<16xf32>
          %slice3A_1963 = vector.extract_strided_slice %masked_sort3A_956 {offsets = [7], sizes = [1], strides = [1]} : vector<16xi32> to vector<1xi32>
          %squeeze3A_1964 = vector.extract %slice3A_1963[0] : i32 from vector<1xi32>
          %slice3A_1965 = vector.extract_strided_slice %select_n3A_1109 {offsets = [7], sizes = [1], strides = [1]} : vector<16xf32> to vector<1xf32>
          %squeeze3A_1966 = vector.extract %slice3A_1965[0] : f32 from vector<1xf32>
          %get3A_1967 = arith.index_cast %squeeze3A_1964 : i32 to index
          %get3A_1968 = arith.constant 0 : index
          %get3A_1969 = tpu.vector_load %arg12[%get3A_1967, %get3A_1968] {strides = array<i32>} : memref<196x64xbf16, #tpu.memory_space<vmem>>, vector<32xbf16>,
          %unpack3A_1970 = tpu.unpack_subelements %get3A_1969, 0 {pack_format = #tpu.pack_format<interleaved>} : vector<32xbf16> -> vector<16xf32>
          %unpack3A_1971 = tpu.unpack_subelements %get3A_1969, 1 {pack_format = #tpu.pack_format<interleaved>} : vector<32xbf16> -> vector<16xf32>
          %mul3A_1972 = vector.broadcast %squeeze3A_1966 : f32 to vector<16xf32>
          %mul3A_1973 = arith.mulf %mul3A_1972, %unpack3A_1970 : vector<16xf32>
          %add3A_1974 = arith.addf %add3A_1870, %mul3A_1973 : vector<16xf32>
          %mul3A_1975 = vector.broadcast %squeeze3A_1966 : f32 to vector<16xf32>
          %mul3A_1976 = arith.mulf %mul3A_1975, %unpack3A_1971 : vector<16xf32>
          %add3A_1977 = arith.addf %add3A_1873, %mul3A_1976 : vector<16xf32>
          %get3A_1978 = arith.index_cast %squeeze3A_1964 : i32 to index
          %get3A_1979 = arith.constant 32 : index
          %get3A_1980 = tpu.vector_load %arg12[%get3A_1978, %get3A_1979] {strides = array<i32>} : memref<196x64xbf16, #tpu.memory_space<vmem>>, vector<32xbf16>,
          %unpack3A_1981 = tpu.unpack_subelements %get3A_1980, 0 {pack_format = #tpu.pack_format<interleaved>} : vector<32xbf16> -> vector<16xf32>
          %unpack3A_1982 = tpu.unpack_subelements %get3A_1980, 1 {pack_format = #tpu.pack_format<interleaved>} : vector<32xbf16> -> vector<16xf32>
          %mul3A_1983 = vector.broadcast %squeeze3A_1966 : f32 to vector<16xf32>
          %mul3A_1984 = arith.mulf %mul3A_1983, %unpack3A_1981 : vector<16xf32>
          %add3A_1985 = arith.addf %add3A_1881, %mul3A_1984 : vector<16xf32>
          %mul3A_1986 = vector.broadcast %squeeze3A_1966 : f32 to vector<16xf32>
          %mul3A_1987 = arith.mulf %mul3A_1986, %unpack3A_1982 : vector<16xf32>
          %add3A_1988 = arith.addf %add3A_1884, %mul3A_1987 : vector<16xf32>
          %slice3A_1989 = vector.extract_strided_slice %masked_sort3A_1072 {offsets = [7], sizes = [1], strides = [1]} : vector<16xi32> to vector<1xi32>
          %squeeze3A_1990 = vector.extract %slice3A_1989[0] : i32 from vector<1xi32>
          %slice3A_1991 = vector.extract_strided_slice %select_n3A_1122 {offsets = [7], sizes = [1], strides = [1]} : vector<16xf32> to vector<1xf32>
          %squeeze3A_1992 = vector.extract %slice3A_1991[0] : f32 from vector<1xf32>
          %get3A_1993 = arith.index_cast %squeeze3A_1990 : i32 to index
          %get3A_1994 = arith.constant 0 : index
          %get3A_1995 = tpu.vector_load %arg14[%get3A_1993, %get3A_1994] {strides = array<i32>} : memref<196x64xbf16, #tpu.memory_space<vmem>>, vector<32xbf16>,
          %unpack3A_1996 = tpu.unpack_subelements %get3A_1995, 0 {pack_format = #tpu.pack_format<interleaved>} : vector<32xbf16> -> vector<16xf32>
          %unpack3A_1997 = tpu.unpack_subelements %get3A_1995, 1 {pack_format = #tpu.pack_format<interleaved>} : vector<32xbf16> -> vector<16xf32>
          %mul3A_1998 = vector.broadcast %squeeze3A_1992 : f32 to vector<16xf32>
          %mul3A_1999 = arith.mulf %mul3A_1998, %unpack3A_1996 : vector<16xf32>
          %add3A_2000 = arith.addf %add3A_1896, %mul3A_1999 : vector<16xf32>
          %mul3A_2001 = vector.broadcast %squeeze3A_1992 : f32 to vector<16xf32>
          %mul3A_2002 = arith.mulf %mul3A_2001, %unpack3A_1997 : vector<16xf32>
          %add3A_2003 = arith.addf %add3A_1899, %mul3A_2002 : vector<16xf32>
          %get3A_2004 = arith.index_cast %squeeze3A_1990 : i32 to index
          %get3A_2005 = arith.constant 32 : index
          %get3A_2006 = tpu.vector_load %arg14[%get3A_2004, %get3A_2005] {strides = array<i32>} : memref<196x64xbf16, #tpu.memory_space<vmem>>, vector<32xbf16>,
          %unpack3A_2007 = tpu.unpack_subelements %get3A_2006, 0 {pack_format = #tpu.pack_format<interleaved>} : vector<32xbf16> -> vector<16xf32>
          %unpack3A_2008 = tpu.unpack_subelements %get3A_2006, 1 {pack_format = #tpu.pack_format<interleaved>} : vector<32xbf16> -> vector<16xf32>
          %mul3A_2009 = vector.broadcast %squeeze3A_1992 : f32 to vector<16xf32>
          %mul3A_2010 = arith.mulf %mul3A_2009, %unpack3A_2007 : vector<16xf32>
          %add3A_2011 = arith.addf %add3A_1907, %mul3A_2010 : vector<16xf32>
          %mul3A_2012 = vector.broadcast %squeeze3A_1992 : f32 to vector<16xf32>
          %mul3A_2013 = arith.mulf %mul3A_2012, %unpack3A_2008 : vector<16xf32>
          %add3A_2014 = arith.addf %add3A_1910, %mul3A_2013 : vector<16xf32>
          %slice3A_2015 = vector.extract_strided_slice %masked_sort3A_949 {offsets = [8], sizes = [1], strides = [1]} : vector<16xi32> to vector<1xi32>
          %squeeze3A_2016 = vector.extract %slice3A_2015[0] : i32 from vector<1xi32>
          %slice3A_2017 = vector.extract_strided_slice %select_n3A_1083 {offsets = [8], sizes = [1], strides = [1]} : vector<16xf32> to vector<1xf32>
          %squeeze3A_2018 = vector.extract %slice3A_2017[0] : f32 from vector<1xf32>
          %get3A_2019 = arith.index_cast %squeeze3A_2016 : i32 to index
          %get3A_2020 = arith.constant 0 : index
          %get3A_2021 = tpu.vector_load %arg11[%get3A_2019, %get3A_2020] {strides = array<i32>} : memref<196x64xbf16, #tpu.memory_space<vmem>>, vector<32xbf16>,
          %unpack3A_2022 = tpu.unpack_subelements %get3A_2021, 0 {pack_format = #tpu.pack_format<interleaved>} : vector<32xbf16> -> vector<16xf32>
          %unpack3A_2023 = tpu.unpack_subelements %get3A_2021, 1 {pack_format = #tpu.pack_format<interleaved>} : vector<32xbf16> -> vector<16xf32>
          %mul3A_2024 = vector.broadcast %squeeze3A_2018 : f32 to vector<16xf32>
          %mul3A_2025 = arith.mulf %mul3A_2024, %unpack3A_2022 : vector<16xf32>
          %add3A_2026 = arith.addf %add3A_1922, %mul3A_2025 : vector<16xf32>
          %mul3A_2027 = vector.broadcast %squeeze3A_2018 : f32 to vector<16xf32>
          %mul3A_2028 = arith.mulf %mul3A_2027, %unpack3A_2023 : vector<16xf32>
          %add3A_2029 = arith.addf %add3A_1925, %mul3A_2028 : vector<16xf32>
          %get3A_2030 = arith.index_cast %squeeze3A_2016 : i32 to index
          %get3A_2031 = arith.constant 32 : index
          %get3A_2032 = tpu.vector_load %arg11[%get3A_2030, %get3A_2031] {strides = array<i32>} : memref<196x64xbf16, #tpu.memory_space<vmem>>, vector<32xbf16>,
          %unpack3A_2033 = tpu.unpack_subelements %get3A_2032, 0 {pack_format = #tpu.pack_format<interleaved>} : vector<32xbf16> -> vector<16xf32>
          %unpack3A_2034 = tpu.unpack_subelements %get3A_2032, 1 {pack_format = #tpu.pack_format<interleaved>} : vector<32xbf16> -> vector<16xf32>
          %mul3A_2035 = vector.broadcast %squeeze3A_2018 : f32 to vector<16xf32>
          %mul3A_2036 = arith.mulf %mul3A_2035, %unpack3A_2033 : vector<16xf32>
          %add3A_2037 = arith.addf %add3A_1933, %mul3A_2036 : vector<16xf32>
          %mul3A_2038 = vector.broadcast %squeeze3A_2018 : f32 to vector<16xf32>
          %mul3A_2039 = arith.mulf %mul3A_2038, %unpack3A_2034 : vector<16xf32>
          %add3A_2040 = arith.addf %add3A_1936, %mul3A_2039 : vector<16xf32>
          %slice3A_2041 = vector.extract_strided_slice %masked_sort3A_1065 {offsets = [8], sizes = [1], strides = [1]} : vector<16xi32> to vector<1xi32>
          %squeeze3A_2042 = vector.extract %slice3A_2041[0] : i32 from vector<1xi32>
          %slice3A_2043 = vector.extract_strided_slice %select_n3A_1096 {offsets = [8], sizes = [1], strides = [1]} : vector<16xf32> to vector<1xf32>
          %squeeze3A_2044 = vector.extract %slice3A_2043[0] : f32 from vector<1xf32>
          %get3A_2045 = arith.index_cast %squeeze3A_2042 : i32 to index
          %get3A_2046 = arith.constant 0 : index
          %get3A_2047 = tpu.vector_load %arg13[%get3A_2045, %get3A_2046] {strides = array<i32>} : memref<196x64xbf16, #tpu.memory_space<vmem>>, vector<32xbf16>,
          %unpack3A_2048 = tpu.unpack_subelements %get3A_2047, 0 {pack_format = #tpu.pack_format<interleaved>} : vector<32xbf16> -> vector<16xf32>
          %unpack3A_2049 = tpu.unpack_subelements %get3A_2047, 1 {pack_format = #tpu.pack_format<interleaved>} : vector<32xbf16> -> vector<16xf32>
          %mul3A_2050 = vector.broadcast %squeeze3A_2044 : f32 to vector<16xf32>
          %mul3A_2051 = arith.mulf %mul3A_2050, %unpack3A_2048 : vector<16xf32>
          %add3A_2052 = arith.addf %add3A_1948, %mul3A_2051 : vector<16xf32>
          %mul3A_2053 = vector.broadcast %squeeze3A_2044 : f32 to vector<16xf32>
          %mul3A_2054 = arith.mulf %mul3A_2053, %unpack3A_2049 : vector<16xf32>
          %add3A_2055 = arith.addf %add3A_1951, %mul3A_2054 : vector<16xf32>
          %get3A_2056 = arith.index_cast %squeeze3A_2042 : i32 to index
          %get3A_2057 = arith.constant 32 : index
          %get3A_2058 = tpu.vector_load %arg13[%get3A_2056, %get3A_2057] {strides = array<i32>} : memref<196x64xbf16, #tpu.memory_space<vmem>>, vector<32xbf16>,
          %unpack3A_2059 = tpu.unpack_subelements %get3A_2058, 0 {pack_format = #tpu.pack_format<interleaved>} : vector<32xbf16> -> vector<16xf32>
          %unpack3A_2060 = tpu.unpack_subelements %get3A_2058, 1 {pack_format = #tpu.pack_format<interleaved>} : vector<32xbf16> -> vector<16xf32>
          %mul3A_2061 = vector.broadcast %squeeze3A_2044 : f32 to vector<16xf32>
          %mul3A_2062 = arith.mulf %mul3A_2061, %unpack3A_2059 : vector<16xf32>
          %add3A_2063 = arith.addf %add3A_1959, %mul3A_2062 : vector<16xf32>
          %mul3A_2064 = vector.broadcast %squeeze3A_2044 : f32 to vector<16xf32>
          %mul3A_2065 = arith.mulf %mul3A_2064, %unpack3A_2060 : vector<16xf32>
          %add3A_2066 = arith.addf %add3A_1962, %mul3A_2065 : vector<16xf32>
          %slice3A_2067 = vector.extract_strided_slice %masked_sort3A_956 {offsets = [8], sizes = [1], strides = [1]} : vector<16xi32> to vector<1xi32>
          %squeeze3A_2068 = vector.extract %slice3A_2067[0] : i32 from vector<1xi32>
          %slice3A_2069 = vector.extract_strided_slice %select_n3A_1109 {offsets = [8], sizes = [1], strides = [1]} : vector<16xf32> to vector<1xf32>
          %squeeze3A_2070 = vector.extract %slice3A_2069[0] : f32 from vector<1xf32>
          %get3A_2071 = arith.index_cast %squeeze3A_2068 : i32 to index
          %get3A_2072 = arith.constant 0 : index
          %get3A_2073 = tpu.vector_load %arg12[%get3A_2071, %get3A_2072] {strides = array<i32>} : memref<196x64xbf16, #tpu.memory_space<vmem>>, vector<32xbf16>,
          %unpack3A_2074 = tpu.unpack_subelements %get3A_2073, 0 {pack_format = #tpu.pack_format<interleaved>} : vector<32xbf16> -> vector<16xf32>
          %unpack3A_2075 = tpu.unpack_subelements %get3A_2073, 1 {pack_format = #tpu.pack_format<interleaved>} : vector<32xbf16> -> vector<16xf32>
          %mul3A_2076 = vector.broadcast %squeeze3A_2070 : f32 to vector<16xf32>
          %mul3A_2077 = arith.mulf %mul3A_2076, %unpack3A_2074 : vector<16xf32>
          %add3A_2078 = arith.addf %add3A_1974, %mul3A_2077 : vector<16xf32>
          %mul3A_2079 = vector.broadcast %squeeze3A_2070 : f32 to vector<16xf32>
          %mul3A_2080 = arith.mulf %mul3A_2079, %unpack3A_2075 : vector<16xf32>
          %add3A_2081 = arith.addf %add3A_1977, %mul3A_2080 : vector<16xf32>
          %get3A_2082 = arith.index_cast %squeeze3A_2068 : i32 to index
          %get3A_2083 = arith.constant 32 : index
          %get3A_2084 = tpu.vector_load %arg12[%get3A_2082, %get3A_2083] {strides = array<i32>} : memref<196x64xbf16, #tpu.memory_space<vmem>>, vector<32xbf16>,
          %unpack3A_2085 = tpu.unpack_subelements %get3A_2084, 0 {pack_format = #tpu.pack_format<interleaved>} : vector<32xbf16> -> vector<16xf32>
          %unpack3A_2086 = tpu.unpack_subelements %get3A_2084, 1 {pack_format = #tpu.pack_format<interleaved>} : vector<32xbf16> -> vector<16xf32>
          %mul3A_2087 = vector.broadcast %squeeze3A_2070 : f32 to vector<16xf32>
          %mul3A_2088 = arith.mulf %mul3A_2087, %unpack3A_2085 : vector<16xf32>
          %add3A_2089 = arith.addf %add3A_1985, %mul3A_2088 : vector<16xf32>
          %mul3A_2090 = vector.broadcast %squeeze3A_2070 : f32 to vector<16xf32>
          %mul3A_2091 = arith.mulf %mul3A_2090, %unpack3A_2086 : vector<16xf32>
          %add3A_2092 = arith.addf %add3A_1988, %mul3A_2091 : vector<16xf32>
          %slice3A_2093 = vector.extract_strided_slice %masked_sort3A_1072 {offsets = [8], sizes = [1], strides = [1]} : vector<16xi32> to vector<1xi32>
          %squeeze3A_2094 = vector.extract %slice3A_2093[0] : i32 from vector<1xi32>
          %slice3A_2095 = vector.extract_strided_slice %select_n3A_1122 {offsets = [8], sizes = [1], strides = [1]} : vector<16xf32> to vector<1xf32>
          %squeeze3A_2096 = vector.extract %slice3A_2095[0] : f32 from vector<1xf32>
          %get3A_2097 = arith.index_cast %squeeze3A_2094 : i32 to index
          %get3A_2098 = arith.constant 0 : index
          %get3A_2099 = tpu.vector_load %arg14[%get3A_2097, %get3A_2098] {strides = array<i32>} : memref<196x64xbf16, #tpu.memory_space<vmem>>, vector<32xbf16>,
          %unpack3A_2100 = tpu.unpack_subelements %get3A_2099, 0 {pack_format = #tpu.pack_format<interleaved>} : vector<32xbf16> -> vector<16xf32>
          %unpack3A_2101 = tpu.unpack_subelements %get3A_2099, 1 {pack_format = #tpu.pack_format<interleaved>} : vector<32xbf16> -> vector<16xf32>
          %mul3A_2102 = vector.broadcast %squeeze3A_2096 : f32 to vector<16xf32>
          %mul3A_2103 = arith.mulf %mul3A_2102, %unpack3A_2100 : vector<16xf32>
          %add3A_2104 = arith.addf %add3A_2000, %mul3A_2103 : vector<16xf32>
          %mul3A_2105 = vector.broadcast %squeeze3A_2096 : f32 to vector<16xf32>
          %mul3A_2106 = arith.mulf %mul3A_2105, %unpack3A_2101 : vector<16xf32>
          %add3A_2107 = arith.addf %add3A_2003, %mul3A_2106 : vector<16xf32>
          %get3A_2108 = arith.index_cast %squeeze3A_2094 : i32 to index
          %get3A_2109 = arith.constant 32 : index
          %get3A_2110 = tpu.vector_load %arg14[%get3A_2108, %get3A_2109] {strides = array<i32>} : memref<196x64xbf16, #tpu.memory_space<vmem>>, vector<32xbf16>,
          %unpack3A_2111 = tpu.unpack_subelements %get3A_2110, 0 {pack_format = #tpu.pack_format<interleaved>} : vector<32xbf16> -> vector<16xf32>
          %unpack3A_2112 = tpu.unpack_subelements %get3A_2110, 1 {pack_format = #tpu.pack_format<interleaved>} : vector<32xbf16> -> vector<16xf32>
          %mul3A_2113 = vector.broadcast %squeeze3A_2096 : f32 to vector<16xf32>
          %mul3A_2114 = arith.mulf %mul3A_2113, %unpack3A_2111 : vector<16xf32>
          %add3A_2115 = arith.addf %add3A_2011, %mul3A_2114 : vector<16xf32>
          %mul3A_2116 = vector.broadcast %squeeze3A_2096 : f32 to vector<16xf32>
          %mul3A_2117 = arith.mulf %mul3A_2116, %unpack3A_2112 : vector<16xf32>
          %add3A_2118 = arith.addf %add3A_2014, %mul3A_2117 : vector<16xf32>
          %slice3A_2119 = vector.extract_strided_slice %masked_sort3A_949 {offsets = [9], sizes = [1], strides = [1]} : vector<16xi32> to vector<1xi32>
          %squeeze3A_2120 = vector.extract %slice3A_2119[0] : i32 from vector<1xi32>
          %slice3A_2121 = vector.extract_strided_slice %select_n3A_1083 {offsets = [9], sizes = [1], strides = [1]} : vector<16xf32> to vector<1xf32>
          %squeeze3A_2122 = vector.extract %slice3A_2121[0] : f32 from vector<1xf32>
          %get3A_2123 = arith.index_cast %squeeze3A_2120 : i32 to index
          %get3A_2124 = arith.constant 0 : index
          %get3A_2125 = tpu.vector_load %arg11[%get3A_2123, %get3A_2124] {strides = array<i32>} : memref<196x64xbf16, #tpu.memory_space<vmem>>, vector<32xbf16>,
          %unpack3A_2126 = tpu.unpack_subelements %get3A_2125, 0 {pack_format = #tpu.pack_format<interleaved>} : vector<32xbf16> -> vector<16xf32>
          %unpack3A_2127 = tpu.unpack_subelements %get3A_2125, 1 {pack_format = #tpu.pack_format<interleaved>} : vector<32xbf16> -> vector<16xf32>
          %mul3A_2128 = vector.broadcast %squeeze3A_2122 : f32 to vector<16xf32>
          %mul3A_2129 = arith.mulf %mul3A_2128, %unpack3A_2126 : vector<16xf32>
          %add3A_2130 = arith.addf %add3A_2026, %mul3A_2129 : vector<16xf32>
          %mul3A_2131 = vector.broadcast %squeeze3A_2122 : f32 to vector<16xf32>
          %mul3A_2132 = arith.mulf %mul3A_2131, %unpack3A_2127 : vector<16xf32>
          %add3A_2133 = arith.addf %add3A_2029, %mul3A_2132 : vector<16xf32>
          %get3A_2134 = arith.index_cast %squeeze3A_2120 : i32 to index
          %get3A_2135 = arith.constant 32 : index
          %get3A_2136 = tpu.vector_load %arg11[%get3A_2134, %get3A_2135] {strides = array<i32>} : memref<196x64xbf16, #tpu.memory_space<vmem>>, vector<32xbf16>,
          %unpack3A_2137 = tpu.unpack_subelements %get3A_2136, 0 {pack_format = #tpu.pack_format<interleaved>} : vector<32xbf16> -> vector<16xf32>
          %unpack3A_2138 = tpu.unpack_subelements %get3A_2136, 1 {pack_format = #tpu.pack_format<interleaved>} : vector<32xbf16> -> vector<16xf32>
          %mul3A_2139 = vector.broadcast %squeeze3A_2122 : f32 to vector<16xf32>
          %mul3A_2140 = arith.mulf %mul3A_2139, %unpack3A_2137 : vector<16xf32>
          %add3A_2141 = arith.addf %add3A_2037, %mul3A_2140 : vector<16xf32>
          %mul3A_2142 = vector.broadcast %squeeze3A_2122 : f32 to vector<16xf32>
          %mul3A_2143 = arith.mulf %mul3A_2142, %unpack3A_2138 : vector<16xf32>
          %add3A_2144 = arith.addf %add3A_2040, %mul3A_2143 : vector<16xf32>
          %slice3A_2145 = vector.extract_strided_slice %masked_sort3A_1065 {offsets = [9], sizes = [1], strides = [1]} : vector<16xi32> to vector<1xi32>
          %squeeze3A_2146 = vector.extract %slice3A_2145[0] : i32 from vector<1xi32>
          %slice3A_2147 = vector.extract_strided_slice %select_n3A_1096 {offsets = [9], sizes = [1], strides = [1]} : vector<16xf32> to vector<1xf32>
          %squeeze3A_2148 = vector.extract %slice3A_2147[0] : f32 from vector<1xf32>
          %get3A_2149 = arith.index_cast %squeeze3A_2146 : i32 to index
          %get3A_2150 = arith.constant 0 : index
          %get3A_2151 = tpu.vector_load %arg13[%get3A_2149, %get3A_2150] {strides = array<i32>} : memref<196x64xbf16, #tpu.memory_space<vmem>>, vector<32xbf16>,
          %unpack3A_2152 = tpu.unpack_subelements %get3A_2151, 0 {pack_format = #tpu.pack_format<interleaved>} : vector<32xbf16> -> vector<16xf32>
          %unpack3A_2153 = tpu.unpack_subelements %get3A_2151, 1 {pack_format = #tpu.pack_format<interleaved>} : vector<32xbf16> -> vector<16xf32>
          %mul3A_2154 = vector.broadcast %squeeze3A_2148 : f32 to vector<16xf32>
          %mul3A_2155 = arith.mulf %mul3A_2154, %unpack3A_2152 : vector<16xf32>
          %add3A_2156 = arith.addf %add3A_2052, %mul3A_2155 : vector<16xf32>
          %mul3A_2157 = vector.broadcast %squeeze3A_2148 : f32 to vector<16xf32>
          %mul3A_2158 = arith.mulf %mul3A_2157, %unpack3A_2153 : vector<16xf32>
          %add3A_2159 = arith.addf %add3A_2055, %mul3A_2158 : vector<16xf32>
          %get3A_2160 = arith.index_cast %squeeze3A_2146 : i32 to index
          %get3A_2161 = arith.constant 32 : index
          %get3A_2162 = tpu.vector_load %arg13[%get3A_2160, %get3A_2161] {strides = array<i32>} : memref<196x64xbf16, #tpu.memory_space<vmem>>, vector<32xbf16>,
          %unpack3A_2163 = tpu.unpack_subelements %get3A_2162, 0 {pack_format = #tpu.pack_format<interleaved>} : vector<32xbf16> -> vector<16xf32>
          %unpack3A_2164 = tpu.unpack_subelements %get3A_2162, 1 {pack_format = #tpu.pack_format<interleaved>} : vector<32xbf16> -> vector<16xf32>
          %mul3A_2165 = vector.broadcast %squeeze3A_2148 : f32 to vector<16xf32>
          %mul3A_2166 = arith.mulf %mul3A_2165, %unpack3A_2163 : vector<16xf32>
          %add3A_2167 = arith.addf %add3A_2063, %mul3A_2166 : vector<16xf32>
          %mul3A_2168 = vector.broadcast %squeeze3A_2148 : f32 to vector<16xf32>
          %mul3A_2169 = arith.mulf %mul3A_2168, %unpack3A_2164 : vector<16xf32>
          %add3A_2170 = arith.addf %add3A_2066, %mul3A_2169 : vector<16xf32>
          %slice3A_2171 = vector.extract_strided_slice %masked_sort3A_956 {offsets = [9], sizes = [1], strides = [1]} : vector<16xi32> to vector<1xi32>
          %squeeze3A_2172 = vector.extract %slice3A_2171[0] : i32 from vector<1xi32>
          %slice3A_2173 = vector.extract_strided_slice %select_n3A_1109 {offsets = [9], sizes = [1], strides = [1]} : vector<16xf32> to vector<1xf32>
          %squeeze3A_2174 = vector.extract %slice3A_2173[0] : f32 from vector<1xf32>
          %get3A_2175 = arith.index_cast %squeeze3A_2172 : i32 to index
          %get3A_2176 = arith.constant 0 : index
          %get3A_2177 = tpu.vector_load %arg12[%get3A_2175, %get3A_2176] {strides = array<i32>} : memref<196x64xbf16, #tpu.memory_space<vmem>>, vector<32xbf16>,
          %unpack3A_2178 = tpu.unpack_subelements %get3A_2177, 0 {pack_format = #tpu.pack_format<interleaved>} : vector<32xbf16> -> vector<16xf32>
          %unpack3A_2179 = tpu.unpack_subelements %get3A_2177, 1 {pack_format = #tpu.pack_format<interleaved>} : vector<32xbf16> -> vector<16xf32>
          %mul3A_2180 = vector.broadcast %squeeze3A_2174 : f32 to vector<16xf32>
          %mul3A_2181 = arith.mulf %mul3A_2180, %unpack3A_2178 : vector<16xf32>
          %add3A_2182 = arith.addf %add3A_2078, %mul3A_2181 : vector<16xf32>
          %mul3A_2183 = vector.broadcast %squeeze3A_2174 : f32 to vector<16xf32>
          %mul3A_2184 = arith.mulf %mul3A_2183, %unpack3A_2179 : vector<16xf32>
          %add3A_2185 = arith.addf %add3A_2081, %mul3A_2184 : vector<16xf32>
          %get3A_2186 = arith.index_cast %squeeze3A_2172 : i32 to index
          %get3A_2187 = arith.constant 32 : index
          %get3A_2188 = tpu.vector_load %arg12[%get3A_2186, %get3A_2187] {strides = array<i32>} : memref<196x64xbf16, #tpu.memory_space<vmem>>, vector<32xbf16>,
          %unpack3A_2189 = tpu.unpack_subelements %get3A_2188, 0 {pack_format = #tpu.pack_format<interleaved>} : vector<32xbf16> -> vector<16xf32>
          %unpack3A_2190 = tpu.unpack_subelements %get3A_2188, 1 {pack_format = #tpu.pack_format<interleaved>} : vector<32xbf16> -> vector<16xf32>
          %mul3A_2191 = vector.broadcast %squeeze3A_2174 : f32 to vector<16xf32>
          %mul3A_2192 = arith.mulf %mul3A_2191, %unpack3A_2189 : vector<16xf32>
          %add3A_2193 = arith.addf %add3A_2089, %mul3A_2192 : vector<16xf32>
          %mul3A_2194 = vector.broadcast %squeeze3A_2174 : f32 to vector<16xf32>
          %mul3A_2195 = arith.mulf %mul3A_2194, %unpack3A_2190 : vector<16xf32>
          %add3A_2196 = arith.addf %add3A_2092, %mul3A_2195 : vector<16xf32>
          %slice3A_2197 = vector.extract_strided_slice %masked_sort3A_1072 {offsets = [9], sizes = [1], strides = [1]} : vector<16xi32> to vector<1xi32>
          %squeeze3A_2198 = vector.extract %slice3A_2197[0] : i32 from vector<1xi32>
          %slice3A_2199 = vector.extract_strided_slice %select_n3A_1122 {offsets = [9], sizes = [1], strides = [1]} : vector<16xf32> to vector<1xf32>
          %squeeze3A_2200 = vector.extract %slice3A_2199[0] : f32 from vector<1xf32>
          %get3A_2201 = arith.index_cast %squeeze3A_2198 : i32 to index
          %get3A_2202 = arith.constant 0 : index
          %get3A_2203 = tpu.vector_load %arg14[%get3A_2201, %get3A_2202] {strides = array<i32>} : memref<196x64xbf16, #tpu.memory_space<vmem>>, vector<32xbf16>,
          %unpack3A_2204 = tpu.unpack_subelements %get3A_2203, 0 {pack_format = #tpu.pack_format<interleaved>} : vector<32xbf16> -> vector<16xf32>
          %unpack3A_2205 = tpu.unpack_subelements %get3A_2203, 1 {pack_format = #tpu.pack_format<interleaved>} : vector<32xbf16> -> vector<16xf32>
          %mul3A_2206 = vector.broadcast %squeeze3A_2200 : f32 to vector<16xf32>
          %mul3A_2207 = arith.mulf %mul3A_2206, %unpack3A_2204 : vector<16xf32>
          %add3A_2208 = arith.addf %add3A_2104, %mul3A_2207 : vector<16xf32>
          %mul3A_2209 = vector.broadcast %squeeze3A_2200 : f32 to vector<16xf32>
          %mul3A_2210 = arith.mulf %mul3A_2209, %unpack3A_2205 : vector<16xf32>
          %add3A_2211 = arith.addf %add3A_2107, %mul3A_2210 : vector<16xf32>
          %get3A_2212 = arith.index_cast %squeeze3A_2198 : i32 to index
          %get3A_2213 = arith.constant 32 : index
          %get3A_2214 = tpu.vector_load %arg14[%get3A_2212, %get3A_2213] {strides = array<i32>} : memref<196x64xbf16, #tpu.memory_space<vmem>>, vector<32xbf16>,
          %unpack3A_2215 = tpu.unpack_subelements %get3A_2214, 0 {pack_format = #tpu.pack_format<interleaved>} : vector<32xbf16> -> vector<16xf32>
          %unpack3A_2216 = tpu.unpack_subelements %get3A_2214, 1 {pack_format = #tpu.pack_format<interleaved>} : vector<32xbf16> -> vector<16xf32>
          %mul3A_2217 = vector.broadcast %squeeze3A_2200 : f32 to vector<16xf32>
          %mul3A_2218 = arith.mulf %mul3A_2217, %unpack3A_2215 : vector<16xf32>
          %add3A_2219 = arith.addf %add3A_2115, %mul3A_2218 : vector<16xf32>
          %mul3A_2220 = vector.broadcast %squeeze3A_2200 : f32 to vector<16xf32>
          %mul3A_2221 = arith.mulf %mul3A_2220, %unpack3A_2216 : vector<16xf32>
          %add3A_2222 = arith.addf %add3A_2118, %mul3A_2221 : vector<16xf32>
          %mul3A_2223 = arith.mulf %add3A_2130, %div3A_1129 : vector<16xf32>
          %mul3A_2224 = arith.mulf %add3A_2133, %div3A_1129 : vector<16xf32>
          %mul3A_2225 = arith.mulf %add3A_2141, %div3A_1129 : vector<16xf32>
          %mul3A_2226 = arith.mulf %add3A_2144, %div3A_1129 : vector<16xf32>
          %mul3A_2227 = arith.mulf %add3A_2156, %div3A_1137 : vector<16xf32>
          %mul3A_2228 = arith.mulf %add3A_2159, %div3A_1137 : vector<16xf32>
          %mul3A_2229 = arith.mulf %add3A_2167, %div3A_1137 : vector<16xf32>
          %mul3A_2230 = arith.mulf %add3A_2170, %div3A_1137 : vector<16xf32>
          %mul3A_2231 = arith.mulf %add3A_2182, %div3A_1145 : vector<16xf32>
          %mul3A_2232 = arith.mulf %add3A_2185, %div3A_1145 : vector<16xf32>
          %mul3A_2233 = arith.mulf %add3A_2193, %div3A_1145 : vector<16xf32>
          %mul3A_2234 = arith.mulf %add3A_2196, %div3A_1145 : vector<16xf32>
          %mul3A_2235 = arith.mulf %add3A_2208, %div3A_1153 : vector<16xf32>
          %mul3A_2236 = arith.mulf %add3A_2211, %div3A_1153 : vector<16xf32>
          %mul3A_2237 = arith.mulf %add3A_2219, %div3A_1153 : vector<16xf32>
          %mul3A_2238 = arith.mulf %add3A_2222, %div3A_1153 : vector<16xf32>
          %sub3A_2239 = arith.subf %mul3A_2223, %mul3A_2227 : vector<16xf32>
          %sub3A_2240 = arith.subf %mul3A_2231, %mul3A_2235 : vector<16xf32>
          %mul3A_2241 = arith.mulf %sub3A_2239, %sub3A_2239 : vector<16xf32>
          %add3A_2242 = arith.addf %scan3A_195, %mul3A_2241 : vector<16xf32>
          %mul3A_2243 = arith.mulf %sub3A_2240, %sub3A_2240 : vector<16xf32>
          %add3A_2244 = arith.addf %add3A_2242, %mul3A_2243 : vector<16xf32>
          %sub3A_2245 = arith.subf %mul3A_2224, %mul3A_2228 : vector<16xf32>
          %sub3A_2246 = arith.subf %mul3A_2232, %mul3A_2236 : vector<16xf32>
          %mul3A_2247 = arith.mulf %sub3A_2245, %sub3A_2245 : vector<16xf32>
          %add3A_2248 = arith.addf %add3A_2244, %mul3A_2247 : vector<16xf32>
          %mul3A_2249 = arith.mulf %sub3A_2246, %sub3A_2246 : vector<16xf32>
          %add3A_2250 = arith.addf %add3A_2248, %mul3A_2249 : vector<16xf32>
          %sub3A_2251 = arith.subf %mul3A_2225, %mul3A_2229 : vector<16xf32>
          %sub3A_2252 = arith.subf %mul3A_2233, %mul3A_2237 : vector<16xf32>
          %mul3A_2253 = arith.mulf %sub3A_2251, %sub3A_2251 : vector<16xf32>
          %add3A_2254 = arith.addf %add3A_2250, %mul3A_2253 : vector<16xf32>
          %mul3A_2255 = arith.mulf %sub3A_2252, %sub3A_2252 : vector<16xf32>
          %add3A_2256 = arith.addf %add3A_2254, %mul3A_2255 : vector<16xf32>
          %sub3A_2257 = arith.subf %mul3A_2226, %mul3A_2230 : vector<16xf32>
          %sub3A_2258 = arith.subf %mul3A_2234, %mul3A_2238 : vector<16xf32>
          %mul3A_2259 = arith.mulf %sub3A_2257, %sub3A_2257 : vector<16xf32>
          %add3A_2260 = arith.addf %add3A_2256, %mul3A_2259 : vector<16xf32>
          %mul3A_2261 = arith.mulf %sub3A_2258, %sub3A_2258 : vector<16xf32>
          %add3A_2262 = arith.addf %add3A_2260, %mul3A_2261 : vector<16xf32>
          scf.yield %add3A_2262 : vector<16xf32>
        }
        %scan3A_193 = arith.constant 28 : i32
        scf.yield %scan3A_192 : vector<16xf32>
      }
      %scan3A_115 = arith.constant 14 : i32
      scf.yield %scan3A_114 : vector<16xf32>
    }
    %scan3A_6 = arith.constant 3 : i32
    %swap3A = arith.constant 0 : index
    %swap3A_7 = tpu.vector_load %arg15[%swap3A] {strides = array<i32>} : memref<16xf32, #tpu.memory_space<vmem>>, vector<16xf32>,
    tpu.vector_store %arg15[%swap3A], %scan3A_5 {strides = array<i32>} : memref<16xf32, #tpu.memory_space<vmem>>, vector<16xf32>,
    "tpu.region"() ({
      %run_scoped3A = tpu.sem_alloc : memref<!tpu.dma_semaphore, #tpu.memory_space<semaphore_mem>>
      %dma_start3A = arith.constant 0 : i32
      %dma_start3A_8 = tpu.memref_slice %arg6[%add3A, %dma_start3A] : memref<32x16xf32, #tpu.memory_space<hbm>> -> memref<1x16xf32, #tpu.memory_space<hbm>>
      %dma_start3A_9 = tpu.memref_squeeze %dma_start3A_8 : memref<1x16xf32, #tpu.memory_space<hbm>> -> memref<16xf32, #tpu.memory_space<hbm>>
      %dma_start3A_10 = arith.constant 0 : i32
      %dma_start3A_11 = tpu.memref_slice %arg6[%add3A, %dma_start3A_10] : memref<32x16xf32, #tpu.memory_space<hbm>> -> memref<1x16xf32, #tpu.memory_space<hbm>>
      %dma_start3A_12 = tpu.memref_squeeze %dma_start3A_11 : memref<1x16xf32, #tpu.memory_space<hbm>> -> memref<16xf32, #tpu.memory_space<hbm>>
      tpu.enqueue_dma source(%arg15 : memref<16xf32, #tpu.memory_space<vmem>>) target(%dma_start3A_12 : memref<16xf32, #tpu.memory_space<hbm>>) target_semaphore(%run_scoped3A : memref<!tpu.dma_semaphore, #tpu.memory_space<semaphore_mem>>)
      %dma_wait3A = arith.constant 0 : i32
      %dma_wait3A_13 = tpu.memref_slice %arg6[%add3A, %dma_wait3A] : memref<32x16xf32, #tpu.memory_space<hbm>> -> memref<1x16xf32, #tpu.memory_space<hbm>>
      %dma_wait3A_14 = tpu.memref_squeeze %dma_wait3A_13 : memref<1x16xf32, #tpu.memory_space<hbm>> -> memref<16xf32, #tpu.memory_space<hbm>>
      %dma_wait3A_15 = arith.constant 0 : i32
      %dma_wait3A_16 = tpu.memref_slice %arg6[%add3A, %dma_wait3A_15] : memref<32x16xf32, #tpu.memory_space<hbm>> -> memref<1x16xf32, #tpu.memory_space<hbm>>
      %dma_wait3A_17 = tpu.memref_squeeze %dma_wait3A_16 : memref<1x16xf32, #tpu.memory_space<hbm>> -> memref<16xf32, #tpu.memory_space<hbm>>
      tpu.wait_dma2 semaphore(%run_scoped3A : memref<!tpu.dma_semaphore, #tpu.memory_space<semaphore_mem>>) src(%arg15 : memref<16xf32, #tpu.memory_space<vmem>>) dst(%dma_wait3A_17 : memref<16xf32, #tpu.memory_space<hbm>>)
      tpu.yield
    }) : () -> ()
    return
  }
}

</mosaic_0001>

<sc_bundles>
// kernel: kernel.3.cloned.1.call-start
scs
__scs_entry_jumppad:
0x0: {  	(pc) =	sbr.rel $0x88, $3  }
0x1: {  	(tag) =	ssettag $0x0;
	lr =	simm.s32 $0x1  }
0x2: {  	[smem:$0x3F9D] =	sst lr;
	_ =	strace $0xD0000000  }
0x3: {  	_ = 	snop  }
0x4: {  	_ = 	snop  }
0x5: {  	_ = 	snop  }
0x6: {  	_ = 	snop  }
0x7: {  	_ = 	snop  }
__scs_overlays_trampoline_lowered:
0x8: {  	[smem:$0x3FAC] =	sst s0  }
0x9: {  	[smem:$0x3FAD] =	sst s1  }
0xa: {  	[smem:$0x3FAE] =	sst s2  }
0xb: {  	[smem:$0x3FAF] =	sst s3  }
0xc: {  	[smem:$0x3FB0] =	sst s4  }
0xd: {  	[smem:$0x3FB1] =	sst s5  }
0xe: {  	[smem:$0x3FB2] =	sst s6  }
0xf: {  	[smem:$0x3FB3] =	sst s7  }
0x10: {  	[smem:$0x3FB4] =	sst s8  }
0x11: {  	[smem:$0x3FB5] =	sst s9;
	s0 =	simm.s32 @!p0 $0x0  }
0x12: {  	s1 =	sld [smem:$0x3F9B];
	s0 =	simm.s32 @p0 $0x1  }
0x13: {  	[smem:$0x3FB6] =	sst s0;
	s0 =	simm.s32 @!p1 $0x0  }
0x14: {  	s2 =	sld [smem:$0x3F9A];
	s0 =	simm.s32 @p1 $0x1  }
0x15: {  	[smem:$0x3FB7] =	sst s0;
	s0 =	simm.s32 @!p2 $0x0  }
0x16: {  	s3 =	sld [smem:$0x3FDB];
	s0 =	simm.s32 @p2 $0x1  }
0x17: {  	s4 =	simm.s32 $0x1BF5;
	[smem:$0x3FB9] =	sst s0  }
0x18: {  	s0 =	sld [smem:$0x3F9C];
	_ =	swait.ge [sflag:s4], $0x0  }
0x19: {  	s7 =	sld [smem:$0x3F9D]  }
0x1a: {  	s8 =	sadd.s32 $0xFFFFE003, lr  }
0x1b: {  	s9 =	sadd.s32 $0xFFFFFEF7, lr;
	s5 =	simm.s32 $0xFFFFFFFF;
	p2 =	slt.u32 s8, $0xFFFFF086  }
0x1c: {  	p1 =	slt.u32 s9, $0xF7A;
	s5 =	simm.s32 @!p2 $0x0  }
0x1d: {  	s5 =	simm.s32 @p1 $0x1;
	p0 =	seq.s32 s7, s2  }
0x1e: {  	s7 =	smul.u32 @!p0 $0xF7A, s2;
	p2 =	seq.s32 @!p0 s5, $0x0  }
0x1f: {  	s9 =	smul.u32 $0xF7A, s1;
	s8 =	simm.s32 @!p0 $0x1BF5;
	p2 =	por !p2, p0  }
0x20: {  	[sflag:s8] =	ssyncset.s32 @!p0 $0xFFFFF086;
	s6 =	sadd.s32 @!p0 s3, s7;
	s7 =	simm.s32 @!p0 $0x108  }
0x21: {  	s3 =	sadd.s32 s3, s9;
	s6 =	sadd.s32 @!p0 $0x88, s6;
	s7 =	simm.s32 @p2 $0x1082  }
0x22: {  	[simem:s7], [sflag:s8] =	dma.local @!p0 [hbm:s6], $0xF7A  }
0x23: {  	s9 =	sor.u32 $0xD0000000, s2;
	s6 =	simm.s32 $0x108;
	_ =	swait.ge @!p0 [sflag:s8], $0x0  }
0x24: {  	s3 =	sadd.s32 $0x88, s3;
	s6 =	simm.s32 @!p1 $0x1082;
	[sflag:s4] =	ssyncset.s32 $0xFFFFF086  }
0x25: {  	[simem:s6], [sflag:s4] =	dma.local [hbm:s3], $0xF7A  }
0x26: {  	[smem:$0x3F9D] =	sst s1;
	(tag) =	ssettag s2;
	_ =	strace s9  }
0x27: {  	s1 =	sld [smem:$0x3FAD]  }
0x28: {  	s2 =	sld [smem:$0x3FAE]  }
0x29: {  	s4 =	sld [smem:$0x3FB0]  }
0x2a: {  	p0 =	seq.s32 s5, $0x0;
	s5 =	sld [smem:$0x3FB1]  }
0x2b: {  	s6 =	sld [smem:$0x3FB2]  }
0x2c: {  	s7 =	sld [smem:$0x3FB3]  }
0x2d: {  	s3 =	simm.s32 $0x108;
	s8 =	sld [smem:$0x3FB4]  }
0x2e: {  	s3 =	simm.s32 @!p0 $0x1082;
	s9 =	sld [smem:$0x3FB5]  }
0x2f: {  	lr =	sadd.s32 s0, s3;
	s0 =	sld [smem:$0x3FAC]  }
0x30: {  	s3 =	sld [smem:$0x3FAF]  }
0x31: {  	[smem:$0x3FB8] =	sst s10  }
0x32: {  	s10 =	sld [smem:$0x3FB6];
	_ =	sdelay $0x3  }
0x33: {  	p0 =	seq.s32 s10, $0x1;
	s10 =	sld [smem:$0x3FB8];
	_ =	sdelay $0x3  }
0x34: {  	[smem:$0x3FB8] =	sst s10  }
0x35: {  	s10 =	sld [smem:$0x3FB7];
	_ =	sdelay $0x3  }
0x36: {  	p1 =	seq.s32 s10, $0x1;
	s10 =	sld [smem:$0x3FB8];
	_ =	sdelay $0x3  }
0x37: {  	[smem:$0x3FB8] =	sst s10  }
0x38: {  	s10 =	sld [smem:$0x3FB9]  }
0x39: {  	_ = 	snop;
	(pc) =	sbr.ind lr, $3  }
0x3a: {  	_ = 	snop  }
0x3b: {  	_ = 	snop  }
0x3c: {  	p2 =	seq.s32 s10, $0x1;
	s10 =	sld [smem:$0x3FB8]  }
0x3d: {  	_ =	shalt  }
0x3e: {  	_ =	shalt  }
0x3f: {  	_ =	shalt  }
0x40: {  	_ =	shalt  }
0x41: {  	_ =	shalt  }
0x42: {  	_ =	shalt  }
0x43: {  	_ =	shalt  }
0x44: {  	_ =	shalt  }
0x45: {  	_ =	shalt  }
0x46: {  	_ =	shalt  }
0x47: {  	_ =	shalt  }
0x48: {  	_ =	shalt  }
0x49: {  	_ =	shalt  }
0x4a: {  	_ =	shalt  }
0x4b: {  	_ =	shalt  }
0x4c: {  	_ =	shalt  }
0x4d: {  	_ =	shalt  }
0x4e: {  	_ =	shalt  }
0x4f: {  	_ =	shalt  }
0x50: {  	_ =	shalt  }
0x51: {  	_ =	shalt  }
0x52: {  	_ =	shalt  }
0x53: {  	_ =	shalt  }
0x54: {  	_ =	shalt  }
0x55: {  	_ =	shalt  }
0x56: {  	_ =	shalt  }
0x57: {  	_ =	shalt  }
0x58: {  	_ =	shalt  }
0x59: {  	_ =	shalt  }
0x5a: {  	_ =	shalt  }
0x5b: {  	_ =	shalt  }
0x5c: {  	_ =	shalt  }
0x5d: {  	_ =	shalt  }
0x5e: {  	_ =	shalt  }
0x5f: {  	_ =	shalt  }
0x60: {  	_ =	shalt  }
0x61: {  	_ =	shalt  }
0x62: {  	_ =	shalt  }
0x63: {  	_ =	shalt  }
0x64: {  	_ =	shalt  }
0x65: {  	_ =	shalt  }
0x66: {  	_ =	shalt  }
0x67: {  	_ =	shalt  }
0x68: {  	_ =	shalt  }
0x69: {  	_ =	shalt  }
0x6a: {  	_ =	shalt  }
0x6b: {  	_ =	shalt  }
0x6c: {  	_ =	shalt  }
0x6d: {  	_ =	shalt  }
0x6e: {  	_ =	shalt  }
0x6f: {  	_ =	shalt  }
0x70: {  	_ =	shalt  }
0x71: {  	_ =	shalt  }
0x72: {  	_ =	shalt  }
0x73: {  	_ =	shalt  }
0x74: {  	_ =	shalt  }
0x75: {  	_ =	shalt  }
0x76: {  	_ =	shalt  }
0x77: {  	_ =	shalt  }
0x78: {  	_ =	shalt  }
0x79: {  	_ =	shalt  }
0x7a: {  	_ =	shalt  }
0x7b: {  	_ =	shalt  }
0x7c: {  	_ =	shalt  }
0x7d: {  	_ =	shalt  }
0x7e: {  	_ =	shalt  }
0x7f: {  	_ =	shalt  }
0x80: {  	_ =	shalt  }
0x81: {  	_ =	shalt  }
0x82: {  	_ =	shalt  }
0x83: {  	_ =	shalt  }
0x84: {  	_ =	shalt  }
0x85: {  	_ =	shalt  }
0x86: {  	_ =	shalt  }
0x87: {  	_ =	shalt  }
.Lfunc_end0:
.L_simem_size_0:
called_computation_lowered:
.L_overlay_start_0:
0x88: {  	s2 =	sld [smem:$0x3FD9]  }
0x89: {  	s3 =	sld [smem:$0x3FFE];
	_ =	sdelay $0x1  }
0x8a: {  	s1 =	srdreg.scid  }
0x8b: {  	s0 =	sand.u32 $0x1, s1  }
0x8c: {  	s16 =	sshll.u32 s0, $0xA;
	s2 =	sadd.s32 s3, s2  }
0x8d: {  	s2 =	sadd.s32 s2, s16  }
0x8e: {  	[smem:$0x3FC4] =	sst s2  }
0x8f: {  	_ = 	snop  }
0x90: {  	(tm) =	ssettm $0x1  }
0x91: {  	s17 =	sld [smem:$0x3FFB];
	_ =	sdelay $0x3  }
0x92: {  	_ =	strace s17  }
0x93: {  	s2 =	sld [smem:$0x3FFC];
	_ =	sdelay $0x3  }
0x94: {  	_ =	strace s2  }
0x95: {  	s2 =	sld [smem:$0x3FFD];
	_ =	sdelay $0x3  }
0x96: {  	_ =	strace s2  }
0x97: {  	_ =	strace $0x8FFFFFFF  }
0x98: {  	s18 =	sld [smem:$0x3FDB];
	_ =	sdelay $0x1  }
0x99: {  	s19 =	simm.s32 $_scs_section_size  }
0x9a: {  	s4 =	simm.s32 $_size__tile_overlayer_lowered;
	s5 =	simm.s32 $_tile_overlayer_lowered  }
0x9b: {  	s22 =	simm.s32 $0x1BFF;
	s21 =	sshll.u32 s5, $0x1;
	s2 =	sadd.s32 s19, s18  }
0x9c: {  	s6 =	simm.s32 $0x0;
	s20 =	sshll.u32 s4, $0x1;
	s4 =	sadd.s32 s21, s2  }
0x9d: {  	[timem:s6], [sflag:s22] =	dma.local [hbm:s4], s20  }
0x9e: {  	_ =	swait.ge [sflag:s22], s20  }
0x9f: {  	s3 =	ssub.s32 $0x0, s20;
	[sflag:s22] =	ssyncset.done $0x0  }
0xa0: {  	[sflag:s22] =	ssyncadd.s32 s3;
	_ =	sdelay $0x1  }
0xa1: {  	s23 =	simm.s32 $0x1B8B  }
0xa2: {  	_ =	swait.ge [sflag:s23], $0x1  }
0xa3: {  	[sflag:s23] =	ssyncset.done $0x0  }
0xa4: {  	s25 =	simm.s32 $0x1B8E;
	s24 =	sld [smem:$0x3FFE];
	[sflag:s23] =	ssyncadd.s32 $0xFFFFFFFF  }
0xa5: {  	s26 =	simm.s32 $execute0_lowered;
	[smem:$0x3FD2] =	sst s25  }
0xa6: {  	s4 =	sshll.u32 s26, $0x1;
	_ =	strace $0x80000046;
	[dreg:$0x1] =	wrdreg $0xFFFFFFFF  }
0xa7: {  	s28 =	simm.s32 $_size_execute0_lowered;
	s2 =	sadd.s32 s2, s4;
	[dreg:$0x0] =	wrdreg $0x0  }
0xa8: {  	s4 =	sshll.u32 s28, $0x1;
	[dreg:$0x2] =	wrdreg s2  }
0xa9: {  	[dreg:$0x3] =	wrdreg s4  }
0xaa: {  	[dreg:$0x4] =	wrdreg $0xC0  }
0xab: {  	_ =	task [dreg:s6], $0x5FFFF  }
0xac: {  	[dreg:$0x1] =	wrdreg $0xFFFFFFFF  }
0xad: {  	[dreg:$0x0] =	wrdreg $0x60  }
0xae: {  	[dreg:$0x2] =	wrdreg s24  }
0xaf: {  	[dreg:$0x3] =	wrdreg $0x9  }
0xb0: {  	_ =	task.clear_ibuf [dreg:s6], $0x4FFFF;
	_ =	strace $0x90000046  }
0xb1: {  	s29 =	simm.s32 $0x9;
	_ =	strace $0x80000048  }
0xb2: {  	_ =	swait.ge [sflag:s29], $0x1  }
0xb3: {  	[sflag:s29] =	ssyncadd.s32 $0xFFFFFFFF  }
0xb4: {  	_ =	strace $0x90000048  }
0xb5: {  	_ =	sfence  }
0xb6: {  	s30 =	sld [smem:$0x0];
	_ =	sdelay $0x2  }
0xb7: {  	s31 =	sshll.u32 s1, $0xD;
	s1 =	sshrl.u32 s1, $0x2  }
0xb8: {  	s3 =	sand.u32 $0x4000, s31;
	s1 =	sadd.s32 s1, s30  }
0xb9: {  	s0 =	sor.u32 s3, s0;
	s1 =	sshll.u32 s1, $0x11  }
0xba: {  	s0 =	sor.u32 s1, s0  }
0xbb: {  	s0 =	sadd.s32 $0x8F2B, s0  }
0xbc: {  	[sflag:s0] =	ssyncadd.remote.s32 $0x1  }
0xbd: {  	_ =	sfence.sel $0xFFFF  }
0xbe: {  	[dreg:$0x0] =	wrdreg $0xFFFFFFFF;
	(pc) =	sbr.abs _section_cstart, $3  }
0xbf: {  	[dreg:$0x1] =	wrdreg $0xFFFFFFFF  }
0xc0: {  	_ =	task.clear_ibuf [dreg:s6], $0x2FFFF;
	_ =	strace $0x9FFFFFFF  }
0xc1: {  	(tm) =	ssettm $0x7FFFFFFF  }
tec
execute0_lowered:
.L_overlay_start_1:
0x0: {  	(tag) =	ssettag $0x1  }
0x1: {  	s0 =	rddreg [dreg:$0x0]  }
0x2: {  	s1 =	simm.s32 $0x0;
	s2 =	srdreg.scid;
	s31 =	stileid.u32  }
0x3: {  	s10 =	simm.s32 $0xAB80;
	s11 =	simm.s32 $0x5;
	s12 =	simm.s32 $0xC400  }
0x4: {  	s13 =	simm.s32 $0xDC80;
	s14 =	simm.s32 $0xF500;
	s15 =	simm.s32 $0x188  }
0x5: {  	s16 =	simm.s32 $0x620;
	s17 =	simm.s32 $0x55C0;
	s18 =	simm.s32 $0x2AE0  }
0x6: {  	s19 =	simm.s32 $0x80A0;
	s20 =	simm.s32 $0x1;
	s21 =	simm.s32 $0x3  }
0x7: {  	s22 =	simm.s32 $0x2;
	s23 =	simm.s32 $0x4;
	s25 =	simm.s32 $0x0  }
0x8: {  	[smem:$0x7FF] =	sst s1;
	s2 =	sand.u32 $0x1, s2;
	s6 =	sshll.u32 s31, $0x1  }
0x9: {  	v0 =	vlaneseq.u32;
	vm0 =	vmmov $0xfff;
	vm1 =	vmmov $0x3ff;
	s3 =	sadd.s32 $0x25400, s0;
	s4 =	sadd.s32 $0x3A9A00, s0;
	s7 =	sor.u32 s2, s6  }
0xa: {  	s5 =	sadd.s32 $0x800, s0;
	v1 =	vor.u32 $0x10, v0;
	v2 =	vor.u32 $0x20, v0;
	v3 =	vor.u32 $0x30, v0;
	s2 =	ssub.s32 $0x2, s2;
	s8 =	sshll.u32 s7, $0x1  }
0xb: {  	v4 =	vor.u32 $0x40, v0;
	v5 =	vor.u32 $0x50, v0;
	v6 =	vor.u32 $0x60, v0;
	s6 =	sadd.s32 $0x12E00, s0;
	s9 =	sshrl.u32 s2, $0x1;
	s0 =	sadd.s32 s8, s0  }
0xc: {  	v7 =	vor.u32 $0x70, v0;
	v8 =	vor.u32 $0x80, v0;
	v9 =	vor.u32 $0x90, v0;
	_ =	strace $0x80000047;
	s2 =	ssub.s32 s2, s9;
	s0 =	sadd.s32 $0x72E000, s0  }
0xd: {  	v10 =	vor.u32 $0xA0, v0;
	v11 =	vor.u32 $0xB0, v0;
	v12 =	vadd.s32 $0xB4, v0;
	s7 =	smul.u32 $0x3, s7;
	s9 =	smax.u32 s2, $0x1;
	[dreg:$0x2] =	wrdreg s0  }
.LBB2_1:
0xe: {  	v13 =	vimm.f32 $0.0e+00;
	s26 =	simm.s32 $0x0  }
.LBB2_2:
0xf: {  	s0 =	sadd.s32 s7, s26  }
0x10: {  	s2 =	sshrl.u32 s0, $0x3;
	s24 =	sshrl.u32 s0, $0x1  }
0x11: {  	s24 =	sand.u32 $0x3, s24;
	s28 =	smul.u32 $0x18800, s2  }
0x12: {  	s29 =	smul.u32 $0x6200, s24;
	_ =	sdelay $0x1  }
0x13: {  	s28 =	sadd.s32 s28, s29  }
0x14: {  	s29 =	sshrl.u32 s28, $0x4  }
0x15: {  	s28 =	simm.s32 $0x0;
	s30 =	sadd.s32 s5, s29  }
0x16: {  	[tilespmem:s10], [sflag:$0x5] =	stream.linear.gather [hbm4b:s30+s28], $0x1880, $0x38;
	[tilespmem:$0x10D90] =	vst v63  }
0x17: {  	_ =	swait.ge [sflag:s11], $0x1880  }
0x18: {  	s30 =	sadd.s32 $0x310, s29;
	[sflag:s11] =	ssyncset.done $0x0  }
0x19: {  	s31 =	sadd.s32 s5, s30;
	[sflag:s11] =	ssyncadd.s32 $0xFFFFE780  }
0x1a: {  	[tilespmem:s12], [sflag:$0x5] =	stream.linear.gather [hbm4b:s31+s28], $0x1880, $0x38;
	[tilespmem:$0x10D90] =	vst v63  }
0x1b: {  	_ =	swait.ge [sflag:s11], $0x1880  }
0x1c: {  	s0 =	sand.u32 $0x1, s0;
	[sflag:s11] =	ssyncset.done $0x0  }
0x1d: {  	p0 =	seq.s32 s0, $0x1;
	s29 =	sadd.s32 s6, s29;
	[sflag:s11] =	ssyncadd.s32 $0xFFFFE780  }
0x1e: {  	[tilespmem:s13], [sflag:$0x5] =	stream.linear.gather [hbm4b:s29+s28], $0x1880, $0x38;
	[tilespmem:$0x10D90] =	vst v63  }
0x1f: {  	s0 =	simm.s32 $0x310;
	s2 =	smul.u32 $0x258400, s2;
	_ =	swait.ge [sflag:s11], $0x1880  }
0x20: {  	s0 =	simm.s32 @!p0 $0x0;
	s24 =	smul.u32 $0x188, s24;
	[sflag:s11] =	ssyncset.done $0x0  }
0x21: {  	s29 =	sadd.s32 s6, s30;
	s30 =	smul.u32 $0x620, s0;
	[sflag:s11] =	ssyncadd.s32 $0xFFFFE780  }
0x22: {  	[tilespmem:s14], [sflag:$0x5] =	stream.linear.gather [hbm4b:s29+s28], $0x1880, $0x38;
	[tilespmem:$0x10D90] =	vst v63  }
0x23: {  	s29 =	sadd.s32 s2, s24  }
0x24: {  	_ =	swait.ge [sflag:s11], $0x1880;
	s2 =	sadd.s32 s30, s29  }
0x25: {  	[sflag:s11] =	ssyncset.done $0x0;
	s2 =	sshrl.u32 s2, $0x3  }
0x26: {  	[sflag:s11] =	ssyncadd.s32 $0xFFFFE780;
	s8 =	sadd.s32 s3, s2  }
0x27: {  	[tilespmem:s28], [sflag:$0x1] =	stream.strided.gather [hbm4b:s8+s15], $0x2AE0, s16, s15, $0x38;
	[tilespmem:$0x10D90] =	vst v63  }
0x28: {  	s31 =	sadd.s32 $0x38, s0;
	s30 =	sadd.s32 $0x1C, s0;
	s2 =	sadd.s32 s4, s2  }
0x29: {  	[tilespmem:s17], [sflag:$0x3] =	stream.strided.gather [hbm4b:s2+s15], $0x2AE0, s16, s15, $0x38;
	[tilespmem:$0x10D90] =	vst v63  }
.LBB2_3:
0x2a: {  	s0 =	smul.u32 $0x38, s28;
	_ =	sdelay $0x1  }
0x2b: {  	s2 =	sadd.s32 s0, s30  }
0x2c: {  	s2 =	smul.u32 $0x620, s2;
	_ =	sdelay $0x1  }
0x2d: {  	s2 =	sadd.s32 s2, s29  }
0x2e: {  	s2 =	sshrl.u32 s2, $0x3  }
0x2f: {  	s24 =	sadd.s32 s3, s2  }
0x30: {  	[tilespmem:s18], [sflag:$0x2] =	stream.strided.gather [hbm4b:s24+s15], $0x2AE0, s16, s15, $0x38;
	[tilespmem:$0x10D90] =	vst v63  }
0x31: {  	s2 =	sadd.s32 s4, s2  }
0x32: {  	[tilespmem:s19], [sflag:$0x4] =	stream.strided.gather [hbm4b:s2+s15], $0x2AE0, s16, s15, $0x38;
	[tilespmem:$0x10D90] =	vst v63  }
0x33: {  	_ =	swait.ge [sflag:s20], $0x2AE0  }
0x34: {  	[sflag:s20] =	ssyncset.done $0x0  }
0x35: {  	[sflag:s20] =	ssyncadd.s32 $0xFFFFD520  }
0x36: {  	_ =	swait.ge [sflag:s21], $0x2AE0  }
0x37: {  	[sflag:s21] =	ssyncset.done $0x0  }
0x38: {  	s2 =	simm.s32 $0x0;
	[sflag:s21] =	ssyncadd.s32 $0xFFFFD520  }
.LBB2_4:
0x39: {  	s24 =	sshra.s32 s2, $0x2  }
0x3a: {  	v14 =	vld [tilespmem:s24+$0x0]  }
0x3b: {  	v15 =	vld [tilespmem:s24+$0x10]  }
0x3c: {  	v16 =	vld [tilespmem:s24+$0x20]  }
0x3d: {  	v17 =	vld [tilespmem:s24+$0x30]  }
0x3e: {  	v18 =	vld [tilespmem:s24+$0x40]  }
0x3f: {  	(xrf1) =	vsort.dscd.msk.f32 $0xffff, v14, v0;
	v14 =	vld [tilespmem:s24+$0x50]  }
0x40: {  	(xrf1) =	vsort.ascd.msk.f32 $0xffff, v15, v1;
	v15 =	vld [tilespmem:s24+$0x60]  }
0x41: {  	v48 =	vld [tilespmem:s24+$0x70];
	(xrf1) =	vsort.ascd.msk.f32 $0xffff, v16, v2  }
0x42: {  	v49 =	vld [tilespmem:s24+$0x80];
	(xrf1) =	vsort.dscd.msk.f32 $0xffff, v17, v3  }
0x43: {  	v50 =	vld [tilespmem:s24+$0x90];
	(xrf1) =	vsort.ascd.msk.f32 $0xffff, v18, v4  }
0x44: {  	(xrf1) =	vsort.dscd.msk.f32 $0xffff, v14, v5;
	v14 =	vld [tilespmem:s24+$0xA0]  }
0x45: {  	(xrf1) =	vsort.dscd.msk.f32 $0xffff, v15, v6;
	v15 =	vld [tilespmem:s24+$0xB0]  }
0x46: {  	v51 =	vld [tilespmem:s24+$0xC4];
	(xrf1) =	vsort.ascd.msk.f32 $0xffff, v48, v7  }
0x47: {  	v52 =	vld [tilespmem:s24+$0xD4];
	(xrf1) =	vsort.ascd.msk.f32 $0xffff, v49, v8  }
0x48: {  	v53 =	vld [tilespmem:s24+$0xE4];
	(xrf1) =	vsort.dscd.msk.f32 $0xffff, v50, v9  }
0x49: {  	(xrf1) =	vsort.dscd.msk.f32 $0xffff, v14, v10;
	v14 =	vld [tilespmem:s24+$0xF4]  }
0x4a: {  	(xrf1) =	vsort.ascd.msk.f32 $0xffff, v15, v11;
	v15 =	vld [tilespmem:s24+$0x104]  }
0x4b: {  	v54 =	vld [tilespmem:s24+$0x114];
	(xrf1) =	vsort.dscd.msk.f32 $0xffff, v51, v0  }
0x4c: {  	v55 =	vld [tilespmem:s24+$0x124];
	(xrf1) =	vsort.ascd.msk.f32 $0xffff, v52, v1  }
0x4d: {  	v56 =	vld [tilespmem:s24+$0x134];
	(xrf1) =	vsort.ascd.msk.f32 $0xffff, v53, v2;
	v19, v20, _ =	vpop (xrf1)  }
0x4e: {  	(xrf1) =	vsort.dscd.msk.f32 $0xffff, v14, v3;
	v14 =	vld [tilespmem:s24+$0x144];
	v21, v22, _ =	vpop (xrf1)  }
0x4f: {  	(xrf1) =	vsort.ascd.msk.f32 $0xffff, v15, v4;
	v15 =	vld [tilespmem:s24+$0x154];
	v23, v24, _ =	vpop (xrf1)  }
0x50: {  	v57 =	vld [tilespmem:s24+$0x164];
	(xrf1) =	vsort.dscd.msk.f32 $0xffff, v54, v5;
	v25, v26, _ =	vpop (xrf1)  }
0x51: {  	v58 =	vld [tilespmem:s24+$0x174];
	(xrf1) =	vsort.dscd.msk.f32 $0xffff, v55, v6;
	v27, v28, _ =	vpop (xrf1)  }
0x52: {  	vm2 =	vge.f32 v19, v21;
	(xrf1) =	vsort.ascd.msk.f32 $0xffff, v56, v7;
	v59, v29, _ =	vpop (xrf1)  }
0x53: {  	v19 =	vsel vm2, v19, v21;
	(xrf1) =	vsort.ascd.msk.f32 $0xffff, v14, v8;
	v14, v30, _ =	vpop (xrf1)  }
0x54: {  	v20 =	vsel vm2, v20, v22;
	vm2 =	vge.f32 v23, v25;
	(xrf1) =	vsort.dscd.msk.f32 $0xffff, v15, v9;
	v15, v31, _ =	vpop (xrf1)  }
0x55: {  	v34 =	vsel vm2, v23, v25;
	(xrf1) =	vsort.dscd.msk.f32 $0xffff, v57, v10;
	v60, v32, _ =	vpop (xrf1)  }
0x56: {  	v35 =	vsel vm2, v24, v26;
	vm2 =	vge.f32 v27, v59;
	(xrf1) =	vsort.ascd.msk.f32 $0xffff, v58, v11;
	v61, v33, _ =	vpop (xrf1)  }
0x57: {  	v18 =	vsel vm2, v27, v59;
	v38 =	vsel vm2, v28, v29;
	vm2 =	vge.f32 v14, v15;
	v62, v63, _ =	vpop (xrf1)  }
0x58: {  	v14 =	vsel vm2, v14, v15;
	v15 =	vsel vm2, v30, v31;
	(xrf1) =	vsort.dscd.msk.f32 $0xffff, v19, v20;
	v36, v37, _ =	vpop (xrf1)  }
0x59: {  	vm2 =	vge.f32 v60, v61;
	(xrf1) =	vsort.ascd.msk.f32 $0xffff, v34, v35;
	v19, v20, _ =	vpop (xrf1)  }
0x5a: {  	v16 =	vsel vm2, v60, v61;
	(xrf1) =	vsort.ascd.msk.f32 $0xffff, v18, v38;
	v39, v40, _ =	vpop (xrf1)  }
0x5b: {  	v41 =	vsel vm2, v32, v33;
	vm2 =	vge.f32 v62, v36;
	(xrf1) =	vsort.dscd.msk.f32 $0xffff, v14, v15;
	v18, v25, _ =	vpop (xrf1)  }
0x5c: {  	v42 =	vsel vm2, v62, v36;
	v43 =	vsel vm2, v63, v37;
	vm2 =	vge.f32 v19, v39;
	v14, v15, _ =	vpop (xrf1)  }
0x5d: {  	v19 =	vsel vm2, v19, v39;
	v20 =	vsel vm2, v20, v40;
	v28, v29, _ =	vpop (xrf1);
	vm2 =	vge.f32 v18, v14  }
0x5e: {  	v44, v45, _ =	vpop (xrf1);
	v15 =	vsel vm2, v25, v15  }
0x5f: {  	(xrf1) =	vsort.ascd.msk.f32 $0xffff, v16, v41;
	v14 =	vsel vm2, v18, v14;
	v16, v17, _ =	vpop (xrf1)  }
0x60: {  	(xrf1) =	vsort.dscd.msk.f32 $0xffff, v42, v43;
	vm2 =	vge.f32 v28, v44;
	v46, v47, _ =	vpop (xrf1)  }
0x61: {  	(xrf1) =	vsort.dscd.msk.f32 $0xffff, v19, v20;
	v50 =	vsel vm2, v28, v44;
	v49, v48, _ =	vpop (xrf1)  }
0x62: {  	v51 =	vsel vm2, v29, v45;
	(xrf1) =	vsort.ascd.msk.f32 $0xffff, v14, v15;
	vm2 =	vge.f32 v16, v46;
	v14, v15, _ =	vpop (xrf1)  }
0x63: {  	v16 =	vsel vm2, v16, v46;
	v17 =	vsel vm2, v17, v47;
	v53, v52, _ =	vpop (xrf1);
	(xrf1) =	vsort.ascd.msk.f32 $0xffff, v50, v51  }
0x64: {  	vm2 =	vge.f32 v49, v14;
	v20, v21, _ =	vpop (xrf1);
	(xrf1) =	vsort.dscd.msk.f32 $0xffff, v16, v17  }
0x65: {  	v14 =	vsel vm2, v49, v14;
	v15 =	vsel vm2, v48, v15;
	vm2 =	vge.f32 v53, v20  }
0x66: {  	(xrf1) =	vsort.ascd.msk.f32 $0xffff, v14, v15;
	v14 =	vsel vm2, v53, v20;
	v15 =	vsel vm2, v52, v21  }
0x67: {  	(xrf1) =	vsort.dscd.msk.f32 $0xffff, v14, v15;
	_ =	sdelay $0x2  }
0x68: {  	v14, v15, _ =	vpop (xrf1)  }
0x69: {  	v16, v17, _ =	vpop (xrf1)  }
0x6a: {  	v54, v55, _ =	vpop (xrf1);
	vm2 =	vge.f32 v14, v16  }
0x6b: {  	v56, v57, _ =	vpop (xrf1);
	v15 =	vsel vm2, v15, v17  }
0x6c: {  	v60 =	vld [tilespmem:s24+$0xB4];
	v14 =	vsel vm2, v14, v16;
	v59, v58, _ =	vpop (xrf1)  }
0x6d: {  	v62, v61, _ =	vpop (xrf1)  }
0x6e: {  	(xrf1) =	vsort.dscd.msk.f32 $0xffff, v14, v15;
	vm2 =	vge.f32 v54, v56;
	v63, v28, _ =	vpop (xrf1)  }
0x6f: {  	v18 =	vsel vm2, v54, v56;
	v19 =	vsel vm2, v55, v57;
	vm2 =	vge.f32 v59, v62;
	v14, v15, _ =	vpop (xrf1)  }
0x70: {  	(xrf1) =	vsort.ascd.msk.f32 $0xffff, v18, v19;
	v31 =	vsel vm2, v59, v62;
	v32 =	vsel vm2, v58, v61;
	v29, v30, _ =	vpop (xrf1)  }
0x71: {  	v36 =	vld [tilespmem:s24+$0x178];
	v35 =	vsel vm0, $0xFF7FC99E, v60;
	(xrf1) =	vsort.ascd.msk.f32 $0xffff, v31, v32;
	vm2 =	vge.f32 v63, v14;
	v33, v34, _ =	vpop (xrf1)  }
0x72: {  	(xrf1) =	vsort.dscd.msk.f32 $0xffff, v35, v12;
	v14 =	vsel vm2, v63, v14;
	v15 =	vsel vm2, v28, v15;
	v38, v37, _ =	vpop (xrf1)  }
0x73: {  	(xrf1) =	vsort.dscd.msk.f32 $0xffff, v14, v15;
	vm2 =	vge.f32 v29, v33;
	v14 =	vld [tilespmem:s24+$0x55C0];
	v39, v40, _ =	vpop (xrf1)  }
0x74: {  	v42 =	vld [tilespmem:s24+$0x55D0];
	v15 =	vsel vm2, v29, v33;
	v41 =	vsel vm2, v30, v34;
	vm2 =	vge.f32 v38, v39  }
0x75: {  	v44 =	vld [tilespmem:s24+$0x55E0];
	(xrf1) =	vsort.ascd.msk.f32 $0xffff, v15, v41;
	v15 =	vsel vm2, v38, v39;
	v43 =	vsel vm2, v37, v40  }
0x76: {  	v45 =	vld [tilespmem:s24+$0x55F0];
	(xrf1) =	vsort.ascd.msk.f32 $0xffff, v15, v43;
	v15 =	vsel vm0, $0xFF7FC99E, v36  }
0x77: {  	(xrf1) =	vsort.dscd.msk.f32 $0xffff, v15, v12;
	v15 =	vld [tilespmem:s24+$0x5600]  }
0x78: {  	(xrf1) =	vsort.dscd.msk.f32 $0xffff, v14, v0;
	v14 =	vld [tilespmem:s24+$0x5610]  }
0x79: {  	v46 =	vld [tilespmem:s24+$0x5620];
	(xrf1) =	vsort.ascd.msk.f32 $0xffff, v42, v1  }
0x7a: {  	v47 =	vld [tilespmem:s24+$0x5630];
	(xrf1) =	vsort.ascd.msk.f32 $0xffff, v44, v2  }
0x7b: {  	v48 =	vld [tilespmem:s24+$0x5640];
	(xrf1) =	vsort.dscd.msk.f32 $0xffff, v45, v3  }
0x7c: {  	(xrf1) =	vsort.ascd.msk.f32 $0xffff, v15, v4;
	v15 =	vld [tilespmem:s24+$0x5650]  }
0x7d: {  	(xrf1) =	vsort.dscd.msk.f32 $0xffff, v14, v5;
	v14 =	vld [tilespmem:s24+$0x5660]  }
0x7e: {  	v49 =	vld [tilespmem:s24+$0x5670];
	(xrf1) =	vsort.dscd.msk.f32 $0xffff, v46, v6  }
0x7f: {  	v50 =	vld [tilespmem:s24+$0x5684];
	v19, v20, _ =	vpop (xrf1);
	(xrf1) =	vsort.ascd.msk.f32 $0xffff, v47, v7  }
0x80: {  	v52 =	vld [tilespmem:s24+$0x5694];
	v51, v22, _ =	vpop (xrf1);
	(xrf1) =	vsort.ascd.msk.f32 $0xffff, v48, v8  }
0x81: {  	v53, v24, _ =	vpop (xrf1);
	(xrf1) =	vsort.dscd.msk.f32 $0xffff, v15, v9;
	v15 =	vld [tilespmem:s24+$0x56A4]  }
0x82: {  	v54, v26, _ =	vpop (xrf1);
	(xrf1) =	vsort.dscd.msk.f32 $0xffff, v14, v10;
	v14 =	vld [tilespmem:s24+$0x56B4]  }
0x83: {  	v55 =	vld [tilespmem:s24+$0x56C4];
	v27, v28, _ =	vpop (xrf1);
	(xrf1) =	vsort.ascd.msk.f32 $0xffff, v49, v11  }
0x84: {  	v58 =	vld [tilespmem:s24+$0x56D4];
	v57, v56, _ =	vpop (xrf1);
	(xrf1) =	vsort.dscd.msk.f32 $0xffff, v50, v0  }
0x85: {  	v59 =	vld [tilespmem:s24+$0x56E4];
	v31, v32, _ =	vpop (xrf1);
	(xrf1) =	vsort.ascd.msk.f32 $0xffff, v52, v1  }
0x86: {  	v60, v34, _ =	vpop (xrf1);
	(xrf1) =	vsort.ascd.msk.f32 $0xffff, v15, v2;
	v15 =	vld [tilespmem:s24+$0x56F4]  }
0x87: {  	vm2 =	vge.f32 v19, v51;
	v35, v36, _ =	vpop (xrf1);
	(xrf1) =	vsort.dscd.msk.f32 $0xffff, v14, v3;
	v14 =	vld [tilespmem:s24+$0x5704]  }
0x88: {  	v61 =	vld [tilespmem:s24+$0x5714];
	v19 =	vsel vm2, v19, v51;
	v37, v38, _ =	vpop (xrf1);
	(xrf1) =	vsort.ascd.msk.f32 $0xffff, v55, v4  }
0x89: {  	v62 =	vld [tilespmem:s24+$0x5724];
	v20 =	vsel vm2, v20, v22;
	vm2 =	vge.f32 v53, v54;
	v39, v40, _ =	vpop (xrf1);
	(xrf1) =	vsort.dscd.msk.f32 $0xffff, v58, v5  }
0x8a: {  	v63 =	vld [tilespmem:s24+$0x5734];
	v53 =	vsel vm2, v53, v54;
	v41, v42, _ =	vpop (xrf1);
	(xrf1) =	vsort.dscd.msk.f32 $0xffff, v59, v6  }
0x8b: {  	v54 =	vsel vm2, v24, v26;
	vm2 =	vge.f32 v27, v57;
	v43, v44, _ =	vpop (xrf1);
	(xrf1) =	vsort.ascd.msk.f32 $0xffff, v15, v7  }
0x8c: {  	v56 =	vsel vm2, v28, v56;
	v15, v45, _ =	vpop (xrf1);
	(xrf1) =	vsort.ascd.msk.f32 $0xffff, v14, v8  }
0x8d: {  	v55 =	vsel vm2, v27, v57;
	vm2 =	vge.f32 v31, v60;
	v14, v46, _ =	vpop (xrf1);
	(xrf1) =	vsort.dscd.msk.f32 $0xffff, v61, v9  }
0x8e: {  	v59 =	vsel vm2, v31, v60;
	v48, v47, _ =	vpop (xrf1);
	(xrf1) =	vsort.dscd.msk.f32 $0xffff, v62, v10  }
0x8f: {  	v60 =	vsel vm2, v32, v34;
	vm2 =	vge.f32 v35, v37;
	(xrf1) =	vsort.ascd.msk.f32 $0xffff, v63, v11  }
0x90: {  	v61 =	vsel vm2, v35, v37;
	v50, v49, _ =	vpop (xrf1);
	(xrf1) =	vsort.dscd.msk.f32 $0xffff, v19, v20  }
0x91: {  	v62 =	vsel vm2, v36, v38;
	vm2 =	vge.f32 v39, v41;
	v51, v52, _ =	vpop (xrf1);
	(xrf1) =	vsort.ascd.msk.f32 $0xffff, v53, v54  }
0x92: {  	v37 =	vsel vm2, v39, v41;
	v19, v20, _ =	vpop (xrf1);
	(xrf1) =	vsort.dscd.msk.f32 $0xffff, v55, v56  }
0x93: {  	v38 =	vsel vm2, v40, v42;
	vm2 =	vge.f32 v43, v15;
	v57, v58, _ =	vpop (xrf1);
	(xrf1) =	vsort.ascd.msk.f32 $0xffff, v59, v60  }
0x94: {  	v15 =	vsel vm2, v43, v15;
	v23, v24, _ =	vpop (xrf1);
	(xrf1) =	vsort.dscd.msk.f32 $0xffff, v61, v62  }
0x95: {  	v39 =	vsel vm2, v44, v45;
	vm2 =	vge.f32 v14, v48;
	v63, v36, _ =	vpop (xrf1);
	(xrf1) =	vsort.ascd.msk.f32 $0xffff, v37, v38  }
0x96: {  	v27, v28, _ =	vpop (xrf1);
	(xrf1) =	vsort.ascd.msk.f32 $0xffff, v15, v39;
	v15 =	vsel vm2, v46, v47  }
0x97: {  	v14 =	vsel vm2, v14, v48  }
0x98: {  	vm2 =	vge.f32 v50, v51  }
0x99: {  	v41, v40, _ =	vpop (xrf1);
	v17 =	vsel vm2, v49, v52  }
0x9a: {  	(xrf1) =	vsort.dscd.msk.f32 $0xffff, v14, v15;
	v16 =	vsel vm2, v50, v51;
	vm2 =	vge.f32 v19, v57;
	v14, v15, _ =	vpop (xrf1)  }
0x9b: {  	v44 =	vsel vm2, v19, v57;
	v45 =	vsel vm2, v20, v58;
	vm2 =	vge.f32 v23, v63;
	v42, v43, _ =	vpop (xrf1)  }
0x9c: {  	v48 =	vsel vm2, v23, v63;
	(xrf1) =	vsort.ascd.msk.f32 $0xffff, v16, v17;
	v46, v47, _ =	vpop (xrf1)  }
0x9d: {  	v49 =	vsel vm2, v24, v36;
	vm2 =	vge.f32 v27, v41;
	(xrf1) =	vsort.dscd.msk.f32 $0xffff, v44, v45;
	v16, v17, _ =	vpop (xrf1)  }
0x9e: {  	v52 =	vsel vm2, v27, v41;
	v53 =	vsel vm2, v28, v40;
	(xrf1) =	vsort.dscd.msk.f32 $0xffff, v48, v49;
	v51, v50, _ =	vpop (xrf1)  }
0x9f: {  	vm2 =	vge.f32 v14, v42;
	(xrf1) =	vsort.ascd.msk.f32 $0xffff, v52, v53;
	v54, v55, _ =	vpop (xrf1)  }
0xa0: {  	v14 =	vsel vm2, v14, v42;
	v15 =	vsel vm2, v15, v43;
	vm2 =	vge.f32 v46, v16;
	v22, v23, _ =	vpop (xrf1)  }
0xa1: {  	v56, v57, _ =	vpop (xrf1);
	(xrf1) =	vsort.ascd.msk.f32 $0xffff, v14, v15;
	v15 =	vsel vm2, v47, v17  }
0xa2: {  	v14 =	vsel vm2, v46, v16  }
0xa3: {  	vm2 =	vge.f32 v51, v54  }
0xa4: {  	v58, v59, _ =	vpop (xrf1);
	v60 =	vsel vm2, v51, v54;
	v61 =	vsel vm2, v50, v55;
	vm2 =	vge.f32 v22, v56  }
0xa5: {  	(xrf1) =	vsort.dscd.msk.f32 $0xffff, v14, v15;
	v18 =	vsel vm2, v22, v56;
	v14, v15, _ =	vpop (xrf1)  }
0xa6: {  	v26 =	vsel vm2, v23, v57;
	v62, v63, _ =	vpop (xrf1);
	vm2 =	vge.f32 v58, v14  }
0xa7: {  	(xrf1) =	vsort.ascd.msk.f32 $0xffff, v60, v61;
	v27, v28, _ =	vpop (xrf1);
	v15 =	vsel vm2, v59, v15  }
0xa8: {  	(xrf1) =	vsort.dscd.msk.f32 $0xffff, v18, v26;
	v14 =	vsel vm2, v58, v14;
	v18, v19, _ =	vpop (xrf1);
	vm2 =	vge.f32 v62, v27  }
0xa9: {  	v29, v30, _ =	vpop (xrf1);
	v21 =	vsel vm2, v63, v28  }
0xaa: {  	v20 =	vsel vm2, v62, v27;
	v31, v32, _ =	vpop (xrf1)  }
0xab: {  	v33 =	vld [tilespmem:s24+$0x5674];
	(xrf1) =	vsort.dscd.msk.f32 $0xffff, v14, v15;
	vm2 =	vge.f32 v18, v29;
	v14, v15, _ =	vpop (xrf1)  }
0xac: {  	(xrf1) =	vsort.dscd.msk.f32 $0xffff, v20, v21;
	v18 =	vsel vm2, v18, v29;
	v19 =	vsel vm2, v19, v30;
	v35, v34, _ =	vpop (xrf1)  }
0xad: {  	(xrf1) =	vsort.dscd.msk.f32 $0xffff, v18, v19;
	vm2 =	vge.f32 v31, v14;
	v20, v21, _ =	vpop (xrf1)  }
0xae: {  	v14 =	vsel vm2, v31, v14;
	v15 =	vsel vm2, v32, v15;
	vm2 =	vge.f32 v35, v20  }
0xaf: {  	(xrf1) =	vsort.ascd.msk.f32 $0xffff, v14, v15;
	v14 =	vsel vm2, v35, v20;
	v15 =	vsel vm2, v34, v21  }
0xb0: {  	(xrf1) =	vsort.ascd.msk.f32 $0xffff, v14, v15;
	v14 =	vsel vm0, $0xFF7FC99E, v33  }
0xb1: {  	v36, v37, _ =	vpop (xrf1)  }
0xb2: {  	v15, v38, _ =	vpop (xrf1)  }
0xb3: {  	(xrf1) =	vsort.dscd.msk.f32 $0xffff, v14, v12;
	v14, v39, _ =	vpop (xrf1)  }
0xb4: {  	v42 =	vld [tilespmem:s24+$0x5738];
	vm2 =	vge.f32 v36, v15;
	v40, v41, _ =	vpop (xrf1)  }
0xb5: {  	v15 =	vsel vm2, v36, v15;
	v45 =	vsel vm2, v37, v38;
	v43, v44, _ =	vpop (xrf1)  }
0xb6: {  	(xrf1) =	vsort.dscd.msk.f32 $0xffff, v15, v45;
	vm2 =	vge.f32 v14, v40;
	v17, v18, _ =	vpop (xrf1)  }
0xb7: {  	v14 =	vsel vm2, v14, v40;
	v15 =	vsel vm2, v39, v41;
	vm2 =	vge.f32 v43, v17  }
0xb8: {  	(xrf1) =	vsort.ascd.msk.f32 $0xffff, v14, v15;
	v14 =	vsel vm2, v43, v17;
	v15 =	vsel vm2, v44, v18  }
0xb9: {  	(xrf1) =	vsort.ascd.msk.f32 $0xffff, v14, v15;
	v14 =	vsel vm0, $0xFF7FC99E, v42;
	_ =	sdelay $0x2  }
0xba: {  	(xrf1) =	vsort.dscd.msk.f32 $0xffff, v14, v12;
	v14, v15, _ =	vpop (xrf1)  }
0xbb: {  	v46, v47, _ =	vpop (xrf1)  }
0xbc: {  	v49, v48, _ =	vpop (xrf1)  }
0xbd: {  	v50, v51, _ =	vpop (xrf1)  }
0xbe: {  	v53, v52, _ =	vpop (xrf1)  }
0xbf: {  	vm2 =	vge.f32 v49, v50;
	v55, v54, _ =	vpop (xrf1)  }
0xc0: {  	v18 =	vsel vm2, v49, v50;
	v19 =	vsel vm2, v48, v51;
	vm2 =	vge.f32 v53, v55  }
0xc1: {  	(xrf1) =	vsort.dscd.msk.f32 $0xffff, v18, v19;
	v56 =	vsel vm2, v53, v55;
	v57 =	vsel vm2, v52, v54  }
0xc2: {  	(xrf1) =	vsort.ascd.msk.f32 $0xffff, v56, v57;
	_ =	sdelay $0x2  }
0xc3: {  	v18, v19, _ =	vpop (xrf1)  }
0xc4: {  	v58, v59, _ =	vpop (xrf1)  }
0xc5: {  	v60, v61, _ =	vpop (xrf1)  }
0xc6: {  	vm2 =	vge.f32 v18, v58;
	v62, v63, _ =	vpop (xrf1)  }
0xc7: {  	v18 =	vsel vm2, v18, v58;
	v19 =	vsel vm2, v19, v59;
	vm2 =	vge.f32 v60, v62  }
0xc8: {  	(xrf1) =	vsort.dscd.msk.f32 $0xffff, v18, v19;
	v22 =	vsel vm2, v60, v62;
	v24 =	vsel vm2, v61, v63  }
0xc9: {  	(xrf1) =	vsort.ascd.msk.f32 $0xffff, v22, v24;
	_ =	sdelay $0x3  }
0xca: {  	v18, v19, _ =	vpop (xrf1)  }
0xcb: {  	v25, v26, _ =	vpop (xrf1)  }
0xcc: {  	vm2 =	vge.f32 v18, v25  }
0xcd: {  	v18 =	vsel vm2, v18, v25;
	v19 =	vsel vm2, v19, v26  }
0xce: {  	(xrf1) =	vsort.dscd.msk.f32 $0xffff, v18, v19;
	_ =	sdelay $0x4  }
0xcf: {  	v18, v19, _ =	vpop (xrf1)  }
0xd0: {  	v27, v28, _ =	vpop (xrf1)  }
0xd1: {  	vm2 =	vge.f32 v18, v27  }
0xd2: {  	(xrf0) =	vmax.scan.msk.f32 $0xffff, v14;
	v18 =	vsel vm2, v18, v27;
	v19 =	vsel vm2, v19, v28  }
0xd3: {  	(xrf1) =	vsort.dscd.msk.f32 $0xffff, v18, v19  }
0xd4: {  	v15 =	vshll.u32 v15, $0x7  }
0xd5: {  	v21 =	vshra.s32 v15, $0x2  }
0xd6: {  	(v2sf) =	vpush v21, $0x0;
	_ =	sdelay $0x1  }
0xd7: {  	v15, v29, _ =	vpop (xrf1)  }
0xd8: {  	v30, _, _ =	vpop (xrf0);
	v18 =	vshll.u32 v29, $0x7  }
0xd9: {  	v19 =	vbroadcast v30, $0xF;
	(xrf0) =	vmax.scan.msk.f32 $0xffff, v15;
	v20 =	vshra.s32 v18, $0x2  }
0xda: {  	(v2sf) =	vpush v20, $0x0  }
0xdb: {  	v17 =	vshll.u32 v47, $0x7;
	v14 =	vsub.f32 v14, v19  }
0xdc: {  	v18 =	vshra.s32 v17, $0x2  }
0xdd: {  	v14 =	vmul.f32 $1.442695020e+00, v14;
	(xrf0) =	vmax.scan.msk.f32 $0xffff, v46;
	(v2sf) =	vpush v18, $0x0;
	_ =	sdelay $0x1  }
0xde: {  	(erf) = vpow2.f32 v14;
	v31, _, _ =	vpop (xrf0)  }
0xdf: {  	v32, v33, _ =	vpop (xrf1);
	v14 =	vbroadcast v31, $0xF  }
0xe0: {  	(xrf0) =	vmax.scan.msk.f32 $0xffff, v32  }
0xe1: {  	v34 =	vshll.u32 v33, $0x7;
	v14 =	vsub.f32 v15, v14  }
0xe2: {  	v19 =	vshra.s32 v34, $0x2;
	v15, _, _ =	vpop (xrf0)  }
0xe3: {  	s8 =	spop (v2sf);
	(v2sf) =	vpush v19, $0x0;
	v15 =	vbroadcast v15, $0xF;
	v14 =	vmul.f32 $1.442695020e+00, v14  }
0xe4: {  	v38 =	vld [tilespmem:s8+$0xAB90]  }
0xe5: {  	v15 =	vsub.f32 v46, v15;
	(erf) = vpow2.f32 v14  }
0xe6: {  	v14 =	vld [tilespmem:s8+$0xAB80];
	v35, _, _ =	vpop (xrf0)  }
0xe7: {  	v16 =	vpop (erf);
	v36 =	vbroadcast v35, $0xF;
	v15 =	vmul.f32 $1.442695020e+00, v15  }
0xe8: {  	v37 =	vbroadcast v16, $0x0;
	s1 =	spop (v2sf);
	(v2sf) =	vpush v21, $0x1  }
0xe9: {  	v23 =	vunpack.i.u.bf16.f32 v38;
	v17 =	vsub.f32 v32, v36;
	(erf) = vpow2.f32 v15  }
0xea: {  	v41 =	vunpack.i.l.bf16.f32 v38;
	v22 =	vmul.f32 v23, v37;
	v39 =	vld [tilespmem:s1+$0xDC80]  }
0xeb: {  	v15 =	vunpack.i.l.bf16.f32 v14;
	v17 =	vmul.f32 $1.442695020e+00, v17;
	(v2sf) =	vpush v20, $0x1;
	v43 =	vld [tilespmem:s1+$0xDC90];
	s8 =	spop (v2sf)  }
0xec: {  	v61 =	vbroadcast v16, $0x1;
	v22 =	vadd.f32 $0.0e+00, v22;
	v15 =	vmul.f32 v15, v37;
	v45 =	vld [tilespmem:s8+$0xC400]  }
0xed: {  	v40 =	vunpack.i.u.bf16.f32 v14;
	v46 =	vld [tilespmem:s8+$0xC410];
	(erf) = vpow2.f32 v17;
	v17 =	vmul.f32 v41, v37  }
0xee: {  	(v2sf) =	vpush v18, $0x1;
	v25 =	vadd.f32 $0.0e+00, v15;
	v15 =	vmul.f32 v40, v37;
	v14 =	vpop (erf)  }
0xef: {  	v30 =	vadd.f32 $0.0e+00, v17;
	v42 =	vbroadcast v14, $0x0;
	v44 =	vunpack.i.u.bf16.f32 v39  }
0xf0: {  	v24 =	vunpack.i.l.bf16.f32 v39;
	v29 =	vadd.f32 $0.0e+00, v15;
	v47 =	vunpack.i.l.bf16.f32 v43  }
0xf1: {  	v27 =	vunpack.i.u.bf16.f32 v43;
	v49 =	vunpack.i.l.bf16.f32 v45;
	v50 =	vunpack.i.u.bf16.f32 v45  }
0xf2: {  	s1 =	spop (v2sf);
	v53 =	vunpack.i.l.bf16.f32 v46;
	v24 =	vmul.f32 v42, v24;
	v23 =	vmul.f32 v42, v44;
	v15 =	vpop (erf)  }
0xf3: {  	(v2sf) =	vpush v19, $0x1;
	v17 =	vmul.f32 v42, v47;
	v52 =	vld [tilespmem:s1+$0xF500];
	v48 =	vbroadcast v15, $0x0  }
0xf4: {  	v31 =	vunpack.i.u.bf16.f32 v46;
	v26 =	vmul.f32 v42, v27;
	v54 =	vld [tilespmem:s1+$0xF510];
	v24 =	vadd.f32 $0.0e+00, v24  }
0xf5: {  	v23 =	vadd.f32 $0.0e+00, v23;
	v36 =	vadd.f32 $0.0e+00, v17;
	v51 =	vmul.f32 v49, v48  }
0xf6: {  	v26 =	vadd.f32 $0.0e+00, v26;
	v27 =	vmul.f32 v50, v48;
	v34 =	vmul.f32 v53, v48  }
0xf7: {  	v31 =	vmul.f32 v31, v48;
	v49 =	vbroadcast v14, $0x1;
	v17 =	vpop (erf);
	v28 =	vadd.f32 $0.0e+00, v51;
	s8 =	spop (v2sf)  }
0xf8: {  	v27 =	vadd.f32 $0.0e+00, v27;
	v34 =	vadd.f32 $0.0e+00, v34;
	v55 =	vbroadcast v17, $0x0;
	v57 =	vld [tilespmem:s8+$0xAB80]  }
0xf9: {  	v56 =	vunpack.i.u.bf16.f32 v52;
	v33 =	vunpack.i.l.bf16.f32 v52;
	v58 =	vunpack.i.l.bf16.f32 v54;
	v59 =	vld [tilespmem:s8+$0xAB90]  }
0xfa: {  	v35 =	vunpack.i.u.bf16.f32 v54;
	v33 =	vmul.f32 v55, v33;
	(v2sf) =	vpush v21, $0x2;
	s1 =	spop (v2sf)  }
0xfb: {  	v31 =	vadd.f32 $0.0e+00, v31;
	v32 =	vmul.f32 v55, v56;
	v39 =	vmul.f32 v58, v55;
	v60 =	vld [tilespmem:s1+$0xDC80]  }
0xfc: {  	v35 =	vmul.f32 v35, v55;
	(v2sf) =	vpush v20, $0x2;
	v33 =	vadd.f32 $0.0e+00, v33;
	v63 =	vld [tilespmem:s1+$0xDC90]  }
0xfd: {  	v58 =	vbroadcast v15, $0x1;
	v32 =	vadd.f32 $0.0e+00, v32;
	v39 =	vadd.f32 $0.0e+00, v39  }
0xfe: {  	s8 =	spop (v2sf);
	v62 =	vunpack.i.u.bf16.f32 v57;
	v38 =	vunpack.i.l.bf16.f32 v57;
	v48 =	vunpack.i.u.bf16.f32 v59  }
0xff: {  	v52 =	vld [tilespmem:s8+$0xC400];
	v40 =	vunpack.i.l.bf16.f32 v59;
	v38 =	vmul.f32 v38, v61;
	v42 =	vmul.f32 v62, v61  }
0x100: {  	v35 =	vadd.f32 $0.0e+00, v35;
	v54 =	vld [tilespmem:s8+$0xC410];
	v40 =	vmul.f32 v40, v61;
	v41 =	vmul.f32 v48, v61  }
0x101: {  	v50 =	vunpack.i.l.bf16.f32 v60;
	v37 =	vunpack.i.u.bf16.f32 v60;
	v53 =	vunpack.i.l.bf16.f32 v63  }
0x102: {  	v55 =	vunpack.i.u.bf16.f32 v63;
	v62 =	vbroadcast v17, $0x1;
	v51 =	vmul.f32 v50, v49  }
0x103: {  	s1 =	spop (v2sf);
	(v2sf) =	vpush v18, $0x2;
	v37 =	vmul.f32 v37, v49;
	v57 =	vmul.f32 v55, v49  }
0x104: {  	v59 =	vunpack.i.u.bf16.f32 v52;
	v25 =	vadd.f32 v38, v25;
	v29 =	vadd.f32 v42, v29  }
0x105: {  	v61 =	vunpack.i.u.bf16.f32 v54;
	v30 =	vadd.f32 v40, v30;
	v22 =	vadd.f32 v41, v22  }
0x106: {  	v56 =	vld [tilespmem:s1+$0xF500];
	v38 =	vmul.f32 v53, v49;
	v42 =	vunpack.i.l.bf16.f32 v52;
	v40 =	vunpack.i.l.bf16.f32 v54  }
0x107: {  	v63 =	vld [tilespmem:s1+$0xF510];
	v50 =	vmul.f32 v61, v58;
	v54 =	vbroadcast v16, $0x2;
	v24 =	vadd.f32 v51, v24  }
0x108: {  	v61 =	vbroadcast v14, $0x2;
	v23 =	vadd.f32 v37, v23;
	v26 =	vadd.f32 v57, v26  }
0x109: {  	v60 =	vmul.f32 v42, v58;
	v40 =	vmul.f32 v40, v58;
	s8 =	spop (v2sf);
	(v2sf) =	vpush v19, $0x2  }
0x10a: {  	v36 =	vadd.f32 v38, v36;
	v38 =	vmul.f32 v59, v58;
	v31 =	vadd.f32 v50, v31  }
0x10b: {  	v28 =	vadd.f32 v60, v28;
	v34 =	vadd.f32 v40, v34;
	v48 =	vunpack.i.l.bf16.f32 v56;
	v49 =	vld [tilespmem:s8+$0xAB80]  }
0x10c: {  	v52 =	vunpack.i.u.bf16.f32 v56;
	v53 =	vunpack.i.l.bf16.f32 v63;
	v55 =	vld [tilespmem:s8+$0xAB90];
	(v2sf) =	vpush v21, $0x3  }
0x10d: {  	v56 =	vunpack.i.u.bf16.f32 v63;
	v51 =	vmul.f32 v48, v62;
	v37 =	vmul.f32 v52, v62;
	s1 =	spop (v2sf)  }
0x10e: {  	v27 =	vadd.f32 v38, v27;
	v38 =	vmul.f32 v53, v62;
	v42 =	vmul.f32 v56, v62;
	v58 =	vld [tilespmem:s1+$0xDC80]  }
0x10f: {  	v53 =	vbroadcast v15, $0x2;
	v33 =	vadd.f32 v51, v33;
	v32 =	vadd.f32 v37, v32;
	v62 =	vld [tilespmem:s1+$0xDC90]  }
0x110: {  	v37 =	vadd.f32 v38, v39;
	v35 =	vadd.f32 v42, v35;
	v57 =	vunpack.i.l.bf16.f32 v49  }
0x111: {  	v59 =	vunpack.i.u.bf16.f32 v49;
	v60 =	vunpack.i.l.bf16.f32 v55;
	v41 =	vunpack.i.u.bf16.f32 v55  }
0x112: {  	v43 =	vmul.f32 v57, v54;
	v38 =	vmul.f32 v59, v54;
	s8 =	spop (v2sf);
	(v2sf) =	vpush v20, $0x3  }
0x113: {  	v39 =	vmul.f32 v60, v54;
	v63 =	vunpack.i.l.bf16.f32 v58;
	v40 =	vmul.f32 v41, v54  }
0x114: {  	v50 =	vunpack.i.u.bf16.f32 v58;
	v51 =	vunpack.i.l.bf16.f32 v62;
	v49 =	vld [tilespmem:s8+$0xC400];
	(v2sf) =	vpush v18, $0x3  }
0x115: {  	v52 =	vunpack.i.u.bf16.f32 v62;
	v48 =	vmul.f32 v63, v61;
	v54 =	vld [tilespmem:s8+$0xC410];
	v25 =	vadd.f32 v43, v25  }
0x116: {  	v29 =	vadd.f32 v38, v29;
	v30 =	vadd.f32 v39, v30;
	v38 =	vmul.f32 v50, v61  }
0x117: {  	v22 =	vadd.f32 v40, v22;
	v39 =	vmul.f32 v51, v61;
	v40 =	vmul.f32 v52, v61  }
0x118: {  	v60 =	vbroadcast v17, $0x2;
	v24 =	vadd.f32 v48, v24;
	v23 =	vadd.f32 v38, v23;
	s1 =	spop (v2sf)  }
0x119: {  	v36 =	vadd.f32 v39, v36;
	v26 =	vadd.f32 v40, v26;
	v44 =	vunpack.i.l.bf16.f32 v49;
	v56 =	vld [tilespmem:s1+$0xF500]  }
0x11a: {  	v55 =	vunpack.i.u.bf16.f32 v49;
	v59 =	vunpack.i.l.bf16.f32 v54;
	v57 =	vmul.f32 v44, v53;
	v58 =	vld [tilespmem:s1+$0xF510]  }
0x11b: {  	v61 =	vunpack.i.u.bf16.f32 v54;
	v42 =	vmul.f32 v55, v53;
	v38 =	vmul.f32 v59, v53;
	s8 =	spop (v2sf)  }
0x11c: {  	v41 =	vmul.f32 v61, v53;
	(v2sf) =	vpush v19, $0x3;
	v28 =	vadd.f32 v57, v28;
	v48 =	vld [tilespmem:s8+$0xAB80]  }
0x11d: {  	v52 =	vbroadcast v16, $0x3;
	v27 =	vadd.f32 v42, v27;
	(v2sf) =	vpush v21, $0x4;
	v50 =	vld [tilespmem:s8+$0xAB90]  }
0x11e: {  	v34 =	vadd.f32 v38, v34;
	v31 =	vadd.f32 v41, v31;
	v62 =	vunpack.i.l.bf16.f32 v56  }
0x11f: {  	v63 =	vunpack.i.u.bf16.f32 v56;
	v49 =	vunpack.i.l.bf16.f32 v58;
	v43 =	vmul.f32 v62, v60  }
0x120: {  	v39 =	vunpack.i.u.bf16.f32 v58;
	v42 =	vmul.f32 v63, v60;
	v51 =	vmul.f32 v49, v60  }
0x121: {  	s1 =	spop (v2sf);
	v39 =	vmul.f32 v39, v60;
	v53 =	vunpack.i.u.bf16.f32 v48;
	v54 =	vunpack.i.l.bf16.f32 v48  }
0x122: {  	v56 =	vunpack.i.l.bf16.f32 v50;
	(v2sf) =	vpush v20, $0x4;
	v57 =	vunpack.i.u.bf16.f32 v50;
	v55 =	vld [tilespmem:s1+$0xDC80]  }
0x123: {  	v41 =	vmul.f32 v54, v52;
	v40 =	vmul.f32 v53, v52;
	v58 =	vld [tilespmem:s1+$0xDC90];
	s8 =	spop (v2sf);
	(v2sf) =	vpush v18, $0x4  }
0x124: {  	v38 =	vmul.f32 v57, v52;
	v33 =	vadd.f32 v43, v33;
	v32 =	vadd.f32 v42, v32  }
0x125: {  	v37 =	vadd.f32 v51, v37;
	v43 =	vmul.f32 v56, v52;
	v35 =	vadd.f32 v39, v35;
	v59 =	vld [tilespmem:s8+$0xC400]  }
0x126: {  	v60 =	vbroadcast v14, $0x3;
	v63 =	vld [tilespmem:s8+$0xC410];
	v25 =	vadd.f32 v41, v25;
	v29 =	vadd.f32 v40, v29  }
0x127: {  	v50 =	vbroadcast v15, $0x3;
	v22 =	vadd.f32 v38, v22;
	v30 =	vadd.f32 v43, v30  }
0x128: {  	v61 =	vunpack.i.u.bf16.f32 v55;
	v62 =	vunpack.i.l.bf16.f32 v55;
	v48 =	vunpack.i.u.bf16.f32 v58  }
0x129: {  	v49 =	vunpack.i.l.bf16.f32 v58;
	v41 =	vmul.f32 v62, v60;
	v38 =	vmul.f32 v61, v60  }
0x12a: {  	v44 =	vmul.f32 v49, v60;
	v40 =	vmul.f32 v48, v60;
	v51 =	vunpack.i.l.bf16.f32 v59  }
0x12b: {  	v39 =	vunpack.i.u.bf16.f32 v59;
	v55 =	vunpack.i.l.bf16.f32 v63;
	v59 =	vbroadcast v17, $0x3;
	s1 =	spop (v2sf)  }
0x12c: {  	v42 =	vunpack.i.u.bf16.f32 v63;
	v63 =	vbroadcast v16, $0x4;
	v52 =	vmul.f32 v51, v50;
	v53 =	vld [tilespmem:s1+$0xF500]  }
0x12d: {  	v54 =	vmul.f32 v39, v50;
	(v2sf) =	vpush v19, $0x4;
	v24 =	vadd.f32 v41, v24;
	v56 =	vld [tilespmem:s1+$0xF510]  }
0x12e: {  	v39 =	vmul.f32 v55, v50;
	v23 =	vadd.f32 v38, v23;
	v36 =	vadd.f32 v44, v36;
	s8 =	spop (v2sf)  }
0x12f: {  	v58 =	vmul.f32 v42, v50;
	v26 =	vadd.f32 v40, v26;
	v28 =	vadd.f32 v52, v28;
	v57 =	vld [tilespmem:s8+$0xAB80]  }
0x130: {  	v55 =	vbroadcast v14, $0x4;
	v27 =	vadd.f32 v54, v27;
	v34 =	vadd.f32 v39, v34;
	v48 =	vld [tilespmem:s8+$0xAB90]  }
0x131: {  	v31 =	vadd.f32 v58, v31;
	v60 =	vunpack.i.u.bf16.f32 v53;
	v41 =	vunpack.i.l.bf16.f32 v53  }
0x132: {  	v62 =	vunpack.i.u.bf16.f32 v56;
	v40 =	vunpack.i.l.bf16.f32 v56;
	v61 =	vmul.f32 v41, v59  }
0x133: {  	v39 =	vmul.f32 v60, v59;
	s1 =	spop (v2sf);
	v40 =	vmul.f32 v40, v59;
	(v2sf) =	vpush v21, $0x5  }
0x134: {  	v49 =	vunpack.i.l.bf16.f32 v57;
	v51 =	vmul.f32 v62, v59;
	v53 =	vunpack.i.u.bf16.f32 v57  }
0x135: {  	v54 =	vunpack.i.l.bf16.f32 v48;
	v57 =	vunpack.i.u.bf16.f32 v48;
	v62 =	vbroadcast v15, $0x4;
	v50 =	vld [tilespmem:s1+$0xDC80]  }
0x136: {  	v52 =	vmul.f32 v49, v63;
	v38 =	vmul.f32 v53, v63;
	v56 =	vld [tilespmem:s1+$0xDC90];
	(v2sf) =	vpush v20, $0x5  }
0x137: {  	s8 =	spop (v2sf);
	v42 =	vmul.f32 v57, v63;
	v33 =	vadd.f32 v61, v33;
	v32 =	vadd.f32 v39, v32  }
0x138: {  	v37 =	vadd.f32 v40, v37;
	v35 =	vadd.f32 v51, v35;
	v39 =	vmul.f32 v54, v63;
	v59 =	vld [tilespmem:s8+$0xC400]  }
0x139: {  	v63 =	vld [tilespmem:s8+$0xC410];
	v54 =	vbroadcast v17, $0x4;
	v25 =	vadd.f32 v52, v25;
	v29 =	vadd.f32 v38, v29  }
0x13a: {  	v22 =	vadd.f32 v42, v22;
	v30 =	vadd.f32 v39, v30;
	v58 =	vunpack.i.l.bf16.f32 v50  }
0x13b: {  	v60 =	vunpack.i.u.bf16.f32 v50;
	v61 =	vunpack.i.l.bf16.f32 v56;
	v43 =	vmul.f32 v58, v55  }
0x13c: {  	v41 =	vunpack.i.u.bf16.f32 v56;
	v38 =	vmul.f32 v60, v55;
	v39 =	vmul.f32 v61, v55  }
0x13d: {  	v48 =	vunpack.i.l.bf16.f32 v59;
	v40 =	vmul.f32 v41, v55;
	s1 =	spop (v2sf);
	(v2sf) =	vpush v18, $0x5  }
0x13e: {  	v51 =	vunpack.i.u.bf16.f32 v59;
	v52 =	vunpack.i.l.bf16.f32 v63;
	v53 =	vunpack.i.u.bf16.f32 v63;
	v50 =	vld [tilespmem:s1+$0xF500]  }
0x13f: {  	v49 =	vmul.f32 v48, v62;
	v24 =	vadd.f32 v43, v24;
	v23 =	vadd.f32 v38, v23;
	v55 =	vld [tilespmem:s1+$0xF510]  }
0x140: {  	v36 =	vadd.f32 v39, v36;
	v38 =	vmul.f32 v51, v62;
	(v2sf) =	vpush v19, $0x5  }
0x141: {  	v26 =	vadd.f32 v40, v26;
	v39 =	vmul.f32 v52, v62;
	v40 =	vmul.f32 v53, v62  }
0x142: {  	v60 =	vnsel vm1, $0x0, v16;
	v28 =	vadd.f32 v49, v28;
	v27 =	vadd.f32 v38, v27;
	s8 =	spop (v2sf)  }
0x143: {  	v62 =	vbroadcast v16, $0x5;
	v34 =	vadd.f32 v39, v34;
	v31 =	vadd.f32 v40, v31;
	v57 =	vld [tilespmem:s8+$0xAB80]  }
0x144: {  	v56 =	vunpack.i.u.bf16.f32 v50;
	v44 =	vunpack.i.l.bf16.f32 v50;
	v61 =	vunpack.i.l.bf16.f32 v55;
	v59 =	vld [tilespmem:s8+$0xAB90]  }
0x145: {  	v43 =	vunpack.i.u.bf16.f32 v55;
	v55 =	vbroadcast v14, $0x5;
	v58 =	vmul.f32 v44, v54;
	s1 =	spop (v2sf)  }
0x146: {  	v42 =	vmul.f32 v56, v54;
	(v2sf) =	vpush v21, $0x6;
	v38 =	vmul.f32 v61, v54;
	v49 =	vld [tilespmem:s1+$0xDC80]  }
0x147: {  	v41 =	vmul.f32 v43, v54;
	(v2sf) =	vpush v20, $0x6;
	v33 =	vadd.f32 v58, v33;
	v52 =	vld [tilespmem:s1+$0xDC90]  }
0x148: {  	v43 =	vnsel vm1, $0x0, v14;
	v32 =	vadd.f32 v42, v32;
	v37 =	vadd.f32 v38, v37  }
0x149: {  	v63 =	vunpack.i.l.bf16.f32 v57;
	v48 =	vunpack.i.u.bf16.f32 v57;
	v51 =	vunpack.i.l.bf16.f32 v59  }
0x14a: {  	v54 =	vunpack.i.u.bf16.f32 v59;
	v44 =	vmul.f32 v63, v62;
	v50 =	vmul.f32 v48, v62  }
0x14b: {  	v35 =	vadd.f32 v41, v35;
	v53 =	vmul.f32 v51, v62;
	v38 =	vmul.f32 v54, v62  }
0x14c: {  	v56 =	vunpack.i.u.bf16.f32 v49;
	v57 =	vunpack.i.l.bf16.f32 v49;
	v59 =	vunpack.i.l.bf16.f32 v52;
	s8 =	spop (v2sf)  }
0x14d: {  	(xrf2) =	vadd.scan.msk.f32 $0xffff, v60;
	v46 =	vunpack.i.u.bf16.f32 v52;
	v63 =	vbroadcast v15, $0x5;
	v41 =	vmul.f32 v57, v55;
	v58 =	vld [tilespmem:s8+$0xC400]  }
0x14e: {  	v40 =	vmul.f32 v56, v55;
	(v2sf) =	vpush v18, $0x6;
	v25 =	vadd.f32 v44, v25;
	v60 =	vld [tilespmem:s8+$0xC410]  }
0x14f: {  	v61 =	vmul.f32 v46, v55;
	v29 =	vadd.f32 v50, v29;
	v30 =	vadd.f32 v53, v30;
	s1 =	spop (v2sf)  }
0x150: {  	v44 =	vmul.f32 v59, v55;
	v22 =	vadd.f32 v38, v22;
	(v2sf) =	vpush v19, $0x6;
	v62 =	vld [tilespmem:s1+$0xF500]  }
0x151: {  	v52 =	vbroadcast v17, $0x5;
	v24 =	vadd.f32 v41, v24;
	v23 =	vadd.f32 v40, v23;
	v51 =	vld [tilespmem:s1+$0xF510]  }
0x152: {  	v59 =	vbroadcast v16, $0x6;
	v26 =	vadd.f32 v61, v26;
	v36 =	vadd.f32 v44, v36  }
0x153: {  	v48 =	vunpack.i.u.bf16.f32 v58;
	v49 =	vunpack.i.l.bf16.f32 v58;
	v50 =	vunpack.i.u.bf16.f32 v60  }
0x154: {  	v45 =	vunpack.i.l.bf16.f32 v60;
	v41 =	vmul.f32 v49, v63;
	v38 =	vmul.f32 v48, v63  }
0x155: {  	v45 =	vmul.f32 v45, v63;
	v40 =	vmul.f32 v50, v63;
	v53 =	vunpack.i.l.bf16.f32 v62  }
0x156: {  	s8 =	spop (v2sf);
	v39 =	vunpack.i.u.bf16.f32 v62;
	v57 =	vunpack.i.l.bf16.f32 v51;
	v44 =	vunpack.i.u.bf16.f32 v51  }
0x157: {  	v54, _, _ =	vpop (xrf2);
	(xrf2) =	vadd.scan.msk.f32 $0xffff, v43;
	(v2sf) =	vpush v21, $0x7;
	v55 =	vmul.f32 v53, v52;
	v56 =	vld [tilespmem:s8+$0xAB80];
	v39 =	vmul.f32 v39, v52  }
0x158: {  	v58 =	vld [tilespmem:s8+$0xAB90];
	v44 =	vmul.f32 v44, v52;
	s1 =	spop (v2sf);
	(v2sf) =	vpush v20, $0x7;
	v28 =	vadd.f32 v41, v28  }
0x159: {  	v27 =	vadd.f32 v38, v27;
	v41 =	vbroadcast v54, $0xF;
	v34 =	vadd.f32 v45, v34  }
0x15a: {  	v31 =	vadd.f32 v40, v31;
	v38 =	vmul.f32 v57, v52;
	v61 =	vld [tilespmem:s1+$0xDC80];
	v33 =	vadd.f32 v55, v33  }
0x15b: {  	v50 =	vbroadcast v14, $0x6;
	v62 =	vld [tilespmem:s1+$0xDC90];
	v32 =	vadd.f32 v39, v32;
	v35 =	vadd.f32 v44, v35  }
0x15c: {  	v55 =	vbroadcast v15, $0x6;
	v37 =	vadd.f32 v38, v37;
	(erf) = vrcp.f32 v41  }
0x15d: {  	v60 =	vunpack.i.l.bf16.f32 v56;
	v42 =	vunpack.i.u.bf16.f32 v56;
	v63 =	vunpack.i.u.bf16.f32 v58  }
0x15e: {  	v40 =	vunpack.i.l.bf16.f32 v58;
	v38 =	vmul.f32 v60, v59;
	v42 =	vmul.f32 v42, v59  }
0x15f: {  	v48 =	vmul.f32 v40, v59;
	v49 =	vmul.f32 v63, v59;
	v39 =	vunpack.i.u.bf16.f32 v61  }
0x160: {  	v53 =	vunpack.i.l.bf16.f32 v62;
	v43 =	vunpack.i.u.bf16.f32 v62;
	s8 =	spop (v2sf);
	v39 =	vmul.f32 v39, v50  }
0x161: {  	v52 =	vunpack.i.l.bf16.f32 v61;
	v61, _, _ =	vpop (xrf2);
	v40 =	vmul.f32 v53, v50;
	v54 =	vmul.f32 v43, v50;
	v51 =	vld [tilespmem:s8+$0xC400]  }
0x162: {  	v62 =	vbroadcast v61, $0xF;
	v25 =	vadd.f32 v38, v25;
	v29 =	vadd.f32 v42, v29;
	v56 =	vld [tilespmem:s8+$0xC410]  }
0x163: {  	v53 =	vnsel vm1, $0x0, v15;
	v30 =	vadd.f32 v48, v30;
	v22 =	vadd.f32 v49, v22;
	s1 =	spop (v2sf)  }
0x164: {  	v38 =	vmul.f32 v52, v50;
	(v2sf) =	vpush v18, $0x7;
	v58 =	vld [tilespmem:s1+$0xF500];
	v23 =	vadd.f32 v39, v23  }
0x165: {  	v48 =	vbroadcast v17, $0x6;
	v36 =	vadd.f32 v40, v36;
	v26 =	vadd.f32 v54, v26;
	v49 =	vld [tilespmem:s1+$0xF510]  }
0x166: {  	(xrf2) =	vadd.scan.msk.f32 $0xffff, v53;
	(erf) = vrcp.f32 v62;
	v24 =	vadd.f32 v38, v24;
	v44 =	vunpack.i.l.bf16.f32 v51  }
0x167: {  	v57 =	vunpack.i.u.bf16.f32 v51;
	v47 =	vunpack.i.l.bf16.f32 v56;
	v59 =	vmul.f32 v44, v55  }
0x168: {  	v63 =	vunpack.i.u.bf16.f32 v56;
	v60 =	vmul.f32 v57, v55;
	v40 =	vmul.f32 v47, v55  }
0x169: {  	v50 =	vunpack.i.l.bf16.f32 v58;
	s8 =	spop (v2sf);
	(v2sf) =	vpush v19, $0x7;
	v39 =	vmul.f32 v63, v55  }
0x16a: {  	v51 =	vunpack.i.u.bf16.f32 v58;
	v56 =	vunpack.i.u.bf16.f32 v49;
	v57 =	vunpack.i.l.bf16.f32 v49  }
0x16b: {  	v58 =	vbroadcast v16, $0x7;
	v44 =	vmul.f32 v50, v48;
	v52 =	vld [tilespmem:s8+$0xAB80];
	(v2sf) =	vpush v21, $0x8  }
0x16c: {  	v54 =	vmul.f32 v51, v48;
	v55 =	vld [tilespmem:s8+$0xAB90];
	s1 =	spop (v2sf);
	v28 =	vadd.f32 v59, v28;
	v27 =	vadd.f32 v60, v27  }
0x16d: {  	v38 =	vmul.f32 v56, v48;
	v34 =	vadd.f32 v40, v34;
	v31 =	vadd.f32 v39, v31;
	v61 =	vld [tilespmem:s1+$0xDC80]  }
0x16e: {  	v39 =	vmul.f32 v57, v48;
	v63 =	vld [tilespmem:s1+$0xDC90];
	(v2sf) =	vpush v20, $0x8;
	v33 =	vadd.f32 v44, v33  }
0x16f: {  	v48 =	vbroadcast v14, $0x7;
	v32 =	vadd.f32 v54, v32;
	v35 =	vadd.f32 v38, v35  }
0x170: {  	v37 =	vadd.f32 v39, v37;
	v54, _, _ =	vpop (xrf2);
	v59 =	vunpack.i.u.bf16.f32 v52;
	v60 =	vunpack.i.l.bf16.f32 v52  }
0x171: {  	v62 =	vunpack.i.l.bf16.f32 v55;
	v56 =	vbroadcast v54, $0xF;
	v43 =	vmul.f32 v60, v58  }
0x172: {  	v47 =	vunpack.i.u.bf16.f32 v55;
	v41 =	vmul.f32 v59, v58;
	v45 =	vmul.f32 v62, v58  }
0x173: {  	v39 =	vmul.f32 v47, v58;
	v49 =	vunpack.i.u.bf16.f32 v61;
	v52 =	vunpack.i.l.bf16.f32 v63  }
0x174: {  	v57 =	vunpack.i.u.bf16.f32 v63;
	v58 =	vbroadcast v15, $0x7;
	v40 =	vmul.f32 v49, v48;
	s8 =	spop (v2sf)  }
0x175: {  	v50 =	vunpack.i.l.bf16.f32 v61;
	v55 =	vmul.f32 v52, v48;
	v38 =	vmul.f32 v57, v48;
	v51 =	vld [tilespmem:s8+$0xC400]  }
0x176: {  	(erf) = vrcp.f32 v56;
	v25 =	vadd.f32 v43, v25;
	v29 =	vadd.f32 v41, v29;
	v53 =	vld [tilespmem:s8+$0xC410]  }
0x177: {  	v49 =	vbroadcast v17, $0x7;
	v30 =	vadd.f32 v45, v30;
	v22 =	vadd.f32 v39, v22  }
0x178: {  	v41 =	vmul.f32 v50, v48;
	(v2sf) =	vpush v18, $0x8;
	v23 =	vadd.f32 v40, v23  }
0x179: {  	v56 =	vnsel vm1, $0x0, v17;
	v36 =	vadd.f32 v55, v36;
	v26 =	vadd.f32 v38, v26  }
0x17a: {  	v24 =	vadd.f32 v41, v24;
	s1 =	spop (v2sf);
	v59 =	vunpack.i.u.bf16.f32 v51;
	v60 =	vunpack.i.l.bf16.f32 v51  }
0x17b: {  	v62 =	vunpack.i.l.bf16.f32 v53;
	(v2sf) =	vpush v19, $0x8;
	v48 =	vunpack.i.u.bf16.f32 v53;
	v61 =	vld [tilespmem:s1+$0xF500]  }
0x17c: {  	v41 =	vmul.f32 v60, v58;
	v40 =	vmul.f32 v59, v58;
	v63 =	vld [tilespmem:s1+$0xF510];
	s8 =	spop (v2sf);
	(v2sf) =	vpush v21, $0x9  }
0x17d: {  	v47 =	vmul.f32 v62, v58;
	v39 =	vmul.f32 v48, v58;
	s1 =	spop (v2sf);
	(v2sf) =	vpush v20, $0x9  }
0x17e: {  	v58 =	vbroadcast v16, $0x8;
	v52 =	vld [tilespmem:s8+$0xAB80];
	v28 =	vadd.f32 v41, v28;
	v27 =	vadd.f32 v40, v27  }
0x17f: {  	v16 =	vbroadcast v16, $0x9;
	v54 =	vld [tilespmem:s8+$0xAB90];
	v34 =	vadd.f32 v47, v34;
	v31 =	vadd.f32 v39, v31  }
0x180: {  	v47 =	vbroadcast v14, $0x8;
	v14 =	vbroadcast v14, $0x9;
	v51 =	vunpack.i.l.bf16.f32 v61  }
0x181: {  	v50 =	vunpack.i.u.bf16.f32 v61;
	v53 =	vunpack.i.l.bf16.f32 v63;
	v41 =	vmul.f32 v51, v49  }
0x182: {  	v57 =	vunpack.i.u.bf16.f32 v63;
	v40 =	vmul.f32 v50, v49;
	v55 =	vmul.f32 v53, v49  }
0x183: {  	v38 =	vmul.f32 v57, v49;
	v59 =	vunpack.i.u.bf16.f32 v52;
	v60 =	vunpack.i.l.bf16.f32 v52  }
0x184: {  	(xrf2) =	vadd.scan.msk.f32 $0xffff, v56;
	v61 =	vld [tilespmem:s1+$0xDC80];
	v62 =	vunpack.i.l.bf16.f32 v54;
	v44 =	vunpack.i.u.bf16.f32 v54;
	v51 =	vbroadcast v15, $0x8  }
0x185: {  	v63 =	vld [tilespmem:s1+$0xDC90];
	v43 =	vmul.f32 v62, v58;
	v45 =	vmul.f32 v44, v58;
	v33 =	vadd.f32 v41, v33  }
0x186: {  	v32 =	vadd.f32 v40, v32;
	v37 =	vadd.f32 v55, v37;
	v41 =	vmul.f32 v60, v58  }
0x187: {  	v40 =	vmul.f32 v59, v58;
	v21 =	vadd.f32 v38, v35;
	v30 =	vadd.f32 v43, v30  }
0x188: {  	v15 =	vbroadcast v15, $0x9;
	s8 =	spop (v2sf);
	v22 =	vadd.f32 v45, v22;
	v25 =	vadd.f32 v41, v25  }
0x189: {  	v46 =	vld [tilespmem:s8+$0xC400];
	v29 =	vadd.f32 v40, v29;
	v48 =	vunpack.i.u.bf16.f32 v61;
	v49 =	vunpack.i.l.bf16.f32 v61  }
0x18a: {  	v52 =	vld [tilespmem:s8+$0xC410];
	v50 =	vunpack.i.u.bf16.f32 v63;
	v20 =	vunpack.i.l.bf16.f32 v63;
	v61 =	vbroadcast v17, $0x8  }
0x18b: {  	v40 =	vmul.f32 v49, v47;
	v35 =	vmul.f32 v48, v47;
	s1 =	spop (v2sf);
	(v2sf) =	vpush v18, $0x9  }
0x18c: {  	v17 =	vbroadcast v17, $0x9;
	v53 =	vmul.f32 v20, v47;
	(v2sf) =	vpush v19, $0x9  }
0x18d: {  	v39 =	vmul.f32 v50, v47;
	v24 =	vadd.f32 v40, v24;
	v23 =	vadd.f32 v35, v23;
	v55 =	vld [tilespmem:s1+$0xF500]  }
0x18e: {  	v62, _, _ =	vpop (xrf2);
	v54 =	vunpack.i.l.bf16.f32 v46;
	v18 =	vadd.f32 v53, v36;
	v56 =	vunpack.i.u.bf16.f32 v46;
	v58 =	vld [tilespmem:s1+$0xF510]  }
0x18f: {  	v59 =	vunpack.i.u.bf16.f32 v52;
	v46 =	vbroadcast v62, $0xF;
	v20 =	vmul.f32 v54, v51;
	s8 =	spop (v2sf)  }
0x190: {  	v60 =	vunpack.i.l.bf16.f32 v52;
	v57 =	vmul.f32 v56, v51;
	v36 =	vmul.f32 v59, v51;
	v45 =	vld [tilespmem:s8+$0xAB80]  }
0x191: {  	v26 =	vadd.f32 v39, v26;
	v38 =	vmul.f32 v60, v51;
	v49 =	vld [tilespmem:s8+$0xAB90];
	s1 =	spop (v2sf);
	v20 =	vadd.f32 v20, v28  }
0x192: {  	(erf) = vrcp.f32 v46;
	v27 =	vadd.f32 v57, v27;
	v31 =	vadd.f32 v36, v31;
	v52 =	vld [tilespmem:s1+$0xDC80]  }
0x193: {  	v54 =	vld [tilespmem:s1+$0xDC90];
	v63 =	vunpack.i.l.bf16.f32 v55;
	v19 =	vunpack.i.u.bf16.f32 v55;
	v48 =	vunpack.i.l.bf16.f32 v58  }
0x194: {  	v35 =	vunpack.i.u.bf16.f32 v58;
	v47 =	vmul.f32 v63, v61;
	v19 =	vmul.f32 v19, v61  }
0x195: {  	v36 =	vmul.f32 v48, v61;
	v35 =	vmul.f32 v35, v61;
	v50 =	vunpack.i.u.bf16.f32 v45  }
0x196: {  	v51 =	vunpack.i.l.bf16.f32 v45;
	v55 =	vunpack.i.l.bf16.f32 v49;
	v56 =	vunpack.i.u.bf16.f32 v49  }
0x197: {  	v53 =	vmul.f32 v51, v16;
	v39 =	vmul.f32 v50, v16;
	v57 =	vunpack.i.u.bf16.f32 v52  }
0x198: {  	v58 =	vunpack.i.l.bf16.f32 v52;
	v60 =	vunpack.i.l.bf16.f32 v54;
	v33 =	vadd.f32 v47, v33  }
0x199: {  	v42 =	vunpack.i.u.bf16.f32 v54;
	v19 =	vadd.f32 v19, v32;
	v28 =	vadd.f32 v36, v37  }
0x19a: {  	v21 =	vadd.f32 v35, v21;
	v32 =	vmul.f32 v55, v16;
	v16 =	vmul.f32 v56, v16;
	s8 =	spop (v2sf)  }
0x19b: {  	v36 =	vmul.f32 v58, v14;
	v35 =	vmul.f32 v57, v14;
	v25 =	vadd.f32 v53, v25;
	v59 =	vld [tilespmem:s8+$0xC400];
	s1 =	spop (v2sf)  }
0x19c: {  	v62 =	vmul.f32 v60, v14;
	v29 =	vadd.f32 v39, v29;
	v30 =	vadd.f32 v32, v30;
	v61 =	vld [tilespmem:s1+$0xF500]  }
0x19d: {  	v44 =	vpop (erf);
	v14 =	vmul.f32 v42, v14;
	v24 =	vadd.f32 v36, v24;
	v23 =	vadd.f32 v35, v23  }
0x19e: {  	v18 =	vadd.f32 v62, v18;
	v47 =	vpop (erf);
	v50 =	vmul.f32 v25, v44;
	v29 =	vmul.f32 v29, v44  }
0x19f: {  	v34 =	vadd.f32 v38, v34;
	v24 =	vmul.f32 v24, v47;
	v23 =	vmul.f32 v23, v47  }
0x1a0: {  	v16 =	vadd.f32 v16, v22;
	v60 =	vmul.f32 v30, v44;
	v18 =	vmul.f32 v18, v47;
	v63 =	vld [tilespmem:s8+$0xC410]  }
0x1a1: {  	v23 =	vsub.f32 v29, v23;
	v43 =	vunpack.i.l.bf16.f32 v59;
	v46 =	vunpack.i.l.bf16.f32 v61  }
0x1a2: {  	v14 =	vadd.f32 v14, v26;
	v53 =	vld [tilespmem:s1+$0xF510];
	v22 =	vmul.f32 v43, v15;
	v49 =	vmul.f32 v46, v17  }
0x1a3: {  	v16 =	vmul.f32 v16, v44;
	v58 =	vmul.f32 v23, v23;
	v45 =	vunpack.i.u.bf16.f32 v59  }
0x1a4: {  	v51 =	vpop (erf);
	v39 =	vunpack.i.u.bf16.f32 v61;
	v20 =	vadd.f32 v22, v20;
	v33 =	vadd.f32 v49, v33  }
0x1a5: {  	v54 =	vpop (erf);
	v52 =	vunpack.i.l.bf16.f32 v63;
	v48 =	vmul.f32 v45, v15;
	v39 =	vmul.f32 v39, v17  }
0x1a6: {  	v22 =	vsub.f32 v50, v24;
	v20 =	vmul.f32 v20, v51;
	v33 =	vmul.f32 v33, v54  }
0x1a7: {  	v37 =	vmul.f32 v52, v15;
	v56 =	vunpack.i.l.bf16.f32 v53;
	v26 =	vadd.f32 v48, v27  }
0x1a8: {  	v19 =	vadd.f32 v39, v19;
	v22 =	vmul.f32 v22, v22;
	v20 =	vsub.f32 v20, v33  }
0x1a9: {  	v32 =	vunpack.i.u.bf16.f32 v63;
	v57 =	vmul.f32 v56, v17;
	v26 =	vmul.f32 v26, v51  }
0x1aa: {  	v19 =	vmul.f32 v19, v54;
	v13 =	vadd.f32 v22, v13;
	v20 =	vmul.f32 v20, v20  }
0x1ab: {  	v15 =	vmul.f32 v32, v15;
	v55 =	vadd.f32 v37, v34;
	v22 =	vadd.f32 v57, v28  }
0x1ac: {  	v59 =	vunpack.i.u.bf16.f32 v53;
	v19 =	vsub.f32 v26, v19;
	v13 =	vadd.f32 v20, v13  }
0x1ad: {  	v18 =	vsub.f32 v60, v18;
	v17 =	vmul.f32 v59, v17;
	v61 =	vmul.f32 v55, v51  }
0x1ae: {  	v22 =	vmul.f32 v22, v54;
	v19 =	vmul.f32 v19, v19;
	v13 =	vadd.f32 v13, v58  }
0x1af: {  	v14 =	vmul.f32 v14, v47;
	v15 =	vadd.f32 v15, v31;
	v17 =	vadd.f32 v17, v21  }
0x1b0: {  	v18 =	vmul.f32 v18, v18;
	v62 =	vsub.f32 v61, v22;
	v13 =	vadd.f32 v13, v19  }
0x1b1: {  	v14 =	vsub.f32 v16, v14;
	v15 =	vmul.f32 v15, v51  }
0x1b2: {  	v17 =	vmul.f32 v17, v54;
	v63 =	vmul.f32 v62, v62;
	v13 =	vadd.f32 v13, v18  }
0x1b3: {  	p0 =	sne.s32 s2, $0xA560  }
.Ltmp0:
0x1b4: {  	v14 =	vmul.f32 v14, v14;
	v15 =	vsub.f32 v15, v17;
	v13 =	vadd.f32 v13, v63;
	(pc) =	sbr.rel @p0 .LBB2_4-.Ltmp0, $3  }
0x1b5: {  	_ = 	snop  }
0x1b6: {  	v13 =	vadd.f32 v13, v14;
	v14 =	vmul.f32 v15, v15;
	_ =	sdelay $0x1  }
0x1b7: {  	s2 =	sadd.s32 $0x620, s2;
	v13 =	vadd.f32 v13, v14  }
0x1b8: {  	p0 =	seq.s32 s28, $0xD  }
0x1b9: {  	s0 =	sadd.s32 @!p0 s0, s31  }
0x1ba: {  	s0 =	smul.u32 @!p0 $0x620, s0;
	_ =	sdelay $0x1  }
0x1bb: {  	s0 =	sadd.s32 @!p0 s0, s29  }
0x1bc: {  	s2 =	simm.s32 @!p0 $0x188;
	s0 =	sshrl.u32 @!p0 s0, $0x3  }
0x1bd: {  	s24 =	simm.s32 @!p0 $0x620;
	s8 =	simm.s32 @!p0 $0x0;
	s1 =	sadd.s32 @!p0 s3, s0  }
0x1be: {  	[tilespmem:s8], [sflag:$0x1] =	stream.strided.gather @!p0 [hbm4b:s1+s2], $0x2AE0, s24, s2, $0x38;
	[tilespmem:$0x10D90] =	vst v63  }
0x1bf: {  	s0 =	sadd.s32 @!p0 s4, s0;
	s1 =	simm.s32 @!p0 $0x55C0  }
0x1c0: {  	[tilespmem:s1], [sflag:$0x3] =	stream.strided.gather @!p0 [hbm4b:s0+s2], $0x2AE0, s24, s2, $0x38;
	[tilespmem:$0x10D90] =	vst v63  }
0x1c1: {  	_ =	swait.ge [sflag:s22], $0x2AE0  }
0x1c2: {  	[sflag:s22] =	ssyncset.done $0x0  }
0x1c3: {  	[sflag:s22] =	ssyncadd.s32 $0xFFFFD520  }
0x1c4: {  	_ =	swait.ge [sflag:s23], $0x2AE0  }
0x1c5: {  	[sflag:s23] =	ssyncset.done $0x0  }
0x1c6: {  	s0 =	simm.s32 $0x0;
	[sflag:s23] =	ssyncadd.s32 $0xFFFFD520  }
.LBB2_6:
0x1c7: {  	s2 =	sshra.s32 s0, $0x2  }
0x1c8: {  	v14 =	vld [tilespmem:s2+$0x2AE0]  }
0x1c9: {  	v15 =	vld [tilespmem:s2+$0x2AF0]  }
0x1ca: {  	v16 =	vld [tilespmem:s2+$0x2B00]  }
0x1cb: {  	v17 =	vld [tilespmem:s2+$0x2B10]  }
0x1cc: {  	v18 =	vld [tilespmem:s2+$0x2B20]  }
0x1cd: {  	(xrf1) =	vsort.dscd.msk.f32 $0xffff, v14, v0;
	v14 =	vld [tilespmem:s2+$0x2B30]  }
0x1ce: {  	(xrf1) =	vsort.ascd.msk.f32 $0xffff, v15, v1;
	v15 =	vld [tilespmem:s2+$0x2B40]  }
0x1cf: {  	v48 =	vld [tilespmem:s2+$0x2B50];
	(xrf1) =	vsort.ascd.msk.f32 $0xffff, v16, v2  }
0x1d0: {  	v49 =	vld [tilespmem:s2+$0x2B60];
	(xrf1) =	vsort.dscd.msk.f32 $0xffff, v17, v3  }
0x1d1: {  	v50 =	vld [tilespmem:s2+$0x2B70];
	(xrf1) =	vsort.ascd.msk.f32 $0xffff, v18, v4  }
0x1d2: {  	(xrf1) =	vsort.dscd.msk.f32 $0xffff, v14, v5;
	v14 =	vld [tilespmem:s2+$0x2B80]  }
0x1d3: {  	(xrf1) =	vsort.dscd.msk.f32 $0xffff, v15, v6;
	v15 =	vld [tilespmem:s2+$0x2B90]  }
0x1d4: {  	v51 =	vld [tilespmem:s2+$0x2BA4];
	(xrf1) =	vsort.ascd.msk.f32 $0xffff, v48, v7  }
0x1d5: {  	v52 =	vld [tilespmem:s2+$0x2BB4];
	(xrf1) =	vsort.ascd.msk.f32 $0xffff, v49, v8  }
0x1d6: {  	v53 =	vld [tilespmem:s2+$0x2BC4];
	(xrf1) =	vsort.dscd.msk.f32 $0xffff, v50, v9  }
0x1d7: {  	(xrf1) =	vsort.dscd.msk.f32 $0xffff, v14, v10;
	v14 =	vld [tilespmem:s2+$0x2BD4]  }
0x1d8: {  	(xrf1) =	vsort.ascd.msk.f32 $0xffff, v15, v11;
	v15 =	vld [tilespmem:s2+$0x2BE4]  }
0x1d9: {  	v54 =	vld [tilespmem:s2+$0x2BF4];
	(xrf1) =	vsort.dscd.msk.f32 $0xffff, v51, v0  }
0x1da: {  	v55 =	vld [tilespmem:s2+$0x2C04];
	(xrf1) =	vsort.ascd.msk.f32 $0xffff, v52, v1  }
0x1db: {  	v56 =	vld [tilespmem:s2+$0x2C14];
	(xrf1) =	vsort.ascd.msk.f32 $0xffff, v53, v2;
	v19, v20, _ =	vpop (xrf1)  }
0x1dc: {  	(xrf1) =	vsort.dscd.msk.f32 $0xffff, v14, v3;
	v14 =	vld [tilespmem:s2+$0x2C24];
	v21, v22, _ =	vpop (xrf1)  }
0x1dd: {  	(xrf1) =	vsort.ascd.msk.f32 $0xffff, v15, v4;
	v15 =	vld [tilespmem:s2+$0x2C34];
	v23, v24, _ =	vpop (xrf1)  }
0x1de: {  	v57 =	vld [tilespmem:s2+$0x2C44];
	(xrf1) =	vsort.dscd.msk.f32 $0xffff, v54, v5;
	v25, v26, _ =	vpop (xrf1)  }
0x1df: {  	v58 =	vld [tilespmem:s2+$0x2C54];
	(xrf1) =	vsort.dscd.msk.f32 $0xffff, v55, v6;
	v27, v28, _ =	vpop (xrf1)  }
0x1e0: {  	vm2 =	vge.f32 v19, v21;
	(xrf1) =	vsort.ascd.msk.f32 $0xffff, v56, v7;
	v59, v29, _ =	vpop (xrf1)  }
0x1e1: {  	v19 =	vsel vm2, v19, v21;
	(xrf1) =	vsort.ascd.msk.f32 $0xffff, v14, v8;
	v14, v30, _ =	vpop (xrf1)  }
0x1e2: {  	v20 =	vsel vm2, v20, v22;
	vm2 =	vge.f32 v23, v25;
	(xrf1) =	vsort.dscd.msk.f32 $0xffff, v15, v9;
	v15, v31, _ =	vpop (xrf1)  }
0x1e3: {  	v34 =	vsel vm2, v23, v25;
	(xrf1) =	vsort.dscd.msk.f32 $0xffff, v57, v10;
	v60, v32, _ =	vpop (xrf1)  }
0x1e4: {  	v35 =	vsel vm2, v24, v26;
	vm2 =	vge.f32 v27, v59;
	(xrf1) =	vsort.ascd.msk.f32 $0xffff, v58, v11;
	v61, v33, _ =	vpop (xrf1)  }
0x1e5: {  	v18 =	vsel vm2, v27, v59;
	v38 =	vsel vm2, v28, v29;
	vm2 =	vge.f32 v14, v15;
	v62, v63, _ =	vpop (xrf1)  }
0x1e6: {  	v14 =	vsel vm2, v14, v15;
	v15 =	vsel vm2, v30, v31;
	(xrf1) =	vsort.dscd.msk.f32 $0xffff, v19, v20;
	v36, v37, _ =	vpop (xrf1)  }
0x1e7: {  	vm2 =	vge.f32 v60, v61;
	(xrf1) =	vsort.ascd.msk.f32 $0xffff, v34, v35;
	v19, v20, _ =	vpop (xrf1)  }
0x1e8: {  	v16 =	vsel vm2, v60, v61;
	(xrf1) =	vsort.ascd.msk.f32 $0xffff, v18, v38;
	v39, v40, _ =	vpop (xrf1)  }
0x1e9: {  	v41 =	vsel vm2, v32, v33;
	vm2 =	vge.f32 v62, v36;
	(xrf1) =	vsort.dscd.msk.f32 $0xffff, v14, v15;
	v18, v25, _ =	vpop (xrf1)  }
0x1ea: {  	v42 =	vsel vm2, v62, v36;
	v43 =	vsel vm2, v63, v37;
	vm2 =	vge.f32 v19, v39;
	v14, v15, _ =	vpop (xrf1)  }
0x1eb: {  	v19 =	vsel vm2, v19, v39;
	v20 =	vsel vm2, v20, v40;
	v28, v29, _ =	vpop (xrf1);
	vm2 =	vge.f32 v18, v14  }
0x1ec: {  	v44, v45, _ =	vpop (xrf1);
	v15 =	vsel vm2, v25, v15  }
0x1ed: {  	(xrf1) =	vsort.ascd.msk.f32 $0xffff, v16, v41;
	v14 =	vsel vm2, v18, v14;
	v16, v17, _ =	vpop (xrf1)  }
0x1ee: {  	(xrf1) =	vsort.dscd.msk.f32 $0xffff, v42, v43;
	vm2 =	vge.f32 v28, v44;
	v46, v47, _ =	vpop (xrf1)  }
0x1ef: {  	(xrf1) =	vsort.dscd.msk.f32 $0xffff, v19, v20;
	v50 =	vsel vm2, v28, v44;
	v49, v48, _ =	vpop (xrf1)  }
0x1f0: {  	v51 =	vsel vm2, v29, v45;
	(xrf1) =	vsort.ascd.msk.f32 $0xffff, v14, v15;
	vm2 =	vge.f32 v16, v46;
	v14, v15, _ =	vpop (xrf1)  }
0x1f1: {  	v16 =	vsel vm2, v16, v46;
	v17 =	vsel vm2, v17, v47;
	v53, v52, _ =	vpop (xrf1);
	(xrf1) =	vsort.ascd.msk.f32 $0xffff, v50, v51  }
0x1f2: {  	vm2 =	vge.f32 v49, v14;
	v20, v21, _ =	vpop (xrf1);
	(xrf1) =	vsort.dscd.msk.f32 $0xffff, v16, v17  }
0x1f3: {  	v14 =	vsel vm2, v49, v14;
	v15 =	vsel vm2, v48, v15;
	vm2 =	vge.f32 v53, v20  }
0x1f4: {  	(xrf1) =	vsort.ascd.msk.f32 $0xffff, v14, v15;
	v14 =	vsel vm2, v53, v20;
	v15 =	vsel vm2, v52, v21  }
0x1f5: {  	(xrf1) =	vsort.dscd.msk.f32 $0xffff, v14, v15;
	_ =	sdelay $0x2  }
0x1f6: {  	v14, v15, _ =	vpop (xrf1)  }
0x1f7: {  	v16, v17, _ =	vpop (xrf1)  }
0x1f8: {  	v54, v55, _ =	vpop (xrf1);
	vm2 =	vge.f32 v14, v16  }
0x1f9: {  	v56, v57, _ =	vpop (xrf1);
	v15 =	vsel vm2, v15, v17  }
0x1fa: {  	v60 =	vld [tilespmem:s2+$0x2B94];
	v14 =	vsel vm2, v14, v16;
	v59, v58, _ =	vpop (xrf1)  }
0x1fb: {  	v62, v61, _ =	vpop (xrf1)  }
0x1fc: {  	(xrf1) =	vsort.dscd.msk.f32 $0xffff, v14, v15;
	vm2 =	vge.f32 v54, v56;
	v63, v28, _ =	vpop (xrf1)  }
0x1fd: {  	v18 =	vsel vm2, v54, v56;
	v19 =	vsel vm2, v55, v57;
	vm2 =	vge.f32 v59, v62;
	v14, v15, _ =	vpop (xrf1)  }
0x1fe: {  	(xrf1) =	vsort.ascd.msk.f32 $0xffff, v18, v19;
	v31 =	vsel vm2, v59, v62;
	v32 =	vsel vm2, v58, v61;
	v29, v30, _ =	vpop (xrf1)  }
0x1ff: {  	v36 =	vld [tilespmem:s2+$0x2C58];
	v35 =	vsel vm0, $0xFF7FC99E, v60;
	(xrf1) =	vsort.ascd.msk.f32 $0xffff, v31, v32;
	vm2 =	vge.f32 v63, v14;
	v33, v34, _ =	vpop (xrf1)  }
0x200: {  	(xrf1) =	vsort.dscd.msk.f32 $0xffff, v35, v12;
	v14 =	vsel vm2, v63, v14;
	v15 =	vsel vm2, v28, v15;
	v38, v37, _ =	vpop (xrf1)  }
0x201: {  	(xrf1) =	vsort.dscd.msk.f32 $0xffff, v14, v15;
	vm2 =	vge.f32 v29, v33;
	v14 =	vld [tilespmem:s2+$0x80A0];
	v39, v40, _ =	vpop (xrf1)  }
0x202: {  	v42 =	vld [tilespmem:s2+$0x80B0];
	v15 =	vsel vm2, v29, v33;
	v41 =	vsel vm2, v30, v34;
	vm2 =	vge.f32 v38, v39  }
0x203: {  	v44 =	vld [tilespmem:s2+$0x80C0];
	(xrf1) =	vsort.ascd.msk.f32 $0xffff, v15, v41;
	v15 =	vsel vm2, v38, v39;
	v43 =	vsel vm2, v37, v40  }
0x204: {  	v45 =	vld [tilespmem:s2+$0x80D0];
	(xrf1) =	vsort.ascd.msk.f32 $0xffff, v15, v43;
	v15 =	vsel vm0, $0xFF7FC99E, v36  }
0x205: {  	(xrf1) =	vsort.dscd.msk.f32 $0xffff, v15, v12;
	v15 =	vld [tilespmem:s2+$0x80E0]  }
0x206: {  	(xrf1) =	vsort.dscd.msk.f32 $0xffff, v14, v0;
	v14 =	vld [tilespmem:s2+$0x80F0]  }
0x207: {  	v46 =	vld [tilespmem:s2+$0x8100];
	(xrf1) =	vsort.ascd.msk.f32 $0xffff, v42, v1  }
0x208: {  	v47 =	vld [tilespmem:s2+$0x8110];
	(xrf1) =	vsort.ascd.msk.f32 $0xffff, v44, v2  }
0x209: {  	v48 =	vld [tilespmem:s2+$0x8120];
	(xrf1) =	vsort.dscd.msk.f32 $0xffff, v45, v3  }
0x20a: {  	(xrf1) =	vsort.ascd.msk.f32 $0xffff, v15, v4;
	v15 =	vld [tilespmem:s2+$0x8130]  }
0x20b: {  	(xrf1) =	vsort.dscd.msk.f32 $0xffff, v14, v5;
	v14 =	vld [tilespmem:s2+$0x8140]  }
0x20c: {  	v49 =	vld [tilespmem:s2+$0x8150];
	(xrf1) =	vsort.dscd.msk.f32 $0xffff, v46, v6  }
0x20d: {  	v50 =	vld [tilespmem:s2+$0x8164];
	v19, v20, _ =	vpop (xrf1);
	(xrf1) =	vsort.ascd.msk.f32 $0xffff, v47, v7  }
0x20e: {  	v52 =	vld [tilespmem:s2+$0x8174];
	v51, v22, _ =	vpop (xrf1);
	(xrf1) =	vsort.ascd.msk.f32 $0xffff, v48, v8  }
0x20f: {  	v53, v24, _ =	vpop (xrf1);
	(xrf1) =	vsort.dscd.msk.f32 $0xffff, v15, v9;
	v15 =	vld [tilespmem:s2+$0x8184]  }
0x210: {  	v54, v26, _ =	vpop (xrf1);
	(xrf1) =	vsort.dscd.msk.f32 $0xffff, v14, v10;
	v14 =	vld [tilespmem:s2+$0x8194]  }
0x211: {  	v55 =	vld [tilespmem:s2+$0x81A4];
	v27, v28, _ =	vpop (xrf1);
	(xrf1) =	vsort.ascd.msk.f32 $0xffff, v49, v11  }
0x212: {  	v58 =	vld [tilespmem:s2+$0x81B4];
	v57, v56, _ =	vpop (xrf1);
	(xrf1) =	vsort.dscd.msk.f32 $0xffff, v50, v0  }
0x213: {  	v59 =	vld [tilespmem:s2+$0x81C4];
	v31, v32, _ =	vpop (xrf1);
	(xrf1) =	vsort.ascd.msk.f32 $0xffff, v52, v1  }
0x214: {  	v60, v34, _ =	vpop (xrf1);
	(xrf1) =	vsort.ascd.msk.f32 $0xffff, v15, v2;
	v15 =	vld [tilespmem:s2+$0x81D4]  }
0x215: {  	vm2 =	vge.f32 v19, v51;
	v35, v36, _ =	vpop (xrf1);
	(xrf1) =	vsort.dscd.msk.f32 $0xffff, v14, v3;
	v14 =	vld [tilespmem:s2+$0x81E4]  }
0x216: {  	v61 =	vld [tilespmem:s2+$0x81F4];
	v19 =	vsel vm2, v19, v51;
	v37, v38, _ =	vpop (xrf1);
	(xrf1) =	vsort.ascd.msk.f32 $0xffff, v55, v4  }
0x217: {  	v62 =	vld [tilespmem:s2+$0x8204];
	v20 =	vsel vm2, v20, v22;
	vm2 =	vge.f32 v53, v54;
	v39, v40, _ =	vpop (xrf1);
	(xrf1) =	vsort.dscd.msk.f32 $0xffff, v58, v5  }
0x218: {  	v63 =	vld [tilespmem:s2+$0x8214];
	v53 =	vsel vm2, v53, v54;
	v41, v42, _ =	vpop (xrf1);
	(xrf1) =	vsort.dscd.msk.f32 $0xffff, v59, v6  }
0x219: {  	v54 =	vsel vm2, v24, v26;
	vm2 =	vge.f32 v27, v57;
	v43, v44, _ =	vpop (xrf1);
	(xrf1) =	vsort.ascd.msk.f32 $0xffff, v15, v7  }
0x21a: {  	v56 =	vsel vm2, v28, v56;
	v15, v45, _ =	vpop (xrf1);
	(xrf1) =	vsort.ascd.msk.f32 $0xffff, v14, v8  }
0x21b: {  	v55 =	vsel vm2, v27, v57;
	vm2 =	vge.f32 v31, v60;
	v14, v46, _ =	vpop (xrf1);
	(xrf1) =	vsort.dscd.msk.f32 $0xffff, v61, v9  }
0x21c: {  	v59 =	vsel vm2, v31, v60;
	v48, v47, _ =	vpop (xrf1);
	(xrf1) =	vsort.dscd.msk.f32 $0xffff, v62, v10  }
0x21d: {  	v60 =	vsel vm2, v32, v34;
	vm2 =	vge.f32 v35, v37;
	(xrf1) =	vsort.ascd.msk.f32 $0xffff, v63, v11  }
0x21e: {  	v61 =	vsel vm2, v35, v37;
	v50, v49, _ =	vpop (xrf1);
	(xrf1) =	vsort.dscd.msk.f32 $0xffff, v19, v20  }
0x21f: {  	v62 =	vsel vm2, v36, v38;
	vm2 =	vge.f32 v39, v41;
	v51, v52, _ =	vpop (xrf1);
	(xrf1) =	vsort.ascd.msk.f32 $0xffff, v53, v54  }
0x220: {  	v37 =	vsel vm2, v39, v41;
	v19, v20, _ =	vpop (xrf1);
	(xrf1) =	vsort.dscd.msk.f32 $0xffff, v55, v56  }
0x221: {  	v38 =	vsel vm2, v40, v42;
	vm2 =	vge.f32 v43, v15;
	v57, v58, _ =	vpop (xrf1);
	(xrf1) =	vsort.ascd.msk.f32 $0xffff, v59, v60  }
0x222: {  	v15 =	vsel vm2, v43, v15;
	v23, v24, _ =	vpop (xrf1);
	(xrf1) =	vsort.dscd.msk.f32 $0xffff, v61, v62  }
0x223: {  	v39 =	vsel vm2, v44, v45;
	vm2 =	vge.f32 v14, v48;
	v63, v36, _ =	vpop (xrf1);
	(xrf1) =	vsort.ascd.msk.f32 $0xffff, v37, v38  }
0x224: {  	v27, v28, _ =	vpop (xrf1);
	(xrf1) =	vsort.ascd.msk.f32 $0xffff, v15, v39;
	v15 =	vsel vm2, v46, v47  }
0x225: {  	v14 =	vsel vm2, v14, v48  }
0x226: {  	vm2 =	vge.f32 v50, v51  }
0x227: {  	v41, v40, _ =	vpop (xrf1);
	v17 =	vsel vm2, v49, v52  }
0x228: {  	(xrf1) =	vsort.dscd.msk.f32 $0xffff, v14, v15;
	v16 =	vsel vm2, v50, v51;
	vm2 =	vge.f32 v19, v57;
	v14, v15, _ =	vpop (xrf1)  }
0x229: {  	v44 =	vsel vm2, v19, v57;
	v45 =	vsel vm2, v20, v58;
	vm2 =	vge.f32 v23, v63;
	v42, v43, _ =	vpop (xrf1)  }
0x22a: {  	v48 =	vsel vm2, v23, v63;
	(xrf1) =	vsort.ascd.msk.f32 $0xffff, v16, v17;
	v46, v47, _ =	vpop (xrf1)  }
0x22b: {  	v49 =	vsel vm2, v24, v36;
	vm2 =	vge.f32 v27, v41;
	(xrf1) =	vsort.dscd.msk.f32 $0xffff, v44, v45;
	v16, v17, _ =	vpop (xrf1)  }
0x22c: {  	v52 =	vsel vm2, v27, v41;
	v53 =	vsel vm2, v28, v40;
	(xrf1) =	vsort.dscd.msk.f32 $0xffff, v48, v49;
	v51, v50, _ =	vpop (xrf1)  }
0x22d: {  	vm2 =	vge.f32 v14, v42;
	(xrf1) =	vsort.ascd.msk.f32 $0xffff, v52, v53;
	v54, v55, _ =	vpop (xrf1)  }
0x22e: {  	v14 =	vsel vm2, v14, v42;
	v15 =	vsel vm2, v15, v43;
	vm2 =	vge.f32 v46, v16;
	v22, v23, _ =	vpop (xrf1)  }
0x22f: {  	v56, v57, _ =	vpop (xrf1);
	(xrf1) =	vsort.ascd.msk.f32 $0xffff, v14, v15;
	v15 =	vsel vm2, v47, v17  }
0x230: {  	v14 =	vsel vm2, v46, v16  }
0x231: {  	vm2 =	vge.f32 v51, v54  }
0x232: {  	v58, v59, _ =	vpop (xrf1);
	v60 =	vsel vm2, v51, v54;
	v61 =	vsel vm2, v50, v55;
	vm2 =	vge.f32 v22, v56  }
0x233: {  	(xrf1) =	vsort.dscd.msk.f32 $0xffff, v14, v15;
	v18 =	vsel vm2, v22, v56;
	v14, v15, _ =	vpop (xrf1)  }
0x234: {  	v26 =	vsel vm2, v23, v57;
	v62, v63, _ =	vpop (xrf1);
	vm2 =	vge.f32 v58, v14  }
0x235: {  	(xrf1) =	vsort.ascd.msk.f32 $0xffff, v60, v61;
	v27, v28, _ =	vpop (xrf1);
	v15 =	vsel vm2, v59, v15  }
0x236: {  	(xrf1) =	vsort.dscd.msk.f32 $0xffff, v18, v26;
	v14 =	vsel vm2, v58, v14;
	v18, v19, _ =	vpop (xrf1);
	vm2 =	vge.f32 v62, v27  }
0x237: {  	v29, v30, _ =	vpop (xrf1);
	v21 =	vsel vm2, v63, v28  }
0x238: {  	v20 =	vsel vm2, v62, v27;
	v31, v32, _ =	vpop (xrf1)  }
0x239: {  	v33 =	vld [tilespmem:s2+$0x8154];
	(xrf1) =	vsort.dscd.msk.f32 $0xffff, v14, v15;
	vm2 =	vge.f32 v18, v29;
	v14, v15, _ =	vpop (xrf1)  }
0x23a: {  	(xrf1) =	vsort.dscd.msk.f32 $0xffff, v20, v21;
	v18 =	vsel vm2, v18, v29;
	v19 =	vsel vm2, v19, v30;
	v35, v34, _ =	vpop (xrf1)  }
0x23b: {  	(xrf1) =	vsort.dscd.msk.f32 $0xffff, v18, v19;
	vm2 =	vge.f32 v31, v14;
	v20, v21, _ =	vpop (xrf1)  }
0x23c: {  	v14 =	vsel vm2, v31, v14;
	v15 =	vsel vm2, v32, v15;
	vm2 =	vge.f32 v35, v20  }
0x23d: {  	(xrf1) =	vsort.ascd.msk.f32 $0xffff, v14, v15;
	v14 =	vsel vm2, v35, v20;
	v15 =	vsel vm2, v34, v21  }
0x23e: {  	(xrf1) =	vsort.ascd.msk.f32 $0xffff, v14, v15;
	v14 =	vsel vm0, $0xFF7FC99E, v33  }
0x23f: {  	v36, v37, _ =	vpop (xrf1)  }
0x240: {  	v15, v38, _ =	vpop (xrf1)  }
0x241: {  	(xrf1) =	vsort.dscd.msk.f32 $0xffff, v14, v12;
	v14, v39, _ =	vpop (xrf1)  }
0x242: {  	v42 =	vld [tilespmem:s2+$0x8218];
	vm2 =	vge.f32 v36, v15;
	v40, v41, _ =	vpop (xrf1)  }
0x243: {  	v15 =	vsel vm2, v36, v15;
	v45 =	vsel vm2, v37, v38;
	v43, v44, _ =	vpop (xrf1)  }
0x244: {  	(xrf1) =	vsort.dscd.msk.f32 $0xffff, v15, v45;
	vm2 =	vge.f32 v14, v40;
	v17, v18, _ =	vpop (xrf1)  }
0x245: {  	v14 =	vsel vm2, v14, v40;
	v15 =	vsel vm2, v39, v41;
	vm2 =	vge.f32 v43, v17  }
0x246: {  	(xrf1) =	vsort.ascd.msk.f32 $0xffff, v14, v15;
	v14 =	vsel vm2, v43, v17;
	v15 =	vsel vm2, v44, v18  }
0x247: {  	(xrf1) =	vsort.ascd.msk.f32 $0xffff, v14, v15;
	v14 =	vsel vm0, $0xFF7FC99E, v42;
	_ =	sdelay $0x2  }
0x248: {  	(xrf1) =	vsort.dscd.msk.f32 $0xffff, v14, v12;
	v14, v15, _ =	vpop (xrf1)  }
0x249: {  	v46, v47, _ =	vpop (xrf1)  }
0x24a: {  	v49, v48, _ =	vpop (xrf1)  }
0x24b: {  	v50, v51, _ =	vpop (xrf1)  }
0x24c: {  	v53, v52, _ =	vpop (xrf1)  }
0x24d: {  	vm2 =	vge.f32 v49, v50;
	v55, v54, _ =	vpop (xrf1)  }
0x24e: {  	v18 =	vsel vm2, v49, v50;
	v19 =	vsel vm2, v48, v51;
	vm2 =	vge.f32 v53, v55  }
0x24f: {  	(xrf1) =	vsort.dscd.msk.f32 $0xffff, v18, v19;
	v56 =	vsel vm2, v53, v55;
	v57 =	vsel vm2, v52, v54  }
0x250: {  	(xrf1) =	vsort.ascd.msk.f32 $0xffff, v56, v57;
	_ =	sdelay $0x2  }
0x251: {  	v18, v19, _ =	vpop (xrf1)  }
0x252: {  	v58, v59, _ =	vpop (xrf1)  }
0x253: {  	v60, v61, _ =	vpop (xrf1)  }
0x254: {  	vm2 =	vge.f32 v18, v58;
	v62, v63, _ =	vpop (xrf1)  }
0x255: {  	v18 =	vsel vm2, v18, v58;
	v19 =	vsel vm2, v19, v59;
	vm2 =	vge.f32 v60, v62  }
0x256: {  	(xrf1) =	vsort.dscd.msk.f32 $0xffff, v18, v19;
	v22 =	vsel vm2, v60, v62;
	v24 =	vsel vm2, v61, v63  }
0x257: {  	(xrf1) =	vsort.ascd.msk.f32 $0xffff, v22, v24;
	_ =	sdelay $0x3  }
0x258: {  	v18, v19, _ =	vpop (xrf1)  }
0x259: {  	v25, v26, _ =	vpop (xrf1)  }
0x25a: {  	vm2 =	vge.f32 v18, v25  }
0x25b: {  	v18 =	vsel vm2, v18, v25;
	v19 =	vsel vm2, v19, v26  }
0x25c: {  	(xrf1) =	vsort.dscd.msk.f32 $0xffff, v18, v19;
	_ =	sdelay $0x4  }
0x25d: {  	v18, v19, _ =	vpop (xrf1)  }
0x25e: {  	v27, v28, _ =	vpop (xrf1)  }
0x25f: {  	vm2 =	vge.f32 v18, v27  }
0x260: {  	(xrf0) =	vmax.scan.msk.f32 $0xffff, v14;
	v18 =	vsel vm2, v18, v27;
	v19 =	vsel vm2, v19, v28  }
0x261: {  	(xrf1) =	vsort.dscd.msk.f32 $0xffff, v18, v19  }
0x262: {  	v15 =	vshll.u32 v15, $0x7  }
0x263: {  	v21 =	vshra.s32 v15, $0x2  }
0x264: {  	(v2sf) =	vpush v21, $0x0;
	_ =	sdelay $0x1  }
0x265: {  	v15, v29, _ =	vpop (xrf1)  }
0x266: {  	v30, _, _ =	vpop (xrf0);
	v18 =	vshll.u32 v29, $0x7  }
0x267: {  	v19 =	vbroadcast v30, $0xF;
	(xrf0) =	vmax.scan.msk.f32 $0xffff, v15;
	v20 =	vshra.s32 v18, $0x2  }
0x268: {  	(v2sf) =	vpush v20, $0x0  }
0x269: {  	v17 =	vshll.u32 v47, $0x7;
	v14 =	vsub.f32 v14, v19  }
0x26a: {  	v18 =	vshra.s32 v17, $0x2  }
0x26b: {  	v14 =	vmul.f32 $1.442695020e+00, v14;
	(xrf0) =	vmax.scan.msk.f32 $0xffff, v46;
	(v2sf) =	vpush v18, $0x0;
	_ =	sdelay $0x1  }
0x26c: {  	(erf) = vpow2.f32 v14;
	v31, _, _ =	vpop (xrf0)  }
0x26d: {  	v32, v33, _ =	vpop (xrf1);
	v14 =	vbroadcast v31, $0xF  }
0x26e: {  	(xrf0) =	vmax.scan.msk.f32 $0xffff, v32  }
0x26f: {  	v34 =	vshll.u32 v33, $0x7;
	v14 =	vsub.f32 v15, v14  }
0x270: {  	v19 =	vshra.s32 v34, $0x2;
	v15, _, _ =	vpop (xrf0)  }
0x271: {  	s1 =	spop (v2sf);
	(v2sf) =	vpush v19, $0x0;
	v15 =	vbroadcast v15, $0xF;
	v14 =	vmul.f32 $1.442695020e+00, v14  }
0x272: {  	v38 =	vld [tilespmem:s1+$0xAB90]  }
0x273: {  	v15 =	vsub.f32 v46, v15;
	(erf) = vpow2.f32 v14  }
0x274: {  	v14 =	vld [tilespmem:s1+$0xAB80];
	v35, _, _ =	vpop (xrf0)  }
0x275: {  	v16 =	vpop (erf);
	v36 =	vbroadcast v35, $0xF;
	v15 =	vmul.f32 $1.442695020e+00, v15  }
0x276: {  	v37 =	vbroadcast v16, $0x0;
	s2 =	spop (v2sf);
	(v2sf) =	vpush v21, $0x1  }
0x277: {  	v23 =	vunpack.i.u.bf16.f32 v38;
	v17 =	vsub.f32 v32, v36;
	(erf) = vpow2.f32 v15  }
0x278: {  	v41 =	vunpack.i.l.bf16.f32 v38;
	v22 =	vmul.f32 v23, v37;
	v39 =	vld [tilespmem:s2+$0xDC80]  }
0x279: {  	v15 =	vunpack.i.l.bf16.f32 v14;
	v17 =	vmul.f32 $1.442695020e+00, v17;
	(v2sf) =	vpush v20, $0x1;
	v43 =	vld [tilespmem:s2+$0xDC90];
	s8 =	spop (v2sf)  }
0x27a: {  	v61 =	vbroadcast v16, $0x1;
	v22 =	vadd.f32 $0.0e+00, v22;
	v15 =	vmul.f32 v15, v37;
	v45 =	vld [tilespmem:s8+$0xC400]  }
0x27b: {  	v40 =	vunpack.i.u.bf16.f32 v14;
	v46 =	vld [tilespmem:s8+$0xC410];
	(erf) = vpow2.f32 v17;
	v17 =	vmul.f32 v41, v37  }
0x27c: {  	(v2sf) =	vpush v18, $0x1;
	v25 =	vadd.f32 $0.0e+00, v15;
	v15 =	vmul.f32 v40, v37;
	v14 =	vpop (erf)  }
0x27d: {  	v30 =	vadd.f32 $0.0e+00, v17;
	v42 =	vbroadcast v14, $0x0;
	v44 =	vunpack.i.u.bf16.f32 v39  }
0x27e: {  	v24 =	vunpack.i.l.bf16.f32 v39;
	v29 =	vadd.f32 $0.0e+00, v15;
	v47 =	vunpack.i.l.bf16.f32 v43  }
0x27f: {  	v27 =	vunpack.i.u.bf16.f32 v43;
	v49 =	vunpack.i.l.bf16.f32 v45;
	v50 =	vunpack.i.u.bf16.f32 v45  }
0x280: {  	s24 =	spop (v2sf);
	v53 =	vunpack.i.l.bf16.f32 v46;
	v24 =	vmul.f32 v42, v24;
	v23 =	vmul.f32 v42, v44;
	v15 =	vpop (erf)  }
0x281: {  	(v2sf) =	vpush v19, $0x1;
	v17 =	vmul.f32 v42, v47;
	v52 =	vld [tilespmem:s24+$0xF500];
	v48 =	vbroadcast v15, $0x0  }
0x282: {  	v31 =	vunpack.i.u.bf16.f32 v46;
	v26 =	vmul.f32 v42, v27;
	v54 =	vld [tilespmem:s24+$0xF510];
	v24 =	vadd.f32 $0.0e+00, v24  }
0x283: {  	v23 =	vadd.f32 $0.0e+00, v23;
	v36 =	vadd.f32 $0.0e+00, v17;
	v51 =	vmul.f32 v49, v48  }
0x284: {  	v26 =	vadd.f32 $0.0e+00, v26;
	v27 =	vmul.f32 v50, v48;
	v34 =	vmul.f32 v53, v48  }
0x285: {  	v31 =	vmul.f32 v31, v48;
	v49 =	vbroadcast v14, $0x1;
	v17 =	vpop (erf);
	v28 =	vadd.f32 $0.0e+00, v51;
	s2 =	spop (v2sf)  }
0x286: {  	v27 =	vadd.f32 $0.0e+00, v27;
	v34 =	vadd.f32 $0.0e+00, v34;
	v55 =	vbroadcast v17, $0x0;
	v57 =	vld [tilespmem:s2+$0xAB80]  }
0x287: {  	v56 =	vunpack.i.u.bf16.f32 v52;
	v33 =	vunpack.i.l.bf16.f32 v52;
	v58 =	vunpack.i.l.bf16.f32 v54;
	v59 =	vld [tilespmem:s2+$0xAB90]  }
0x288: {  	v35 =	vunpack.i.u.bf16.f32 v54;
	v33 =	vmul.f32 v55, v33;
	(v2sf) =	vpush v21, $0x2;
	s8 =	spop (v2sf)  }
0x289: {  	v31 =	vadd.f32 $0.0e+00, v31;
	v32 =	vmul.f32 v55, v56;
	v39 =	vmul.f32 v58, v55;
	v60 =	vld [tilespmem:s8+$0xDC80]  }
0x28a: {  	v35 =	vmul.f32 v35, v55;
	(v2sf) =	vpush v20, $0x2;
	v33 =	vadd.f32 $0.0e+00, v33;
	v63 =	vld [tilespmem:s8+$0xDC90]  }
0x28b: {  	v58 =	vbroadcast v15, $0x1;
	v32 =	vadd.f32 $0.0e+00, v32;
	v39 =	vadd.f32 $0.0e+00, v39  }
0x28c: {  	s24 =	spop (v2sf);
	v62 =	vunpack.i.u.bf16.f32 v57;
	v38 =	vunpack.i.l.bf16.f32 v57;
	v48 =	vunpack.i.u.bf16.f32 v59  }
0x28d: {  	v52 =	vld [tilespmem:s24+$0xC400];
	v40 =	vunpack.i.l.bf16.f32 v59;
	v38 =	vmul.f32 v38, v61;
	v42 =	vmul.f32 v62, v61  }
0x28e: {  	v35 =	vadd.f32 $0.0e+00, v35;
	v54 =	vld [tilespmem:s24+$0xC410];
	v40 =	vmul.f32 v40, v61;
	v41 =	vmul.f32 v48, v61  }
0x28f: {  	v50 =	vunpack.i.l.bf16.f32 v60;
	v37 =	vunpack.i.u.bf16.f32 v60;
	v53 =	vunpack.i.l.bf16.f32 v63  }
0x290: {  	v55 =	vunpack.i.u.bf16.f32 v63;
	v62 =	vbroadcast v17, $0x1;
	v51 =	vmul.f32 v50, v49  }
0x291: {  	s2 =	spop (v2sf);
	(v2sf) =	vpush v18, $0x2;
	v37 =	vmul.f32 v37, v49;
	v57 =	vmul.f32 v55, v49  }
0x292: {  	v59 =	vunpack.i.u.bf16.f32 v52;
	v25 =	vadd.f32 v38, v25;
	v29 =	vadd.f32 v42, v29  }
0x293: {  	v61 =	vunpack.i.u.bf16.f32 v54;
	v30 =	vadd.f32 v40, v30;
	v22 =	vadd.f32 v41, v22  }
0x294: {  	v56 =	vld [tilespmem:s2+$0xF500];
	v38 =	vmul.f32 v53, v49;
	v42 =	vunpack.i.l.bf16.f32 v52;
	v40 =	vunpack.i.l.bf16.f32 v54  }
0x295: {  	v63 =	vld [tilespmem:s2+$0xF510];
	v50 =	vmul.f32 v61, v58;
	v54 =	vbroadcast v16, $0x2;
	v24 =	vadd.f32 v51, v24  }
0x296: {  	v61 =	vbroadcast v14, $0x2;
	v23 =	vadd.f32 v37, v23;
	v26 =	vadd.f32 v57, v26  }
0x297: {  	v60 =	vmul.f32 v42, v58;
	v40 =	vmul.f32 v40, v58;
	s8 =	spop (v2sf);
	(v2sf) =	vpush v19, $0x2  }
0x298: {  	v36 =	vadd.f32 v38, v36;
	v38 =	vmul.f32 v59, v58;
	v31 =	vadd.f32 v50, v31  }
0x299: {  	v28 =	vadd.f32 v60, v28;
	v34 =	vadd.f32 v40, v34;
	v48 =	vunpack.i.l.bf16.f32 v56;
	v49 =	vld [tilespmem:s8+$0xAB80]  }
0x29a: {  	v52 =	vunpack.i.u.bf16.f32 v56;
	v53 =	vunpack.i.l.bf16.f32 v63;
	v55 =	vld [tilespmem:s8+$0xAB90];
	(v2sf) =	vpush v21, $0x3  }
0x29b: {  	v56 =	vunpack.i.u.bf16.f32 v63;
	v51 =	vmul.f32 v48, v62;
	v37 =	vmul.f32 v52, v62;
	s24 =	spop (v2sf)  }
0x29c: {  	v27 =	vadd.f32 v38, v27;
	v38 =	vmul.f32 v53, v62;
	v42 =	vmul.f32 v56, v62;
	v58 =	vld [tilespmem:s24+$0xDC80]  }
0x29d: {  	v53 =	vbroadcast v15, $0x2;
	v33 =	vadd.f32 v51, v33;
	v32 =	vadd.f32 v37, v32;
	v62 =	vld [tilespmem:s24+$0xDC90]  }
0x29e: {  	v37 =	vadd.f32 v38, v39;
	v35 =	vadd.f32 v42, v35;
	v57 =	vunpack.i.l.bf16.f32 v49  }
0x29f: {  	v59 =	vunpack.i.u.bf16.f32 v49;
	v60 =	vunpack.i.l.bf16.f32 v55;
	v41 =	vunpack.i.u.bf16.f32 v55  }
0x2a0: {  	v43 =	vmul.f32 v57, v54;
	v38 =	vmul.f32 v59, v54;
	s2 =	spop (v2sf);
	(v2sf) =	vpush v20, $0x3  }
0x2a1: {  	v39 =	vmul.f32 v60, v54;
	v63 =	vunpack.i.l.bf16.f32 v58;
	v40 =	vmul.f32 v41, v54  }
0x2a2: {  	v50 =	vunpack.i.u.bf16.f32 v58;
	v51 =	vunpack.i.l.bf16.f32 v62;
	v49 =	vld [tilespmem:s2+$0xC400];
	(v2sf) =	vpush v18, $0x3  }
0x2a3: {  	v52 =	vunpack.i.u.bf16.f32 v62;
	v48 =	vmul.f32 v63, v61;
	v54 =	vld [tilespmem:s2+$0xC410];
	v25 =	vadd.f32 v43, v25  }
0x2a4: {  	v29 =	vadd.f32 v38, v29;
	v30 =	vadd.f32 v39, v30;
	v38 =	vmul.f32 v50, v61  }
0x2a5: {  	v22 =	vadd.f32 v40, v22;
	v39 =	vmul.f32 v51, v61;
	v40 =	vmul.f32 v52, v61  }
0x2a6: {  	v60 =	vbroadcast v17, $0x2;
	v24 =	vadd.f32 v48, v24;
	v23 =	vadd.f32 v38, v23;
	s8 =	spop (v2sf)  }
0x2a7: {  	v36 =	vadd.f32 v39, v36;
	v26 =	vadd.f32 v40, v26;
	v44 =	vunpack.i.l.bf16.f32 v49;
	v56 =	vld [tilespmem:s8+$0xF500]  }
0x2a8: {  	v55 =	vunpack.i.u.bf16.f32 v49;
	v59 =	vunpack.i.l.bf16.f32 v54;
	v57 =	vmul.f32 v44, v53;
	v58 =	vld [tilespmem:s8+$0xF510]  }
0x2a9: {  	v61 =	vunpack.i.u.bf16.f32 v54;
	v42 =	vmul.f32 v55, v53;
	v38 =	vmul.f32 v59, v53;
	s24 =	spop (v2sf)  }
0x2aa: {  	v41 =	vmul.f32 v61, v53;
	(v2sf) =	vpush v19, $0x3;
	v28 =	vadd.f32 v57, v28;
	v48 =	vld [tilespmem:s24+$0xAB80]  }
0x2ab: {  	v52 =	vbroadcast v16, $0x3;
	v27 =	vadd.f32 v42, v27;
	(v2sf) =	vpush v21, $0x4;
	v50 =	vld [tilespmem:s24+$0xAB90]  }
0x2ac: {  	v34 =	vadd.f32 v38, v34;
	v31 =	vadd.f32 v41, v31;
	v62 =	vunpack.i.l.bf16.f32 v56  }
0x2ad: {  	v63 =	vunpack.i.u.bf16.f32 v56;
	v49 =	vunpack.i.l.bf16.f32 v58;
	v43 =	vmul.f32 v62, v60  }
0x2ae: {  	v39 =	vunpack.i.u.bf16.f32 v58;
	v42 =	vmul.f32 v63, v60;
	v51 =	vmul.f32 v49, v60  }
0x2af: {  	s2 =	spop (v2sf);
	v39 =	vmul.f32 v39, v60;
	v53 =	vunpack.i.u.bf16.f32 v48;
	v54 =	vunpack.i.l.bf16.f32 v48  }
0x2b0: {  	v56 =	vunpack.i.l.bf16.f32 v50;
	(v2sf) =	vpush v20, $0x4;
	v57 =	vunpack.i.u.bf16.f32 v50;
	v55 =	vld [tilespmem:s2+$0xDC80]  }
0x2b1: {  	v41 =	vmul.f32 v54, v52;
	v40 =	vmul.f32 v53, v52;
	v58 =	vld [tilespmem:s2+$0xDC90];
	s8 =	spop (v2sf);
	(v2sf) =	vpush v18, $0x4  }
0x2b2: {  	v38 =	vmul.f32 v57, v52;
	v33 =	vadd.f32 v43, v33;
	v32 =	vadd.f32 v42, v32  }
0x2b3: {  	v37 =	vadd.f32 v51, v37;
	v43 =	vmul.f32 v56, v52;
	v35 =	vadd.f32 v39, v35;
	v59 =	vld [tilespmem:s8+$0xC400]  }
0x2b4: {  	v60 =	vbroadcast v14, $0x3;
	v63 =	vld [tilespmem:s8+$0xC410];
	v25 =	vadd.f32 v41, v25;
	v29 =	vadd.f32 v40, v29  }
0x2b5: {  	v50 =	vbroadcast v15, $0x3;
	v22 =	vadd.f32 v38, v22;
	v30 =	vadd.f32 v43, v30  }
0x2b6: {  	v61 =	vunpack.i.u.bf16.f32 v55;
	v62 =	vunpack.i.l.bf16.f32 v55;
	v48 =	vunpack.i.u.bf16.f32 v58  }
0x2b7: {  	v49 =	vunpack.i.l.bf16.f32 v58;
	v41 =	vmul.f32 v62, v60;
	v38 =	vmul.f32 v61, v60  }
0x2b8: {  	v44 =	vmul.f32 v49, v60;
	v40 =	vmul.f32 v48, v60;
	v51 =	vunpack.i.l.bf16.f32 v59  }
0x2b9: {  	v39 =	vunpack.i.u.bf16.f32 v59;
	v55 =	vunpack.i.l.bf16.f32 v63;
	v59 =	vbroadcast v17, $0x3;
	s24 =	spop (v2sf)  }
0x2ba: {  	v42 =	vunpack.i.u.bf16.f32 v63;
	v63 =	vbroadcast v16, $0x4;
	v52 =	vmul.f32 v51, v50;
	v53 =	vld [tilespmem:s24+$0xF500]  }
0x2bb: {  	v54 =	vmul.f32 v39, v50;
	(v2sf) =	vpush v19, $0x4;
	v24 =	vadd.f32 v41, v24;
	v56 =	vld [tilespmem:s24+$0xF510]  }
0x2bc: {  	v39 =	vmul.f32 v55, v50;
	v23 =	vadd.f32 v38, v23;
	v36 =	vadd.f32 v44, v36;
	s2 =	spop (v2sf)  }
0x2bd: {  	v58 =	vmul.f32 v42, v50;
	v26 =	vadd.f32 v40, v26;
	v28 =	vadd.f32 v52, v28;
	v57 =	vld [tilespmem:s2+$0xAB80]  }
0x2be: {  	v55 =	vbroadcast v14, $0x4;
	v27 =	vadd.f32 v54, v27;
	v34 =	vadd.f32 v39, v34;
	v48 =	vld [tilespmem:s2+$0xAB90]  }
0x2bf: {  	v31 =	vadd.f32 v58, v31;
	v60 =	vunpack.i.u.bf16.f32 v53;
	v41 =	vunpack.i.l.bf16.f32 v53  }
0x2c0: {  	v62 =	vunpack.i.u.bf16.f32 v56;
	v40 =	vunpack.i.l.bf16.f32 v56;
	v61 =	vmul.f32 v41, v59  }
0x2c1: {  	v39 =	vmul.f32 v60, v59;
	s8 =	spop (v2sf);
	v40 =	vmul.f32 v40, v59;
	(v2sf) =	vpush v21, $0x5  }
0x2c2: {  	v49 =	vunpack.i.l.bf16.f32 v57;
	v51 =	vmul.f32 v62, v59;
	v53 =	vunpack.i.u.bf16.f32 v57  }
0x2c3: {  	v54 =	vunpack.i.l.bf16.f32 v48;
	v57 =	vunpack.i.u.bf16.f32 v48;
	v62 =	vbroadcast v15, $0x4;
	v50 =	vld [tilespmem:s8+$0xDC80]  }
0x2c4: {  	v52 =	vmul.f32 v49, v63;
	v38 =	vmul.f32 v53, v63;
	v56 =	vld [tilespmem:s8+$0xDC90];
	(v2sf) =	vpush v20, $0x5  }
0x2c5: {  	s24 =	spop (v2sf);
	v42 =	vmul.f32 v57, v63;
	v33 =	vadd.f32 v61, v33;
	v32 =	vadd.f32 v39, v32  }
0x2c6: {  	v37 =	vadd.f32 v40, v37;
	v35 =	vadd.f32 v51, v35;
	v39 =	vmul.f32 v54, v63;
	v59 =	vld [tilespmem:s24+$0xC400]  }
0x2c7: {  	v63 =	vld [tilespmem:s24+$0xC410];
	v54 =	vbroadcast v17, $0x4;
	v25 =	vadd.f32 v52, v25;
	v29 =	vadd.f32 v38, v29  }
0x2c8: {  	v22 =	vadd.f32 v42, v22;
	v30 =	vadd.f32 v39, v30;
	v58 =	vunpack.i.l.bf16.f32 v50  }
0x2c9: {  	v60 =	vunpack.i.u.bf16.f32 v50;
	v61 =	vunpack.i.l.bf16.f32 v56;
	v43 =	vmul.f32 v58, v55  }
0x2ca: {  	v41 =	vunpack.i.u.bf16.f32 v56;
	v38 =	vmul.f32 v60, v55;
	v39 =	vmul.f32 v61, v55  }
0x2cb: {  	v48 =	vunpack.i.l.bf16.f32 v59;
	v40 =	vmul.f32 v41, v55;
	s2 =	spop (v2sf);
	(v2sf) =	vpush v18, $0x5  }
0x2cc: {  	v51 =	vunpack.i.u.bf16.f32 v59;
	v52 =	vunpack.i.l.bf16.f32 v63;
	v53 =	vunpack.i.u.bf16.f32 v63;
	v50 =	vld [tilespmem:s2+$0xF500]  }
0x2cd: {  	v49 =	vmul.f32 v48, v62;
	v24 =	vadd.f32 v43, v24;
	v23 =	vadd.f32 v38, v23;
	v55 =	vld [tilespmem:s2+$0xF510]  }
0x2ce: {  	v36 =	vadd.f32 v39, v36;
	v38 =	vmul.f32 v51, v62;
	(v2sf) =	vpush v19, $0x5  }
0x2cf: {  	v26 =	vadd.f32 v40, v26;
	v39 =	vmul.f32 v52, v62;
	v40 =	vmul.f32 v53, v62  }
0x2d0: {  	v60 =	vnsel vm1, $0x0, v16;
	v28 =	vadd.f32 v49, v28;
	v27 =	vadd.f32 v38, v27;
	s8 =	spop (v2sf)  }
0x2d1: {  	v62 =	vbroadcast v16, $0x5;
	v34 =	vadd.f32 v39, v34;
	v31 =	vadd.f32 v40, v31;
	v57 =	vld [tilespmem:s8+$0xAB80]  }
0x2d2: {  	v56 =	vunpack.i.u.bf16.f32 v50;
	v44 =	vunpack.i.l.bf16.f32 v50;
	v61 =	vunpack.i.l.bf16.f32 v55;
	v59 =	vld [tilespmem:s8+$0xAB90]  }
0x2d3: {  	v43 =	vunpack.i.u.bf16.f32 v55;
	v55 =	vbroadcast v14, $0x5;
	v58 =	vmul.f32 v44, v54;
	s24 =	spop (v2sf)  }
0x2d4: {  	v42 =	vmul.f32 v56, v54;
	(v2sf) =	vpush v21, $0x6;
	v38 =	vmul.f32 v61, v54;
	v49 =	vld [tilespmem:s24+$0xDC80]  }
0x2d5: {  	v41 =	vmul.f32 v43, v54;
	(v2sf) =	vpush v20, $0x6;
	v33 =	vadd.f32 v58, v33;
	v52 =	vld [tilespmem:s24+$0xDC90]  }
0x2d6: {  	v43 =	vnsel vm1, $0x0, v14;
	v32 =	vadd.f32 v42, v32;
	v37 =	vadd.f32 v38, v37  }
0x2d7: {  	v63 =	vunpack.i.l.bf16.f32 v57;
	v48 =	vunpack.i.u.bf16.f32 v57;
	v51 =	vunpack.i.l.bf16.f32 v59  }
0x2d8: {  	v54 =	vunpack.i.u.bf16.f32 v59;
	v44 =	vmul.f32 v63, v62;
	v50 =	vmul.f32 v48, v62  }
0x2d9: {  	v35 =	vadd.f32 v41, v35;
	v53 =	vmul.f32 v51, v62;
	v38 =	vmul.f32 v54, v62  }
0x2da: {  	v56 =	vunpack.i.u.bf16.f32 v49;
	v57 =	vunpack.i.l.bf16.f32 v49;
	v59 =	vunpack.i.l.bf16.f32 v52;
	s2 =	spop (v2sf)  }
0x2db: {  	(xrf2) =	vadd.scan.msk.f32 $0xffff, v60;
	v46 =	vunpack.i.u.bf16.f32 v52;
	v63 =	vbroadcast v15, $0x5;
	v41 =	vmul.f32 v57, v55;
	v58 =	vld [tilespmem:s2+$0xC400]  }
0x2dc: {  	v40 =	vmul.f32 v56, v55;
	(v2sf) =	vpush v18, $0x6;
	v25 =	vadd.f32 v44, v25;
	v60 =	vld [tilespmem:s2+$0xC410]  }
0x2dd: {  	v61 =	vmul.f32 v46, v55;
	v29 =	vadd.f32 v50, v29;
	v30 =	vadd.f32 v53, v30;
	s8 =	spop (v2sf)  }
0x2de: {  	v44 =	vmul.f32 v59, v55;
	v22 =	vadd.f32 v38, v22;
	(v2sf) =	vpush v19, $0x6;
	v62 =	vld [tilespmem:s8+$0xF500]  }
0x2df: {  	v52 =	vbroadcast v17, $0x5;
	v24 =	vadd.f32 v41, v24;
	v23 =	vadd.f32 v40, v23;
	v51 =	vld [tilespmem:s8+$0xF510]  }
0x2e0: {  	v59 =	vbroadcast v16, $0x6;
	v26 =	vadd.f32 v61, v26;
	v36 =	vadd.f32 v44, v36  }
0x2e1: {  	v48 =	vunpack.i.u.bf16.f32 v58;
	v49 =	vunpack.i.l.bf16.f32 v58;
	v50 =	vunpack.i.u.bf16.f32 v60  }
0x2e2: {  	v45 =	vunpack.i.l.bf16.f32 v60;
	v41 =	vmul.f32 v49, v63;
	v38 =	vmul.f32 v48, v63  }
0x2e3: {  	v45 =	vmul.f32 v45, v63;
	v40 =	vmul.f32 v50, v63;
	v53 =	vunpack.i.l.bf16.f32 v62  }
0x2e4: {  	s24 =	spop (v2sf);
	v39 =	vunpack.i.u.bf16.f32 v62;
	v57 =	vunpack.i.l.bf16.f32 v51;
	v44 =	vunpack.i.u.bf16.f32 v51  }
0x2e5: {  	v54, _, _ =	vpop (xrf2);
	(xrf2) =	vadd.scan.msk.f32 $0xffff, v43;
	(v2sf) =	vpush v21, $0x7;
	v55 =	vmul.f32 v53, v52;
	v56 =	vld [tilespmem:s24+$0xAB80];
	v39 =	vmul.f32 v39, v52  }
0x2e6: {  	v58 =	vld [tilespmem:s24+$0xAB90];
	v44 =	vmul.f32 v44, v52;
	s2 =	spop (v2sf);
	(v2sf) =	vpush v20, $0x7;
	v28 =	vadd.f32 v41, v28  }
0x2e7: {  	v27 =	vadd.f32 v38, v27;
	v41 =	vbroadcast v54, $0xF;
	v34 =	vadd.f32 v45, v34  }
0x2e8: {  	v31 =	vadd.f32 v40, v31;
	v38 =	vmul.f32 v57, v52;
	v61 =	vld [tilespmem:s2+$0xDC80];
	v33 =	vadd.f32 v55, v33  }
0x2e9: {  	v50 =	vbroadcast v14, $0x6;
	v62 =	vld [tilespmem:s2+$0xDC90];
	v32 =	vadd.f32 v39, v32;
	v35 =	vadd.f32 v44, v35  }
0x2ea: {  	v55 =	vbroadcast v15, $0x6;
	v37 =	vadd.f32 v38, v37;
	(erf) = vrcp.f32 v41  }
0x2eb: {  	v60 =	vunpack.i.l.bf16.f32 v56;
	v42 =	vunpack.i.u.bf16.f32 v56;
	v63 =	vunpack.i.u.bf16.f32 v58  }
0x2ec: {  	v40 =	vunpack.i.l.bf16.f32 v58;
	v38 =	vmul.f32 v60, v59;
	v42 =	vmul.f32 v42, v59  }
0x2ed: {  	v48 =	vmul.f32 v40, v59;
	v49 =	vmul.f32 v63, v59;
	v39 =	vunpack.i.u.bf16.f32 v61  }
0x2ee: {  	v53 =	vunpack.i.l.bf16.f32 v62;
	v43 =	vunpack.i.u.bf16.f32 v62;
	s8 =	spop (v2sf);
	v39 =	vmul.f32 v39, v50  }
0x2ef: {  	v52 =	vunpack.i.l.bf16.f32 v61;
	v61, _, _ =	vpop (xrf2);
	v40 =	vmul.f32 v53, v50;
	v54 =	vmul.f32 v43, v50;
	v51 =	vld [tilespmem:s8+$0xC400]  }
0x2f0: {  	v62 =	vbroadcast v61, $0xF;
	v25 =	vadd.f32 v38, v25;
	v29 =	vadd.f32 v42, v29;
	v56 =	vld [tilespmem:s8+$0xC410]  }
0x2f1: {  	v53 =	vnsel vm1, $0x0, v15;
	v30 =	vadd.f32 v48, v30;
	v22 =	vadd.f32 v49, v22;
	s24 =	spop (v2sf)  }
0x2f2: {  	v38 =	vmul.f32 v52, v50;
	(v2sf) =	vpush v18, $0x7;
	v58 =	vld [tilespmem:s24+$0xF500];
	v23 =	vadd.f32 v39, v23  }
0x2f3: {  	v48 =	vbroadcast v17, $0x6;
	v36 =	vadd.f32 v40, v36;
	v26 =	vadd.f32 v54, v26;
	v49 =	vld [tilespmem:s24+$0xF510]  }
0x2f4: {  	(xrf2) =	vadd.scan.msk.f32 $0xffff, v53;
	(erf) = vrcp.f32 v62;
	v24 =	vadd.f32 v38, v24;
	v44 =	vunpack.i.l.bf16.f32 v51  }
0x2f5: {  	v57 =	vunpack.i.u.bf16.f32 v51;
	v47 =	vunpack.i.l.bf16.f32 v56;
	v59 =	vmul.f32 v44, v55  }
0x2f6: {  	v63 =	vunpack.i.u.bf16.f32 v56;
	v60 =	vmul.f32 v57, v55;
	v40 =	vmul.f32 v47, v55  }
0x2f7: {  	v50 =	vunpack.i.l.bf16.f32 v58;
	s2 =	spop (v2sf);
	(v2sf) =	vpush v19, $0x7;
	v39 =	vmul.f32 v63, v55  }
0x2f8: {  	v51 =	vunpack.i.u.bf16.f32 v58;
	v56 =	vunpack.i.u.bf16.f32 v49;
	v57 =	vunpack.i.l.bf16.f32 v49  }
0x2f9: {  	v58 =	vbroadcast v16, $0x7;
	v44 =	vmul.f32 v50, v48;
	v52 =	vld [tilespmem:s2+$0xAB80];
	(v2sf) =	vpush v21, $0x8  }
0x2fa: {  	v54 =	vmul.f32 v51, v48;
	v55 =	vld [tilespmem:s2+$0xAB90];
	s8 =	spop (v2sf);
	v28 =	vadd.f32 v59, v28;
	v27 =	vadd.f32 v60, v27  }
0x2fb: {  	v38 =	vmul.f32 v56, v48;
	v34 =	vadd.f32 v40, v34;
	v31 =	vadd.f32 v39, v31;
	v61 =	vld [tilespmem:s8+$0xDC80]  }
0x2fc: {  	v39 =	vmul.f32 v57, v48;
	v63 =	vld [tilespmem:s8+$0xDC90];
	(v2sf) =	vpush v20, $0x8;
	v33 =	vadd.f32 v44, v33  }
0x2fd: {  	v48 =	vbroadcast v14, $0x7;
	v32 =	vadd.f32 v54, v32;
	v35 =	vadd.f32 v38, v35  }
0x2fe: {  	v37 =	vadd.f32 v39, v37;
	v54, _, _ =	vpop (xrf2);
	v59 =	vunpack.i.u.bf16.f32 v52;
	v60 =	vunpack.i.l.bf16.f32 v52  }
0x2ff: {  	v62 =	vunpack.i.l.bf16.f32 v55;
	v56 =	vbroadcast v54, $0xF;
	v43 =	vmul.f32 v60, v58  }
0x300: {  	v47 =	vunpack.i.u.bf16.f32 v55;
	v41 =	vmul.f32 v59, v58;
	v45 =	vmul.f32 v62, v58  }
0x301: {  	v39 =	vmul.f32 v47, v58;
	v49 =	vunpack.i.u.bf16.f32 v61;
	v52 =	vunpack.i.l.bf16.f32 v63  }
0x302: {  	v57 =	vunpack.i.u.bf16.f32 v63;
	v58 =	vbroadcast v15, $0x7;
	v40 =	vmul.f32 v49, v48;
	s24 =	spop (v2sf)  }
0x303: {  	v50 =	vunpack.i.l.bf16.f32 v61;
	v55 =	vmul.f32 v52, v48;
	v38 =	vmul.f32 v57, v48;
	v51 =	vld [tilespmem:s24+$0xC400]  }
0x304: {  	(erf) = vrcp.f32 v56;
	v25 =	vadd.f32 v43, v25;
	v29 =	vadd.f32 v41, v29;
	v53 =	vld [tilespmem:s24+$0xC410]  }
0x305: {  	v49 =	vbroadcast v17, $0x7;
	v30 =	vadd.f32 v45, v30;
	v22 =	vadd.f32 v39, v22  }
0x306: {  	v41 =	vmul.f32 v50, v48;
	(v2sf) =	vpush v18, $0x8;
	v23 =	vadd.f32 v40, v23  }
0x307: {  	v56 =	vnsel vm1, $0x0, v17;
	v36 =	vadd.f32 v55, v36;
	v26 =	vadd.f32 v38, v26  }
0x308: {  	v24 =	vadd.f32 v41, v24;
	s2 =	spop (v2sf);
	v59 =	vunpack.i.u.bf16.f32 v51;
	v60 =	vunpack.i.l.bf16.f32 v51  }
0x309: {  	v62 =	vunpack.i.l.bf16.f32 v53;
	(v2sf) =	vpush v19, $0x8;
	v48 =	vunpack.i.u.bf16.f32 v53;
	v61 =	vld [tilespmem:s2+$0xF500]  }
0x30a: {  	v41 =	vmul.f32 v60, v58;
	v40 =	vmul.f32 v59, v58;
	v63 =	vld [tilespmem:s2+$0xF510];
	s8 =	spop (v2sf);
	(v2sf) =	vpush v21, $0x9  }
0x30b: {  	v47 =	vmul.f32 v62, v58;
	v39 =	vmul.f32 v48, v58;
	s24 =	spop (v2sf);
	(v2sf) =	vpush v20, $0x9  }
0x30c: {  	v58 =	vbroadcast v16, $0x8;
	v52 =	vld [tilespmem:s8+$0xAB80];
	v28 =	vadd.f32 v41, v28;
	v27 =	vadd.f32 v40, v27  }
0x30d: {  	v16 =	vbroadcast v16, $0x9;
	v54 =	vld [tilespmem:s8+$0xAB90];
	v34 =	vadd.f32 v47, v34;
	v31 =	vadd.f32 v39, v31  }
0x30e: {  	v47 =	vbroadcast v14, $0x8;
	v14 =	vbroadcast v14, $0x9;
	v51 =	vunpack.i.l.bf16.f32 v61  }
0x30f: {  	v50 =	vunpack.i.u.bf16.f32 v61;
	v53 =	vunpack.i.l.bf16.f32 v63;
	v41 =	vmul.f32 v51, v49  }
0x310: {  	v57 =	vunpack.i.u.bf16.f32 v63;
	v40 =	vmul.f32 v50, v49;
	v55 =	vmul.f32 v53, v49  }
0x311: {  	v38 =	vmul.f32 v57, v49;
	v59 =	vunpack.i.u.bf16.f32 v52;
	v60 =	vunpack.i.l.bf16.f32 v52  }
0x312: {  	(xrf2) =	vadd.scan.msk.f32 $0xffff, v56;
	v61 =	vld [tilespmem:s24+$0xDC80];
	v62 =	vunpack.i.l.bf16.f32 v54;
	v44 =	vunpack.i.u.bf16.f32 v54;
	v51 =	vbroadcast v15, $0x8  }
0x313: {  	v63 =	vld [tilespmem:s24+$0xDC90];
	v43 =	vmul.f32 v62, v58;
	v45 =	vmul.f32 v44, v58;
	v33 =	vadd.f32 v41, v33  }
0x314: {  	v32 =	vadd.f32 v40, v32;
	v37 =	vadd.f32 v55, v37;
	v41 =	vmul.f32 v60, v58  }
0x315: {  	v40 =	vmul.f32 v59, v58;
	v21 =	vadd.f32 v38, v35;
	v30 =	vadd.f32 v43, v30  }
0x316: {  	v15 =	vbroadcast v15, $0x9;
	s2 =	spop (v2sf);
	v22 =	vadd.f32 v45, v22;
	v25 =	vadd.f32 v41, v25  }
0x317: {  	v46 =	vld [tilespmem:s2+$0xC400];
	v29 =	vadd.f32 v40, v29;
	v48 =	vunpack.i.u.bf16.f32 v61;
	v49 =	vunpack.i.l.bf16.f32 v61  }
0x318: {  	v52 =	vld [tilespmem:s2+$0xC410];
	v50 =	vunpack.i.u.bf16.f32 v63;
	v20 =	vunpack.i.l.bf16.f32 v63;
	v61 =	vbroadcast v17, $0x8  }
0x319: {  	v40 =	vmul.f32 v49, v47;
	v35 =	vmul.f32 v48, v47;
	s8 =	spop (v2sf);
	(v2sf) =	vpush v18, $0x9  }
0x31a: {  	v17 =	vbroadcast v17, $0x9;
	v53 =	vmul.f32 v20, v47;
	(v2sf) =	vpush v19, $0x9  }
0x31b: {  	v39 =	vmul.f32 v50, v47;
	v24 =	vadd.f32 v40, v24;
	v23 =	vadd.f32 v35, v23;
	v55 =	vld [tilespmem:s8+$0xF500]  }
0x31c: {  	v62, _, _ =	vpop (xrf2);
	v54 =	vunpack.i.l.bf16.f32 v46;
	v18 =	vadd.f32 v53, v36;
	v56 =	vunpack.i.u.bf16.f32 v46;
	v58 =	vld [tilespmem:s8+$0xF510]  }
0x31d: {  	v59 =	vunpack.i.u.bf16.f32 v52;
	v46 =	vbroadcast v62, $0xF;
	v20 =	vmul.f32 v54, v51;
	s24 =	spop (v2sf)  }
0x31e: {  	v60 =	vunpack.i.l.bf16.f32 v52;
	v57 =	vmul.f32 v56, v51;
	v36 =	vmul.f32 v59, v51;
	v45 =	vld [tilespmem:s24+$0xAB80]  }
0x31f: {  	v26 =	vadd.f32 v39, v26;
	v38 =	vmul.f32 v60, v51;
	v49 =	vld [tilespmem:s24+$0xAB90];
	s2 =	spop (v2sf);
	v20 =	vadd.f32 v20, v28  }
0x320: {  	(erf) = vrcp.f32 v46;
	v27 =	vadd.f32 v57, v27;
	v31 =	vadd.f32 v36, v31;
	v52 =	vld [tilespmem:s2+$0xDC80]  }
0x321: {  	v54 =	vld [tilespmem:s2+$0xDC90];
	v63 =	vunpack.i.l.bf16.f32 v55;
	v19 =	vunpack.i.u.bf16.f32 v55;
	v48 =	vunpack.i.l.bf16.f32 v58  }
0x322: {  	v35 =	vunpack.i.u.bf16.f32 v58;
	v47 =	vmul.f32 v63, v61;
	v19 =	vmul.f32 v19, v61  }
0x323: {  	v36 =	vmul.f32 v48, v61;
	v35 =	vmul.f32 v35, v61;
	v50 =	vunpack.i.u.bf16.f32 v45  }
0x324: {  	v51 =	vunpack.i.l.bf16.f32 v45;
	v55 =	vunpack.i.l.bf16.f32 v49;
	v56 =	vunpack.i.u.bf16.f32 v49  }
0x325: {  	v53 =	vmul.f32 v51, v16;
	v39 =	vmul.f32 v50, v16;
	v57 =	vunpack.i.u.bf16.f32 v52  }
0x326: {  	v58 =	vunpack.i.l.bf16.f32 v52;
	v60 =	vunpack.i.l.bf16.f32 v54;
	v33 =	vadd.f32 v47, v33  }
0x327: {  	v42 =	vunpack.i.u.bf16.f32 v54;
	v19 =	vadd.f32 v19, v32;
	v28 =	vadd.f32 v36, v37  }
0x328: {  	v21 =	vadd.f32 v35, v21;
	v32 =	vmul.f32 v55, v16;
	v16 =	vmul.f32 v56, v16;
	s8 =	spop (v2sf)  }
0x329: {  	v36 =	vmul.f32 v58, v14;
	v35 =	vmul.f32 v57, v14;
	v25 =	vadd.f32 v53, v25;
	v59 =	vld [tilespmem:s8+$0xC400];
	s24 =	spop (v2sf)  }
0x32a: {  	v62 =	vmul.f32 v60, v14;
	v29 =	vadd.f32 v39, v29;
	v30 =	vadd.f32 v32, v30;
	v61 =	vld [tilespmem:s24+$0xF500]  }
0x32b: {  	v44 =	vpop (erf);
	v14 =	vmul.f32 v42, v14;
	v24 =	vadd.f32 v36, v24;
	v23 =	vadd.f32 v35, v23  }
0x32c: {  	v18 =	vadd.f32 v62, v18;
	v47 =	vpop (erf);
	v50 =	vmul.f32 v25, v44;
	v29 =	vmul.f32 v29, v44  }
0x32d: {  	v34 =	vadd.f32 v38, v34;
	v24 =	vmul.f32 v24, v47;
	v23 =	vmul.f32 v23, v47  }
0x32e: {  	v16 =	vadd.f32 v16, v22;
	v60 =	vmul.f32 v30, v44;
	v18 =	vmul.f32 v18, v47;
	v63 =	vld [tilespmem:s8+$0xC410]  }
0x32f: {  	v23 =	vsub.f32 v29, v23;
	v43 =	vunpack.i.l.bf16.f32 v59;
	v46 =	vunpack.i.l.bf16.f32 v61  }
0x330: {  	v14 =	vadd.f32 v14, v26;
	v53 =	vld [tilespmem:s24+$0xF510];
	v22 =	vmul.f32 v43, v15;
	v49 =	vmul.f32 v46, v17  }
0x331: {  	v16 =	vmul.f32 v16, v44;
	v58 =	vmul.f32 v23, v23;
	v45 =	vunpack.i.u.bf16.f32 v59  }
0x332: {  	v51 =	vpop (erf);
	v39 =	vunpack.i.u.bf16.f32 v61;
	v20 =	vadd.f32 v22, v20;
	v33 =	vadd.f32 v49, v33  }
0x333: {  	v54 =	vpop (erf);
	v52 =	vunpack.i.l.bf16.f32 v63;
	v48 =	vmul.f32 v45, v15;
	v39 =	vmul.f32 v39, v17  }
0x334: {  	v22 =	vsub.f32 v50, v24;
	v20 =	vmul.f32 v20, v51;
	v33 =	vmul.f32 v33, v54  }
0x335: {  	v37 =	vmul.f32 v52, v15;
	v56 =	vunpack.i.l.bf16.f32 v53;
	v26 =	vadd.f32 v48, v27  }
0x336: {  	v19 =	vadd.f32 v39, v19;
	v22 =	vmul.f32 v22, v22;
	v20 =	vsub.f32 v20, v33  }
0x337: {  	v32 =	vunpack.i.u.bf16.f32 v63;
	v57 =	vmul.f32 v56, v17;
	v26 =	vmul.f32 v26, v51  }
0x338: {  	v19 =	vmul.f32 v19, v54;
	v13 =	vadd.f32 v22, v13;
	v20 =	vmul.f32 v20, v20  }
0x339: {  	v15 =	vmul.f32 v32, v15;
	v55 =	vadd.f32 v37, v34;
	v22 =	vadd.f32 v57, v28  }
0x33a: {  	v59 =	vunpack.i.u.bf16.f32 v53;
	v19 =	vsub.f32 v26, v19;
	v13 =	vadd.f32 v20, v13  }
0x33b: {  	v18 =	vsub.f32 v60, v18;
	v17 =	vmul.f32 v59, v17;
	v61 =	vmul.f32 v55, v51  }
0x33c: {  	v22 =	vmul.f32 v22, v54;
	v19 =	vmul.f32 v19, v19;
	v13 =	vadd.f32 v13, v58  }
0x33d: {  	v14 =	vmul.f32 v14, v47;
	v15 =	vadd.f32 v15, v31;
	v17 =	vadd.f32 v17, v21  }
0x33e: {  	v18 =	vmul.f32 v18, v18;
	v62 =	vsub.f32 v61, v22;
	v13 =	vadd.f32 v13, v19  }
0x33f: {  	v14 =	vsub.f32 v16, v14;
	v15 =	vmul.f32 v15, v51  }
0x340: {  	v17 =	vmul.f32 v17, v54;
	v63 =	vmul.f32 v62, v62;
	v13 =	vadd.f32 v13, v18  }
0x341: {  	p0 =	sne.s32 s0, $0xA560  }
.Ltmp1:
0x342: {  	v14 =	vmul.f32 v14, v14;
	v15 =	vsub.f32 v15, v17;
	v13 =	vadd.f32 v13, v63;
	(pc) =	sbr.rel @p0 .LBB2_6-.Ltmp1, $3  }
0x343: {  	_ = 	snop  }
0x344: {  	v13 =	vadd.f32 v13, v14;
	v14 =	vmul.f32 v15, v15;
	_ =	sdelay $0x1  }
0x345: {  	s0 =	sadd.s32 $0x620, s0;
	v13 =	vadd.f32 v13, v14  }
0x346: {  	s28 =	sadd.s32 $0x1, s28  }
0x347: {  	p0 =	sne.s32 s28, $0xE  }
.Ltmp2:
0x348: {  	_ = 	snop;
	(pc) =	sbr.rel @p0 .LBB2_3-.Ltmp2, $1  }
0x349: {  	_ =	sdelay $0x3  }
0x34a: {  	s26 =	sadd.s32 $0x1, s26  }
0x34b: {  	p0 =	sne.s32 s26, $0x3  }
.Ltmp3:
0x34c: {  	_ = 	snop;
	(pc) =	sbr.rel @p0 .LBB2_2-.Ltmp3, $1  }
0x34d: {  	_ =	sdelay $0x3  }
0x34e: {  	s25 =	sadd.s32 $0x1, s25  }
0x34f: {  	s0 =	simm.s32 $0x0;
	p0 =	sne.s32 s25, s9  }
.Ltmp4:
0x350: {  	[tilespmem:$0x10D80] =	vst v13;
	s1 =	rddreg [dreg:$0x2];
	s2 =	simm.s32 $0x10D80;
	(pc) =	sbr.rel @p0 .LBB2_1-.Ltmp4, $4  }
0x351: {  	[hbm4b:s1+s0] =	stream.linear.scatter [tilespmem:s2], [sflag:$0x5], $0x10, $0x38;
	[tilespmem:$0x10D90] =	vst v63  }
0x352: {  	_ =	swait.ge [sflag:s11], $0x10  }
0x353: {  	[sflag:s11] =	ssyncset.done $0x0  }
0x354: {  	[sflag:s11] =	ssyncadd.s32 $0xFFFFFFF0  }
0x355: {  	_ =	sfence.sel $0x180000  }
0x356: {  	[bflag:$0x0] =	sbarrier.arrive $0xFFFF  }
0x357: {  	_ =	strace $0x90000047  }
0x358: {  	s0 =	stileid.u32;
	[bflag:$0x2] =	sbarrier.arrive $0xFFFF  }
0x359: {  	p0 =	sne.s32 s0, $0x0;
	s0 =	rddreg [dreg:$0x1]  }
0x35a: {  	s0 =	sadd.s32 @!p0 $0x100000, s0  }
0x35b: {  	[sflag:s0] =	ssyncadd.tile.s32 @!p0 $0x1;
	_ =	shalt  }
.Lfunc_end2:
_tile_overlayer_lowered:
.L_overlay_start_2:
0x35c: {  	(tag) =	ssettag $0x2  }
0x35d: {  	s0 =	rddreg [dreg:$0x0];
	s2 =	stileid.u32  }
0x35e: {  	s1 =	rddreg [dreg:$0x1];
	p0 =	sne.s32 s2, $0x0  }
0x35f: {  	s3 =	rddreg [dreg:$0x2];
	[bflag:$0x3] =	sbarrier.arrive $0xFFFF;
	s2 =	simm.s32 @!p0 $0x1C05  }
0x360: {  	[timem:s3], [sflag:s2] =	dma.local @!p0 [hbm:s0], s1  }
0x361: {  	s0 =	simm.s32 @!p0 $0x5  }
0x362: {  	_ =	swait.ge @!p0 [sflag:s0], s1  }
0x363: {  	s1 =	ssub.s32 @!p0 $0x0, s1;
	[sflag:s0] =	ssyncset.done @!p0 $0x0  }
0x364: {  	[sflag:s0] =	ssyncadd.s32 @!p0 s1  }
0x365: {  	[bflag:$0x3] =	sbarrier.arrive $0xFFFF  }
0x366: {  	_ =	shalt  }

</sc_bundles>
